<compile_context>
chip_gen: v7x
topology: tpu7x:2x2x1
jax: 0.10.2.dev20260603
libtpu: 0.0.44.dev20260713+nightly
codegen_flags: <defaults>
</compile_context>

<pallas_src>
import functools

import jax
import jax.numpy as jnp
from jax import lax
from jax.experimental import pallas as pl
from jax.experimental.pallas import tpu as pltpu
from jax.experimental.pallas import tpu_sc as plsc

VOCAB = 1000000
D_OUT = 32
BATCH = 16384

NC = 2
NS = 16
NW = NC * NS
B_PER_W = BATCH // NW
LANES = 16
NBUF = 8
TAIL = 999936
LAST_COL = 999808


def _build():
    mesh = plsc.VectorSubcoreMesh(core_axis_name="c", subcore_axis_name="s")

    @functools.partial(
        pl.kernel,
        mesh=mesh,
        compiler_params=pltpu.CompilerParams(
            use_tc_tiling_on_sc=True, needs_layout_passes=False
        ),
        out_type=jax.ShapeDtypeStruct((4, 8, BATCH), jnp.float32),
        scratch_types=[
            pltpu.VMEM((B_PER_W,), jnp.int32),
            pltpu.VMEM((4, 8, 64), jnp.float32),
            [pltpu.VMEM((4, 8, 128), jnp.float32) for _ in range(NBUF)],
            pltpu.VMEM((4, 8, B_PER_W), jnp.float32),
            [pltpu.SemaphoreType.DMA for _ in range(NBUF)],
            pltpu.SemaphoreType.DMA,
        ],
    )
    def gather_kernel(
        idx_hbm, tab3_hbm, out4_hbm, idx_v, tail_v, bufs, colbuf, sems, sem
    ):
        wid = lax.axis_index("s") * NC + lax.axis_index("c")
        base = wid * B_PER_W
        pltpu.sync_copy(idx_hbm.at[pl.ds(base, B_PER_W)], idx_v)
        pltpu.sync_copy(tab3_hbm.at[:, :, pl.ds(TAIL, 64)], tail_v)

        lane = lax.iota(jnp.int32, LANES)
        ct_lo, cs_lo = lane >> 3, lane & 7
        ct_hi, cs_hi = ct_lo + 2, cs_lo

        def read_idx(i):
            vec = idx_v[pl.ds((i >> 4) << 4, LANES)]
            return lax.reduce_sum(
                jnp.where(lane == (i & 15), vec, 0), axes=(0,)
            )

        def col_of(r):
            c = jnp.minimum((r >> 7) << 7, LAST_COL)
            return pl.multiple_of(c, 128)

        def fetch(i, b):
            r = read_idx(i)
            col = col_of(r)
            for ct in range(4):
                pltpu.async_copy(
                    tab3_hbm.at[ct, :, pl.ds(col, 128)],
                    bufs[b].at[ct],
                    sems[b],
                )

        def process(i, b):
            r = read_idx(i)
            pltpu.make_async_copy(
                tab3_hbm.at[:, :, pl.ds(0, 128)], bufs[b], sems[b]
            ).wait()
            slot = jnp.broadcast_to(i, (LANES,))

            @pl.when(r < TAIL)
            def _():
                rel = jnp.broadcast_to(r - col_of(r), (LANES,))
                for ct, cs in ((ct_lo, cs_lo), (ct_hi, cs_hi)):
                    vals = plsc.load_gather(bufs[b], [ct, cs, rel])
                    plsc.store_scatter(colbuf, [ct, cs, slot], vals)

            @pl.when(r >= TAIL)
            def _():
                trel = jnp.broadcast_to(r - TAIL, (LANES,))
                for ct, cs in ((ct_lo, cs_lo), (ct_hi, cs_hi)):
                    vals = plsc.load_gather(tail_v, [ct, cs, trel])
                    plsc.store_scatter(colbuf, [ct, cs, slot], vals)

        for b in range(NBUF):
            fetch(b, b)

        def step(g, _):
            i0 = g * NBUF
            for b in range(NBUF):
                process(i0 + b, b)
                fetch(i0 + b + NBUF, b)
            return ()

        lax.fori_loop(0, B_PER_W // NBUF - 1, step, (), unroll=False)
        for b in range(NBUF):
            process(B_PER_W - NBUF + b, b)

        pltpu.sync_copy(colbuf, out4_hbm.at[:, :, pl.ds(base, B_PER_W)])

    return gather_kernel


_GATHER = _build()


@jax.jit
def kernel(x, eps_table):
    tab3 = eps_table.T.reshape(4, 8, VOCAB)
    out4 = _GATHER(x, tab3)
    return out4.reshape(D_OUT, BATCH).T

# --- scband reference (transcript-rebuilt; emitter-appended) ---
"""Pipeline reference for scband-gaussian-embedder-25915832664204 (READ-ONLY COPY).

The authoritative reference and input builder live on the scoring server;
editing this copy changes nothing except your own understanding.
"""

import jax, jax.numpy as jnp
import numpy as np

VOCAB = 1000000
D_OUT = 32
BATCH = 16384


def setup_inputs(seed: int = 0) -> dict:
    key = jax.random.key(seed)
    k1, k2 = jax.random.split(key)
    # categorical inputs: integer ids standing in for the string-keyed categories
    x = jax.random.randint(k1, (BATCH,), 0, VOCAB, dtype=jnp.int32)
    # In 'prior' mode with random=True, each distinct category value maps to a
    # fixed gaussian epsilon vector of size d_out. We materialize that mapping
    # deterministically as a dense epsilon table over the category vocabulary.
    eps_table = jax.random.normal(k2, (VOCAB, D_OUT), dtype=jnp.float32)
    return {"x": x, "eps_table": eps_table}


def reference(x, eps_table):
    # GaussianEmbedder.forward in mode='prior':
    #   epsilon = {xi: randn(d_out) for xi in unique(x)}   (one draw per distinct key)
    #   return stack([epsilon[xi] for xi in x])
    # With the per-key epsilon draws materialized as eps_table, this is exactly a
    # row gather (embedding lookup): out[i] = eps_table[x[i]].
    out = jnp.take(eps_table, x, axis=0)
    return out

if __name__ == "__main__":
    import jax
    _d = setup_inputs()
    print(jax.jit(kernel)(*tuple(_d.values())))

</pallas_src>

<mosaic_0001>
#map = affine_map<(d0, d1) -> (0)>
#map1 = affine_map<(d0, d1) -> (0, 0, 0)>
module attributes {stable_mosaic.version = 14 : i64} {
  func.func @gather_kernel(%arg0: i32, %arg1: i32, %arg2: memref<16384xi32, #tpu.memory_space<hbm>>, %arg3: memref<4x8x1000000xf32, #tpu.memory_space<hbm>>, %arg4: memref<4x8x16384xf32, #tpu.memory_space<hbm>>, %arg5: memref<512xi32, #tpu.memory_space<vmem>>, %arg6: memref<4x8x64xf32, #tpu.memory_space<vmem>>, %arg7: memref<4x8x128xf32, #tpu.memory_space<vmem>>, %arg8: memref<4x8x128xf32, #tpu.memory_space<vmem>>, %arg9: memref<4x8x128xf32, #tpu.memory_space<vmem>>, %arg10: memref<4x8x128xf32, #tpu.memory_space<vmem>>, %arg11: memref<4x8x128xf32, #tpu.memory_space<vmem>>, %arg12: memref<4x8x128xf32, #tpu.memory_space<vmem>>, %arg13: memref<4x8x128xf32, #tpu.memory_space<vmem>>, %arg14: memref<4x8x128xf32, #tpu.memory_space<vmem>>, %arg15: memref<4x8x512xf32, #tpu.memory_space<vmem>>, %arg16: memref<!tpu.dma_semaphore, #tpu.memory_space<semaphore_mem>>, %arg17: memref<!tpu.dma_semaphore, #tpu.memory_space<semaphore_mem>>, %arg18: memref<!tpu.dma_semaphore, #tpu.memory_space<semaphore_mem>>, %arg19: memref<!tpu.dma_semaphore, #tpu.memory_space<semaphore_mem>>, %arg20: memref<!tpu.dma_semaphore, #tpu.memory_space<semaphore_mem>>, %arg21: memref<!tpu.dma_semaphore, #tpu.memory_space<semaphore_mem>>, %arg22: memref<!tpu.dma_semaphore, #tpu.memory_space<semaphore_mem>>, %arg23: memref<!tpu.dma_semaphore, #tpu.memory_space<semaphore_mem>>, %arg24: memref<!tpu.dma_semaphore, #tpu.memory_space<semaphore_mem>>) attributes {dimension_semantics = [#tpu.dimension_semantics<core_parallel>, #tpu.dimension_semantics<subcore_parallel>], iteration_bounds = array<i64: 2, 16>, scalar_prefetch = 0 : i64, scratch_operands = 20 : i64, tpu.core_type = #tpu.core_type<sc_vector_subcore>, window_params = [{transform_indices = #map}, {transform_indices = #map1}, {transform_indices = #map1}]} {
    %mul3A = arith.constant 2 : i32
    %mul3A_0 = arith.muli %arg1, %mul3A : i32
    %add3A = arith.addi %mul3A_0, %arg0 : i32
    %mul3A_1 = arith.constant 512 : i32
    %mul3A_2 = arith.muli %add3A, %mul3A_1 : i32
    "tpu.region"() ({
      %run_scoped3A = tpu.sem_alloc : memref<!tpu.dma_semaphore, #tpu.memory_space<semaphore_mem>>
      %dma_start3A_919 = tpu.memref_slice %arg2[%mul3A_2] : memref<16384xi32, #tpu.memory_space<hbm>> -> memref<512xi32, #tpu.memory_space<hbm>>
      %dma_start3A_920 = tpu.memref_slice %arg2[%mul3A_2] : memref<16384xi32, #tpu.memory_space<hbm>> -> memref<512xi32, #tpu.memory_space<hbm>>
      tpu.enqueue_dma source(%dma_start3A_920 : memref<512xi32, #tpu.memory_space<hbm>>) target(%arg5 : memref<512xi32, #tpu.memory_space<vmem>>) target_semaphore(%run_scoped3A : memref<!tpu.dma_semaphore, #tpu.memory_space<semaphore_mem>>)
      %dma_wait3A_921 = tpu.memref_slice %arg2[%mul3A_2] : memref<16384xi32, #tpu.memory_space<hbm>> -> memref<512xi32, #tpu.memory_space<hbm>>
      %dma_wait3A_922 = tpu.memref_slice %arg2[%mul3A_2] : memref<16384xi32, #tpu.memory_space<hbm>> -> memref<512xi32, #tpu.memory_space<hbm>>
      tpu.wait_dma2 semaphore(%run_scoped3A : memref<!tpu.dma_semaphore, #tpu.memory_space<semaphore_mem>>) src(%dma_wait3A_922 : memref<512xi32, #tpu.memory_space<hbm>>) dst(%arg5 : memref<512xi32, #tpu.memory_space<vmem>>)
      tpu.yield
    }) : () -> ()
    "tpu.region"() ({
      %run_scoped3A = tpu.sem_alloc : memref<!tpu.dma_semaphore, #tpu.memory_space<semaphore_mem>>
      %dma_start3A_919 = arith.constant 0 : i32
      %dma_start3A_920 = arith.constant 0 : i32
      %dma_start3A_921 = arith.constant 999936 : i32
      %dma_start3A_922 = tpu.memref_slice %arg3[%dma_start3A_919, %dma_start3A_920, %dma_start3A_921] : memref<4x8x1000000xf32, #tpu.memory_space<hbm>> -> memref<4x8x64xf32, #tpu.memory_space<hbm>>
      %dma_start3A_923 = arith.constant 0 : i32
      %dma_start3A_924 = arith.constant 0 : i32
      %dma_start3A_925 = arith.constant 999936 : i32
      %dma_start3A_926 = tpu.memref_slice %arg3[%dma_start3A_923, %dma_start3A_924, %dma_start3A_925] : memref<4x8x1000000xf32, #tpu.memory_space<hbm>> -> memref<4x8x64xf32, #tpu.memory_space<hbm>>
      tpu.enqueue_dma source(%dma_start3A_926 : memref<4x8x64xf32, #tpu.memory_space<hbm>>) target(%arg6 : memref<4x8x64xf32, #tpu.memory_space<vmem>>) target_semaphore(%run_scoped3A : memref<!tpu.dma_semaphore, #tpu.memory_space<semaphore_mem>>)
      %dma_wait3A_927 = arith.constant 0 : i32
      %dma_wait3A_928 = arith.constant 0 : i32
      %dma_wait3A_929 = arith.constant 999936 : i32
      %dma_wait3A_930 = tpu.memref_slice %arg3[%dma_wait3A_927, %dma_wait3A_928, %dma_wait3A_929] : memref<4x8x1000000xf32, #tpu.memory_space<hbm>> -> memref<4x8x64xf32, #tpu.memory_space<hbm>>
      %dma_wait3A_931 = arith.constant 0 : i32
      %dma_wait3A_932 = arith.constant 0 : i32
      %dma_wait3A_933 = arith.constant 999936 : i32
      %dma_wait3A_934 = tpu.memref_slice %arg3[%dma_wait3A_931, %dma_wait3A_932, %dma_wait3A_933] : memref<4x8x1000000xf32, #tpu.memory_space<hbm>> -> memref<4x8x64xf32, #tpu.memory_space<hbm>>
      tpu.wait_dma2 semaphore(%run_scoped3A : memref<!tpu.dma_semaphore, #tpu.memory_space<semaphore_mem>>) src(%dma_wait3A_934 : memref<4x8x64xf32, #tpu.memory_space<hbm>>) dst(%arg6 : memref<4x8x64xf32, #tpu.memory_space<vmem>>)
      tpu.yield
    }) : () -> ()
    %iota3A = tpu.iota {dimensions = array<i32: 0>} : vector<16xi32>
    %shift_right_arithmetic3A = arith.constant 3 : i32
    %shift_right_arithmetic3A_3 = vector.broadcast %shift_right_arithmetic3A : i32 to vector<16xi32>
    %shift_right_arithmetic3A_4 = arith.shrsi %iota3A, %shift_right_arithmetic3A_3 : vector<16xi32>
    %and3A = arith.constant 7 : i32
    %and3A_5 = vector.broadcast %and3A : i32 to vector<16xi32>
    %and3A_6 = arith.andi %iota3A, %and3A_5 : vector<16xi32>
    %add3A_7 = arith.constant 2 : i32
    %add3A_8 = vector.broadcast %add3A_7 : i32 to vector<16xi32>
    %add3A_9 = arith.addi %shift_right_arithmetic3A_4, %add3A_8 : vector<16xi32>
    %get3A = arith.constant 0 : index
    %get3A_10 = tpu.vector_load %arg5[%get3A] {strides = array<i32>} : memref<512xi32, #tpu.memory_space<vmem>>, vector<16xi32>,
    %eq3A = arith.constant 0 : i32
    %eq3A_11 = vector.broadcast %eq3A : i32 to vector<16xi32>
    %eq3A_12 = arith.cmpi eq, %iota3A, %eq3A_11 : vector<16xi32>
    %jit3A = arith.constant 0 : i32
    %broadcast_in_dim3A = vector.broadcast %jit3A : i32 to vector<16xi32>
    %select_n3A = arith.select %eq3A_12, %get3A_10, %broadcast_in_dim3A : vector<16xi1>, vector<16xi32>
    %reduce_sum3A = arith.constant true
    %reduce_sum3A_13 = vector.broadcast %reduce_sum3A : i1 to vector<16xi1>
    %reduce_sum3A_14 = tpu.scan <sum>, %select_n3A masked %reduce_sum3A_13 : vector<16xi32>, vector<16xi1> -> vector<16xi32>
    %reduce_sum3A_15 = vector.extract %reduce_sum3A_14[15] : i32 from vector<16xi32>
    %shift_right_arithmetic3A_16 = arith.constant 7 : i32
    %shift_right_arithmetic3A_17 = arith.shrsi %reduce_sum3A_15, %shift_right_arithmetic3A_16 : i32
    %shift_left3A = arith.constant 7 : i32
    %shift_left3A_18 = arith.shli %shift_right_arithmetic3A_17, %shift_left3A : i32
    %min3A = arith.constant 999808 : i32
    %min3A_19 = arith.minsi %shift_left3A_18, %min3A : i32
    %multiple_of3A = tpu.assume_multiple %min3A_19, 128 : i32
    %dma_start3A = arith.constant 0 : i32
    %dma_start3A_20 = arith.constant 0 : i32
    %dma_start3A_21 = arith.constant 0 : i32
    %dma_start3A_22 = arith.constant 0 : i32
    %dma_start3A_23 = tpu.memref_slice %arg7[%dma_start3A_20, %dma_start3A_21, %dma_start3A_22] : memref<4x8x128xf32, #tpu.memory_space<vmem>> -> memref<1x8x128xf32, #tpu.memory_space<vmem>>
    %dma_start3A_24 = tpu.memref_squeeze %dma_start3A_23 : memref<1x8x128xf32, #tpu.memory_space<vmem>> -> memref<8x128xf32, #tpu.memory_space<vmem>>
    %dma_start3A_25 = arith.constant 0 : i32
    %dma_start3A_26 = tpu.memref_slice %arg3[%dma_start3A, %dma_start3A_25, %multiple_of3A] : memref<4x8x1000000xf32, #tpu.memory_space<hbm>> -> memref<1x8x128xf32, #tpu.memory_space<hbm>>
    %dma_start3A_27 = tpu.memref_squeeze %dma_start3A_26 : memref<1x8x128xf32, #tpu.memory_space<hbm>> -> memref<8x128xf32, #tpu.memory_space<hbm>>
    %dma_start3A_28 = arith.constant 0 : i32
    %dma_start3A_29 = arith.constant 0 : i32
    %dma_start3A_30 = tpu.memref_slice %arg7[%dma_start3A_20, %dma_start3A_28, %dma_start3A_29] : memref<4x8x128xf32, #tpu.memory_space<vmem>> -> memref<1x8x128xf32, #tpu.memory_space<vmem>>
    %dma_start3A_31 = tpu.memref_squeeze %dma_start3A_30 : memref<1x8x128xf32, #tpu.memory_space<vmem>> -> memref<8x128xf32, #tpu.memory_space<vmem>>
    %dma_start3A_32 = arith.constant 0 : i32
    %dma_start3A_33 = tpu.memref_slice %arg3[%dma_start3A, %dma_start3A_32, %multiple_of3A] : memref<4x8x1000000xf32, #tpu.memory_space<hbm>> -> memref<1x8x128xf32, #tpu.memory_space<hbm>>
    %dma_start3A_34 = tpu.memref_squeeze %dma_start3A_33 : memref<1x8x128xf32, #tpu.memory_space<hbm>> -> memref<8x128xf32, #tpu.memory_space<hbm>>
    tpu.enqueue_dma source(%dma_start3A_34 : memref<8x128xf32, #tpu.memory_space<hbm>>) target(%dma_start3A_31 : memref<8x128xf32, #tpu.memory_space<vmem>>) target_semaphore(%arg16 : memref<!tpu.dma_semaphore, #tpu.memory_space<semaphore_mem>>)
    %dma_start3A_35 = arith.constant 1 : i32
    %dma_start3A_36 = arith.constant 1 : i32
    %dma_start3A_37 = arith.constant 0 : i32
    %dma_start3A_38 = arith.constant 0 : i32
    %dma_start3A_39 = tpu.memref_slice %arg7[%dma_start3A_36, %dma_start3A_37, %dma_start3A_38] : memref<4x8x128xf32, #tpu.memory_space<vmem>> -> memref<1x8x128xf32, #tpu.memory_space<vmem>>
    %dma_start3A_40 = tpu.memref_squeeze %dma_start3A_39 : memref<1x8x128xf32, #tpu.memory_space<vmem>> -> memref<8x128xf32, #tpu.memory_space<vmem>>
    %dma_start3A_41 = arith.constant 0 : i32
    %dma_start3A_42 = tpu.memref_slice %arg3[%dma_start3A_35, %dma_start3A_41, %multiple_of3A] : memref<4x8x1000000xf32, #tpu.memory_space<hbm>> -> memref<1x8x128xf32, #tpu.memory_space<hbm>>
    %dma_start3A_43 = tpu.memref_squeeze %dma_start3A_42 : memref<1x8x128xf32, #tpu.memory_space<hbm>> -> memref<8x128xf32, #tpu.memory_space<hbm>>
    %dma_start3A_44 = arith.constant 0 : i32
    %dma_start3A_45 = arith.constant 0 : i32
    %dma_start3A_46 = tpu.memref_slice %arg7[%dma_start3A_36, %dma_start3A_44, %dma_start3A_45] : memref<4x8x128xf32, #tpu.memory_space<vmem>> -> memref<1x8x128xf32, #tpu.memory_space<vmem>>
    %dma_start3A_47 = tpu.memref_squeeze %dma_start3A_46 : memref<1x8x128xf32, #tpu.memory_space<vmem>> -> memref<8x128xf32, #tpu.memory_space<vmem>>
    %dma_start3A_48 = arith.constant 0 : i32
    %dma_start3A_49 = tpu.memref_slice %arg3[%dma_start3A_35, %dma_start3A_48, %multiple_of3A] : memref<4x8x1000000xf32, #tpu.memory_space<hbm>> -> memref<1x8x128xf32, #tpu.memory_space<hbm>>
    %dma_start3A_50 = tpu.memref_squeeze %dma_start3A_49 : memref<1x8x128xf32, #tpu.memory_space<hbm>> -> memref<8x128xf32, #tpu.memory_space<hbm>>
    tpu.enqueue_dma source(%dma_start3A_50 : memref<8x128xf32, #tpu.memory_space<hbm>>) target(%dma_start3A_47 : memref<8x128xf32, #tpu.memory_space<vmem>>) target_semaphore(%arg16 : memref<!tpu.dma_semaphore, #tpu.memory_space<semaphore_mem>>)
    %dma_start3A_51 = arith.constant 2 : i32
    %dma_start3A_52 = arith.constant 2 : i32
    %dma_start3A_53 = arith.constant 0 : i32
    %dma_start3A_54 = arith.constant 0 : i32
    %dma_start3A_55 = tpu.memref_slice %arg7[%dma_start3A_52, %dma_start3A_53, %dma_start3A_54] : memref<4x8x128xf32, #tpu.memory_space<vmem>> -> memref<1x8x128xf32, #tpu.memory_space<vmem>>
    %dma_start3A_56 = tpu.memref_squeeze %dma_start3A_55 : memref<1x8x128xf32, #tpu.memory_space<vmem>> -> memref<8x128xf32, #tpu.memory_space<vmem>>
    %dma_start3A_57 = arith.constant 0 : i32
    %dma_start3A_58 = tpu.memref_slice %arg3[%dma_start3A_51, %dma_start3A_57, %multiple_of3A] : memref<4x8x1000000xf32, #tpu.memory_space<hbm>> -> memref<1x8x128xf32, #tpu.memory_space<hbm>>
    %dma_start3A_59 = tpu.memref_squeeze %dma_start3A_58 : memref<1x8x128xf32, #tpu.memory_space<hbm>> -> memref<8x128xf32, #tpu.memory_space<hbm>>
    %dma_start3A_60 = arith.constant 0 : i32
    %dma_start3A_61 = arith.constant 0 : i32
    %dma_start3A_62 = tpu.memref_slice %arg7[%dma_start3A_52, %dma_start3A_60, %dma_start3A_61] : memref<4x8x128xf32, #tpu.memory_space<vmem>> -> memref<1x8x128xf32, #tpu.memory_space<vmem>>
    %dma_start3A_63 = tpu.memref_squeeze %dma_start3A_62 : memref<1x8x128xf32, #tpu.memory_space<vmem>> -> memref<8x128xf32, #tpu.memory_space<vmem>>
    %dma_start3A_64 = arith.constant 0 : i32
    %dma_start3A_65 = tpu.memref_slice %arg3[%dma_start3A_51, %dma_start3A_64, %multiple_of3A] : memref<4x8x1000000xf32, #tpu.memory_space<hbm>> -> memref<1x8x128xf32, #tpu.memory_space<hbm>>
    %dma_start3A_66 = tpu.memref_squeeze %dma_start3A_65 : memref<1x8x128xf32, #tpu.memory_space<hbm>> -> memref<8x128xf32, #tpu.memory_space<hbm>>
    tpu.enqueue_dma source(%dma_start3A_66 : memref<8x128xf32, #tpu.memory_space<hbm>>) target(%dma_start3A_63 : memref<8x128xf32, #tpu.memory_space<vmem>>) target_semaphore(%arg16 : memref<!tpu.dma_semaphore, #tpu.memory_space<semaphore_mem>>)
    %dma_start3A_67 = arith.constant 3 : i32
    %dma_start3A_68 = arith.constant 3 : i32
    %dma_start3A_69 = arith.constant 0 : i32
    %dma_start3A_70 = arith.constant 0 : i32
    %dma_start3A_71 = tpu.memref_slice %arg7[%dma_start3A_68, %dma_start3A_69, %dma_start3A_70] : memref<4x8x128xf32, #tpu.memory_space<vmem>> -> memref<1x8x128xf32, #tpu.memory_space<vmem>>
    %dma_start3A_72 = tpu.memref_squeeze %dma_start3A_71 : memref<1x8x128xf32, #tpu.memory_space<vmem>> -> memref<8x128xf32, #tpu.memory_space<vmem>>
    %dma_start3A_73 = arith.constant 0 : i32
    %dma_start3A_74 = tpu.memref_slice %arg3[%dma_start3A_67, %dma_start3A_73, %multiple_of3A] : memref<4x8x1000000xf32, #tpu.memory_space<hbm>> -> memref<1x8x128xf32, #tpu.memory_space<hbm>>
    %dma_start3A_75 = tpu.memref_squeeze %dma_start3A_74 : memref<1x8x128xf32, #tpu.memory_space<hbm>> -> memref<8x128xf32, #tpu.memory_space<hbm>>
    %dma_start3A_76 = arith.constant 0 : i32
    %dma_start3A_77 = arith.constant 0 : i32
    %dma_start3A_78 = tpu.memref_slice %arg7[%dma_start3A_68, %dma_start3A_76, %dma_start3A_77] : memref<4x8x128xf32, #tpu.memory_space<vmem>> -> memref<1x8x128xf32, #tpu.memory_space<vmem>>
    %dma_start3A_79 = tpu.memref_squeeze %dma_start3A_78 : memref<1x8x128xf32, #tpu.memory_space<vmem>> -> memref<8x128xf32, #tpu.memory_space<vmem>>
    %dma_start3A_80 = arith.constant 0 : i32
    %dma_start3A_81 = tpu.memref_slice %arg3[%dma_start3A_67, %dma_start3A_80, %multiple_of3A] : memref<4x8x1000000xf32, #tpu.memory_space<hbm>> -> memref<1x8x128xf32, #tpu.memory_space<hbm>>
    %dma_start3A_82 = tpu.memref_squeeze %dma_start3A_81 : memref<1x8x128xf32, #tpu.memory_space<hbm>> -> memref<8x128xf32, #tpu.memory_space<hbm>>
    tpu.enqueue_dma source(%dma_start3A_82 : memref<8x128xf32, #tpu.memory_space<hbm>>) target(%dma_start3A_79 : memref<8x128xf32, #tpu.memory_space<vmem>>) target_semaphore(%arg16 : memref<!tpu.dma_semaphore, #tpu.memory_space<semaphore_mem>>)
    %get3A_83 = arith.constant 0 : index
    %get3A_84 = tpu.vector_load %arg5[%get3A_83] {strides = array<i32>} : memref<512xi32, #tpu.memory_space<vmem>>, vector<16xi32>,
    %eq3A_85 = arith.constant 1 : i32
    %eq3A_86 = vector.broadcast %eq3A_85 : i32 to vector<16xi32>
    %eq3A_87 = arith.cmpi eq, %iota3A, %eq3A_86 : vector<16xi32>
    %jit3A_88 = arith.constant 0 : i32
    %broadcast_in_dim3A_89 = vector.broadcast %jit3A_88 : i32 to vector<16xi32>
    %select_n3A_90 = arith.select %eq3A_87, %get3A_84, %broadcast_in_dim3A_89 : vector<16xi1>, vector<16xi32>
    %reduce_sum3A_91 = arith.constant true
    %reduce_sum3A_92 = vector.broadcast %reduce_sum3A_91 : i1 to vector<16xi1>
    %reduce_sum3A_93 = tpu.scan <sum>, %select_n3A_90 masked %reduce_sum3A_92 : vector<16xi32>, vector<16xi1> -> vector<16xi32>
    %reduce_sum3A_94 = vector.extract %reduce_sum3A_93[15] : i32 from vector<16xi32>
    %shift_right_arithmetic3A_95 = arith.constant 7 : i32
    %shift_right_arithmetic3A_96 = arith.shrsi %reduce_sum3A_94, %shift_right_arithmetic3A_95 : i32
    %shift_left3A_97 = arith.constant 7 : i32
    %shift_left3A_98 = arith.shli %shift_right_arithmetic3A_96, %shift_left3A_97 : i32
    %min3A_99 = arith.constant 999808 : i32
    %min3A_100 = arith.minsi %shift_left3A_98, %min3A_99 : i32
    %multiple_of3A_101 = tpu.assume_multiple %min3A_100, 128 : i32
    %dma_start3A_102 = arith.constant 0 : i32
    %dma_start3A_103 = arith.constant 0 : i32
    %dma_start3A_104 = arith.constant 0 : i32
    %dma_start3A_105 = arith.constant 0 : i32
    %dma_start3A_106 = tpu.memref_slice %arg8[%dma_start3A_103, %dma_start3A_104, %dma_start3A_105] : memref<4x8x128xf32, #tpu.memory_space<vmem>> -> memref<1x8x128xf32, #tpu.memory_space<vmem>>
    %dma_start3A_107 = tpu.memref_squeeze %dma_start3A_106 : memref<1x8x128xf32, #tpu.memory_space<vmem>> -> memref<8x128xf32, #tpu.memory_space<vmem>>
    %dma_start3A_108 = arith.constant 0 : i32
    %dma_start3A_109 = tpu.memref_slice %arg3[%dma_start3A_102, %dma_start3A_108, %multiple_of3A_101] : memref<4x8x1000000xf32, #tpu.memory_space<hbm>> -> memref<1x8x128xf32, #tpu.memory_space<hbm>>
    %dma_start3A_110 = tpu.memref_squeeze %dma_start3A_109 : memref<1x8x128xf32, #tpu.memory_space<hbm>> -> memref<8x128xf32, #tpu.memory_space<hbm>>
    %dma_start3A_111 = arith.constant 0 : i32
    %dma_start3A_112 = arith.constant 0 : i32
    %dma_start3A_113 = tpu.memref_slice %arg8[%dma_start3A_103, %dma_start3A_111, %dma_start3A_112] : memref<4x8x128xf32, #tpu.memory_space<vmem>> -> memref<1x8x128xf32, #tpu.memory_space<vmem>>
    %dma_start3A_114 = tpu.memref_squeeze %dma_start3A_113 : memref<1x8x128xf32, #tpu.memory_space<vmem>> -> memref<8x128xf32, #tpu.memory_space<vmem>>
    %dma_start3A_115 = arith.constant 0 : i32
    %dma_start3A_116 = tpu.memref_slice %arg3[%dma_start3A_102, %dma_start3A_115, %multiple_of3A_101] : memref<4x8x1000000xf32, #tpu.memory_space<hbm>> -> memref<1x8x128xf32, #tpu.memory_space<hbm>>
    %dma_start3A_117 = tpu.memref_squeeze %dma_start3A_116 : memref<1x8x128xf32, #tpu.memory_space<hbm>> -> memref<8x128xf32, #tpu.memory_space<hbm>>
    tpu.enqueue_dma source(%dma_start3A_117 : memref<8x128xf32, #tpu.memory_space<hbm>>) target(%dma_start3A_114 : memref<8x128xf32, #tpu.memory_space<vmem>>) target_semaphore(%arg17 : memref<!tpu.dma_semaphore, #tpu.memory_space<semaphore_mem>>)
    %dma_start3A_118 = arith.constant 1 : i32
    %dma_start3A_119 = arith.constant 1 : i32
    %dma_start3A_120 = arith.constant 0 : i32
    %dma_start3A_121 = arith.constant 0 : i32
    %dma_start3A_122 = tpu.memref_slice %arg8[%dma_start3A_119, %dma_start3A_120, %dma_start3A_121] : memref<4x8x128xf32, #tpu.memory_space<vmem>> -> memref<1x8x128xf32, #tpu.memory_space<vmem>>
    %dma_start3A_123 = tpu.memref_squeeze %dma_start3A_122 : memref<1x8x128xf32, #tpu.memory_space<vmem>> -> memref<8x128xf32, #tpu.memory_space<vmem>>
    %dma_start3A_124 = arith.constant 0 : i32
    %dma_start3A_125 = tpu.memref_slice %arg3[%dma_start3A_118, %dma_start3A_124, %multiple_of3A_101] : memref<4x8x1000000xf32, #tpu.memory_space<hbm>> -> memref<1x8x128xf32, #tpu.memory_space<hbm>>
    %dma_start3A_126 = tpu.memref_squeeze %dma_start3A_125 : memref<1x8x128xf32, #tpu.memory_space<hbm>> -> memref<8x128xf32, #tpu.memory_space<hbm>>
    %dma_start3A_127 = arith.constant 0 : i32
    %dma_start3A_128 = arith.constant 0 : i32
    %dma_start3A_129 = tpu.memref_slice %arg8[%dma_start3A_119, %dma_start3A_127, %dma_start3A_128] : memref<4x8x128xf32, #tpu.memory_space<vmem>> -> memref<1x8x128xf32, #tpu.memory_space<vmem>>
    %dma_start3A_130 = tpu.memref_squeeze %dma_start3A_129 : memref<1x8x128xf32, #tpu.memory_space<vmem>> -> memref<8x128xf32, #tpu.memory_space<vmem>>
    %dma_start3A_131 = arith.constant 0 : i32
    %dma_start3A_132 = tpu.memref_slice %arg3[%dma_start3A_118, %dma_start3A_131, %multiple_of3A_101] : memref<4x8x1000000xf32, #tpu.memory_space<hbm>> -> memref<1x8x128xf32, #tpu.memory_space<hbm>>
    %dma_start3A_133 = tpu.memref_squeeze %dma_start3A_132 : memref<1x8x128xf32, #tpu.memory_space<hbm>> -> memref<8x128xf32, #tpu.memory_space<hbm>>
    tpu.enqueue_dma source(%dma_start3A_133 : memref<8x128xf32, #tpu.memory_space<hbm>>) target(%dma_start3A_130 : memref<8x128xf32, #tpu.memory_space<vmem>>) target_semaphore(%arg17 : memref<!tpu.dma_semaphore, #tpu.memory_space<semaphore_mem>>)
    %dma_start3A_134 = arith.constant 2 : i32
    %dma_start3A_135 = arith.constant 2 : i32
    %dma_start3A_136 = arith.constant 0 : i32
    %dma_start3A_137 = arith.constant 0 : i32
    %dma_start3A_138 = tpu.memref_slice %arg8[%dma_start3A_135, %dma_start3A_136, %dma_start3A_137] : memref<4x8x128xf32, #tpu.memory_space<vmem>> -> memref<1x8x128xf32, #tpu.memory_space<vmem>>
    %dma_start3A_139 = tpu.memref_squeeze %dma_start3A_138 : memref<1x8x128xf32, #tpu.memory_space<vmem>> -> memref<8x128xf32, #tpu.memory_space<vmem>>
    %dma_start3A_140 = arith.constant 0 : i32
    %dma_start3A_141 = tpu.memref_slice %arg3[%dma_start3A_134, %dma_start3A_140, %multiple_of3A_101] : memref<4x8x1000000xf32, #tpu.memory_space<hbm>> -> memref<1x8x128xf32, #tpu.memory_space<hbm>>
    %dma_start3A_142 = tpu.memref_squeeze %dma_start3A_141 : memref<1x8x128xf32, #tpu.memory_space<hbm>> -> memref<8x128xf32, #tpu.memory_space<hbm>>
    %dma_start3A_143 = arith.constant 0 : i32
    %dma_start3A_144 = arith.constant 0 : i32
    %dma_start3A_145 = tpu.memref_slice %arg8[%dma_start3A_135, %dma_start3A_143, %dma_start3A_144] : memref<4x8x128xf32, #tpu.memory_space<vmem>> -> memref<1x8x128xf32, #tpu.memory_space<vmem>>
    %dma_start3A_146 = tpu.memref_squeeze %dma_start3A_145 : memref<1x8x128xf32, #tpu.memory_space<vmem>> -> memref<8x128xf32, #tpu.memory_space<vmem>>
    %dma_start3A_147 = arith.constant 0 : i32
    %dma_start3A_148 = tpu.memref_slice %arg3[%dma_start3A_134, %dma_start3A_147, %multiple_of3A_101] : memref<4x8x1000000xf32, #tpu.memory_space<hbm>> -> memref<1x8x128xf32, #tpu.memory_space<hbm>>
    %dma_start3A_149 = tpu.memref_squeeze %dma_start3A_148 : memref<1x8x128xf32, #tpu.memory_space<hbm>> -> memref<8x128xf32, #tpu.memory_space<hbm>>
    tpu.enqueue_dma source(%dma_start3A_149 : memref<8x128xf32, #tpu.memory_space<hbm>>) target(%dma_start3A_146 : memref<8x128xf32, #tpu.memory_space<vmem>>) target_semaphore(%arg17 : memref<!tpu.dma_semaphore, #tpu.memory_space<semaphore_mem>>)
    %dma_start3A_150 = arith.constant 3 : i32
    %dma_start3A_151 = arith.constant 3 : i32
    %dma_start3A_152 = arith.constant 0 : i32
    %dma_start3A_153 = arith.constant 0 : i32
    %dma_start3A_154 = tpu.memref_slice %arg8[%dma_start3A_151, %dma_start3A_152, %dma_start3A_153] : memref<4x8x128xf32, #tpu.memory_space<vmem>> -> memref<1x8x128xf32, #tpu.memory_space<vmem>>
    %dma_start3A_155 = tpu.memref_squeeze %dma_start3A_154 : memref<1x8x128xf32, #tpu.memory_space<vmem>> -> memref<8x128xf32, #tpu.memory_space<vmem>>
    %dma_start3A_156 = arith.constant 0 : i32
    %dma_start3A_157 = tpu.memref_slice %arg3[%dma_start3A_150, %dma_start3A_156, %multiple_of3A_101] : memref<4x8x1000000xf32, #tpu.memory_space<hbm>> -> memref<1x8x128xf32, #tpu.memory_space<hbm>>
    %dma_start3A_158 = tpu.memref_squeeze %dma_start3A_157 : memref<1x8x128xf32, #tpu.memory_space<hbm>> -> memref<8x128xf32, #tpu.memory_space<hbm>>
    %dma_start3A_159 = arith.constant 0 : i32
    %dma_start3A_160 = arith.constant 0 : i32
    %dma_start3A_161 = tpu.memref_slice %arg8[%dma_start3A_151, %dma_start3A_159, %dma_start3A_160] : memref<4x8x128xf32, #tpu.memory_space<vmem>> -> memref<1x8x128xf32, #tpu.memory_space<vmem>>
    %dma_start3A_162 = tpu.memref_squeeze %dma_start3A_161 : memref<1x8x128xf32, #tpu.memory_space<vmem>> -> memref<8x128xf32, #tpu.memory_space<vmem>>
    %dma_start3A_163 = arith.constant 0 : i32
    %dma_start3A_164 = tpu.memref_slice %arg3[%dma_start3A_150, %dma_start3A_163, %multiple_of3A_101] : memref<4x8x1000000xf32, #tpu.memory_space<hbm>> -> memref<1x8x128xf32, #tpu.memory_space<hbm>>
    %dma_start3A_165 = tpu.memref_squeeze %dma_start3A_164 : memref<1x8x128xf32, #tpu.memory_space<hbm>> -> memref<8x128xf32, #tpu.memory_space<hbm>>
    tpu.enqueue_dma source(%dma_start3A_165 : memref<8x128xf32, #tpu.memory_space<hbm>>) target(%dma_start3A_162 : memref<8x128xf32, #tpu.memory_space<vmem>>) target_semaphore(%arg17 : memref<!tpu.dma_semaphore, #tpu.memory_space<semaphore_mem>>)
    %get3A_166 = arith.constant 0 : index
    %get3A_167 = tpu.vector_load %arg5[%get3A_166] {strides = array<i32>} : memref<512xi32, #tpu.memory_space<vmem>>, vector<16xi32>,
    %eq3A_168 = arith.constant 2 : i32
    %eq3A_169 = vector.broadcast %eq3A_168 : i32 to vector<16xi32>
    %eq3A_170 = arith.cmpi eq, %iota3A, %eq3A_169 : vector<16xi32>
    %jit3A_171 = arith.constant 0 : i32
    %broadcast_in_dim3A_172 = vector.broadcast %jit3A_171 : i32 to vector<16xi32>
    %select_n3A_173 = arith.select %eq3A_170, %get3A_167, %broadcast_in_dim3A_172 : vector<16xi1>, vector<16xi32>
    %reduce_sum3A_174 = arith.constant true
    %reduce_sum3A_175 = vector.broadcast %reduce_sum3A_174 : i1 to vector<16xi1>
    %reduce_sum3A_176 = tpu.scan <sum>, %select_n3A_173 masked %reduce_sum3A_175 : vector<16xi32>, vector<16xi1> -> vector<16xi32>
    %reduce_sum3A_177 = vector.extract %reduce_sum3A_176[15] : i32 from vector<16xi32>
    %shift_right_arithmetic3A_178 = arith.constant 7 : i32
    %shift_right_arithmetic3A_179 = arith.shrsi %reduce_sum3A_177, %shift_right_arithmetic3A_178 : i32
    %shift_left3A_180 = arith.constant 7 : i32
    %shift_left3A_181 = arith.shli %shift_right_arithmetic3A_179, %shift_left3A_180 : i32
    %min3A_182 = arith.constant 999808 : i32
    %min3A_183 = arith.minsi %shift_left3A_181, %min3A_182 : i32
    %multiple_of3A_184 = tpu.assume_multiple %min3A_183, 128 : i32
    %dma_start3A_185 = arith.constant 0 : i32
    %dma_start3A_186 = arith.constant 0 : i32
    %dma_start3A_187 = arith.constant 0 : i32
    %dma_start3A_188 = arith.constant 0 : i32
    %dma_start3A_189 = tpu.memref_slice %arg9[%dma_start3A_186, %dma_start3A_187, %dma_start3A_188] : memref<4x8x128xf32, #tpu.memory_space<vmem>> -> memref<1x8x128xf32, #tpu.memory_space<vmem>>
    %dma_start3A_190 = tpu.memref_squeeze %dma_start3A_189 : memref<1x8x128xf32, #tpu.memory_space<vmem>> -> memref<8x128xf32, #tpu.memory_space<vmem>>
    %dma_start3A_191 = arith.constant 0 : i32
    %dma_start3A_192 = tpu.memref_slice %arg3[%dma_start3A_185, %dma_start3A_191, %multiple_of3A_184] : memref<4x8x1000000xf32, #tpu.memory_space<hbm>> -> memref<1x8x128xf32, #tpu.memory_space<hbm>>
    %dma_start3A_193 = tpu.memref_squeeze %dma_start3A_192 : memref<1x8x128xf32, #tpu.memory_space<hbm>> -> memref<8x128xf32, #tpu.memory_space<hbm>>
    %dma_start3A_194 = arith.constant 0 : i32
    %dma_start3A_195 = arith.constant 0 : i32
    %dma_start3A_196 = tpu.memref_slice %arg9[%dma_start3A_186, %dma_start3A_194, %dma_start3A_195] : memref<4x8x128xf32, #tpu.memory_space<vmem>> -> memref<1x8x128xf32, #tpu.memory_space<vmem>>
    %dma_start3A_197 = tpu.memref_squeeze %dma_start3A_196 : memref<1x8x128xf32, #tpu.memory_space<vmem>> -> memref<8x128xf32, #tpu.memory_space<vmem>>
    %dma_start3A_198 = arith.constant 0 : i32
    %dma_start3A_199 = tpu.memref_slice %arg3[%dma_start3A_185, %dma_start3A_198, %multiple_of3A_184] : memref<4x8x1000000xf32, #tpu.memory_space<hbm>> -> memref<1x8x128xf32, #tpu.memory_space<hbm>>
    %dma_start3A_200 = tpu.memref_squeeze %dma_start3A_199 : memref<1x8x128xf32, #tpu.memory_space<hbm>> -> memref<8x128xf32, #tpu.memory_space<hbm>>
    tpu.enqueue_dma source(%dma_start3A_200 : memref<8x128xf32, #tpu.memory_space<hbm>>) target(%dma_start3A_197 : memref<8x128xf32, #tpu.memory_space<vmem>>) target_semaphore(%arg18 : memref<!tpu.dma_semaphore, #tpu.memory_space<semaphore_mem>>)
    %dma_start3A_201 = arith.constant 1 : i32
    %dma_start3A_202 = arith.constant 1 : i32
    %dma_start3A_203 = arith.constant 0 : i32
    %dma_start3A_204 = arith.constant 0 : i32
    %dma_start3A_205 = tpu.memref_slice %arg9[%dma_start3A_202, %dma_start3A_203, %dma_start3A_204] : memref<4x8x128xf32, #tpu.memory_space<vmem>> -> memref<1x8x128xf32, #tpu.memory_space<vmem>>
    %dma_start3A_206 = tpu.memref_squeeze %dma_start3A_205 : memref<1x8x128xf32, #tpu.memory_space<vmem>> -> memref<8x128xf32, #tpu.memory_space<vmem>>
    %dma_start3A_207 = arith.constant 0 : i32
    %dma_start3A_208 = tpu.memref_slice %arg3[%dma_start3A_201, %dma_start3A_207, %multiple_of3A_184] : memref<4x8x1000000xf32, #tpu.memory_space<hbm>> -> memref<1x8x128xf32, #tpu.memory_space<hbm>>
    %dma_start3A_209 = tpu.memref_squeeze %dma_start3A_208 : memref<1x8x128xf32, #tpu.memory_space<hbm>> -> memref<8x128xf32, #tpu.memory_space<hbm>>
    %dma_start3A_210 = arith.constant 0 : i32
    %dma_start3A_211 = arith.constant 0 : i32
    %dma_start3A_212 = tpu.memref_slice %arg9[%dma_start3A_202, %dma_start3A_210, %dma_start3A_211] : memref<4x8x128xf32, #tpu.memory_space<vmem>> -> memref<1x8x128xf32, #tpu.memory_space<vmem>>
    %dma_start3A_213 = tpu.memref_squeeze %dma_start3A_212 : memref<1x8x128xf32, #tpu.memory_space<vmem>> -> memref<8x128xf32, #tpu.memory_space<vmem>>
    %dma_start3A_214 = arith.constant 0 : i32
    %dma_start3A_215 = tpu.memref_slice %arg3[%dma_start3A_201, %dma_start3A_214, %multiple_of3A_184] : memref<4x8x1000000xf32, #tpu.memory_space<hbm>> -> memref<1x8x128xf32, #tpu.memory_space<hbm>>
    %dma_start3A_216 = tpu.memref_squeeze %dma_start3A_215 : memref<1x8x128xf32, #tpu.memory_space<hbm>> -> memref<8x128xf32, #tpu.memory_space<hbm>>
    tpu.enqueue_dma source(%dma_start3A_216 : memref<8x128xf32, #tpu.memory_space<hbm>>) target(%dma_start3A_213 : memref<8x128xf32, #tpu.memory_space<vmem>>) target_semaphore(%arg18 : memref<!tpu.dma_semaphore, #tpu.memory_space<semaphore_mem>>)
    %dma_start3A_217 = arith.constant 2 : i32
    %dma_start3A_218 = arith.constant 2 : i32
    %dma_start3A_219 = arith.constant 0 : i32
    %dma_start3A_220 = arith.constant 0 : i32
    %dma_start3A_221 = tpu.memref_slice %arg9[%dma_start3A_218, %dma_start3A_219, %dma_start3A_220] : memref<4x8x128xf32, #tpu.memory_space<vmem>> -> memref<1x8x128xf32, #tpu.memory_space<vmem>>
    %dma_start3A_222 = tpu.memref_squeeze %dma_start3A_221 : memref<1x8x128xf32, #tpu.memory_space<vmem>> -> memref<8x128xf32, #tpu.memory_space<vmem>>
    %dma_start3A_223 = arith.constant 0 : i32
    %dma_start3A_224 = tpu.memref_slice %arg3[%dma_start3A_217, %dma_start3A_223, %multiple_of3A_184] : memref<4x8x1000000xf32, #tpu.memory_space<hbm>> -> memref<1x8x128xf32, #tpu.memory_space<hbm>>
    %dma_start3A_225 = tpu.memref_squeeze %dma_start3A_224 : memref<1x8x128xf32, #tpu.memory_space<hbm>> -> memref<8x128xf32, #tpu.memory_space<hbm>>
    %dma_start3A_226 = arith.constant 0 : i32
    %dma_start3A_227 = arith.constant 0 : i32
    %dma_start3A_228 = tpu.memref_slice %arg9[%dma_start3A_218, %dma_start3A_226, %dma_start3A_227] : memref<4x8x128xf32, #tpu.memory_space<vmem>> -> memref<1x8x128xf32, #tpu.memory_space<vmem>>
    %dma_start3A_229 = tpu.memref_squeeze %dma_start3A_228 : memref<1x8x128xf32, #tpu.memory_space<vmem>> -> memref<8x128xf32, #tpu.memory_space<vmem>>
    %dma_start3A_230 = arith.constant 0 : i32
    %dma_start3A_231 = tpu.memref_slice %arg3[%dma_start3A_217, %dma_start3A_230, %multiple_of3A_184] : memref<4x8x1000000xf32, #tpu.memory_space<hbm>> -> memref<1x8x128xf32, #tpu.memory_space<hbm>>
    %dma_start3A_232 = tpu.memref_squeeze %dma_start3A_231 : memref<1x8x128xf32, #tpu.memory_space<hbm>> -> memref<8x128xf32, #tpu.memory_space<hbm>>
    tpu.enqueue_dma source(%dma_start3A_232 : memref<8x128xf32, #tpu.memory_space<hbm>>) target(%dma_start3A_229 : memref<8x128xf32, #tpu.memory_space<vmem>>) target_semaphore(%arg18 : memref<!tpu.dma_semaphore, #tpu.memory_space<semaphore_mem>>)
    %dma_start3A_233 = arith.constant 3 : i32
    %dma_start3A_234 = arith.constant 3 : i32
    %dma_start3A_235 = arith.constant 0 : i32
    %dma_start3A_236 = arith.constant 0 : i32
    %dma_start3A_237 = tpu.memref_slice %arg9[%dma_start3A_234, %dma_start3A_235, %dma_start3A_236] : memref<4x8x128xf32, #tpu.memory_space<vmem>> -> memref<1x8x128xf32, #tpu.memory_space<vmem>>
    %dma_start3A_238 = tpu.memref_squeeze %dma_start3A_237 : memref<1x8x128xf32, #tpu.memory_space<vmem>> -> memref<8x128xf32, #tpu.memory_space<vmem>>
    %dma_start3A_239 = arith.constant 0 : i32
    %dma_start3A_240 = tpu.memref_slice %arg3[%dma_start3A_233, %dma_start3A_239, %multiple_of3A_184] : memref<4x8x1000000xf32, #tpu.memory_space<hbm>> -> memref<1x8x128xf32, #tpu.memory_space<hbm>>
    %dma_start3A_241 = tpu.memref_squeeze %dma_start3A_240 : memref<1x8x128xf32, #tpu.memory_space<hbm>> -> memref<8x128xf32, #tpu.memory_space<hbm>>
    %dma_start3A_242 = arith.constant 0 : i32
    %dma_start3A_243 = arith.constant 0 : i32
    %dma_start3A_244 = tpu.memref_slice %arg9[%dma_start3A_234, %dma_start3A_242, %dma_start3A_243] : memref<4x8x128xf32, #tpu.memory_space<vmem>> -> memref<1x8x128xf32, #tpu.memory_space<vmem>>
    %dma_start3A_245 = tpu.memref_squeeze %dma_start3A_244 : memref<1x8x128xf32, #tpu.memory_space<vmem>> -> memref<8x128xf32, #tpu.memory_space<vmem>>
    %dma_start3A_246 = arith.constant 0 : i32
    %dma_start3A_247 = tpu.memref_slice %arg3[%dma_start3A_233, %dma_start3A_246, %multiple_of3A_184] : memref<4x8x1000000xf32, #tpu.memory_space<hbm>> -> memref<1x8x128xf32, #tpu.memory_space<hbm>>
    %dma_start3A_248 = tpu.memref_squeeze %dma_start3A_247 : memref<1x8x128xf32, #tpu.memory_space<hbm>> -> memref<8x128xf32, #tpu.memory_space<hbm>>
    tpu.enqueue_dma source(%dma_start3A_248 : memref<8x128xf32, #tpu.memory_space<hbm>>) target(%dma_start3A_245 : memref<8x128xf32, #tpu.memory_space<vmem>>) target_semaphore(%arg18 : memref<!tpu.dma_semaphore, #tpu.memory_space<semaphore_mem>>)
    %get3A_249 = arith.constant 0 : index
    %get3A_250 = tpu.vector_load %arg5[%get3A_249] {strides = array<i32>} : memref<512xi32, #tpu.memory_space<vmem>>, vector<16xi32>,
    %eq3A_251 = arith.constant 3 : i32
    %eq3A_252 = vector.broadcast %eq3A_251 : i32 to vector<16xi32>
    %eq3A_253 = arith.cmpi eq, %iota3A, %eq3A_252 : vector<16xi32>
    %jit3A_254 = arith.constant 0 : i32
    %broadcast_in_dim3A_255 = vector.broadcast %jit3A_254 : i32 to vector<16xi32>
    %select_n3A_256 = arith.select %eq3A_253, %get3A_250, %broadcast_in_dim3A_255 : vector<16xi1>, vector<16xi32>
    %reduce_sum3A_257 = arith.constant true
    %reduce_sum3A_258 = vector.broadcast %reduce_sum3A_257 : i1 to vector<16xi1>
    %reduce_sum3A_259 = tpu.scan <sum>, %select_n3A_256 masked %reduce_sum3A_258 : vector<16xi32>, vector<16xi1> -> vector<16xi32>
    %reduce_sum3A_260 = vector.extract %reduce_sum3A_259[15] : i32 from vector<16xi32>
    %shift_right_arithmetic3A_261 = arith.constant 7 : i32
    %shift_right_arithmetic3A_262 = arith.shrsi %reduce_sum3A_260, %shift_right_arithmetic3A_261 : i32
    %shift_left3A_263 = arith.constant 7 : i32
    %shift_left3A_264 = arith.shli %shift_right_arithmetic3A_262, %shift_left3A_263 : i32
    %min3A_265 = arith.constant 999808 : i32
    %min3A_266 = arith.minsi %shift_left3A_264, %min3A_265 : i32
    %multiple_of3A_267 = tpu.assume_multiple %min3A_266, 128 : i32
    %dma_start3A_268 = arith.constant 0 : i32
    %dma_start3A_269 = arith.constant 0 : i32
    %dma_start3A_270 = arith.constant 0 : i32
    %dma_start3A_271 = arith.constant 0 : i32
    %dma_start3A_272 = tpu.memref_slice %arg10[%dma_start3A_269, %dma_start3A_270, %dma_start3A_271] : memref<4x8x128xf32, #tpu.memory_space<vmem>> -> memref<1x8x128xf32, #tpu.memory_space<vmem>>
    %dma_start3A_273 = tpu.memref_squeeze %dma_start3A_272 : memref<1x8x128xf32, #tpu.memory_space<vmem>> -> memref<8x128xf32, #tpu.memory_space<vmem>>
    %dma_start3A_274 = arith.constant 0 : i32
    %dma_start3A_275 = tpu.memref_slice %arg3[%dma_start3A_268, %dma_start3A_274, %multiple_of3A_267] : memref<4x8x1000000xf32, #tpu.memory_space<hbm>> -> memref<1x8x128xf32, #tpu.memory_space<hbm>>
    %dma_start3A_276 = tpu.memref_squeeze %dma_start3A_275 : memref<1x8x128xf32, #tpu.memory_space<hbm>> -> memref<8x128xf32, #tpu.memory_space<hbm>>
    %dma_start3A_277 = arith.constant 0 : i32
    %dma_start3A_278 = arith.constant 0 : i32
    %dma_start3A_279 = tpu.memref_slice %arg10[%dma_start3A_269, %dma_start3A_277, %dma_start3A_278] : memref<4x8x128xf32, #tpu.memory_space<vmem>> -> memref<1x8x128xf32, #tpu.memory_space<vmem>>
    %dma_start3A_280 = tpu.memref_squeeze %dma_start3A_279 : memref<1x8x128xf32, #tpu.memory_space<vmem>> -> memref<8x128xf32, #tpu.memory_space<vmem>>
    %dma_start3A_281 = arith.constant 0 : i32
    %dma_start3A_282 = tpu.memref_slice %arg3[%dma_start3A_268, %dma_start3A_281, %multiple_of3A_267] : memref<4x8x1000000xf32, #tpu.memory_space<hbm>> -> memref<1x8x128xf32, #tpu.memory_space<hbm>>
    %dma_start3A_283 = tpu.memref_squeeze %dma_start3A_282 : memref<1x8x128xf32, #tpu.memory_space<hbm>> -> memref<8x128xf32, #tpu.memory_space<hbm>>
    tpu.enqueue_dma source(%dma_start3A_283 : memref<8x128xf32, #tpu.memory_space<hbm>>) target(%dma_start3A_280 : memref<8x128xf32, #tpu.memory_space<vmem>>) target_semaphore(%arg19 : memref<!tpu.dma_semaphore, #tpu.memory_space<semaphore_mem>>)
    %dma_start3A_284 = arith.constant 1 : i32
    %dma_start3A_285 = arith.constant 1 : i32
    %dma_start3A_286 = arith.constant 0 : i32
    %dma_start3A_287 = arith.constant 0 : i32
    %dma_start3A_288 = tpu.memref_slice %arg10[%dma_start3A_285, %dma_start3A_286, %dma_start3A_287] : memref<4x8x128xf32, #tpu.memory_space<vmem>> -> memref<1x8x128xf32, #tpu.memory_space<vmem>>
    %dma_start3A_289 = tpu.memref_squeeze %dma_start3A_288 : memref<1x8x128xf32, #tpu.memory_space<vmem>> -> memref<8x128xf32, #tpu.memory_space<vmem>>
    %dma_start3A_290 = arith.constant 0 : i32
    %dma_start3A_291 = tpu.memref_slice %arg3[%dma_start3A_284, %dma_start3A_290, %multiple_of3A_267] : memref<4x8x1000000xf32, #tpu.memory_space<hbm>> -> memref<1x8x128xf32, #tpu.memory_space<hbm>>
    %dma_start3A_292 = tpu.memref_squeeze %dma_start3A_291 : memref<1x8x128xf32, #tpu.memory_space<hbm>> -> memref<8x128xf32, #tpu.memory_space<hbm>>
    %dma_start3A_293 = arith.constant 0 : i32
    %dma_start3A_294 = arith.constant 0 : i32
    %dma_start3A_295 = tpu.memref_slice %arg10[%dma_start3A_285, %dma_start3A_293, %dma_start3A_294] : memref<4x8x128xf32, #tpu.memory_space<vmem>> -> memref<1x8x128xf32, #tpu.memory_space<vmem>>
    %dma_start3A_296 = tpu.memref_squeeze %dma_start3A_295 : memref<1x8x128xf32, #tpu.memory_space<vmem>> -> memref<8x128xf32, #tpu.memory_space<vmem>>
    %dma_start3A_297 = arith.constant 0 : i32
    %dma_start3A_298 = tpu.memref_slice %arg3[%dma_start3A_284, %dma_start3A_297, %multiple_of3A_267] : memref<4x8x1000000xf32, #tpu.memory_space<hbm>> -> memref<1x8x128xf32, #tpu.memory_space<hbm>>
    %dma_start3A_299 = tpu.memref_squeeze %dma_start3A_298 : memref<1x8x128xf32, #tpu.memory_space<hbm>> -> memref<8x128xf32, #tpu.memory_space<hbm>>
    tpu.enqueue_dma source(%dma_start3A_299 : memref<8x128xf32, #tpu.memory_space<hbm>>) target(%dma_start3A_296 : memref<8x128xf32, #tpu.memory_space<vmem>>) target_semaphore(%arg19 : memref<!tpu.dma_semaphore, #tpu.memory_space<semaphore_mem>>)
    %dma_start3A_300 = arith.constant 2 : i32
    %dma_start3A_301 = arith.constant 2 : i32
    %dma_start3A_302 = arith.constant 0 : i32
    %dma_start3A_303 = arith.constant 0 : i32
    %dma_start3A_304 = tpu.memref_slice %arg10[%dma_start3A_301, %dma_start3A_302, %dma_start3A_303] : memref<4x8x128xf32, #tpu.memory_space<vmem>> -> memref<1x8x128xf32, #tpu.memory_space<vmem>>
    %dma_start3A_305 = tpu.memref_squeeze %dma_start3A_304 : memref<1x8x128xf32, #tpu.memory_space<vmem>> -> memref<8x128xf32, #tpu.memory_space<vmem>>
    %dma_start3A_306 = arith.constant 0 : i32
    %dma_start3A_307 = tpu.memref_slice %arg3[%dma_start3A_300, %dma_start3A_306, %multiple_of3A_267] : memref<4x8x1000000xf32, #tpu.memory_space<hbm>> -> memref<1x8x128xf32, #tpu.memory_space<hbm>>
    %dma_start3A_308 = tpu.memref_squeeze %dma_start3A_307 : memref<1x8x128xf32, #tpu.memory_space<hbm>> -> memref<8x128xf32, #tpu.memory_space<hbm>>
    %dma_start3A_309 = arith.constant 0 : i32
    %dma_start3A_310 = arith.constant 0 : i32
    %dma_start3A_311 = tpu.memref_slice %arg10[%dma_start3A_301, %dma_start3A_309, %dma_start3A_310] : memref<4x8x128xf32, #tpu.memory_space<vmem>> -> memref<1x8x128xf32, #tpu.memory_space<vmem>>
    %dma_start3A_312 = tpu.memref_squeeze %dma_start3A_311 : memref<1x8x128xf32, #tpu.memory_space<vmem>> -> memref<8x128xf32, #tpu.memory_space<vmem>>
    %dma_start3A_313 = arith.constant 0 : i32
    %dma_start3A_314 = tpu.memref_slice %arg3[%dma_start3A_300, %dma_start3A_313, %multiple_of3A_267] : memref<4x8x1000000xf32, #tpu.memory_space<hbm>> -> memref<1x8x128xf32, #tpu.memory_space<hbm>>
    %dma_start3A_315 = tpu.memref_squeeze %dma_start3A_314 : memref<1x8x128xf32, #tpu.memory_space<hbm>> -> memref<8x128xf32, #tpu.memory_space<hbm>>
    tpu.enqueue_dma source(%dma_start3A_315 : memref<8x128xf32, #tpu.memory_space<hbm>>) target(%dma_start3A_312 : memref<8x128xf32, #tpu.memory_space<vmem>>) target_semaphore(%arg19 : memref<!tpu.dma_semaphore, #tpu.memory_space<semaphore_mem>>)
    %dma_start3A_316 = arith.constant 3 : i32
    %dma_start3A_317 = arith.constant 3 : i32
    %dma_start3A_318 = arith.constant 0 : i32
    %dma_start3A_319 = arith.constant 0 : i32
    %dma_start3A_320 = tpu.memref_slice %arg10[%dma_start3A_317, %dma_start3A_318, %dma_start3A_319] : memref<4x8x128xf32, #tpu.memory_space<vmem>> -> memref<1x8x128xf32, #tpu.memory_space<vmem>>
    %dma_start3A_321 = tpu.memref_squeeze %dma_start3A_320 : memref<1x8x128xf32, #tpu.memory_space<vmem>> -> memref<8x128xf32, #tpu.memory_space<vmem>>
    %dma_start3A_322 = arith.constant 0 : i32
    %dma_start3A_323 = tpu.memref_slice %arg3[%dma_start3A_316, %dma_start3A_322, %multiple_of3A_267] : memref<4x8x1000000xf32, #tpu.memory_space<hbm>> -> memref<1x8x128xf32, #tpu.memory_space<hbm>>
    %dma_start3A_324 = tpu.memref_squeeze %dma_start3A_323 : memref<1x8x128xf32, #tpu.memory_space<hbm>> -> memref<8x128xf32, #tpu.memory_space<hbm>>
    %dma_start3A_325 = arith.constant 0 : i32
    %dma_start3A_326 = arith.constant 0 : i32
    %dma_start3A_327 = tpu.memref_slice %arg10[%dma_start3A_317, %dma_start3A_325, %dma_start3A_326] : memref<4x8x128xf32, #tpu.memory_space<vmem>> -> memref<1x8x128xf32, #tpu.memory_space<vmem>>
    %dma_start3A_328 = tpu.memref_squeeze %dma_start3A_327 : memref<1x8x128xf32, #tpu.memory_space<vmem>> -> memref<8x128xf32, #tpu.memory_space<vmem>>
    %dma_start3A_329 = arith.constant 0 : i32
    %dma_start3A_330 = tpu.memref_slice %arg3[%dma_start3A_316, %dma_start3A_329, %multiple_of3A_267] : memref<4x8x1000000xf32, #tpu.memory_space<hbm>> -> memref<1x8x128xf32, #tpu.memory_space<hbm>>
    %dma_start3A_331 = tpu.memref_squeeze %dma_start3A_330 : memref<1x8x128xf32, #tpu.memory_space<hbm>> -> memref<8x128xf32, #tpu.memory_space<hbm>>
    tpu.enqueue_dma source(%dma_start3A_331 : memref<8x128xf32, #tpu.memory_space<hbm>>) target(%dma_start3A_328 : memref<8x128xf32, #tpu.memory_space<vmem>>) target_semaphore(%arg19 : memref<!tpu.dma_semaphore, #tpu.memory_space<semaphore_mem>>)
    %get3A_332 = arith.constant 0 : index
    %get3A_333 = tpu.vector_load %arg5[%get3A_332] {strides = array<i32>} : memref<512xi32, #tpu.memory_space<vmem>>, vector<16xi32>,
    %eq3A_334 = arith.constant 4 : i32
    %eq3A_335 = vector.broadcast %eq3A_334 : i32 to vector<16xi32>
    %eq3A_336 = arith.cmpi eq, %iota3A, %eq3A_335 : vector<16xi32>
    %jit3A_337 = arith.constant 0 : i32
    %broadcast_in_dim3A_338 = vector.broadcast %jit3A_337 : i32 to vector<16xi32>
    %select_n3A_339 = arith.select %eq3A_336, %get3A_333, %broadcast_in_dim3A_338 : vector<16xi1>, vector<16xi32>
    %reduce_sum3A_340 = arith.constant true
    %reduce_sum3A_341 = vector.broadcast %reduce_sum3A_340 : i1 to vector<16xi1>
    %reduce_sum3A_342 = tpu.scan <sum>, %select_n3A_339 masked %reduce_sum3A_341 : vector<16xi32>, vector<16xi1> -> vector<16xi32>
    %reduce_sum3A_343 = vector.extract %reduce_sum3A_342[15] : i32 from vector<16xi32>
    %shift_right_arithmetic3A_344 = arith.constant 7 : i32
    %shift_right_arithmetic3A_345 = arith.shrsi %reduce_sum3A_343, %shift_right_arithmetic3A_344 : i32
    %shift_left3A_346 = arith.constant 7 : i32
    %shift_left3A_347 = arith.shli %shift_right_arithmetic3A_345, %shift_left3A_346 : i32
    %min3A_348 = arith.constant 999808 : i32
    %min3A_349 = arith.minsi %shift_left3A_347, %min3A_348 : i32
    %multiple_of3A_350 = tpu.assume_multiple %min3A_349, 128 : i32
    %dma_start3A_351 = arith.constant 0 : i32
    %dma_start3A_352 = arith.constant 0 : i32
    %dma_start3A_353 = arith.constant 0 : i32
    %dma_start3A_354 = arith.constant 0 : i32
    %dma_start3A_355 = tpu.memref_slice %arg11[%dma_start3A_352, %dma_start3A_353, %dma_start3A_354] : memref<4x8x128xf32, #tpu.memory_space<vmem>> -> memref<1x8x128xf32, #tpu.memory_space<vmem>>
    %dma_start3A_356 = tpu.memref_squeeze %dma_start3A_355 : memref<1x8x128xf32, #tpu.memory_space<vmem>> -> memref<8x128xf32, #tpu.memory_space<vmem>>
    %dma_start3A_357 = arith.constant 0 : i32
    %dma_start3A_358 = tpu.memref_slice %arg3[%dma_start3A_351, %dma_start3A_357, %multiple_of3A_350] : memref<4x8x1000000xf32, #tpu.memory_space<hbm>> -> memref<1x8x128xf32, #tpu.memory_space<hbm>>
    %dma_start3A_359 = tpu.memref_squeeze %dma_start3A_358 : memref<1x8x128xf32, #tpu.memory_space<hbm>> -> memref<8x128xf32, #tpu.memory_space<hbm>>
    %dma_start3A_360 = arith.constant 0 : i32
    %dma_start3A_361 = arith.constant 0 : i32
    %dma_start3A_362 = tpu.memref_slice %arg11[%dma_start3A_352, %dma_start3A_360, %dma_start3A_361] : memref<4x8x128xf32, #tpu.memory_space<vmem>> -> memref<1x8x128xf32, #tpu.memory_space<vmem>>
    %dma_start3A_363 = tpu.memref_squeeze %dma_start3A_362 : memref<1x8x128xf32, #tpu.memory_space<vmem>> -> memref<8x128xf32, #tpu.memory_space<vmem>>
    %dma_start3A_364 = arith.constant 0 : i32
    %dma_start3A_365 = tpu.memref_slice %arg3[%dma_start3A_351, %dma_start3A_364, %multiple_of3A_350] : memref<4x8x1000000xf32, #tpu.memory_space<hbm>> -> memref<1x8x128xf32, #tpu.memory_space<hbm>>
    %dma_start3A_366 = tpu.memref_squeeze %dma_start3A_365 : memref<1x8x128xf32, #tpu.memory_space<hbm>> -> memref<8x128xf32, #tpu.memory_space<hbm>>
    tpu.enqueue_dma source(%dma_start3A_366 : memref<8x128xf32, #tpu.memory_space<hbm>>) target(%dma_start3A_363 : memref<8x128xf32, #tpu.memory_space<vmem>>) target_semaphore(%arg20 : memref<!tpu.dma_semaphore, #tpu.memory_space<semaphore_mem>>)
    %dma_start3A_367 = arith.constant 1 : i32
    %dma_start3A_368 = arith.constant 1 : i32
    %dma_start3A_369 = arith.constant 0 : i32
    %dma_start3A_370 = arith.constant 0 : i32
    %dma_start3A_371 = tpu.memref_slice %arg11[%dma_start3A_368, %dma_start3A_369, %dma_start3A_370] : memref<4x8x128xf32, #tpu.memory_space<vmem>> -> memref<1x8x128xf32, #tpu.memory_space<vmem>>
    %dma_start3A_372 = tpu.memref_squeeze %dma_start3A_371 : memref<1x8x128xf32, #tpu.memory_space<vmem>> -> memref<8x128xf32, #tpu.memory_space<vmem>>
    %dma_start3A_373 = arith.constant 0 : i32
    %dma_start3A_374 = tpu.memref_slice %arg3[%dma_start3A_367, %dma_start3A_373, %multiple_of3A_350] : memref<4x8x1000000xf32, #tpu.memory_space<hbm>> -> memref<1x8x128xf32, #tpu.memory_space<hbm>>
    %dma_start3A_375 = tpu.memref_squeeze %dma_start3A_374 : memref<1x8x128xf32, #tpu.memory_space<hbm>> -> memref<8x128xf32, #tpu.memory_space<hbm>>
    %dma_start3A_376 = arith.constant 0 : i32
    %dma_start3A_377 = arith.constant 0 : i32
    %dma_start3A_378 = tpu.memref_slice %arg11[%dma_start3A_368, %dma_start3A_376, %dma_start3A_377] : memref<4x8x128xf32, #tpu.memory_space<vmem>> -> memref<1x8x128xf32, #tpu.memory_space<vmem>>
    %dma_start3A_379 = tpu.memref_squeeze %dma_start3A_378 : memref<1x8x128xf32, #tpu.memory_space<vmem>> -> memref<8x128xf32, #tpu.memory_space<vmem>>
    %dma_start3A_380 = arith.constant 0 : i32
    %dma_start3A_381 = tpu.memref_slice %arg3[%dma_start3A_367, %dma_start3A_380, %multiple_of3A_350] : memref<4x8x1000000xf32, #tpu.memory_space<hbm>> -> memref<1x8x128xf32, #tpu.memory_space<hbm>>
    %dma_start3A_382 = tpu.memref_squeeze %dma_start3A_381 : memref<1x8x128xf32, #tpu.memory_space<hbm>> -> memref<8x128xf32, #tpu.memory_space<hbm>>
    tpu.enqueue_dma source(%dma_start3A_382 : memref<8x128xf32, #tpu.memory_space<hbm>>) target(%dma_start3A_379 : memref<8x128xf32, #tpu.memory_space<vmem>>) target_semaphore(%arg20 : memref<!tpu.dma_semaphore, #tpu.memory_space<semaphore_mem>>)
    %dma_start3A_383 = arith.constant 2 : i32
    %dma_start3A_384 = arith.constant 2 : i32
    %dma_start3A_385 = arith.constant 0 : i32
    %dma_start3A_386 = arith.constant 0 : i32
    %dma_start3A_387 = tpu.memref_slice %arg11[%dma_start3A_384, %dma_start3A_385, %dma_start3A_386] : memref<4x8x128xf32, #tpu.memory_space<vmem>> -> memref<1x8x128xf32, #tpu.memory_space<vmem>>
    %dma_start3A_388 = tpu.memref_squeeze %dma_start3A_387 : memref<1x8x128xf32, #tpu.memory_space<vmem>> -> memref<8x128xf32, #tpu.memory_space<vmem>>
    %dma_start3A_389 = arith.constant 0 : i32
    %dma_start3A_390 = tpu.memref_slice %arg3[%dma_start3A_383, %dma_start3A_389, %multiple_of3A_350] : memref<4x8x1000000xf32, #tpu.memory_space<hbm>> -> memref<1x8x128xf32, #tpu.memory_space<hbm>>
    %dma_start3A_391 = tpu.memref_squeeze %dma_start3A_390 : memref<1x8x128xf32, #tpu.memory_space<hbm>> -> memref<8x128xf32, #tpu.memory_space<hbm>>
    %dma_start3A_392 = arith.constant 0 : i32
    %dma_start3A_393 = arith.constant 0 : i32
    %dma_start3A_394 = tpu.memref_slice %arg11[%dma_start3A_384, %dma_start3A_392, %dma_start3A_393] : memref<4x8x128xf32, #tpu.memory_space<vmem>> -> memref<1x8x128xf32, #tpu.memory_space<vmem>>
    %dma_start3A_395 = tpu.memref_squeeze %dma_start3A_394 : memref<1x8x128xf32, #tpu.memory_space<vmem>> -> memref<8x128xf32, #tpu.memory_space<vmem>>
    %dma_start3A_396 = arith.constant 0 : i32
    %dma_start3A_397 = tpu.memref_slice %arg3[%dma_start3A_383, %dma_start3A_396, %multiple_of3A_350] : memref<4x8x1000000xf32, #tpu.memory_space<hbm>> -> memref<1x8x128xf32, #tpu.memory_space<hbm>>
    %dma_start3A_398 = tpu.memref_squeeze %dma_start3A_397 : memref<1x8x128xf32, #tpu.memory_space<hbm>> -> memref<8x128xf32, #tpu.memory_space<hbm>>
    tpu.enqueue_dma source(%dma_start3A_398 : memref<8x128xf32, #tpu.memory_space<hbm>>) target(%dma_start3A_395 : memref<8x128xf32, #tpu.memory_space<vmem>>) target_semaphore(%arg20 : memref<!tpu.dma_semaphore, #tpu.memory_space<semaphore_mem>>)
    %dma_start3A_399 = arith.constant 3 : i32
    %dma_start3A_400 = arith.constant 3 : i32
    %dma_start3A_401 = arith.constant 0 : i32
    %dma_start3A_402 = arith.constant 0 : i32
    %dma_start3A_403 = tpu.memref_slice %arg11[%dma_start3A_400, %dma_start3A_401, %dma_start3A_402] : memref<4x8x128xf32, #tpu.memory_space<vmem>> -> memref<1x8x128xf32, #tpu.memory_space<vmem>>
    %dma_start3A_404 = tpu.memref_squeeze %dma_start3A_403 : memref<1x8x128xf32, #tpu.memory_space<vmem>> -> memref<8x128xf32, #tpu.memory_space<vmem>>
    %dma_start3A_405 = arith.constant 0 : i32
    %dma_start3A_406 = tpu.memref_slice %arg3[%dma_start3A_399, %dma_start3A_405, %multiple_of3A_350] : memref<4x8x1000000xf32, #tpu.memory_space<hbm>> -> memref<1x8x128xf32, #tpu.memory_space<hbm>>
    %dma_start3A_407 = tpu.memref_squeeze %dma_start3A_406 : memref<1x8x128xf32, #tpu.memory_space<hbm>> -> memref<8x128xf32, #tpu.memory_space<hbm>>
    %dma_start3A_408 = arith.constant 0 : i32
    %dma_start3A_409 = arith.constant 0 : i32
    %dma_start3A_410 = tpu.memref_slice %arg11[%dma_start3A_400, %dma_start3A_408, %dma_start3A_409] : memref<4x8x128xf32, #tpu.memory_space<vmem>> -> memref<1x8x128xf32, #tpu.memory_space<vmem>>
    %dma_start3A_411 = tpu.memref_squeeze %dma_start3A_410 : memref<1x8x128xf32, #tpu.memory_space<vmem>> -> memref<8x128xf32, #tpu.memory_space<vmem>>
    %dma_start3A_412 = arith.constant 0 : i32
    %dma_start3A_413 = tpu.memref_slice %arg3[%dma_start3A_399, %dma_start3A_412, %multiple_of3A_350] : memref<4x8x1000000xf32, #tpu.memory_space<hbm>> -> memref<1x8x128xf32, #tpu.memory_space<hbm>>
    %dma_start3A_414 = tpu.memref_squeeze %dma_start3A_413 : memref<1x8x128xf32, #tpu.memory_space<hbm>> -> memref<8x128xf32, #tpu.memory_space<hbm>>
    tpu.enqueue_dma source(%dma_start3A_414 : memref<8x128xf32, #tpu.memory_space<hbm>>) target(%dma_start3A_411 : memref<8x128xf32, #tpu.memory_space<vmem>>) target_semaphore(%arg20 : memref<!tpu.dma_semaphore, #tpu.memory_space<semaphore_mem>>)
    %get3A_415 = arith.constant 0 : index
    %get3A_416 = tpu.vector_load %arg5[%get3A_415] {strides = array<i32>} : memref<512xi32, #tpu.memory_space<vmem>>, vector<16xi32>,
    %eq3A_417 = arith.constant 5 : i32
    %eq3A_418 = vector.broadcast %eq3A_417 : i32 to vector<16xi32>
    %eq3A_419 = arith.cmpi eq, %iota3A, %eq3A_418 : vector<16xi32>
    %jit3A_420 = arith.constant 0 : i32
    %broadcast_in_dim3A_421 = vector.broadcast %jit3A_420 : i32 to vector<16xi32>
    %select_n3A_422 = arith.select %eq3A_419, %get3A_416, %broadcast_in_dim3A_421 : vector<16xi1>, vector<16xi32>
    %reduce_sum3A_423 = arith.constant true
    %reduce_sum3A_424 = vector.broadcast %reduce_sum3A_423 : i1 to vector<16xi1>
    %reduce_sum3A_425 = tpu.scan <sum>, %select_n3A_422 masked %reduce_sum3A_424 : vector<16xi32>, vector<16xi1> -> vector<16xi32>
    %reduce_sum3A_426 = vector.extract %reduce_sum3A_425[15] : i32 from vector<16xi32>
    %shift_right_arithmetic3A_427 = arith.constant 7 : i32
    %shift_right_arithmetic3A_428 = arith.shrsi %reduce_sum3A_426, %shift_right_arithmetic3A_427 : i32
    %shift_left3A_429 = arith.constant 7 : i32
    %shift_left3A_430 = arith.shli %shift_right_arithmetic3A_428, %shift_left3A_429 : i32
    %min3A_431 = arith.constant 999808 : i32
    %min3A_432 = arith.minsi %shift_left3A_430, %min3A_431 : i32
    %multiple_of3A_433 = tpu.assume_multiple %min3A_432, 128 : i32
    %dma_start3A_434 = arith.constant 0 : i32
    %dma_start3A_435 = arith.constant 0 : i32
    %dma_start3A_436 = arith.constant 0 : i32
    %dma_start3A_437 = arith.constant 0 : i32
    %dma_start3A_438 = tpu.memref_slice %arg12[%dma_start3A_435, %dma_start3A_436, %dma_start3A_437] : memref<4x8x128xf32, #tpu.memory_space<vmem>> -> memref<1x8x128xf32, #tpu.memory_space<vmem>>
    %dma_start3A_439 = tpu.memref_squeeze %dma_start3A_438 : memref<1x8x128xf32, #tpu.memory_space<vmem>> -> memref<8x128xf32, #tpu.memory_space<vmem>>
    %dma_start3A_440 = arith.constant 0 : i32
    %dma_start3A_441 = tpu.memref_slice %arg3[%dma_start3A_434, %dma_start3A_440, %multiple_of3A_433] : memref<4x8x1000000xf32, #tpu.memory_space<hbm>> -> memref<1x8x128xf32, #tpu.memory_space<hbm>>
    %dma_start3A_442 = tpu.memref_squeeze %dma_start3A_441 : memref<1x8x128xf32, #tpu.memory_space<hbm>> -> memref<8x128xf32, #tpu.memory_space<hbm>>
    %dma_start3A_443 = arith.constant 0 : i32
    %dma_start3A_444 = arith.constant 0 : i32
    %dma_start3A_445 = tpu.memref_slice %arg12[%dma_start3A_435, %dma_start3A_443, %dma_start3A_444] : memref<4x8x128xf32, #tpu.memory_space<vmem>> -> memref<1x8x128xf32, #tpu.memory_space<vmem>>
    %dma_start3A_446 = tpu.memref_squeeze %dma_start3A_445 : memref<1x8x128xf32, #tpu.memory_space<vmem>> -> memref<8x128xf32, #tpu.memory_space<vmem>>
    %dma_start3A_447 = arith.constant 0 : i32
    %dma_start3A_448 = tpu.memref_slice %arg3[%dma_start3A_434, %dma_start3A_447, %multiple_of3A_433] : memref<4x8x1000000xf32, #tpu.memory_space<hbm>> -> memref<1x8x128xf32, #tpu.memory_space<hbm>>
    %dma_start3A_449 = tpu.memref_squeeze %dma_start3A_448 : memref<1x8x128xf32, #tpu.memory_space<hbm>> -> memref<8x128xf32, #tpu.memory_space<hbm>>
    tpu.enqueue_dma source(%dma_start3A_449 : memref<8x128xf32, #tpu.memory_space<hbm>>) target(%dma_start3A_446 : memref<8x128xf32, #tpu.memory_space<vmem>>) target_semaphore(%arg21 : memref<!tpu.dma_semaphore, #tpu.memory_space<semaphore_mem>>)
    %dma_start3A_450 = arith.constant 1 : i32
    %dma_start3A_451 = arith.constant 1 : i32
    %dma_start3A_452 = arith.constant 0 : i32
    %dma_start3A_453 = arith.constant 0 : i32
    %dma_start3A_454 = tpu.memref_slice %arg12[%dma_start3A_451, %dma_start3A_452, %dma_start3A_453] : memref<4x8x128xf32, #tpu.memory_space<vmem>> -> memref<1x8x128xf32, #tpu.memory_space<vmem>>
    %dma_start3A_455 = tpu.memref_squeeze %dma_start3A_454 : memref<1x8x128xf32, #tpu.memory_space<vmem>> -> memref<8x128xf32, #tpu.memory_space<vmem>>
    %dma_start3A_456 = arith.constant 0 : i32
    %dma_start3A_457 = tpu.memref_slice %arg3[%dma_start3A_450, %dma_start3A_456, %multiple_of3A_433] : memref<4x8x1000000xf32, #tpu.memory_space<hbm>> -> memref<1x8x128xf32, #tpu.memory_space<hbm>>
    %dma_start3A_458 = tpu.memref_squeeze %dma_start3A_457 : memref<1x8x128xf32, #tpu.memory_space<hbm>> -> memref<8x128xf32, #tpu.memory_space<hbm>>
    %dma_start3A_459 = arith.constant 0 : i32
    %dma_start3A_460 = arith.constant 0 : i32
    %dma_start3A_461 = tpu.memref_slice %arg12[%dma_start3A_451, %dma_start3A_459, %dma_start3A_460] : memref<4x8x128xf32, #tpu.memory_space<vmem>> -> memref<1x8x128xf32, #tpu.memory_space<vmem>>
    %dma_start3A_462 = tpu.memref_squeeze %dma_start3A_461 : memref<1x8x128xf32, #tpu.memory_space<vmem>> -> memref<8x128xf32, #tpu.memory_space<vmem>>
    %dma_start3A_463 = arith.constant 0 : i32
    %dma_start3A_464 = tpu.memref_slice %arg3[%dma_start3A_450, %dma_start3A_463, %multiple_of3A_433] : memref<4x8x1000000xf32, #tpu.memory_space<hbm>> -> memref<1x8x128xf32, #tpu.memory_space<hbm>>
    %dma_start3A_465 = tpu.memref_squeeze %dma_start3A_464 : memref<1x8x128xf32, #tpu.memory_space<hbm>> -> memref<8x128xf32, #tpu.memory_space<hbm>>
    tpu.enqueue_dma source(%dma_start3A_465 : memref<8x128xf32, #tpu.memory_space<hbm>>) target(%dma_start3A_462 : memref<8x128xf32, #tpu.memory_space<vmem>>) target_semaphore(%arg21 : memref<!tpu.dma_semaphore, #tpu.memory_space<semaphore_mem>>)
    %dma_start3A_466 = arith.constant 2 : i32
    %dma_start3A_467 = arith.constant 2 : i32
    %dma_start3A_468 = arith.constant 0 : i32
    %dma_start3A_469 = arith.constant 0 : i32
    %dma_start3A_470 = tpu.memref_slice %arg12[%dma_start3A_467, %dma_start3A_468, %dma_start3A_469] : memref<4x8x128xf32, #tpu.memory_space<vmem>> -> memref<1x8x128xf32, #tpu.memory_space<vmem>>
    %dma_start3A_471 = tpu.memref_squeeze %dma_start3A_470 : memref<1x8x128xf32, #tpu.memory_space<vmem>> -> memref<8x128xf32, #tpu.memory_space<vmem>>
    %dma_start3A_472 = arith.constant 0 : i32
    %dma_start3A_473 = tpu.memref_slice %arg3[%dma_start3A_466, %dma_start3A_472, %multiple_of3A_433] : memref<4x8x1000000xf32, #tpu.memory_space<hbm>> -> memref<1x8x128xf32, #tpu.memory_space<hbm>>
    %dma_start3A_474 = tpu.memref_squeeze %dma_start3A_473 : memref<1x8x128xf32, #tpu.memory_space<hbm>> -> memref<8x128xf32, #tpu.memory_space<hbm>>
    %dma_start3A_475 = arith.constant 0 : i32
    %dma_start3A_476 = arith.constant 0 : i32
    %dma_start3A_477 = tpu.memref_slice %arg12[%dma_start3A_467, %dma_start3A_475, %dma_start3A_476] : memref<4x8x128xf32, #tpu.memory_space<vmem>> -> memref<1x8x128xf32, #tpu.memory_space<vmem>>
    %dma_start3A_478 = tpu.memref_squeeze %dma_start3A_477 : memref<1x8x128xf32, #tpu.memory_space<vmem>> -> memref<8x128xf32, #tpu.memory_space<vmem>>
    %dma_start3A_479 = arith.constant 0 : i32
    %dma_start3A_480 = tpu.memref_slice %arg3[%dma_start3A_466, %dma_start3A_479, %multiple_of3A_433] : memref<4x8x1000000xf32, #tpu.memory_space<hbm>> -> memref<1x8x128xf32, #tpu.memory_space<hbm>>
    %dma_start3A_481 = tpu.memref_squeeze %dma_start3A_480 : memref<1x8x128xf32, #tpu.memory_space<hbm>> -> memref<8x128xf32, #tpu.memory_space<hbm>>
    tpu.enqueue_dma source(%dma_start3A_481 : memref<8x128xf32, #tpu.memory_space<hbm>>) target(%dma_start3A_478 : memref<8x128xf32, #tpu.memory_space<vmem>>) target_semaphore(%arg21 : memref<!tpu.dma_semaphore, #tpu.memory_space<semaphore_mem>>)
    %dma_start3A_482 = arith.constant 3 : i32
    %dma_start3A_483 = arith.constant 3 : i32
    %dma_start3A_484 = arith.constant 0 : i32
    %dma_start3A_485 = arith.constant 0 : i32
    %dma_start3A_486 = tpu.memref_slice %arg12[%dma_start3A_483, %dma_start3A_484, %dma_start3A_485] : memref<4x8x128xf32, #tpu.memory_space<vmem>> -> memref<1x8x128xf32, #tpu.memory_space<vmem>>
    %dma_start3A_487 = tpu.memref_squeeze %dma_start3A_486 : memref<1x8x128xf32, #tpu.memory_space<vmem>> -> memref<8x128xf32, #tpu.memory_space<vmem>>
    %dma_start3A_488 = arith.constant 0 : i32
    %dma_start3A_489 = tpu.memref_slice %arg3[%dma_start3A_482, %dma_start3A_488, %multiple_of3A_433] : memref<4x8x1000000xf32, #tpu.memory_space<hbm>> -> memref<1x8x128xf32, #tpu.memory_space<hbm>>
    %dma_start3A_490 = tpu.memref_squeeze %dma_start3A_489 : memref<1x8x128xf32, #tpu.memory_space<hbm>> -> memref<8x128xf32, #tpu.memory_space<hbm>>
    %dma_start3A_491 = arith.constant 0 : i32
    %dma_start3A_492 = arith.constant 0 : i32
    %dma_start3A_493 = tpu.memref_slice %arg12[%dma_start3A_483, %dma_start3A_491, %dma_start3A_492] : memref<4x8x128xf32, #tpu.memory_space<vmem>> -> memref<1x8x128xf32, #tpu.memory_space<vmem>>
    %dma_start3A_494 = tpu.memref_squeeze %dma_start3A_493 : memref<1x8x128xf32, #tpu.memory_space<vmem>> -> memref<8x128xf32, #tpu.memory_space<vmem>>
    %dma_start3A_495 = arith.constant 0 : i32
    %dma_start3A_496 = tpu.memref_slice %arg3[%dma_start3A_482, %dma_start3A_495, %multiple_of3A_433] : memref<4x8x1000000xf32, #tpu.memory_space<hbm>> -> memref<1x8x128xf32, #tpu.memory_space<hbm>>
    %dma_start3A_497 = tpu.memref_squeeze %dma_start3A_496 : memref<1x8x128xf32, #tpu.memory_space<hbm>> -> memref<8x128xf32, #tpu.memory_space<hbm>>
    tpu.enqueue_dma source(%dma_start3A_497 : memref<8x128xf32, #tpu.memory_space<hbm>>) target(%dma_start3A_494 : memref<8x128xf32, #tpu.memory_space<vmem>>) target_semaphore(%arg21 : memref<!tpu.dma_semaphore, #tpu.memory_space<semaphore_mem>>)
    %get3A_498 = arith.constant 0 : index
    %get3A_499 = tpu.vector_load %arg5[%get3A_498] {strides = array<i32>} : memref<512xi32, #tpu.memory_space<vmem>>, vector<16xi32>,
    %eq3A_500 = arith.constant 6 : i32
    %eq3A_501 = vector.broadcast %eq3A_500 : i32 to vector<16xi32>
    %eq3A_502 = arith.cmpi eq, %iota3A, %eq3A_501 : vector<16xi32>
    %jit3A_503 = arith.constant 0 : i32
    %broadcast_in_dim3A_504 = vector.broadcast %jit3A_503 : i32 to vector<16xi32>
    %select_n3A_505 = arith.select %eq3A_502, %get3A_499, %broadcast_in_dim3A_504 : vector<16xi1>, vector<16xi32>
    %reduce_sum3A_506 = arith.constant true
    %reduce_sum3A_507 = vector.broadcast %reduce_sum3A_506 : i1 to vector<16xi1>
    %reduce_sum3A_508 = tpu.scan <sum>, %select_n3A_505 masked %reduce_sum3A_507 : vector<16xi32>, vector<16xi1> -> vector<16xi32>
    %reduce_sum3A_509 = vector.extract %reduce_sum3A_508[15] : i32 from vector<16xi32>
    %shift_right_arithmetic3A_510 = arith.constant 7 : i32
    %shift_right_arithmetic3A_511 = arith.shrsi %reduce_sum3A_509, %shift_right_arithmetic3A_510 : i32
    %shift_left3A_512 = arith.constant 7 : i32
    %shift_left3A_513 = arith.shli %shift_right_arithmetic3A_511, %shift_left3A_512 : i32
    %min3A_514 = arith.constant 999808 : i32
    %min3A_515 = arith.minsi %shift_left3A_513, %min3A_514 : i32
    %multiple_of3A_516 = tpu.assume_multiple %min3A_515, 128 : i32
    %dma_start3A_517 = arith.constant 0 : i32
    %dma_start3A_518 = arith.constant 0 : i32
    %dma_start3A_519 = arith.constant 0 : i32
    %dma_start3A_520 = arith.constant 0 : i32
    %dma_start3A_521 = tpu.memref_slice %arg13[%dma_start3A_518, %dma_start3A_519, %dma_start3A_520] : memref<4x8x128xf32, #tpu.memory_space<vmem>> -> memref<1x8x128xf32, #tpu.memory_space<vmem>>
    %dma_start3A_522 = tpu.memref_squeeze %dma_start3A_521 : memref<1x8x128xf32, #tpu.memory_space<vmem>> -> memref<8x128xf32, #tpu.memory_space<vmem>>
    %dma_start3A_523 = arith.constant 0 : i32
    %dma_start3A_524 = tpu.memref_slice %arg3[%dma_start3A_517, %dma_start3A_523, %multiple_of3A_516] : memref<4x8x1000000xf32, #tpu.memory_space<hbm>> -> memref<1x8x128xf32, #tpu.memory_space<hbm>>
    %dma_start3A_525 = tpu.memref_squeeze %dma_start3A_524 : memref<1x8x128xf32, #tpu.memory_space<hbm>> -> memref<8x128xf32, #tpu.memory_space<hbm>>
    %dma_start3A_526 = arith.constant 0 : i32
    %dma_start3A_527 = arith.constant 0 : i32
    %dma_start3A_528 = tpu.memref_slice %arg13[%dma_start3A_518, %dma_start3A_526, %dma_start3A_527] : memref<4x8x128xf32, #tpu.memory_space<vmem>> -> memref<1x8x128xf32, #tpu.memory_space<vmem>>
    %dma_start3A_529 = tpu.memref_squeeze %dma_start3A_528 : memref<1x8x128xf32, #tpu.memory_space<vmem>> -> memref<8x128xf32, #tpu.memory_space<vmem>>
    %dma_start3A_530 = arith.constant 0 : i32
    %dma_start3A_531 = tpu.memref_slice %arg3[%dma_start3A_517, %dma_start3A_530, %multiple_of3A_516] : memref<4x8x1000000xf32, #tpu.memory_space<hbm>> -> memref<1x8x128xf32, #tpu.memory_space<hbm>>
    %dma_start3A_532 = tpu.memref_squeeze %dma_start3A_531 : memref<1x8x128xf32, #tpu.memory_space<hbm>> -> memref<8x128xf32, #tpu.memory_space<hbm>>
    tpu.enqueue_dma source(%dma_start3A_532 : memref<8x128xf32, #tpu.memory_space<hbm>>) target(%dma_start3A_529 : memref<8x128xf32, #tpu.memory_space<vmem>>) target_semaphore(%arg22 : memref<!tpu.dma_semaphore, #tpu.memory_space<semaphore_mem>>)
    %dma_start3A_533 = arith.constant 1 : i32
    %dma_start3A_534 = arith.constant 1 : i32
    %dma_start3A_535 = arith.constant 0 : i32
    %dma_start3A_536 = arith.constant 0 : i32
    %dma_start3A_537 = tpu.memref_slice %arg13[%dma_start3A_534, %dma_start3A_535, %dma_start3A_536] : memref<4x8x128xf32, #tpu.memory_space<vmem>> -> memref<1x8x128xf32, #tpu.memory_space<vmem>>
    %dma_start3A_538 = tpu.memref_squeeze %dma_start3A_537 : memref<1x8x128xf32, #tpu.memory_space<vmem>> -> memref<8x128xf32, #tpu.memory_space<vmem>>
    %dma_start3A_539 = arith.constant 0 : i32
    %dma_start3A_540 = tpu.memref_slice %arg3[%dma_start3A_533, %dma_start3A_539, %multiple_of3A_516] : memref<4x8x1000000xf32, #tpu.memory_space<hbm>> -> memref<1x8x128xf32, #tpu.memory_space<hbm>>
    %dma_start3A_541 = tpu.memref_squeeze %dma_start3A_540 : memref<1x8x128xf32, #tpu.memory_space<hbm>> -> memref<8x128xf32, #tpu.memory_space<hbm>>
    %dma_start3A_542 = arith.constant 0 : i32
    %dma_start3A_543 = arith.constant 0 : i32
    %dma_start3A_544 = tpu.memref_slice %arg13[%dma_start3A_534, %dma_start3A_542, %dma_start3A_543] : memref<4x8x128xf32, #tpu.memory_space<vmem>> -> memref<1x8x128xf32, #tpu.memory_space<vmem>>
    %dma_start3A_545 = tpu.memref_squeeze %dma_start3A_544 : memref<1x8x128xf32, #tpu.memory_space<vmem>> -> memref<8x128xf32, #tpu.memory_space<vmem>>
    %dma_start3A_546 = arith.constant 0 : i32
    %dma_start3A_547 = tpu.memref_slice %arg3[%dma_start3A_533, %dma_start3A_546, %multiple_of3A_516] : memref<4x8x1000000xf32, #tpu.memory_space<hbm>> -> memref<1x8x128xf32, #tpu.memory_space<hbm>>
    %dma_start3A_548 = tpu.memref_squeeze %dma_start3A_547 : memref<1x8x128xf32, #tpu.memory_space<hbm>> -> memref<8x128xf32, #tpu.memory_space<hbm>>
    tpu.enqueue_dma source(%dma_start3A_548 : memref<8x128xf32, #tpu.memory_space<hbm>>) target(%dma_start3A_545 : memref<8x128xf32, #tpu.memory_space<vmem>>) target_semaphore(%arg22 : memref<!tpu.dma_semaphore, #tpu.memory_space<semaphore_mem>>)
    %dma_start3A_549 = arith.constant 2 : i32
    %dma_start3A_550 = arith.constant 2 : i32
    %dma_start3A_551 = arith.constant 0 : i32
    %dma_start3A_552 = arith.constant 0 : i32
    %dma_start3A_553 = tpu.memref_slice %arg13[%dma_start3A_550, %dma_start3A_551, %dma_start3A_552] : memref<4x8x128xf32, #tpu.memory_space<vmem>> -> memref<1x8x128xf32, #tpu.memory_space<vmem>>
    %dma_start3A_554 = tpu.memref_squeeze %dma_start3A_553 : memref<1x8x128xf32, #tpu.memory_space<vmem>> -> memref<8x128xf32, #tpu.memory_space<vmem>>
    %dma_start3A_555 = arith.constant 0 : i32
    %dma_start3A_556 = tpu.memref_slice %arg3[%dma_start3A_549, %dma_start3A_555, %multiple_of3A_516] : memref<4x8x1000000xf32, #tpu.memory_space<hbm>> -> memref<1x8x128xf32, #tpu.memory_space<hbm>>
    %dma_start3A_557 = tpu.memref_squeeze %dma_start3A_556 : memref<1x8x128xf32, #tpu.memory_space<hbm>> -> memref<8x128xf32, #tpu.memory_space<hbm>>
    %dma_start3A_558 = arith.constant 0 : i32
    %dma_start3A_559 = arith.constant 0 : i32
    %dma_start3A_560 = tpu.memref_slice %arg13[%dma_start3A_550, %dma_start3A_558, %dma_start3A_559] : memref<4x8x128xf32, #tpu.memory_space<vmem>> -> memref<1x8x128xf32, #tpu.memory_space<vmem>>
    %dma_start3A_561 = tpu.memref_squeeze %dma_start3A_560 : memref<1x8x128xf32, #tpu.memory_space<vmem>> -> memref<8x128xf32, #tpu.memory_space<vmem>>
    %dma_start3A_562 = arith.constant 0 : i32
    %dma_start3A_563 = tpu.memref_slice %arg3[%dma_start3A_549, %dma_start3A_562, %multiple_of3A_516] : memref<4x8x1000000xf32, #tpu.memory_space<hbm>> -> memref<1x8x128xf32, #tpu.memory_space<hbm>>
    %dma_start3A_564 = tpu.memref_squeeze %dma_start3A_563 : memref<1x8x128xf32, #tpu.memory_space<hbm>> -> memref<8x128xf32, #tpu.memory_space<hbm>>
    tpu.enqueue_dma source(%dma_start3A_564 : memref<8x128xf32, #tpu.memory_space<hbm>>) target(%dma_start3A_561 : memref<8x128xf32, #tpu.memory_space<vmem>>) target_semaphore(%arg22 : memref<!tpu.dma_semaphore, #tpu.memory_space<semaphore_mem>>)
    %dma_start3A_565 = arith.constant 3 : i32
    %dma_start3A_566 = arith.constant 3 : i32
    %dma_start3A_567 = arith.constant 0 : i32
    %dma_start3A_568 = arith.constant 0 : i32
    %dma_start3A_569 = tpu.memref_slice %arg13[%dma_start3A_566, %dma_start3A_567, %dma_start3A_568] : memref<4x8x128xf32, #tpu.memory_space<vmem>> -> memref<1x8x128xf32, #tpu.memory_space<vmem>>
    %dma_start3A_570 = tpu.memref_squeeze %dma_start3A_569 : memref<1x8x128xf32, #tpu.memory_space<vmem>> -> memref<8x128xf32, #tpu.memory_space<vmem>>
    %dma_start3A_571 = arith.constant 0 : i32
    %dma_start3A_572 = tpu.memref_slice %arg3[%dma_start3A_565, %dma_start3A_571, %multiple_of3A_516] : memref<4x8x1000000xf32, #tpu.memory_space<hbm>> -> memref<1x8x128xf32, #tpu.memory_space<hbm>>
    %dma_start3A_573 = tpu.memref_squeeze %dma_start3A_572 : memref<1x8x128xf32, #tpu.memory_space<hbm>> -> memref<8x128xf32, #tpu.memory_space<hbm>>
    %dma_start3A_574 = arith.constant 0 : i32
    %dma_start3A_575 = arith.constant 0 : i32
    %dma_start3A_576 = tpu.memref_slice %arg13[%dma_start3A_566, %dma_start3A_574, %dma_start3A_575] : memref<4x8x128xf32, #tpu.memory_space<vmem>> -> memref<1x8x128xf32, #tpu.memory_space<vmem>>
    %dma_start3A_577 = tpu.memref_squeeze %dma_start3A_576 : memref<1x8x128xf32, #tpu.memory_space<vmem>> -> memref<8x128xf32, #tpu.memory_space<vmem>>
    %dma_start3A_578 = arith.constant 0 : i32
    %dma_start3A_579 = tpu.memref_slice %arg3[%dma_start3A_565, %dma_start3A_578, %multiple_of3A_516] : memref<4x8x1000000xf32, #tpu.memory_space<hbm>> -> memref<1x8x128xf32, #tpu.memory_space<hbm>>
    %dma_start3A_580 = tpu.memref_squeeze %dma_start3A_579 : memref<1x8x128xf32, #tpu.memory_space<hbm>> -> memref<8x128xf32, #tpu.memory_space<hbm>>
    tpu.enqueue_dma source(%dma_start3A_580 : memref<8x128xf32, #tpu.memory_space<hbm>>) target(%dma_start3A_577 : memref<8x128xf32, #tpu.memory_space<vmem>>) target_semaphore(%arg22 : memref<!tpu.dma_semaphore, #tpu.memory_space<semaphore_mem>>)
    %get3A_581 = arith.constant 0 : index
    %get3A_582 = tpu.vector_load %arg5[%get3A_581] {strides = array<i32>} : memref<512xi32, #tpu.memory_space<vmem>>, vector<16xi32>,
    %eq3A_583 = arith.constant 7 : i32
    %eq3A_584 = vector.broadcast %eq3A_583 : i32 to vector<16xi32>
    %eq3A_585 = arith.cmpi eq, %iota3A, %eq3A_584 : vector<16xi32>
    %jit3A_586 = arith.constant 0 : i32
    %broadcast_in_dim3A_587 = vector.broadcast %jit3A_586 : i32 to vector<16xi32>
    %select_n3A_588 = arith.select %eq3A_585, %get3A_582, %broadcast_in_dim3A_587 : vector<16xi1>, vector<16xi32>
    %reduce_sum3A_589 = arith.constant true
    %reduce_sum3A_590 = vector.broadcast %reduce_sum3A_589 : i1 to vector<16xi1>
    %reduce_sum3A_591 = tpu.scan <sum>, %select_n3A_588 masked %reduce_sum3A_590 : vector<16xi32>, vector<16xi1> -> vector<16xi32>
    %reduce_sum3A_592 = vector.extract %reduce_sum3A_591[15] : i32 from vector<16xi32>
    %shift_right_arithmetic3A_593 = arith.constant 7 : i32
    %shift_right_arithmetic3A_594 = arith.shrsi %reduce_sum3A_592, %shift_right_arithmetic3A_593 : i32
    %shift_left3A_595 = arith.constant 7 : i32
    %shift_left3A_596 = arith.shli %shift_right_arithmetic3A_594, %shift_left3A_595 : i32
    %min3A_597 = arith.constant 999808 : i32
    %min3A_598 = arith.minsi %shift_left3A_596, %min3A_597 : i32
    %multiple_of3A_599 = tpu.assume_multiple %min3A_598, 128 : i32
    %dma_start3A_600 = arith.constant 0 : i32
    %dma_start3A_601 = arith.constant 0 : i32
    %dma_start3A_602 = arith.constant 0 : i32
    %dma_start3A_603 = arith.constant 0 : i32
    %dma_start3A_604 = tpu.memref_slice %arg14[%dma_start3A_601, %dma_start3A_602, %dma_start3A_603] : memref<4x8x128xf32, #tpu.memory_space<vmem>> -> memref<1x8x128xf32, #tpu.memory_space<vmem>>
    %dma_start3A_605 = tpu.memref_squeeze %dma_start3A_604 : memref<1x8x128xf32, #tpu.memory_space<vmem>> -> memref<8x128xf32, #tpu.memory_space<vmem>>
    %dma_start3A_606 = arith.constant 0 : i32
    %dma_start3A_607 = tpu.memref_slice %arg3[%dma_start3A_600, %dma_start3A_606, %multiple_of3A_599] : memref<4x8x1000000xf32, #tpu.memory_space<hbm>> -> memref<1x8x128xf32, #tpu.memory_space<hbm>>
    %dma_start3A_608 = tpu.memref_squeeze %dma_start3A_607 : memref<1x8x128xf32, #tpu.memory_space<hbm>> -> memref<8x128xf32, #tpu.memory_space<hbm>>
    %dma_start3A_609 = arith.constant 0 : i32
    %dma_start3A_610 = arith.constant 0 : i32
    %dma_start3A_611 = tpu.memref_slice %arg14[%dma_start3A_601, %dma_start3A_609, %dma_start3A_610] : memref<4x8x128xf32, #tpu.memory_space<vmem>> -> memref<1x8x128xf32, #tpu.memory_space<vmem>>
    %dma_start3A_612 = tpu.memref_squeeze %dma_start3A_611 : memref<1x8x128xf32, #tpu.memory_space<vmem>> -> memref<8x128xf32, #tpu.memory_space<vmem>>
    %dma_start3A_613 = arith.constant 0 : i32
    %dma_start3A_614 = tpu.memref_slice %arg3[%dma_start3A_600, %dma_start3A_613, %multiple_of3A_599] : memref<4x8x1000000xf32, #tpu.memory_space<hbm>> -> memref<1x8x128xf32, #tpu.memory_space<hbm>>
    %dma_start3A_615 = tpu.memref_squeeze %dma_start3A_614 : memref<1x8x128xf32, #tpu.memory_space<hbm>> -> memref<8x128xf32, #tpu.memory_space<hbm>>
    tpu.enqueue_dma source(%dma_start3A_615 : memref<8x128xf32, #tpu.memory_space<hbm>>) target(%dma_start3A_612 : memref<8x128xf32, #tpu.memory_space<vmem>>) target_semaphore(%arg23 : memref<!tpu.dma_semaphore, #tpu.memory_space<semaphore_mem>>)
    %dma_start3A_616 = arith.constant 1 : i32
    %dma_start3A_617 = arith.constant 1 : i32
    %dma_start3A_618 = arith.constant 0 : i32
    %dma_start3A_619 = arith.constant 0 : i32
    %dma_start3A_620 = tpu.memref_slice %arg14[%dma_start3A_617, %dma_start3A_618, %dma_start3A_619] : memref<4x8x128xf32, #tpu.memory_space<vmem>> -> memref<1x8x128xf32, #tpu.memory_space<vmem>>
    %dma_start3A_621 = tpu.memref_squeeze %dma_start3A_620 : memref<1x8x128xf32, #tpu.memory_space<vmem>> -> memref<8x128xf32, #tpu.memory_space<vmem>>
    %dma_start3A_622 = arith.constant 0 : i32
    %dma_start3A_623 = tpu.memref_slice %arg3[%dma_start3A_616, %dma_start3A_622, %multiple_of3A_599] : memref<4x8x1000000xf32, #tpu.memory_space<hbm>> -> memref<1x8x128xf32, #tpu.memory_space<hbm>>
    %dma_start3A_624 = tpu.memref_squeeze %dma_start3A_623 : memref<1x8x128xf32, #tpu.memory_space<hbm>> -> memref<8x128xf32, #tpu.memory_space<hbm>>
    %dma_start3A_625 = arith.constant 0 : i32
    %dma_start3A_626 = arith.constant 0 : i32
    %dma_start3A_627 = tpu.memref_slice %arg14[%dma_start3A_617, %dma_start3A_625, %dma_start3A_626] : memref<4x8x128xf32, #tpu.memory_space<vmem>> -> memref<1x8x128xf32, #tpu.memory_space<vmem>>
    %dma_start3A_628 = tpu.memref_squeeze %dma_start3A_627 : memref<1x8x128xf32, #tpu.memory_space<vmem>> -> memref<8x128xf32, #tpu.memory_space<vmem>>
    %dma_start3A_629 = arith.constant 0 : i32
    %dma_start3A_630 = tpu.memref_slice %arg3[%dma_start3A_616, %dma_start3A_629, %multiple_of3A_599] : memref<4x8x1000000xf32, #tpu.memory_space<hbm>> -> memref<1x8x128xf32, #tpu.memory_space<hbm>>
    %dma_start3A_631 = tpu.memref_squeeze %dma_start3A_630 : memref<1x8x128xf32, #tpu.memory_space<hbm>> -> memref<8x128xf32, #tpu.memory_space<hbm>>
    tpu.enqueue_dma source(%dma_start3A_631 : memref<8x128xf32, #tpu.memory_space<hbm>>) target(%dma_start3A_628 : memref<8x128xf32, #tpu.memory_space<vmem>>) target_semaphore(%arg23 : memref<!tpu.dma_semaphore, #tpu.memory_space<semaphore_mem>>)
    %dma_start3A_632 = arith.constant 2 : i32
    %dma_start3A_633 = arith.constant 2 : i32
    %dma_start3A_634 = arith.constant 0 : i32
    %dma_start3A_635 = arith.constant 0 : i32
    %dma_start3A_636 = tpu.memref_slice %arg14[%dma_start3A_633, %dma_start3A_634, %dma_start3A_635] : memref<4x8x128xf32, #tpu.memory_space<vmem>> -> memref<1x8x128xf32, #tpu.memory_space<vmem>>
    %dma_start3A_637 = tpu.memref_squeeze %dma_start3A_636 : memref<1x8x128xf32, #tpu.memory_space<vmem>> -> memref<8x128xf32, #tpu.memory_space<vmem>>
    %dma_start3A_638 = arith.constant 0 : i32
    %dma_start3A_639 = tpu.memref_slice %arg3[%dma_start3A_632, %dma_start3A_638, %multiple_of3A_599] : memref<4x8x1000000xf32, #tpu.memory_space<hbm>> -> memref<1x8x128xf32, #tpu.memory_space<hbm>>
    %dma_start3A_640 = tpu.memref_squeeze %dma_start3A_639 : memref<1x8x128xf32, #tpu.memory_space<hbm>> -> memref<8x128xf32, #tpu.memory_space<hbm>>
    %dma_start3A_641 = arith.constant 0 : i32
    %dma_start3A_642 = arith.constant 0 : i32
    %dma_start3A_643 = tpu.memref_slice %arg14[%dma_start3A_633, %dma_start3A_641, %dma_start3A_642] : memref<4x8x128xf32, #tpu.memory_space<vmem>> -> memref<1x8x128xf32, #tpu.memory_space<vmem>>
    %dma_start3A_644 = tpu.memref_squeeze %dma_start3A_643 : memref<1x8x128xf32, #tpu.memory_space<vmem>> -> memref<8x128xf32, #tpu.memory_space<vmem>>
    %dma_start3A_645 = arith.constant 0 : i32
    %dma_start3A_646 = tpu.memref_slice %arg3[%dma_start3A_632, %dma_start3A_645, %multiple_of3A_599] : memref<4x8x1000000xf32, #tpu.memory_space<hbm>> -> memref<1x8x128xf32, #tpu.memory_space<hbm>>
    %dma_start3A_647 = tpu.memref_squeeze %dma_start3A_646 : memref<1x8x128xf32, #tpu.memory_space<hbm>> -> memref<8x128xf32, #tpu.memory_space<hbm>>
    tpu.enqueue_dma source(%dma_start3A_647 : memref<8x128xf32, #tpu.memory_space<hbm>>) target(%dma_start3A_644 : memref<8x128xf32, #tpu.memory_space<vmem>>) target_semaphore(%arg23 : memref<!tpu.dma_semaphore, #tpu.memory_space<semaphore_mem>>)
    %dma_start3A_648 = arith.constant 3 : i32
    %dma_start3A_649 = arith.constant 3 : i32
    %dma_start3A_650 = arith.constant 0 : i32
    %dma_start3A_651 = arith.constant 0 : i32
    %dma_start3A_652 = tpu.memref_slice %arg14[%dma_start3A_649, %dma_start3A_650, %dma_start3A_651] : memref<4x8x128xf32, #tpu.memory_space<vmem>> -> memref<1x8x128xf32, #tpu.memory_space<vmem>>
    %dma_start3A_653 = tpu.memref_squeeze %dma_start3A_652 : memref<1x8x128xf32, #tpu.memory_space<vmem>> -> memref<8x128xf32, #tpu.memory_space<vmem>>
    %dma_start3A_654 = arith.constant 0 : i32
    %dma_start3A_655 = tpu.memref_slice %arg3[%dma_start3A_648, %dma_start3A_654, %multiple_of3A_599] : memref<4x8x1000000xf32, #tpu.memory_space<hbm>> -> memref<1x8x128xf32, #tpu.memory_space<hbm>>
    %dma_start3A_656 = tpu.memref_squeeze %dma_start3A_655 : memref<1x8x128xf32, #tpu.memory_space<hbm>> -> memref<8x128xf32, #tpu.memory_space<hbm>>
    %dma_start3A_657 = arith.constant 0 : i32
    %dma_start3A_658 = arith.constant 0 : i32
    %dma_start3A_659 = tpu.memref_slice %arg14[%dma_start3A_649, %dma_start3A_657, %dma_start3A_658] : memref<4x8x128xf32, #tpu.memory_space<vmem>> -> memref<1x8x128xf32, #tpu.memory_space<vmem>>
    %dma_start3A_660 = tpu.memref_squeeze %dma_start3A_659 : memref<1x8x128xf32, #tpu.memory_space<vmem>> -> memref<8x128xf32, #tpu.memory_space<vmem>>
    %dma_start3A_661 = arith.constant 0 : i32
    %dma_start3A_662 = tpu.memref_slice %arg3[%dma_start3A_648, %dma_start3A_661, %multiple_of3A_599] : memref<4x8x1000000xf32, #tpu.memory_space<hbm>> -> memref<1x8x128xf32, #tpu.memory_space<hbm>>
    %dma_start3A_663 = tpu.memref_squeeze %dma_start3A_662 : memref<1x8x128xf32, #tpu.memory_space<hbm>> -> memref<8x128xf32, #tpu.memory_space<hbm>>
    tpu.enqueue_dma source(%dma_start3A_663 : memref<8x128xf32, #tpu.memory_space<hbm>>) target(%dma_start3A_660 : memref<8x128xf32, #tpu.memory_space<vmem>>) target_semaphore(%arg23 : memref<!tpu.dma_semaphore, #tpu.memory_space<semaphore_mem>>)
    %scan3A = arith.constant 0 : i32
    %scan3A_664 = arith.constant 63 : i32
    %scan3A_665 = arith.addi %scan3A, %scan3A_664 : i32
    %scan3A_666 = arith.constant 1 : i32
    scf.for %scan3A_919 = %scan3A to %scan3A_665 step %scan3A_666  : i32 {
      %mul3A_920 = arith.constant 8 : i32
      %mul3A_921 = arith.muli %scan3A_919, %mul3A_920 : i32
      %add3A_922 = arith.constant 0 : i32
      %add3A_923 = arith.addi %mul3A_921, %add3A_922 : i32
      %shift_right_arithmetic3A_924 = arith.constant 4 : i32
      %shift_right_arithmetic3A_925 = arith.shrsi %add3A_923, %shift_right_arithmetic3A_924 : i32
      %shift_left3A_926 = arith.constant 4 : i32
      %shift_left3A_927 = arith.shli %shift_right_arithmetic3A_925, %shift_left3A_926 : i32
      %get3A_928 = arith.index_cast %shift_left3A_927 : i32 to index
      %get3A_929 = tpu.vector_load %arg5[%get3A_928] {strides = array<i32>} : memref<512xi32, #tpu.memory_space<vmem>>, vector<16xi32>,
      %and3A_930 = arith.constant 15 : i32
      %and3A_931 = arith.andi %add3A_923, %and3A_930 : i32
      %eq3A_932 = vector.broadcast %and3A_931 : i32 to vector<16xi32>
      %eq3A_933 = arith.cmpi eq, %iota3A, %eq3A_932 : vector<16xi32>
      %jit3A_934 = arith.constant 0 : i32
      %broadcast_in_dim3A_935 = vector.broadcast %jit3A_934 : i32 to vector<16xi32>
      %select_n3A_936 = arith.select %eq3A_933, %get3A_929, %broadcast_in_dim3A_935 : vector<16xi1>, vector<16xi32>
      %reduce_sum3A_937 = arith.constant true
      %reduce_sum3A_938 = vector.broadcast %reduce_sum3A_937 : i1 to vector<16xi1>
      %reduce_sum3A_939 = tpu.scan <sum>, %select_n3A_936 masked %reduce_sum3A_938 : vector<16xi32>, vector<16xi1> -> vector<16xi32>
      %reduce_sum3A_940 = vector.extract %reduce_sum3A_939[15] : i32 from vector<16xi32>
      %dma_wait3A_941 = arith.constant 0 : i32
      %dma_wait3A_942 = arith.constant 0 : i32
      %dma_wait3A_943 = arith.constant 0 : i32
      %dma_wait3A_944 = tpu.memref_slice %arg3[%dma_wait3A_941, %dma_wait3A_942, %dma_wait3A_943] : memref<4x8x1000000xf32, #tpu.memory_space<hbm>> -> memref<4x8x128xf32, #tpu.memory_space<hbm>>
      %dma_wait3A_945 = arith.constant 0 : i32
      %dma_wait3A_946 = arith.constant 0 : i32
      %dma_wait3A_947 = arith.constant 0 : i32
      %dma_wait3A_948 = tpu.memref_slice %arg3[%dma_wait3A_945, %dma_wait3A_946, %dma_wait3A_947] : memref<4x8x1000000xf32, #tpu.memory_space<hbm>> -> memref<4x8x128xf32, #tpu.memory_space<hbm>>
      tpu.wait_dma2 semaphore(%arg16 : memref<!tpu.dma_semaphore, #tpu.memory_space<semaphore_mem>>) src(%dma_wait3A_948 : memref<4x8x128xf32, #tpu.memory_space<hbm>>) dst(%arg7 : memref<4x8x128xf32, #tpu.memory_space<vmem>>)
      %broadcast_in_dim3A_949 = vector.broadcast %add3A_923 : i32 to vector<16xi32>
      %lt3A_950 = arith.constant 999936 : i32
      %lt3A_951 = arith.cmpi slt, %reduce_sum3A_940, %lt3A_950 : i32
      %convert_element_type3A_952 = arith.extui %lt3A_951 : i1 to i32
      %cond3A_953 = arith.constant 0 : i32
      %cond3A_954 = arith.cmpi ne, %convert_element_type3A_952, %cond3A_953 : i32
      scf.if %cond3A_954 {
        %shift_right_arithmetic3A_1962 = arith.constant 7 : i32
        %shift_right_arithmetic3A_1963 = arith.shrsi %reduce_sum3A_940, %shift_right_arithmetic3A_1962 : i32
        %shift_left3A_1964 = arith.constant 7 : i32
        %shift_left3A_1965 = arith.shli %shift_right_arithmetic3A_1963, %shift_left3A_1964 : i32
        %min3A_1966 = arith.constant 999808 : i32
        %min3A_1967 = arith.minsi %shift_left3A_1965, %min3A_1966 : i32
        %multiple_of3A_1968 = tpu.assume_multiple %min3A_1967, 128 : i32
        %sub3A = arith.subi %reduce_sum3A_940, %multiple_of3A_1968 : i32
        %broadcast_in_dim3A_1969 = vector.broadcast %sub3A : i32 to vector<16xi32>
        %gather3A = tpu.vector_load_idx %arg7[%shift_right_arithmetic3A_4, %and3A_6, %broadcast_in_dim3A_1969] : memref<4x8x128xf32, #tpu.memory_space<vmem>>[vector<16xi32>, vector<16xi32>, vector<16xi32>], vector<16xf32>,
        tpu.vector_store_idx %arg15[%shift_right_arithmetic3A_4, %and3A_6, %broadcast_in_dim3A_949], %gather3A : memref<4x8x512xf32, #tpu.memory_space<vmem>>[vector<16xi32>, vector<16xi32>, vector<16xi32>], vector<16xf32>,
        %gather3A_1970 = tpu.vector_load_idx %arg7[%add3A_9, %and3A_6, %broadcast_in_dim3A_1969] : memref<4x8x128xf32, #tpu.memory_space<vmem>>[vector<16xi32>, vector<16xi32>, vector<16xi32>], vector<16xf32>,
        tpu.vector_store_idx %arg15[%add3A_9, %and3A_6, %broadcast_in_dim3A_949], %gather3A_1970 : memref<4x8x512xf32, #tpu.memory_space<vmem>>[vector<16xi32>, vector<16xi32>, vector<16xi32>], vector<16xf32>,
      } else {
      }
      %ge3A_955 = arith.constant 999936 : i32
      %ge3A_956 = arith.cmpi sge, %reduce_sum3A_940, %ge3A_955 : i32
      %convert_element_type3A_957 = arith.extui %ge3A_956 : i1 to i32
      %cond3A_958 = arith.constant 0 : i32
      %cond3A_959 = arith.cmpi ne, %convert_element_type3A_957, %cond3A_958 : i32
      scf.if %cond3A_959 {
        %sub3A = arith.constant 999936 : i32
        %sub3A_1962 = arith.subi %reduce_sum3A_940, %sub3A : i32
        %broadcast_in_dim3A_1963 = vector.broadcast %sub3A_1962 : i32 to vector<16xi32>
        %gather3A = tpu.vector_load_idx %arg6[%shift_right_arithmetic3A_4, %and3A_6, %broadcast_in_dim3A_1963] : memref<4x8x64xf32, #tpu.memory_space<vmem>>[vector<16xi32>, vector<16xi32>, vector<16xi32>], vector<16xf32>,
        tpu.vector_store_idx %arg15[%shift_right_arithmetic3A_4, %and3A_6, %broadcast_in_dim3A_949], %gather3A : memref<4x8x512xf32, #tpu.memory_space<vmem>>[vector<16xi32>, vector<16xi32>, vector<16xi32>], vector<16xf32>,
        %gather3A_1964 = tpu.vector_load_idx %arg6[%add3A_9, %and3A_6, %broadcast_in_dim3A_1963] : memref<4x8x64xf32, #tpu.memory_space<vmem>>[vector<16xi32>, vector<16xi32>, vector<16xi32>], vector<16xf32>,
        tpu.vector_store_idx %arg15[%add3A_9, %and3A_6, %broadcast_in_dim3A_949], %gather3A_1964 : memref<4x8x512xf32, #tpu.memory_space<vmem>>[vector<16xi32>, vector<16xi32>, vector<16xi32>], vector<16xf32>,
      } else {
      }
      %add3A_960 = arith.constant 0 : i32
      %add3A_961 = arith.addi %mul3A_921, %add3A_960 : i32
      %add3A_962 = arith.constant 8 : i32
      %add3A_963 = arith.addi %add3A_961, %add3A_962 : i32
      %shift_right_arithmetic3A_964 = arith.constant 4 : i32
      %shift_right_arithmetic3A_965 = arith.shrsi %add3A_963, %shift_right_arithmetic3A_964 : i32
      %shift_left3A_966 = arith.constant 4 : i32
      %shift_left3A_967 = arith.shli %shift_right_arithmetic3A_965, %shift_left3A_966 : i32
      %get3A_968 = arith.index_cast %shift_left3A_967 : i32 to index
      %get3A_969 = tpu.vector_load %arg5[%get3A_968] {strides = array<i32>} : memref<512xi32, #tpu.memory_space<vmem>>, vector<16xi32>,
      %and3A_970 = arith.constant 15 : i32
      %and3A_971 = arith.andi %add3A_963, %and3A_970 : i32
      %eq3A_972 = vector.broadcast %and3A_971 : i32 to vector<16xi32>
      %eq3A_973 = arith.cmpi eq, %iota3A, %eq3A_972 : vector<16xi32>
      %jit3A_974 = arith.constant 0 : i32
      %broadcast_in_dim3A_975 = vector.broadcast %jit3A_974 : i32 to vector<16xi32>
      %select_n3A_976 = arith.select %eq3A_973, %get3A_969, %broadcast_in_dim3A_975 : vector<16xi1>, vector<16xi32>
      %reduce_sum3A_977 = arith.constant true
      %reduce_sum3A_978 = vector.broadcast %reduce_sum3A_977 : i1 to vector<16xi1>
      %reduce_sum3A_979 = tpu.scan <sum>, %select_n3A_976 masked %reduce_sum3A_978 : vector<16xi32>, vector<16xi1> -> vector<16xi32>
      %reduce_sum3A_980 = vector.extract %reduce_sum3A_979[15] : i32 from vector<16xi32>
      %shift_right_arithmetic3A_981 = arith.constant 7 : i32
      %shift_right_arithmetic3A_982 = arith.shrsi %reduce_sum3A_980, %shift_right_arithmetic3A_981 : i32
      %shift_left3A_983 = arith.constant 7 : i32
      %shift_left3A_984 = arith.shli %shift_right_arithmetic3A_982, %shift_left3A_983 : i32
      %min3A_985 = arith.constant 999808 : i32
      %min3A_986 = arith.minsi %shift_left3A_984, %min3A_985 : i32
      %multiple_of3A_987 = tpu.assume_multiple %min3A_986, 128 : i32
      %dma_start3A_988 = arith.constant 0 : i32
      %dma_start3A_989 = arith.constant 0 : i32
      %dma_start3A_990 = arith.constant 0 : i32
      %dma_start3A_991 = arith.constant 0 : i32
      %dma_start3A_992 = tpu.memref_slice %arg7[%dma_start3A_989, %dma_start3A_990, %dma_start3A_991] : memref<4x8x128xf32, #tpu.memory_space<vmem>> -> memref<1x8x128xf32, #tpu.memory_space<vmem>>
      %dma_start3A_993 = tpu.memref_squeeze %dma_start3A_992 : memref<1x8x128xf32, #tpu.memory_space<vmem>> -> memref<8x128xf32, #tpu.memory_space<vmem>>
      %dma_start3A_994 = arith.constant 0 : i32
      %dma_start3A_995 = tpu.memref_slice %arg3[%dma_start3A_988, %dma_start3A_994, %multiple_of3A_987] : memref<4x8x1000000xf32, #tpu.memory_space<hbm>> -> memref<1x8x128xf32, #tpu.memory_space<hbm>>
      %dma_start3A_996 = tpu.memref_squeeze %dma_start3A_995 : memref<1x8x128xf32, #tpu.memory_space<hbm>> -> memref<8x128xf32, #tpu.memory_space<hbm>>
      %dma_start3A_997 = arith.constant 0 : i32
      %dma_start3A_998 = arith.constant 0 : i32
      %dma_start3A_999 = tpu.memref_slice %arg7[%dma_start3A_989, %dma_start3A_997, %dma_start3A_998] : memref<4x8x128xf32, #tpu.memory_space<vmem>> -> memref<1x8x128xf32, #tpu.memory_space<vmem>>
      %dma_start3A_1000 = tpu.memref_squeeze %dma_start3A_999 : memref<1x8x128xf32, #tpu.memory_space<vmem>> -> memref<8x128xf32, #tpu.memory_space<vmem>>
      %dma_start3A_1001 = arith.constant 0 : i32
      %dma_start3A_1002 = tpu.memref_slice %arg3[%dma_start3A_988, %dma_start3A_1001, %multiple_of3A_987] : memref<4x8x1000000xf32, #tpu.memory_space<hbm>> -> memref<1x8x128xf32, #tpu.memory_space<hbm>>
      %dma_start3A_1003 = tpu.memref_squeeze %dma_start3A_1002 : memref<1x8x128xf32, #tpu.memory_space<hbm>> -> memref<8x128xf32, #tpu.memory_space<hbm>>
      tpu.enqueue_dma source(%dma_start3A_1003 : memref<8x128xf32, #tpu.memory_space<hbm>>) target(%dma_start3A_1000 : memref<8x128xf32, #tpu.memory_space<vmem>>) target_semaphore(%arg16 : memref<!tpu.dma_semaphore, #tpu.memory_space<semaphore_mem>>)
      %dma_start3A_1004 = arith.constant 1 : i32
      %dma_start3A_1005 = arith.constant 1 : i32
      %dma_start3A_1006 = arith.constant 0 : i32
      %dma_start3A_1007 = arith.constant 0 : i32
      %dma_start3A_1008 = tpu.memref_slice %arg7[%dma_start3A_1005, %dma_start3A_1006, %dma_start3A_1007] : memref<4x8x128xf32, #tpu.memory_space<vmem>> -> memref<1x8x128xf32, #tpu.memory_space<vmem>>
      %dma_start3A_1009 = tpu.memref_squeeze %dma_start3A_1008 : memref<1x8x128xf32, #tpu.memory_space<vmem>> -> memref<8x128xf32, #tpu.memory_space<vmem>>
      %dma_start3A_1010 = arith.constant 0 : i32
      %dma_start3A_1011 = tpu.memref_slice %arg3[%dma_start3A_1004, %dma_start3A_1010, %multiple_of3A_987] : memref<4x8x1000000xf32, #tpu.memory_space<hbm>> -> memref<1x8x128xf32, #tpu.memory_space<hbm>>
      %dma_start3A_1012 = tpu.memref_squeeze %dma_start3A_1011 : memref<1x8x128xf32, #tpu.memory_space<hbm>> -> memref<8x128xf32, #tpu.memory_space<hbm>>
      %dma_start3A_1013 = arith.constant 0 : i32
      %dma_start3A_1014 = arith.constant 0 : i32
      %dma_start3A_1015 = tpu.memref_slice %arg7[%dma_start3A_1005, %dma_start3A_1013, %dma_start3A_1014] : memref<4x8x128xf32, #tpu.memory_space<vmem>> -> memref<1x8x128xf32, #tpu.memory_space<vmem>>
      %dma_start3A_1016 = tpu.memref_squeeze %dma_start3A_1015 : memref<1x8x128xf32, #tpu.memory_space<vmem>> -> memref<8x128xf32, #tpu.memory_space<vmem>>
      %dma_start3A_1017 = arith.constant 0 : i32
      %dma_start3A_1018 = tpu.memref_slice %arg3[%dma_start3A_1004, %dma_start3A_1017, %multiple_of3A_987] : memref<4x8x1000000xf32, #tpu.memory_space<hbm>> -> memref<1x8x128xf32, #tpu.memory_space<hbm>>
      %dma_start3A_1019 = tpu.memref_squeeze %dma_start3A_1018 : memref<1x8x128xf32, #tpu.memory_space<hbm>> -> memref<8x128xf32, #tpu.memory_space<hbm>>
      tpu.enqueue_dma source(%dma_start3A_1019 : memref<8x128xf32, #tpu.memory_space<hbm>>) target(%dma_start3A_1016 : memref<8x128xf32, #tpu.memory_space<vmem>>) target_semaphore(%arg16 : memref<!tpu.dma_semaphore, #tpu.memory_space<semaphore_mem>>)
      %dma_start3A_1020 = arith.constant 2 : i32
      %dma_start3A_1021 = arith.constant 2 : i32
      %dma_start3A_1022 = arith.constant 0 : i32
      %dma_start3A_1023 = arith.constant 0 : i32
      %dma_start3A_1024 = tpu.memref_slice %arg7[%dma_start3A_1021, %dma_start3A_1022, %dma_start3A_1023] : memref<4x8x128xf32, #tpu.memory_space<vmem>> -> memref<1x8x128xf32, #tpu.memory_space<vmem>>
      %dma_start3A_1025 = tpu.memref_squeeze %dma_start3A_1024 : memref<1x8x128xf32, #tpu.memory_space<vmem>> -> memref<8x128xf32, #tpu.memory_space<vmem>>
      %dma_start3A_1026 = arith.constant 0 : i32
      %dma_start3A_1027 = tpu.memref_slice %arg3[%dma_start3A_1020, %dma_start3A_1026, %multiple_of3A_987] : memref<4x8x1000000xf32, #tpu.memory_space<hbm>> -> memref<1x8x128xf32, #tpu.memory_space<hbm>>
      %dma_start3A_1028 = tpu.memref_squeeze %dma_start3A_1027 : memref<1x8x128xf32, #tpu.memory_space<hbm>> -> memref<8x128xf32, #tpu.memory_space<hbm>>
      %dma_start3A_1029 = arith.constant 0 : i32
      %dma_start3A_1030 = arith.constant 0 : i32
      %dma_start3A_1031 = tpu.memref_slice %arg7[%dma_start3A_1021, %dma_start3A_1029, %dma_start3A_1030] : memref<4x8x128xf32, #tpu.memory_space<vmem>> -> memref<1x8x128xf32, #tpu.memory_space<vmem>>
      %dma_start3A_1032 = tpu.memref_squeeze %dma_start3A_1031 : memref<1x8x128xf32, #tpu.memory_space<vmem>> -> memref<8x128xf32, #tpu.memory_space<vmem>>
      %dma_start3A_1033 = arith.constant 0 : i32
      %dma_start3A_1034 = tpu.memref_slice %arg3[%dma_start3A_1020, %dma_start3A_1033, %multiple_of3A_987] : memref<4x8x1000000xf32, #tpu.memory_space<hbm>> -> memref<1x8x128xf32, #tpu.memory_space<hbm>>
      %dma_start3A_1035 = tpu.memref_squeeze %dma_start3A_1034 : memref<1x8x128xf32, #tpu.memory_space<hbm>> -> memref<8x128xf32, #tpu.memory_space<hbm>>
      tpu.enqueue_dma source(%dma_start3A_1035 : memref<8x128xf32, #tpu.memory_space<hbm>>) target(%dma_start3A_1032 : memref<8x128xf32, #tpu.memory_space<vmem>>) target_semaphore(%arg16 : memref<!tpu.dma_semaphore, #tpu.memory_space<semaphore_mem>>)
      %dma_start3A_1036 = arith.constant 3 : i32
      %dma_start3A_1037 = arith.constant 3 : i32
      %dma_start3A_1038 = arith.constant 0 : i32
      %dma_start3A_1039 = arith.constant 0 : i32
      %dma_start3A_1040 = tpu.memref_slice %arg7[%dma_start3A_1037, %dma_start3A_1038, %dma_start3A_1039] : memref<4x8x128xf32, #tpu.memory_space<vmem>> -> memref<1x8x128xf32, #tpu.memory_space<vmem>>
      %dma_start3A_1041 = tpu.memref_squeeze %dma_start3A_1040 : memref<1x8x128xf32, #tpu.memory_space<vmem>> -> memref<8x128xf32, #tpu.memory_space<vmem>>
      %dma_start3A_1042 = arith.constant 0 : i32
      %dma_start3A_1043 = tpu.memref_slice %arg3[%dma_start3A_1036, %dma_start3A_1042, %multiple_of3A_987] : memref<4x8x1000000xf32, #tpu.memory_space<hbm>> -> memref<1x8x128xf32, #tpu.memory_space<hbm>>
      %dma_start3A_1044 = tpu.memref_squeeze %dma_start3A_1043 : memref<1x8x128xf32, #tpu.memory_space<hbm>> -> memref<8x128xf32, #tpu.memory_space<hbm>>
      %dma_start3A_1045 = arith.constant 0 : i32
      %dma_start3A_1046 = arith.constant 0 : i32
      %dma_start3A_1047 = tpu.memref_slice %arg7[%dma_start3A_1037, %dma_start3A_1045, %dma_start3A_1046] : memref<4x8x128xf32, #tpu.memory_space<vmem>> -> memref<1x8x128xf32, #tpu.memory_space<vmem>>
      %dma_start3A_1048 = tpu.memref_squeeze %dma_start3A_1047 : memref<1x8x128xf32, #tpu.memory_space<vmem>> -> memref<8x128xf32, #tpu.memory_space<vmem>>
      %dma_start3A_1049 = arith.constant 0 : i32
      %dma_start3A_1050 = tpu.memref_slice %arg3[%dma_start3A_1036, %dma_start3A_1049, %multiple_of3A_987] : memref<4x8x1000000xf32, #tpu.memory_space<hbm>> -> memref<1x8x128xf32, #tpu.memory_space<hbm>>
      %dma_start3A_1051 = tpu.memref_squeeze %dma_start3A_1050 : memref<1x8x128xf32, #tpu.memory_space<hbm>> -> memref<8x128xf32, #tpu.memory_space<hbm>>
      tpu.enqueue_dma source(%dma_start3A_1051 : memref<8x128xf32, #tpu.memory_space<hbm>>) target(%dma_start3A_1048 : memref<8x128xf32, #tpu.memory_space<vmem>>) target_semaphore(%arg16 : memref<!tpu.dma_semaphore, #tpu.memory_space<semaphore_mem>>)
      %add3A_1052 = arith.constant 1 : i32
      %add3A_1053 = arith.addi %mul3A_921, %add3A_1052 : i32
      %shift_right_arithmetic3A_1054 = arith.constant 4 : i32
      %shift_right_arithmetic3A_1055 = arith.shrsi %add3A_1053, %shift_right_arithmetic3A_1054 : i32
      %shift_left3A_1056 = arith.constant 4 : i32
      %shift_left3A_1057 = arith.shli %shift_right_arithmetic3A_1055, %shift_left3A_1056 : i32
      %get3A_1058 = arith.index_cast %shift_left3A_1057 : i32 to index
      %get3A_1059 = tpu.vector_load %arg5[%get3A_1058] {strides = array<i32>} : memref<512xi32, #tpu.memory_space<vmem>>, vector<16xi32>,
      %and3A_1060 = arith.constant 15 : i32
      %and3A_1061 = arith.andi %add3A_1053, %and3A_1060 : i32
      %eq3A_1062 = vector.broadcast %and3A_1061 : i32 to vector<16xi32>
      %eq3A_1063 = arith.cmpi eq, %iota3A, %eq3A_1062 : vector<16xi32>
      %jit3A_1064 = arith.constant 0 : i32
      %broadcast_in_dim3A_1065 = vector.broadcast %jit3A_1064 : i32 to vector<16xi32>
      %select_n3A_1066 = arith.select %eq3A_1063, %get3A_1059, %broadcast_in_dim3A_1065 : vector<16xi1>, vector<16xi32>
      %reduce_sum3A_1067 = arith.constant true
      %reduce_sum3A_1068 = vector.broadcast %reduce_sum3A_1067 : i1 to vector<16xi1>
      %reduce_sum3A_1069 = tpu.scan <sum>, %select_n3A_1066 masked %reduce_sum3A_1068 : vector<16xi32>, vector<16xi1> -> vector<16xi32>
      %reduce_sum3A_1070 = vector.extract %reduce_sum3A_1069[15] : i32 from vector<16xi32>
      %dma_wait3A_1071 = arith.constant 0 : i32
      %dma_wait3A_1072 = arith.constant 0 : i32
      %dma_wait3A_1073 = arith.constant 0 : i32
      %dma_wait3A_1074 = tpu.memref_slice %arg3[%dma_wait3A_1071, %dma_wait3A_1072, %dma_wait3A_1073] : memref<4x8x1000000xf32, #tpu.memory_space<hbm>> -> memref<4x8x128xf32, #tpu.memory_space<hbm>>
      %dma_wait3A_1075 = arith.constant 0 : i32
      %dma_wait3A_1076 = arith.constant 0 : i32
      %dma_wait3A_1077 = arith.constant 0 : i32
      %dma_wait3A_1078 = tpu.memref_slice %arg3[%dma_wait3A_1075, %dma_wait3A_1076, %dma_wait3A_1077] : memref<4x8x1000000xf32, #tpu.memory_space<hbm>> -> memref<4x8x128xf32, #tpu.memory_space<hbm>>
      tpu.wait_dma2 semaphore(%arg17 : memref<!tpu.dma_semaphore, #tpu.memory_space<semaphore_mem>>) src(%dma_wait3A_1078 : memref<4x8x128xf32, #tpu.memory_space<hbm>>) dst(%arg8 : memref<4x8x128xf32, #tpu.memory_space<vmem>>)
      %broadcast_in_dim3A_1079 = vector.broadcast %add3A_1053 : i32 to vector<16xi32>
      %lt3A_1080 = arith.constant 999936 : i32
      %lt3A_1081 = arith.cmpi slt, %reduce_sum3A_1070, %lt3A_1080 : i32
      %convert_element_type3A_1082 = arith.extui %lt3A_1081 : i1 to i32
      %cond3A_1083 = arith.constant 0 : i32
      %cond3A_1084 = arith.cmpi ne, %convert_element_type3A_1082, %cond3A_1083 : i32
      scf.if %cond3A_1084 {
        %shift_right_arithmetic3A_1962 = arith.constant 7 : i32
        %shift_right_arithmetic3A_1963 = arith.shrsi %reduce_sum3A_1070, %shift_right_arithmetic3A_1962 : i32
        %shift_left3A_1964 = arith.constant 7 : i32
        %shift_left3A_1965 = arith.shli %shift_right_arithmetic3A_1963, %shift_left3A_1964 : i32
        %min3A_1966 = arith.constant 999808 : i32
        %min3A_1967 = arith.minsi %shift_left3A_1965, %min3A_1966 : i32
        %multiple_of3A_1968 = tpu.assume_multiple %min3A_1967, 128 : i32
        %sub3A = arith.subi %reduce_sum3A_1070, %multiple_of3A_1968 : i32
        %broadcast_in_dim3A_1969 = vector.broadcast %sub3A : i32 to vector<16xi32>
        %gather3A = tpu.vector_load_idx %arg8[%shift_right_arithmetic3A_4, %and3A_6, %broadcast_in_dim3A_1969] : memref<4x8x128xf32, #tpu.memory_space<vmem>>[vector<16xi32>, vector<16xi32>, vector<16xi32>], vector<16xf32>,
        tpu.vector_store_idx %arg15[%shift_right_arithmetic3A_4, %and3A_6, %broadcast_in_dim3A_1079], %gather3A : memref<4x8x512xf32, #tpu.memory_space<vmem>>[vector<16xi32>, vector<16xi32>, vector<16xi32>], vector<16xf32>,
        %gather3A_1970 = tpu.vector_load_idx %arg8[%add3A_9, %and3A_6, %broadcast_in_dim3A_1969] : memref<4x8x128xf32, #tpu.memory_space<vmem>>[vector<16xi32>, vector<16xi32>, vector<16xi32>], vector<16xf32>,
        tpu.vector_store_idx %arg15[%add3A_9, %and3A_6, %broadcast_in_dim3A_1079], %gather3A_1970 : memref<4x8x512xf32, #tpu.memory_space<vmem>>[vector<16xi32>, vector<16xi32>, vector<16xi32>], vector<16xf32>,
      } else {
      }
      %ge3A_1085 = arith.constant 999936 : i32
      %ge3A_1086 = arith.cmpi sge, %reduce_sum3A_1070, %ge3A_1085 : i32
      %convert_element_type3A_1087 = arith.extui %ge3A_1086 : i1 to i32
      %cond3A_1088 = arith.constant 0 : i32
      %cond3A_1089 = arith.cmpi ne, %convert_element_type3A_1087, %cond3A_1088 : i32
      scf.if %cond3A_1089 {
        %sub3A = arith.constant 999936 : i32
        %sub3A_1962 = arith.subi %reduce_sum3A_1070, %sub3A : i32
        %broadcast_in_dim3A_1963 = vector.broadcast %sub3A_1962 : i32 to vector<16xi32>
        %gather3A = tpu.vector_load_idx %arg6[%shift_right_arithmetic3A_4, %and3A_6, %broadcast_in_dim3A_1963] : memref<4x8x64xf32, #tpu.memory_space<vmem>>[vector<16xi32>, vector<16xi32>, vector<16xi32>], vector<16xf32>,
        tpu.vector_store_idx %arg15[%shift_right_arithmetic3A_4, %and3A_6, %broadcast_in_dim3A_1079], %gather3A : memref<4x8x512xf32, #tpu.memory_space<vmem>>[vector<16xi32>, vector<16xi32>, vector<16xi32>], vector<16xf32>,
        %gather3A_1964 = tpu.vector_load_idx %arg6[%add3A_9, %and3A_6, %broadcast_in_dim3A_1963] : memref<4x8x64xf32, #tpu.memory_space<vmem>>[vector<16xi32>, vector<16xi32>, vector<16xi32>], vector<16xf32>,
        tpu.vector_store_idx %arg15[%add3A_9, %and3A_6, %broadcast_in_dim3A_1079], %gather3A_1964 : memref<4x8x512xf32, #tpu.memory_space<vmem>>[vector<16xi32>, vector<16xi32>, vector<16xi32>], vector<16xf32>,
      } else {
      }
      %add3A_1090 = arith.constant 1 : i32
      %add3A_1091 = arith.addi %mul3A_921, %add3A_1090 : i32
      %add3A_1092 = arith.constant 8 : i32
      %add3A_1093 = arith.addi %add3A_1091, %add3A_1092 : i32
      %shift_right_arithmetic3A_1094 = arith.constant 4 : i32
      %shift_right_arithmetic3A_1095 = arith.shrsi %add3A_1093, %shift_right_arithmetic3A_1094 : i32
      %shift_left3A_1096 = arith.constant 4 : i32
      %shift_left3A_1097 = arith.shli %shift_right_arithmetic3A_1095, %shift_left3A_1096 : i32
      %get3A_1098 = arith.index_cast %shift_left3A_1097 : i32 to index
      %get3A_1099 = tpu.vector_load %arg5[%get3A_1098] {strides = array<i32>} : memref<512xi32, #tpu.memory_space<vmem>>, vector<16xi32>,
      %and3A_1100 = arith.constant 15 : i32
      %and3A_1101 = arith.andi %add3A_1093, %and3A_1100 : i32
      %eq3A_1102 = vector.broadcast %and3A_1101 : i32 to vector<16xi32>
      %eq3A_1103 = arith.cmpi eq, %iota3A, %eq3A_1102 : vector<16xi32>
      %jit3A_1104 = arith.constant 0 : i32
      %broadcast_in_dim3A_1105 = vector.broadcast %jit3A_1104 : i32 to vector<16xi32>
      %select_n3A_1106 = arith.select %eq3A_1103, %get3A_1099, %broadcast_in_dim3A_1105 : vector<16xi1>, vector<16xi32>
      %reduce_sum3A_1107 = arith.constant true
      %reduce_sum3A_1108 = vector.broadcast %reduce_sum3A_1107 : i1 to vector<16xi1>
      %reduce_sum3A_1109 = tpu.scan <sum>, %select_n3A_1106 masked %reduce_sum3A_1108 : vector<16xi32>, vector<16xi1> -> vector<16xi32>
      %reduce_sum3A_1110 = vector.extract %reduce_sum3A_1109[15] : i32 from vector<16xi32>
      %shift_right_arithmetic3A_1111 = arith.constant 7 : i32
      %shift_right_arithmetic3A_1112 = arith.shrsi %reduce_sum3A_1110, %shift_right_arithmetic3A_1111 : i32
      %shift_left3A_1113 = arith.constant 7 : i32
      %shift_left3A_1114 = arith.shli %shift_right_arithmetic3A_1112, %shift_left3A_1113 : i32
      %min3A_1115 = arith.constant 999808 : i32
      %min3A_1116 = arith.minsi %shift_left3A_1114, %min3A_1115 : i32
      %multiple_of3A_1117 = tpu.assume_multiple %min3A_1116, 128 : i32
      %dma_start3A_1118 = arith.constant 0 : i32
      %dma_start3A_1119 = arith.constant 0 : i32
      %dma_start3A_1120 = arith.constant 0 : i32
      %dma_start3A_1121 = arith.constant 0 : i32
      %dma_start3A_1122 = tpu.memref_slice %arg8[%dma_start3A_1119, %dma_start3A_1120, %dma_start3A_1121] : memref<4x8x128xf32, #tpu.memory_space<vmem>> -> memref<1x8x128xf32, #tpu.memory_space<vmem>>
      %dma_start3A_1123 = tpu.memref_squeeze %dma_start3A_1122 : memref<1x8x128xf32, #tpu.memory_space<vmem>> -> memref<8x128xf32, #tpu.memory_space<vmem>>
      %dma_start3A_1124 = arith.constant 0 : i32
      %dma_start3A_1125 = tpu.memref_slice %arg3[%dma_start3A_1118, %dma_start3A_1124, %multiple_of3A_1117] : memref<4x8x1000000xf32, #tpu.memory_space<hbm>> -> memref<1x8x128xf32, #tpu.memory_space<hbm>>
      %dma_start3A_1126 = tpu.memref_squeeze %dma_start3A_1125 : memref<1x8x128xf32, #tpu.memory_space<hbm>> -> memref<8x128xf32, #tpu.memory_space<hbm>>
      %dma_start3A_1127 = arith.constant 0 : i32
      %dma_start3A_1128 = arith.constant 0 : i32
      %dma_start3A_1129 = tpu.memref_slice %arg8[%dma_start3A_1119, %dma_start3A_1127, %dma_start3A_1128] : memref<4x8x128xf32, #tpu.memory_space<vmem>> -> memref<1x8x128xf32, #tpu.memory_space<vmem>>
      %dma_start3A_1130 = tpu.memref_squeeze %dma_start3A_1129 : memref<1x8x128xf32, #tpu.memory_space<vmem>> -> memref<8x128xf32, #tpu.memory_space<vmem>>
      %dma_start3A_1131 = arith.constant 0 : i32
      %dma_start3A_1132 = tpu.memref_slice %arg3[%dma_start3A_1118, %dma_start3A_1131, %multiple_of3A_1117] : memref<4x8x1000000xf32, #tpu.memory_space<hbm>> -> memref<1x8x128xf32, #tpu.memory_space<hbm>>
      %dma_start3A_1133 = tpu.memref_squeeze %dma_start3A_1132 : memref<1x8x128xf32, #tpu.memory_space<hbm>> -> memref<8x128xf32, #tpu.memory_space<hbm>>
      tpu.enqueue_dma source(%dma_start3A_1133 : memref<8x128xf32, #tpu.memory_space<hbm>>) target(%dma_start3A_1130 : memref<8x128xf32, #tpu.memory_space<vmem>>) target_semaphore(%arg17 : memref<!tpu.dma_semaphore, #tpu.memory_space<semaphore_mem>>)
      %dma_start3A_1134 = arith.constant 1 : i32
      %dma_start3A_1135 = arith.constant 1 : i32
      %dma_start3A_1136 = arith.constant 0 : i32
      %dma_start3A_1137 = arith.constant 0 : i32
      %dma_start3A_1138 = tpu.memref_slice %arg8[%dma_start3A_1135, %dma_start3A_1136, %dma_start3A_1137] : memref<4x8x128xf32, #tpu.memory_space<vmem>> -> memref<1x8x128xf32, #tpu.memory_space<vmem>>
      %dma_start3A_1139 = tpu.memref_squeeze %dma_start3A_1138 : memref<1x8x128xf32, #tpu.memory_space<vmem>> -> memref<8x128xf32, #tpu.memory_space<vmem>>
      %dma_start3A_1140 = arith.constant 0 : i32
      %dma_start3A_1141 = tpu.memref_slice %arg3[%dma_start3A_1134, %dma_start3A_1140, %multiple_of3A_1117] : memref<4x8x1000000xf32, #tpu.memory_space<hbm>> -> memref<1x8x128xf32, #tpu.memory_space<hbm>>
      %dma_start3A_1142 = tpu.memref_squeeze %dma_start3A_1141 : memref<1x8x128xf32, #tpu.memory_space<hbm>> -> memref<8x128xf32, #tpu.memory_space<hbm>>
      %dma_start3A_1143 = arith.constant 0 : i32
      %dma_start3A_1144 = arith.constant 0 : i32
      %dma_start3A_1145 = tpu.memref_slice %arg8[%dma_start3A_1135, %dma_start3A_1143, %dma_start3A_1144] : memref<4x8x128xf32, #tpu.memory_space<vmem>> -> memref<1x8x128xf32, #tpu.memory_space<vmem>>
      %dma_start3A_1146 = tpu.memref_squeeze %dma_start3A_1145 : memref<1x8x128xf32, #tpu.memory_space<vmem>> -> memref<8x128xf32, #tpu.memory_space<vmem>>
      %dma_start3A_1147 = arith.constant 0 : i32
      %dma_start3A_1148 = tpu.memref_slice %arg3[%dma_start3A_1134, %dma_start3A_1147, %multiple_of3A_1117] : memref<4x8x1000000xf32, #tpu.memory_space<hbm>> -> memref<1x8x128xf32, #tpu.memory_space<hbm>>
      %dma_start3A_1149 = tpu.memref_squeeze %dma_start3A_1148 : memref<1x8x128xf32, #tpu.memory_space<hbm>> -> memref<8x128xf32, #tpu.memory_space<hbm>>
      tpu.enqueue_dma source(%dma_start3A_1149 : memref<8x128xf32, #tpu.memory_space<hbm>>) target(%dma_start3A_1146 : memref<8x128xf32, #tpu.memory_space<vmem>>) target_semaphore(%arg17 : memref<!tpu.dma_semaphore, #tpu.memory_space<semaphore_mem>>)
      %dma_start3A_1150 = arith.constant 2 : i32
      %dma_start3A_1151 = arith.constant 2 : i32
      %dma_start3A_1152 = arith.constant 0 : i32
      %dma_start3A_1153 = arith.constant 0 : i32
      %dma_start3A_1154 = tpu.memref_slice %arg8[%dma_start3A_1151, %dma_start3A_1152, %dma_start3A_1153] : memref<4x8x128xf32, #tpu.memory_space<vmem>> -> memref<1x8x128xf32, #tpu.memory_space<vmem>>
      %dma_start3A_1155 = tpu.memref_squeeze %dma_start3A_1154 : memref<1x8x128xf32, #tpu.memory_space<vmem>> -> memref<8x128xf32, #tpu.memory_space<vmem>>
      %dma_start3A_1156 = arith.constant 0 : i32
      %dma_start3A_1157 = tpu.memref_slice %arg3[%dma_start3A_1150, %dma_start3A_1156, %multiple_of3A_1117] : memref<4x8x1000000xf32, #tpu.memory_space<hbm>> -> memref<1x8x128xf32, #tpu.memory_space<hbm>>
      %dma_start3A_1158 = tpu.memref_squeeze %dma_start3A_1157 : memref<1x8x128xf32, #tpu.memory_space<hbm>> -> memref<8x128xf32, #tpu.memory_space<hbm>>
      %dma_start3A_1159 = arith.constant 0 : i32
      %dma_start3A_1160 = arith.constant 0 : i32
      %dma_start3A_1161 = tpu.memref_slice %arg8[%dma_start3A_1151, %dma_start3A_1159, %dma_start3A_1160] : memref<4x8x128xf32, #tpu.memory_space<vmem>> -> memref<1x8x128xf32, #tpu.memory_space<vmem>>
      %dma_start3A_1162 = tpu.memref_squeeze %dma_start3A_1161 : memref<1x8x128xf32, #tpu.memory_space<vmem>> -> memref<8x128xf32, #tpu.memory_space<vmem>>
      %dma_start3A_1163 = arith.constant 0 : i32
      %dma_start3A_1164 = tpu.memref_slice %arg3[%dma_start3A_1150, %dma_start3A_1163, %multiple_of3A_1117] : memref<4x8x1000000xf32, #tpu.memory_space<hbm>> -> memref<1x8x128xf32, #tpu.memory_space<hbm>>
      %dma_start3A_1165 = tpu.memref_squeeze %dma_start3A_1164 : memref<1x8x128xf32, #tpu.memory_space<hbm>> -> memref<8x128xf32, #tpu.memory_space<hbm>>
      tpu.enqueue_dma source(%dma_start3A_1165 : memref<8x128xf32, #tpu.memory_space<hbm>>) target(%dma_start3A_1162 : memref<8x128xf32, #tpu.memory_space<vmem>>) target_semaphore(%arg17 : memref<!tpu.dma_semaphore, #tpu.memory_space<semaphore_mem>>)
      %dma_start3A_1166 = arith.constant 3 : i32
      %dma_start3A_1167 = arith.constant 3 : i32
      %dma_start3A_1168 = arith.constant 0 : i32
      %dma_start3A_1169 = arith.constant 0 : i32
      %dma_start3A_1170 = tpu.memref_slice %arg8[%dma_start3A_1167, %dma_start3A_1168, %dma_start3A_1169] : memref<4x8x128xf32, #tpu.memory_space<vmem>> -> memref<1x8x128xf32, #tpu.memory_space<vmem>>
      %dma_start3A_1171 = tpu.memref_squeeze %dma_start3A_1170 : memref<1x8x128xf32, #tpu.memory_space<vmem>> -> memref<8x128xf32, #tpu.memory_space<vmem>>
      %dma_start3A_1172 = arith.constant 0 : i32
      %dma_start3A_1173 = tpu.memref_slice %arg3[%dma_start3A_1166, %dma_start3A_1172, %multiple_of3A_1117] : memref<4x8x1000000xf32, #tpu.memory_space<hbm>> -> memref<1x8x128xf32, #tpu.memory_space<hbm>>
      %dma_start3A_1174 = tpu.memref_squeeze %dma_start3A_1173 : memref<1x8x128xf32, #tpu.memory_space<hbm>> -> memref<8x128xf32, #tpu.memory_space<hbm>>
      %dma_start3A_1175 = arith.constant 0 : i32
      %dma_start3A_1176 = arith.constant 0 : i32
      %dma_start3A_1177 = tpu.memref_slice %arg8[%dma_start3A_1167, %dma_start3A_1175, %dma_start3A_1176] : memref<4x8x128xf32, #tpu.memory_space<vmem>> -> memref<1x8x128xf32, #tpu.memory_space<vmem>>
      %dma_start3A_1178 = tpu.memref_squeeze %dma_start3A_1177 : memref<1x8x128xf32, #tpu.memory_space<vmem>> -> memref<8x128xf32, #tpu.memory_space<vmem>>
      %dma_start3A_1179 = arith.constant 0 : i32
      %dma_start3A_1180 = tpu.memref_slice %arg3[%dma_start3A_1166, %dma_start3A_1179, %multiple_of3A_1117] : memref<4x8x1000000xf32, #tpu.memory_space<hbm>> -> memref<1x8x128xf32, #tpu.memory_space<hbm>>
      %dma_start3A_1181 = tpu.memref_squeeze %dma_start3A_1180 : memref<1x8x128xf32, #tpu.memory_space<hbm>> -> memref<8x128xf32, #tpu.memory_space<hbm>>
      tpu.enqueue_dma source(%dma_start3A_1181 : memref<8x128xf32, #tpu.memory_space<hbm>>) target(%dma_start3A_1178 : memref<8x128xf32, #tpu.memory_space<vmem>>) target_semaphore(%arg17 : memref<!tpu.dma_semaphore, #tpu.memory_space<semaphore_mem>>)
      %add3A_1182 = arith.constant 2 : i32
      %add3A_1183 = arith.addi %mul3A_921, %add3A_1182 : i32
      %shift_right_arithmetic3A_1184 = arith.constant 4 : i32
      %shift_right_arithmetic3A_1185 = arith.shrsi %add3A_1183, %shift_right_arithmetic3A_1184 : i32
      %shift_left3A_1186 = arith.constant 4 : i32
      %shift_left3A_1187 = arith.shli %shift_right_arithmetic3A_1185, %shift_left3A_1186 : i32
      %get3A_1188 = arith.index_cast %shift_left3A_1187 : i32 to index
      %get3A_1189 = tpu.vector_load %arg5[%get3A_1188] {strides = array<i32>} : memref<512xi32, #tpu.memory_space<vmem>>, vector<16xi32>,
      %and3A_1190 = arith.constant 15 : i32
      %and3A_1191 = arith.andi %add3A_1183, %and3A_1190 : i32
      %eq3A_1192 = vector.broadcast %and3A_1191 : i32 to vector<16xi32>
      %eq3A_1193 = arith.cmpi eq, %iota3A, %eq3A_1192 : vector<16xi32>
      %jit3A_1194 = arith.constant 0 : i32
      %broadcast_in_dim3A_1195 = vector.broadcast %jit3A_1194 : i32 to vector<16xi32>
      %select_n3A_1196 = arith.select %eq3A_1193, %get3A_1189, %broadcast_in_dim3A_1195 : vector<16xi1>, vector<16xi32>
      %reduce_sum3A_1197 = arith.constant true
      %reduce_sum3A_1198 = vector.broadcast %reduce_sum3A_1197 : i1 to vector<16xi1>
      %reduce_sum3A_1199 = tpu.scan <sum>, %select_n3A_1196 masked %reduce_sum3A_1198 : vector<16xi32>, vector<16xi1> -> vector<16xi32>
      %reduce_sum3A_1200 = vector.extract %reduce_sum3A_1199[15] : i32 from vector<16xi32>
      %dma_wait3A_1201 = arith.constant 0 : i32
      %dma_wait3A_1202 = arith.constant 0 : i32
      %dma_wait3A_1203 = arith.constant 0 : i32
      %dma_wait3A_1204 = tpu.memref_slice %arg3[%dma_wait3A_1201, %dma_wait3A_1202, %dma_wait3A_1203] : memref<4x8x1000000xf32, #tpu.memory_space<hbm>> -> memref<4x8x128xf32, #tpu.memory_space<hbm>>
      %dma_wait3A_1205 = arith.constant 0 : i32
      %dma_wait3A_1206 = arith.constant 0 : i32
      %dma_wait3A_1207 = arith.constant 0 : i32
      %dma_wait3A_1208 = tpu.memref_slice %arg3[%dma_wait3A_1205, %dma_wait3A_1206, %dma_wait3A_1207] : memref<4x8x1000000xf32, #tpu.memory_space<hbm>> -> memref<4x8x128xf32, #tpu.memory_space<hbm>>
      tpu.wait_dma2 semaphore(%arg18 : memref<!tpu.dma_semaphore, #tpu.memory_space<semaphore_mem>>) src(%dma_wait3A_1208 : memref<4x8x128xf32, #tpu.memory_space<hbm>>) dst(%arg9 : memref<4x8x128xf32, #tpu.memory_space<vmem>>)
      %broadcast_in_dim3A_1209 = vector.broadcast %add3A_1183 : i32 to vector<16xi32>
      %lt3A_1210 = arith.constant 999936 : i32
      %lt3A_1211 = arith.cmpi slt, %reduce_sum3A_1200, %lt3A_1210 : i32
      %convert_element_type3A_1212 = arith.extui %lt3A_1211 : i1 to i32
      %cond3A_1213 = arith.constant 0 : i32
      %cond3A_1214 = arith.cmpi ne, %convert_element_type3A_1212, %cond3A_1213 : i32
      scf.if %cond3A_1214 {
        %shift_right_arithmetic3A_1962 = arith.constant 7 : i32
        %shift_right_arithmetic3A_1963 = arith.shrsi %reduce_sum3A_1200, %shift_right_arithmetic3A_1962 : i32
        %shift_left3A_1964 = arith.constant 7 : i32
        %shift_left3A_1965 = arith.shli %shift_right_arithmetic3A_1963, %shift_left3A_1964 : i32
        %min3A_1966 = arith.constant 999808 : i32
        %min3A_1967 = arith.minsi %shift_left3A_1965, %min3A_1966 : i32
        %multiple_of3A_1968 = tpu.assume_multiple %min3A_1967, 128 : i32
        %sub3A = arith.subi %reduce_sum3A_1200, %multiple_of3A_1968 : i32
        %broadcast_in_dim3A_1969 = vector.broadcast %sub3A : i32 to vector<16xi32>
        %gather3A = tpu.vector_load_idx %arg9[%shift_right_arithmetic3A_4, %and3A_6, %broadcast_in_dim3A_1969] : memref<4x8x128xf32, #tpu.memory_space<vmem>>[vector<16xi32>, vector<16xi32>, vector<16xi32>], vector<16xf32>,
        tpu.vector_store_idx %arg15[%shift_right_arithmetic3A_4, %and3A_6, %broadcast_in_dim3A_1209], %gather3A : memref<4x8x512xf32, #tpu.memory_space<vmem>>[vector<16xi32>, vector<16xi32>, vector<16xi32>], vector<16xf32>,
        %gather3A_1970 = tpu.vector_load_idx %arg9[%add3A_9, %and3A_6, %broadcast_in_dim3A_1969] : memref<4x8x128xf32, #tpu.memory_space<vmem>>[vector<16xi32>, vector<16xi32>, vector<16xi32>], vector<16xf32>,
        tpu.vector_store_idx %arg15[%add3A_9, %and3A_6, %broadcast_in_dim3A_1209], %gather3A_1970 : memref<4x8x512xf32, #tpu.memory_space<vmem>>[vector<16xi32>, vector<16xi32>, vector<16xi32>], vector<16xf32>,
      } else {
      }
      %ge3A_1215 = arith.constant 999936 : i32
      %ge3A_1216 = arith.cmpi sge, %reduce_sum3A_1200, %ge3A_1215 : i32
      %convert_element_type3A_1217 = arith.extui %ge3A_1216 : i1 to i32
      %cond3A_1218 = arith.constant 0 : i32
      %cond3A_1219 = arith.cmpi ne, %convert_element_type3A_1217, %cond3A_1218 : i32
      scf.if %cond3A_1219 {
        %sub3A = arith.constant 999936 : i32
        %sub3A_1962 = arith.subi %reduce_sum3A_1200, %sub3A : i32
        %broadcast_in_dim3A_1963 = vector.broadcast %sub3A_1962 : i32 to vector<16xi32>
        %gather3A = tpu.vector_load_idx %arg6[%shift_right_arithmetic3A_4, %and3A_6, %broadcast_in_dim3A_1963] : memref<4x8x64xf32, #tpu.memory_space<vmem>>[vector<16xi32>, vector<16xi32>, vector<16xi32>], vector<16xf32>,
        tpu.vector_store_idx %arg15[%shift_right_arithmetic3A_4, %and3A_6, %broadcast_in_dim3A_1209], %gather3A : memref<4x8x512xf32, #tpu.memory_space<vmem>>[vector<16xi32>, vector<16xi32>, vector<16xi32>], vector<16xf32>,
        %gather3A_1964 = tpu.vector_load_idx %arg6[%add3A_9, %and3A_6, %broadcast_in_dim3A_1963] : memref<4x8x64xf32, #tpu.memory_space<vmem>>[vector<16xi32>, vector<16xi32>, vector<16xi32>], vector<16xf32>,
        tpu.vector_store_idx %arg15[%add3A_9, %and3A_6, %broadcast_in_dim3A_1209], %gather3A_1964 : memref<4x8x512xf32, #tpu.memory_space<vmem>>[vector<16xi32>, vector<16xi32>, vector<16xi32>], vector<16xf32>,
      } else {
      }
      %add3A_1220 = arith.constant 2 : i32
      %add3A_1221 = arith.addi %mul3A_921, %add3A_1220 : i32
      %add3A_1222 = arith.constant 8 : i32
      %add3A_1223 = arith.addi %add3A_1221, %add3A_1222 : i32
      %shift_right_arithmetic3A_1224 = arith.constant 4 : i32
      %shift_right_arithmetic3A_1225 = arith.shrsi %add3A_1223, %shift_right_arithmetic3A_1224 : i32
      %shift_left3A_1226 = arith.constant 4 : i32
      %shift_left3A_1227 = arith.shli %shift_right_arithmetic3A_1225, %shift_left3A_1226 : i32
      %get3A_1228 = arith.index_cast %shift_left3A_1227 : i32 to index
      %get3A_1229 = tpu.vector_load %arg5[%get3A_1228] {strides = array<i32>} : memref<512xi32, #tpu.memory_space<vmem>>, vector<16xi32>,
      %and3A_1230 = arith.constant 15 : i32
      %and3A_1231 = arith.andi %add3A_1223, %and3A_1230 : i32
      %eq3A_1232 = vector.broadcast %and3A_1231 : i32 to vector<16xi32>
      %eq3A_1233 = arith.cmpi eq, %iota3A, %eq3A_1232 : vector<16xi32>
      %jit3A_1234 = arith.constant 0 : i32
      %broadcast_in_dim3A_1235 = vector.broadcast %jit3A_1234 : i32 to vector<16xi32>
      %select_n3A_1236 = arith.select %eq3A_1233, %get3A_1229, %broadcast_in_dim3A_1235 : vector<16xi1>, vector<16xi32>
      %reduce_sum3A_1237 = arith.constant true
      %reduce_sum3A_1238 = vector.broadcast %reduce_sum3A_1237 : i1 to vector<16xi1>
      %reduce_sum3A_1239 = tpu.scan <sum>, %select_n3A_1236 masked %reduce_sum3A_1238 : vector<16xi32>, vector<16xi1> -> vector<16xi32>
      %reduce_sum3A_1240 = vector.extract %reduce_sum3A_1239[15] : i32 from vector<16xi32>
      %shift_right_arithmetic3A_1241 = arith.constant 7 : i32
      %shift_right_arithmetic3A_1242 = arith.shrsi %reduce_sum3A_1240, %shift_right_arithmetic3A_1241 : i32
      %shift_left3A_1243 = arith.constant 7 : i32
      %shift_left3A_1244 = arith.shli %shift_right_arithmetic3A_1242, %shift_left3A_1243 : i32
      %min3A_1245 = arith.constant 999808 : i32
      %min3A_1246 = arith.minsi %shift_left3A_1244, %min3A_1245 : i32
      %multiple_of3A_1247 = tpu.assume_multiple %min3A_1246, 128 : i32
      %dma_start3A_1248 = arith.constant 0 : i32
      %dma_start3A_1249 = arith.constant 0 : i32
      %dma_start3A_1250 = arith.constant 0 : i32
      %dma_start3A_1251 = arith.constant 0 : i32
      %dma_start3A_1252 = tpu.memref_slice %arg9[%dma_start3A_1249, %dma_start3A_1250, %dma_start3A_1251] : memref<4x8x128xf32, #tpu.memory_space<vmem>> -> memref<1x8x128xf32, #tpu.memory_space<vmem>>
      %dma_start3A_1253 = tpu.memref_squeeze %dma_start3A_1252 : memref<1x8x128xf32, #tpu.memory_space<vmem>> -> memref<8x128xf32, #tpu.memory_space<vmem>>
      %dma_start3A_1254 = arith.constant 0 : i32
      %dma_start3A_1255 = tpu.memref_slice %arg3[%dma_start3A_1248, %dma_start3A_1254, %multiple_of3A_1247] : memref<4x8x1000000xf32, #tpu.memory_space<hbm>> -> memref<1x8x128xf32, #tpu.memory_space<hbm>>
      %dma_start3A_1256 = tpu.memref_squeeze %dma_start3A_1255 : memref<1x8x128xf32, #tpu.memory_space<hbm>> -> memref<8x128xf32, #tpu.memory_space<hbm>>
      %dma_start3A_1257 = arith.constant 0 : i32
      %dma_start3A_1258 = arith.constant 0 : i32
      %dma_start3A_1259 = tpu.memref_slice %arg9[%dma_start3A_1249, %dma_start3A_1257, %dma_start3A_1258] : memref<4x8x128xf32, #tpu.memory_space<vmem>> -> memref<1x8x128xf32, #tpu.memory_space<vmem>>
      %dma_start3A_1260 = tpu.memref_squeeze %dma_start3A_1259 : memref<1x8x128xf32, #tpu.memory_space<vmem>> -> memref<8x128xf32, #tpu.memory_space<vmem>>
      %dma_start3A_1261 = arith.constant 0 : i32
      %dma_start3A_1262 = tpu.memref_slice %arg3[%dma_start3A_1248, %dma_start3A_1261, %multiple_of3A_1247] : memref<4x8x1000000xf32, #tpu.memory_space<hbm>> -> memref<1x8x128xf32, #tpu.memory_space<hbm>>
      %dma_start3A_1263 = tpu.memref_squeeze %dma_start3A_1262 : memref<1x8x128xf32, #tpu.memory_space<hbm>> -> memref<8x128xf32, #tpu.memory_space<hbm>>
      tpu.enqueue_dma source(%dma_start3A_1263 : memref<8x128xf32, #tpu.memory_space<hbm>>) target(%dma_start3A_1260 : memref<8x128xf32, #tpu.memory_space<vmem>>) target_semaphore(%arg18 : memref<!tpu.dma_semaphore, #tpu.memory_space<semaphore_mem>>)
      %dma_start3A_1264 = arith.constant 1 : i32
      %dma_start3A_1265 = arith.constant 1 : i32
      %dma_start3A_1266 = arith.constant 0 : i32
      %dma_start3A_1267 = arith.constant 0 : i32
      %dma_start3A_1268 = tpu.memref_slice %arg9[%dma_start3A_1265, %dma_start3A_1266, %dma_start3A_1267] : memref<4x8x128xf32, #tpu.memory_space<vmem>> -> memref<1x8x128xf32, #tpu.memory_space<vmem>>
      %dma_start3A_1269 = tpu.memref_squeeze %dma_start3A_1268 : memref<1x8x128xf32, #tpu.memory_space<vmem>> -> memref<8x128xf32, #tpu.memory_space<vmem>>
      %dma_start3A_1270 = arith.constant 0 : i32
      %dma_start3A_1271 = tpu.memref_slice %arg3[%dma_start3A_1264, %dma_start3A_1270, %multiple_of3A_1247] : memref<4x8x1000000xf32, #tpu.memory_space<hbm>> -> memref<1x8x128xf32, #tpu.memory_space<hbm>>
      %dma_start3A_1272 = tpu.memref_squeeze %dma_start3A_1271 : memref<1x8x128xf32, #tpu.memory_space<hbm>> -> memref<8x128xf32, #tpu.memory_space<hbm>>
      %dma_start3A_1273 = arith.constant 0 : i32
      %dma_start3A_1274 = arith.constant 0 : i32
      %dma_start3A_1275 = tpu.memref_slice %arg9[%dma_start3A_1265, %dma_start3A_1273, %dma_start3A_1274] : memref<4x8x128xf32, #tpu.memory_space<vmem>> -> memref<1x8x128xf32, #tpu.memory_space<vmem>>
      %dma_start3A_1276 = tpu.memref_squeeze %dma_start3A_1275 : memref<1x8x128xf32, #tpu.memory_space<vmem>> -> memref<8x128xf32, #tpu.memory_space<vmem>>
      %dma_start3A_1277 = arith.constant 0 : i32
      %dma_start3A_1278 = tpu.memref_slice %arg3[%dma_start3A_1264, %dma_start3A_1277, %multiple_of3A_1247] : memref<4x8x1000000xf32, #tpu.memory_space<hbm>> -> memref<1x8x128xf32, #tpu.memory_space<hbm>>
      %dma_start3A_1279 = tpu.memref_squeeze %dma_start3A_1278 : memref<1x8x128xf32, #tpu.memory_space<hbm>> -> memref<8x128xf32, #tpu.memory_space<hbm>>
      tpu.enqueue_dma source(%dma_start3A_1279 : memref<8x128xf32, #tpu.memory_space<hbm>>) target(%dma_start3A_1276 : memref<8x128xf32, #tpu.memory_space<vmem>>) target_semaphore(%arg18 : memref<!tpu.dma_semaphore, #tpu.memory_space<semaphore_mem>>)
      %dma_start3A_1280 = arith.constant 2 : i32
      %dma_start3A_1281 = arith.constant 2 : i32
      %dma_start3A_1282 = arith.constant 0 : i32
      %dma_start3A_1283 = arith.constant 0 : i32
      %dma_start3A_1284 = tpu.memref_slice %arg9[%dma_start3A_1281, %dma_start3A_1282, %dma_start3A_1283] : memref<4x8x128xf32, #tpu.memory_space<vmem>> -> memref<1x8x128xf32, #tpu.memory_space<vmem>>
      %dma_start3A_1285 = tpu.memref_squeeze %dma_start3A_1284 : memref<1x8x128xf32, #tpu.memory_space<vmem>> -> memref<8x128xf32, #tpu.memory_space<vmem>>
      %dma_start3A_1286 = arith.constant 0 : i32
      %dma_start3A_1287 = tpu.memref_slice %arg3[%dma_start3A_1280, %dma_start3A_1286, %multiple_of3A_1247] : memref<4x8x1000000xf32, #tpu.memory_space<hbm>> -> memref<1x8x128xf32, #tpu.memory_space<hbm>>
      %dma_start3A_1288 = tpu.memref_squeeze %dma_start3A_1287 : memref<1x8x128xf32, #tpu.memory_space<hbm>> -> memref<8x128xf32, #tpu.memory_space<hbm>>
      %dma_start3A_1289 = arith.constant 0 : i32
      %dma_start3A_1290 = arith.constant 0 : i32
      %dma_start3A_1291 = tpu.memref_slice %arg9[%dma_start3A_1281, %dma_start3A_1289, %dma_start3A_1290] : memref<4x8x128xf32, #tpu.memory_space<vmem>> -> memref<1x8x128xf32, #tpu.memory_space<vmem>>
      %dma_start3A_1292 = tpu.memref_squeeze %dma_start3A_1291 : memref<1x8x128xf32, #tpu.memory_space<vmem>> -> memref<8x128xf32, #tpu.memory_space<vmem>>
      %dma_start3A_1293 = arith.constant 0 : i32
      %dma_start3A_1294 = tpu.memref_slice %arg3[%dma_start3A_1280, %dma_start3A_1293, %multiple_of3A_1247] : memref<4x8x1000000xf32, #tpu.memory_space<hbm>> -> memref<1x8x128xf32, #tpu.memory_space<hbm>>
      %dma_start3A_1295 = tpu.memref_squeeze %dma_start3A_1294 : memref<1x8x128xf32, #tpu.memory_space<hbm>> -> memref<8x128xf32, #tpu.memory_space<hbm>>
      tpu.enqueue_dma source(%dma_start3A_1295 : memref<8x128xf32, #tpu.memory_space<hbm>>) target(%dma_start3A_1292 : memref<8x128xf32, #tpu.memory_space<vmem>>) target_semaphore(%arg18 : memref<!tpu.dma_semaphore, #tpu.memory_space<semaphore_mem>>)
      %dma_start3A_1296 = arith.constant 3 : i32
      %dma_start3A_1297 = arith.constant 3 : i32
      %dma_start3A_1298 = arith.constant 0 : i32
      %dma_start3A_1299 = arith.constant 0 : i32
      %dma_start3A_1300 = tpu.memref_slice %arg9[%dma_start3A_1297, %dma_start3A_1298, %dma_start3A_1299] : memref<4x8x128xf32, #tpu.memory_space<vmem>> -> memref<1x8x128xf32, #tpu.memory_space<vmem>>
      %dma_start3A_1301 = tpu.memref_squeeze %dma_start3A_1300 : memref<1x8x128xf32, #tpu.memory_space<vmem>> -> memref<8x128xf32, #tpu.memory_space<vmem>>
      %dma_start3A_1302 = arith.constant 0 : i32
      %dma_start3A_1303 = tpu.memref_slice %arg3[%dma_start3A_1296, %dma_start3A_1302, %multiple_of3A_1247] : memref<4x8x1000000xf32, #tpu.memory_space<hbm>> -> memref<1x8x128xf32, #tpu.memory_space<hbm>>
      %dma_start3A_1304 = tpu.memref_squeeze %dma_start3A_1303 : memref<1x8x128xf32, #tpu.memory_space<hbm>> -> memref<8x128xf32, #tpu.memory_space<hbm>>
      %dma_start3A_1305 = arith.constant 0 : i32
      %dma_start3A_1306 = arith.constant 0 : i32
      %dma_start3A_1307 = tpu.memref_slice %arg9[%dma_start3A_1297, %dma_start3A_1305, %dma_start3A_1306] : memref<4x8x128xf32, #tpu.memory_space<vmem>> -> memref<1x8x128xf32, #tpu.memory_space<vmem>>
      %dma_start3A_1308 = tpu.memref_squeeze %dma_start3A_1307 : memref<1x8x128xf32, #tpu.memory_space<vmem>> -> memref<8x128xf32, #tpu.memory_space<vmem>>
      %dma_start3A_1309 = arith.constant 0 : i32
      %dma_start3A_1310 = tpu.memref_slice %arg3[%dma_start3A_1296, %dma_start3A_1309, %multiple_of3A_1247] : memref<4x8x1000000xf32, #tpu.memory_space<hbm>> -> memref<1x8x128xf32, #tpu.memory_space<hbm>>
      %dma_start3A_1311 = tpu.memref_squeeze %dma_start3A_1310 : memref<1x8x128xf32, #tpu.memory_space<hbm>> -> memref<8x128xf32, #tpu.memory_space<hbm>>
      tpu.enqueue_dma source(%dma_start3A_1311 : memref<8x128xf32, #tpu.memory_space<hbm>>) target(%dma_start3A_1308 : memref<8x128xf32, #tpu.memory_space<vmem>>) target_semaphore(%arg18 : memref<!tpu.dma_semaphore, #tpu.memory_space<semaphore_mem>>)
      %add3A_1312 = arith.constant 3 : i32
      %add3A_1313 = arith.addi %mul3A_921, %add3A_1312 : i32
      %shift_right_arithmetic3A_1314 = arith.constant 4 : i32
      %shift_right_arithmetic3A_1315 = arith.shrsi %add3A_1313, %shift_right_arithmetic3A_1314 : i32
      %shift_left3A_1316 = arith.constant 4 : i32
      %shift_left3A_1317 = arith.shli %shift_right_arithmetic3A_1315, %shift_left3A_1316 : i32
      %get3A_1318 = arith.index_cast %shift_left3A_1317 : i32 to index
      %get3A_1319 = tpu.vector_load %arg5[%get3A_1318] {strides = array<i32>} : memref<512xi32, #tpu.memory_space<vmem>>, vector<16xi32>,
      %and3A_1320 = arith.constant 15 : i32
      %and3A_1321 = arith.andi %add3A_1313, %and3A_1320 : i32
      %eq3A_1322 = vector.broadcast %and3A_1321 : i32 to vector<16xi32>
      %eq3A_1323 = arith.cmpi eq, %iota3A, %eq3A_1322 : vector<16xi32>
      %jit3A_1324 = arith.constant 0 : i32
      %broadcast_in_dim3A_1325 = vector.broadcast %jit3A_1324 : i32 to vector<16xi32>
      %select_n3A_1326 = arith.select %eq3A_1323, %get3A_1319, %broadcast_in_dim3A_1325 : vector<16xi1>, vector<16xi32>
      %reduce_sum3A_1327 = arith.constant true
      %reduce_sum3A_1328 = vector.broadcast %reduce_sum3A_1327 : i1 to vector<16xi1>
      %reduce_sum3A_1329 = tpu.scan <sum>, %select_n3A_1326 masked %reduce_sum3A_1328 : vector<16xi32>, vector<16xi1> -> vector<16xi32>
      %reduce_sum3A_1330 = vector.extract %reduce_sum3A_1329[15] : i32 from vector<16xi32>
      %dma_wait3A_1331 = arith.constant 0 : i32
      %dma_wait3A_1332 = arith.constant 0 : i32
      %dma_wait3A_1333 = arith.constant 0 : i32
      %dma_wait3A_1334 = tpu.memref_slice %arg3[%dma_wait3A_1331, %dma_wait3A_1332, %dma_wait3A_1333] : memref<4x8x1000000xf32, #tpu.memory_space<hbm>> -> memref<4x8x128xf32, #tpu.memory_space<hbm>>
      %dma_wait3A_1335 = arith.constant 0 : i32
      %dma_wait3A_1336 = arith.constant 0 : i32
      %dma_wait3A_1337 = arith.constant 0 : i32
      %dma_wait3A_1338 = tpu.memref_slice %arg3[%dma_wait3A_1335, %dma_wait3A_1336, %dma_wait3A_1337] : memref<4x8x1000000xf32, #tpu.memory_space<hbm>> -> memref<4x8x128xf32, #tpu.memory_space<hbm>>
      tpu.wait_dma2 semaphore(%arg19 : memref<!tpu.dma_semaphore, #tpu.memory_space<semaphore_mem>>) src(%dma_wait3A_1338 : memref<4x8x128xf32, #tpu.memory_space<hbm>>) dst(%arg10 : memref<4x8x128xf32, #tpu.memory_space<vmem>>)
      %broadcast_in_dim3A_1339 = vector.broadcast %add3A_1313 : i32 to vector<16xi32>
      %lt3A_1340 = arith.constant 999936 : i32
      %lt3A_1341 = arith.cmpi slt, %reduce_sum3A_1330, %lt3A_1340 : i32
      %convert_element_type3A_1342 = arith.extui %lt3A_1341 : i1 to i32
      %cond3A_1343 = arith.constant 0 : i32
      %cond3A_1344 = arith.cmpi ne, %convert_element_type3A_1342, %cond3A_1343 : i32
      scf.if %cond3A_1344 {
        %shift_right_arithmetic3A_1962 = arith.constant 7 : i32
        %shift_right_arithmetic3A_1963 = arith.shrsi %reduce_sum3A_1330, %shift_right_arithmetic3A_1962 : i32
        %shift_left3A_1964 = arith.constant 7 : i32
        %shift_left3A_1965 = arith.shli %shift_right_arithmetic3A_1963, %shift_left3A_1964 : i32
        %min3A_1966 = arith.constant 999808 : i32
        %min3A_1967 = arith.minsi %shift_left3A_1965, %min3A_1966 : i32
        %multiple_of3A_1968 = tpu.assume_multiple %min3A_1967, 128 : i32
        %sub3A = arith.subi %reduce_sum3A_1330, %multiple_of3A_1968 : i32
        %broadcast_in_dim3A_1969 = vector.broadcast %sub3A : i32 to vector<16xi32>
        %gather3A = tpu.vector_load_idx %arg10[%shift_right_arithmetic3A_4, %and3A_6, %broadcast_in_dim3A_1969] : memref<4x8x128xf32, #tpu.memory_space<vmem>>[vector<16xi32>, vector<16xi32>, vector<16xi32>], vector<16xf32>,
        tpu.vector_store_idx %arg15[%shift_right_arithmetic3A_4, %and3A_6, %broadcast_in_dim3A_1339], %gather3A : memref<4x8x512xf32, #tpu.memory_space<vmem>>[vector<16xi32>, vector<16xi32>, vector<16xi32>], vector<16xf32>,
        %gather3A_1970 = tpu.vector_load_idx %arg10[%add3A_9, %and3A_6, %broadcast_in_dim3A_1969] : memref<4x8x128xf32, #tpu.memory_space<vmem>>[vector<16xi32>, vector<16xi32>, vector<16xi32>], vector<16xf32>,
        tpu.vector_store_idx %arg15[%add3A_9, %and3A_6, %broadcast_in_dim3A_1339], %gather3A_1970 : memref<4x8x512xf32, #tpu.memory_space<vmem>>[vector<16xi32>, vector<16xi32>, vector<16xi32>], vector<16xf32>,
      } else {
      }
      %ge3A_1345 = arith.constant 999936 : i32
      %ge3A_1346 = arith.cmpi sge, %reduce_sum3A_1330, %ge3A_1345 : i32
      %convert_element_type3A_1347 = arith.extui %ge3A_1346 : i1 to i32
      %cond3A_1348 = arith.constant 0 : i32
      %cond3A_1349 = arith.cmpi ne, %convert_element_type3A_1347, %cond3A_1348 : i32
      scf.if %cond3A_1349 {
        %sub3A = arith.constant 999936 : i32
        %sub3A_1962 = arith.subi %reduce_sum3A_1330, %sub3A : i32
        %broadcast_in_dim3A_1963 = vector.broadcast %sub3A_1962 : i32 to vector<16xi32>
        %gather3A = tpu.vector_load_idx %arg6[%shift_right_arithmetic3A_4, %and3A_6, %broadcast_in_dim3A_1963] : memref<4x8x64xf32, #tpu.memory_space<vmem>>[vector<16xi32>, vector<16xi32>, vector<16xi32>], vector<16xf32>,
        tpu.vector_store_idx %arg15[%shift_right_arithmetic3A_4, %and3A_6, %broadcast_in_dim3A_1339], %gather3A : memref<4x8x512xf32, #tpu.memory_space<vmem>>[vector<16xi32>, vector<16xi32>, vector<16xi32>], vector<16xf32>,
        %gather3A_1964 = tpu.vector_load_idx %arg6[%add3A_9, %and3A_6, %broadcast_in_dim3A_1963] : memref<4x8x64xf32, #tpu.memory_space<vmem>>[vector<16xi32>, vector<16xi32>, vector<16xi32>], vector<16xf32>,
        tpu.vector_store_idx %arg15[%add3A_9, %and3A_6, %broadcast_in_dim3A_1339], %gather3A_1964 : memref<4x8x512xf32, #tpu.memory_space<vmem>>[vector<16xi32>, vector<16xi32>, vector<16xi32>], vector<16xf32>,
      } else {
      }
      %add3A_1350 = arith.constant 3 : i32
      %add3A_1351 = arith.addi %mul3A_921, %add3A_1350 : i32
      %add3A_1352 = arith.constant 8 : i32
      %add3A_1353 = arith.addi %add3A_1351, %add3A_1352 : i32
      %shift_right_arithmetic3A_1354 = arith.constant 4 : i32
      %shift_right_arithmetic3A_1355 = arith.shrsi %add3A_1353, %shift_right_arithmetic3A_1354 : i32
      %shift_left3A_1356 = arith.constant 4 : i32
      %shift_left3A_1357 = arith.shli %shift_right_arithmetic3A_1355, %shift_left3A_1356 : i32
      %get3A_1358 = arith.index_cast %shift_left3A_1357 : i32 to index
      %get3A_1359 = tpu.vector_load %arg5[%get3A_1358] {strides = array<i32>} : memref<512xi32, #tpu.memory_space<vmem>>, vector<16xi32>,
      %and3A_1360 = arith.constant 15 : i32
      %and3A_1361 = arith.andi %add3A_1353, %and3A_1360 : i32
      %eq3A_1362 = vector.broadcast %and3A_1361 : i32 to vector<16xi32>
      %eq3A_1363 = arith.cmpi eq, %iota3A, %eq3A_1362 : vector<16xi32>
      %jit3A_1364 = arith.constant 0 : i32
      %broadcast_in_dim3A_1365 = vector.broadcast %jit3A_1364 : i32 to vector<16xi32>
      %select_n3A_1366 = arith.select %eq3A_1363, %get3A_1359, %broadcast_in_dim3A_1365 : vector<16xi1>, vector<16xi32>
      %reduce_sum3A_1367 = arith.constant true
      %reduce_sum3A_1368 = vector.broadcast %reduce_sum3A_1367 : i1 to vector<16xi1>
      %reduce_sum3A_1369 = tpu.scan <sum>, %select_n3A_1366 masked %reduce_sum3A_1368 : vector<16xi32>, vector<16xi1> -> vector<16xi32>
      %reduce_sum3A_1370 = vector.extract %reduce_sum3A_1369[15] : i32 from vector<16xi32>
      %shift_right_arithmetic3A_1371 = arith.constant 7 : i32
      %shift_right_arithmetic3A_1372 = arith.shrsi %reduce_sum3A_1370, %shift_right_arithmetic3A_1371 : i32
      %shift_left3A_1373 = arith.constant 7 : i32
      %shift_left3A_1374 = arith.shli %shift_right_arithmetic3A_1372, %shift_left3A_1373 : i32
      %min3A_1375 = arith.constant 999808 : i32
      %min3A_1376 = arith.minsi %shift_left3A_1374, %min3A_1375 : i32
      %multiple_of3A_1377 = tpu.assume_multiple %min3A_1376, 128 : i32
      %dma_start3A_1378 = arith.constant 0 : i32
      %dma_start3A_1379 = arith.constant 0 : i32
      %dma_start3A_1380 = arith.constant 0 : i32
      %dma_start3A_1381 = arith.constant 0 : i32
      %dma_start3A_1382 = tpu.memref_slice %arg10[%dma_start3A_1379, %dma_start3A_1380, %dma_start3A_1381] : memref<4x8x128xf32, #tpu.memory_space<vmem>> -> memref<1x8x128xf32, #tpu.memory_space<vmem>>
      %dma_start3A_1383 = tpu.memref_squeeze %dma_start3A_1382 : memref<1x8x128xf32, #tpu.memory_space<vmem>> -> memref<8x128xf32, #tpu.memory_space<vmem>>
      %dma_start3A_1384 = arith.constant 0 : i32
      %dma_start3A_1385 = tpu.memref_slice %arg3[%dma_start3A_1378, %dma_start3A_1384, %multiple_of3A_1377] : memref<4x8x1000000xf32, #tpu.memory_space<hbm>> -> memref<1x8x128xf32, #tpu.memory_space<hbm>>
      %dma_start3A_1386 = tpu.memref_squeeze %dma_start3A_1385 : memref<1x8x128xf32, #tpu.memory_space<hbm>> -> memref<8x128xf32, #tpu.memory_space<hbm>>
      %dma_start3A_1387 = arith.constant 0 : i32
      %dma_start3A_1388 = arith.constant 0 : i32
      %dma_start3A_1389 = tpu.memref_slice %arg10[%dma_start3A_1379, %dma_start3A_1387, %dma_start3A_1388] : memref<4x8x128xf32, #tpu.memory_space<vmem>> -> memref<1x8x128xf32, #tpu.memory_space<vmem>>
      %dma_start3A_1390 = tpu.memref_squeeze %dma_start3A_1389 : memref<1x8x128xf32, #tpu.memory_space<vmem>> -> memref<8x128xf32, #tpu.memory_space<vmem>>
      %dma_start3A_1391 = arith.constant 0 : i32
      %dma_start3A_1392 = tpu.memref_slice %arg3[%dma_start3A_1378, %dma_start3A_1391, %multiple_of3A_1377] : memref<4x8x1000000xf32, #tpu.memory_space<hbm>> -> memref<1x8x128xf32, #tpu.memory_space<hbm>>
      %dma_start3A_1393 = tpu.memref_squeeze %dma_start3A_1392 : memref<1x8x128xf32, #tpu.memory_space<hbm>> -> memref<8x128xf32, #tpu.memory_space<hbm>>
      tpu.enqueue_dma source(%dma_start3A_1393 : memref<8x128xf32, #tpu.memory_space<hbm>>) target(%dma_start3A_1390 : memref<8x128xf32, #tpu.memory_space<vmem>>) target_semaphore(%arg19 : memref<!tpu.dma_semaphore, #tpu.memory_space<semaphore_mem>>)
      %dma_start3A_1394 = arith.constant 1 : i32
      %dma_start3A_1395 = arith.constant 1 : i32
      %dma_start3A_1396 = arith.constant 0 : i32
      %dma_start3A_1397 = arith.constant 0 : i32
      %dma_start3A_1398 = tpu.memref_slice %arg10[%dma_start3A_1395, %dma_start3A_1396, %dma_start3A_1397] : memref<4x8x128xf32, #tpu.memory_space<vmem>> -> memref<1x8x128xf32, #tpu.memory_space<vmem>>
      %dma_start3A_1399 = tpu.memref_squeeze %dma_start3A_1398 : memref<1x8x128xf32, #tpu.memory_space<vmem>> -> memref<8x128xf32, #tpu.memory_space<vmem>>
      %dma_start3A_1400 = arith.constant 0 : i32
      %dma_start3A_1401 = tpu.memref_slice %arg3[%dma_start3A_1394, %dma_start3A_1400, %multiple_of3A_1377] : memref<4x8x1000000xf32, #tpu.memory_space<hbm>> -> memref<1x8x128xf32, #tpu.memory_space<hbm>>
      %dma_start3A_1402 = tpu.memref_squeeze %dma_start3A_1401 : memref<1x8x128xf32, #tpu.memory_space<hbm>> -> memref<8x128xf32, #tpu.memory_space<hbm>>
      %dma_start3A_1403 = arith.constant 0 : i32
      %dma_start3A_1404 = arith.constant 0 : i32
      %dma_start3A_1405 = tpu.memref_slice %arg10[%dma_start3A_1395, %dma_start3A_1403, %dma_start3A_1404] : memref<4x8x128xf32, #tpu.memory_space<vmem>> -> memref<1x8x128xf32, #tpu.memory_space<vmem>>
      %dma_start3A_1406 = tpu.memref_squeeze %dma_start3A_1405 : memref<1x8x128xf32, #tpu.memory_space<vmem>> -> memref<8x128xf32, #tpu.memory_space<vmem>>
      %dma_start3A_1407 = arith.constant 0 : i32
      %dma_start3A_1408 = tpu.memref_slice %arg3[%dma_start3A_1394, %dma_start3A_1407, %multiple_of3A_1377] : memref<4x8x1000000xf32, #tpu.memory_space<hbm>> -> memref<1x8x128xf32, #tpu.memory_space<hbm>>
      %dma_start3A_1409 = tpu.memref_squeeze %dma_start3A_1408 : memref<1x8x128xf32, #tpu.memory_space<hbm>> -> memref<8x128xf32, #tpu.memory_space<hbm>>
      tpu.enqueue_dma source(%dma_start3A_1409 : memref<8x128xf32, #tpu.memory_space<hbm>>) target(%dma_start3A_1406 : memref<8x128xf32, #tpu.memory_space<vmem>>) target_semaphore(%arg19 : memref<!tpu.dma_semaphore, #tpu.memory_space<semaphore_mem>>)
      %dma_start3A_1410 = arith.constant 2 : i32
      %dma_start3A_1411 = arith.constant 2 : i32
      %dma_start3A_1412 = arith.constant 0 : i32
      %dma_start3A_1413 = arith.constant 0 : i32
      %dma_start3A_1414 = tpu.memref_slice %arg10[%dma_start3A_1411, %dma_start3A_1412, %dma_start3A_1413] : memref<4x8x128xf32, #tpu.memory_space<vmem>> -> memref<1x8x128xf32, #tpu.memory_space<vmem>>
      %dma_start3A_1415 = tpu.memref_squeeze %dma_start3A_1414 : memref<1x8x128xf32, #tpu.memory_space<vmem>> -> memref<8x128xf32, #tpu.memory_space<vmem>>
      %dma_start3A_1416 = arith.constant 0 : i32
      %dma_start3A_1417 = tpu.memref_slice %arg3[%dma_start3A_1410, %dma_start3A_1416, %multiple_of3A_1377] : memref<4x8x1000000xf32, #tpu.memory_space<hbm>> -> memref<1x8x128xf32, #tpu.memory_space<hbm>>
      %dma_start3A_1418 = tpu.memref_squeeze %dma_start3A_1417 : memref<1x8x128xf32, #tpu.memory_space<hbm>> -> memref<8x128xf32, #tpu.memory_space<hbm>>
      %dma_start3A_1419 = arith.constant 0 : i32
      %dma_start3A_1420 = arith.constant 0 : i32
      %dma_start3A_1421 = tpu.memref_slice %arg10[%dma_start3A_1411, %dma_start3A_1419, %dma_start3A_1420] : memref<4x8x128xf32, #tpu.memory_space<vmem>> -> memref<1x8x128xf32, #tpu.memory_space<vmem>>
      %dma_start3A_1422 = tpu.memref_squeeze %dma_start3A_1421 : memref<1x8x128xf32, #tpu.memory_space<vmem>> -> memref<8x128xf32, #tpu.memory_space<vmem>>
      %dma_start3A_1423 = arith.constant 0 : i32
      %dma_start3A_1424 = tpu.memref_slice %arg3[%dma_start3A_1410, %dma_start3A_1423, %multiple_of3A_1377] : memref<4x8x1000000xf32, #tpu.memory_space<hbm>> -> memref<1x8x128xf32, #tpu.memory_space<hbm>>
      %dma_start3A_1425 = tpu.memref_squeeze %dma_start3A_1424 : memref<1x8x128xf32, #tpu.memory_space<hbm>> -> memref<8x128xf32, #tpu.memory_space<hbm>>
      tpu.enqueue_dma source(%dma_start3A_1425 : memref<8x128xf32, #tpu.memory_space<hbm>>) target(%dma_start3A_1422 : memref<8x128xf32, #tpu.memory_space<vmem>>) target_semaphore(%arg19 : memref<!tpu.dma_semaphore, #tpu.memory_space<semaphore_mem>>)
      %dma_start3A_1426 = arith.constant 3 : i32
      %dma_start3A_1427 = arith.constant 3 : i32
      %dma_start3A_1428 = arith.constant 0 : i32
      %dma_start3A_1429 = arith.constant 0 : i32
      %dma_start3A_1430 = tpu.memref_slice %arg10[%dma_start3A_1427, %dma_start3A_1428, %dma_start3A_1429] : memref<4x8x128xf32, #tpu.memory_space<vmem>> -> memref<1x8x128xf32, #tpu.memory_space<vmem>>
      %dma_start3A_1431 = tpu.memref_squeeze %dma_start3A_1430 : memref<1x8x128xf32, #tpu.memory_space<vmem>> -> memref<8x128xf32, #tpu.memory_space<vmem>>
      %dma_start3A_1432 = arith.constant 0 : i32
      %dma_start3A_1433 = tpu.memref_slice %arg3[%dma_start3A_1426, %dma_start3A_1432, %multiple_of3A_1377] : memref<4x8x1000000xf32, #tpu.memory_space<hbm>> -> memref<1x8x128xf32, #tpu.memory_space<hbm>>
      %dma_start3A_1434 = tpu.memref_squeeze %dma_start3A_1433 : memref<1x8x128xf32, #tpu.memory_space<hbm>> -> memref<8x128xf32, #tpu.memory_space<hbm>>
      %dma_start3A_1435 = arith.constant 0 : i32
      %dma_start3A_1436 = arith.constant 0 : i32
      %dma_start3A_1437 = tpu.memref_slice %arg10[%dma_start3A_1427, %dma_start3A_1435, %dma_start3A_1436] : memref<4x8x128xf32, #tpu.memory_space<vmem>> -> memref<1x8x128xf32, #tpu.memory_space<vmem>>
      %dma_start3A_1438 = tpu.memref_squeeze %dma_start3A_1437 : memref<1x8x128xf32, #tpu.memory_space<vmem>> -> memref<8x128xf32, #tpu.memory_space<vmem>>
      %dma_start3A_1439 = arith.constant 0 : i32
      %dma_start3A_1440 = tpu.memref_slice %arg3[%dma_start3A_1426, %dma_start3A_1439, %multiple_of3A_1377] : memref<4x8x1000000xf32, #tpu.memory_space<hbm>> -> memref<1x8x128xf32, #tpu.memory_space<hbm>>
      %dma_start3A_1441 = tpu.memref_squeeze %dma_start3A_1440 : memref<1x8x128xf32, #tpu.memory_space<hbm>> -> memref<8x128xf32, #tpu.memory_space<hbm>>
      tpu.enqueue_dma source(%dma_start3A_1441 : memref<8x128xf32, #tpu.memory_space<hbm>>) target(%dma_start3A_1438 : memref<8x128xf32, #tpu.memory_space<vmem>>) target_semaphore(%arg19 : memref<!tpu.dma_semaphore, #tpu.memory_space<semaphore_mem>>)
      %add3A_1442 = arith.constant 4 : i32
      %add3A_1443 = arith.addi %mul3A_921, %add3A_1442 : i32
      %shift_right_arithmetic3A_1444 = arith.constant 4 : i32
      %shift_right_arithmetic3A_1445 = arith.shrsi %add3A_1443, %shift_right_arithmetic3A_1444 : i32
      %shift_left3A_1446 = arith.constant 4 : i32
      %shift_left3A_1447 = arith.shli %shift_right_arithmetic3A_1445, %shift_left3A_1446 : i32
      %get3A_1448 = arith.index_cast %shift_left3A_1447 : i32 to index
      %get3A_1449 = tpu.vector_load %arg5[%get3A_1448] {strides = array<i32>} : memref<512xi32, #tpu.memory_space<vmem>>, vector<16xi32>,
      %and3A_1450 = arith.constant 15 : i32
      %and3A_1451 = arith.andi %add3A_1443, %and3A_1450 : i32
      %eq3A_1452 = vector.broadcast %and3A_1451 : i32 to vector<16xi32>
      %eq3A_1453 = arith.cmpi eq, %iota3A, %eq3A_1452 : vector<16xi32>
      %jit3A_1454 = arith.constant 0 : i32
      %broadcast_in_dim3A_1455 = vector.broadcast %jit3A_1454 : i32 to vector<16xi32>
      %select_n3A_1456 = arith.select %eq3A_1453, %get3A_1449, %broadcast_in_dim3A_1455 : vector<16xi1>, vector<16xi32>
      %reduce_sum3A_1457 = arith.constant true
      %reduce_sum3A_1458 = vector.broadcast %reduce_sum3A_1457 : i1 to vector<16xi1>
      %reduce_sum3A_1459 = tpu.scan <sum>, %select_n3A_1456 masked %reduce_sum3A_1458 : vector<16xi32>, vector<16xi1> -> vector<16xi32>
      %reduce_sum3A_1460 = vector.extract %reduce_sum3A_1459[15] : i32 from vector<16xi32>
      %dma_wait3A_1461 = arith.constant 0 : i32
      %dma_wait3A_1462 = arith.constant 0 : i32
      %dma_wait3A_1463 = arith.constant 0 : i32
      %dma_wait3A_1464 = tpu.memref_slice %arg3[%dma_wait3A_1461, %dma_wait3A_1462, %dma_wait3A_1463] : memref<4x8x1000000xf32, #tpu.memory_space<hbm>> -> memref<4x8x128xf32, #tpu.memory_space<hbm>>
      %dma_wait3A_1465 = arith.constant 0 : i32
      %dma_wait3A_1466 = arith.constant 0 : i32
      %dma_wait3A_1467 = arith.constant 0 : i32
      %dma_wait3A_1468 = tpu.memref_slice %arg3[%dma_wait3A_1465, %dma_wait3A_1466, %dma_wait3A_1467] : memref<4x8x1000000xf32, #tpu.memory_space<hbm>> -> memref<4x8x128xf32, #tpu.memory_space<hbm>>
      tpu.wait_dma2 semaphore(%arg20 : memref<!tpu.dma_semaphore, #tpu.memory_space<semaphore_mem>>) src(%dma_wait3A_1468 : memref<4x8x128xf32, #tpu.memory_space<hbm>>) dst(%arg11 : memref<4x8x128xf32, #tpu.memory_space<vmem>>)
      %broadcast_in_dim3A_1469 = vector.broadcast %add3A_1443 : i32 to vector<16xi32>
      %lt3A_1470 = arith.constant 999936 : i32
      %lt3A_1471 = arith.cmpi slt, %reduce_sum3A_1460, %lt3A_1470 : i32
      %convert_element_type3A_1472 = arith.extui %lt3A_1471 : i1 to i32
      %cond3A_1473 = arith.constant 0 : i32
      %cond3A_1474 = arith.cmpi ne, %convert_element_type3A_1472, %cond3A_1473 : i32
      scf.if %cond3A_1474 {
        %shift_right_arithmetic3A_1962 = arith.constant 7 : i32
        %shift_right_arithmetic3A_1963 = arith.shrsi %reduce_sum3A_1460, %shift_right_arithmetic3A_1962 : i32
        %shift_left3A_1964 = arith.constant 7 : i32
        %shift_left3A_1965 = arith.shli %shift_right_arithmetic3A_1963, %shift_left3A_1964 : i32
        %min3A_1966 = arith.constant 999808 : i32
        %min3A_1967 = arith.minsi %shift_left3A_1965, %min3A_1966 : i32
        %multiple_of3A_1968 = tpu.assume_multiple %min3A_1967, 128 : i32
        %sub3A = arith.subi %reduce_sum3A_1460, %multiple_of3A_1968 : i32
        %broadcast_in_dim3A_1969 = vector.broadcast %sub3A : i32 to vector<16xi32>
        %gather3A = tpu.vector_load_idx %arg11[%shift_right_arithmetic3A_4, %and3A_6, %broadcast_in_dim3A_1969] : memref<4x8x128xf32, #tpu.memory_space<vmem>>[vector<16xi32>, vector<16xi32>, vector<16xi32>], vector<16xf32>,
        tpu.vector_store_idx %arg15[%shift_right_arithmetic3A_4, %and3A_6, %broadcast_in_dim3A_1469], %gather3A : memref<4x8x512xf32, #tpu.memory_space<vmem>>[vector<16xi32>, vector<16xi32>, vector<16xi32>], vector<16xf32>,
        %gather3A_1970 = tpu.vector_load_idx %arg11[%add3A_9, %and3A_6, %broadcast_in_dim3A_1969] : memref<4x8x128xf32, #tpu.memory_space<vmem>>[vector<16xi32>, vector<16xi32>, vector<16xi32>], vector<16xf32>,
        tpu.vector_store_idx %arg15[%add3A_9, %and3A_6, %broadcast_in_dim3A_1469], %gather3A_1970 : memref<4x8x512xf32, #tpu.memory_space<vmem>>[vector<16xi32>, vector<16xi32>, vector<16xi32>], vector<16xf32>,
      } else {
      }
      %ge3A_1475 = arith.constant 999936 : i32
      %ge3A_1476 = arith.cmpi sge, %reduce_sum3A_1460, %ge3A_1475 : i32
      %convert_element_type3A_1477 = arith.extui %ge3A_1476 : i1 to i32
      %cond3A_1478 = arith.constant 0 : i32
      %cond3A_1479 = arith.cmpi ne, %convert_element_type3A_1477, %cond3A_1478 : i32
      scf.if %cond3A_1479 {
        %sub3A = arith.constant 999936 : i32
        %sub3A_1962 = arith.subi %reduce_sum3A_1460, %sub3A : i32
        %broadcast_in_dim3A_1963 = vector.broadcast %sub3A_1962 : i32 to vector<16xi32>
        %gather3A = tpu.vector_load_idx %arg6[%shift_right_arithmetic3A_4, %and3A_6, %broadcast_in_dim3A_1963] : memref<4x8x64xf32, #tpu.memory_space<vmem>>[vector<16xi32>, vector<16xi32>, vector<16xi32>], vector<16xf32>,
        tpu.vector_store_idx %arg15[%shift_right_arithmetic3A_4, %and3A_6, %broadcast_in_dim3A_1469], %gather3A : memref<4x8x512xf32, #tpu.memory_space<vmem>>[vector<16xi32>, vector<16xi32>, vector<16xi32>], vector<16xf32>,
        %gather3A_1964 = tpu.vector_load_idx %arg6[%add3A_9, %and3A_6, %broadcast_in_dim3A_1963] : memref<4x8x64xf32, #tpu.memory_space<vmem>>[vector<16xi32>, vector<16xi32>, vector<16xi32>], vector<16xf32>,
        tpu.vector_store_idx %arg15[%add3A_9, %and3A_6, %broadcast_in_dim3A_1469], %gather3A_1964 : memref<4x8x512xf32, #tpu.memory_space<vmem>>[vector<16xi32>, vector<16xi32>, vector<16xi32>], vector<16xf32>,
      } else {
      }
      %add3A_1480 = arith.constant 4 : i32
      %add3A_1481 = arith.addi %mul3A_921, %add3A_1480 : i32
      %add3A_1482 = arith.constant 8 : i32
      %add3A_1483 = arith.addi %add3A_1481, %add3A_1482 : i32
      %shift_right_arithmetic3A_1484 = arith.constant 4 : i32
      %shift_right_arithmetic3A_1485 = arith.shrsi %add3A_1483, %shift_right_arithmetic3A_1484 : i32
      %shift_left3A_1486 = arith.constant 4 : i32
      %shift_left3A_1487 = arith.shli %shift_right_arithmetic3A_1485, %shift_left3A_1486 : i32
      %get3A_1488 = arith.index_cast %shift_left3A_1487 : i32 to index
      %get3A_1489 = tpu.vector_load %arg5[%get3A_1488] {strides = array<i32>} : memref<512xi32, #tpu.memory_space<vmem>>, vector<16xi32>,
      %and3A_1490 = arith.constant 15 : i32
      %and3A_1491 = arith.andi %add3A_1483, %and3A_1490 : i32
      %eq3A_1492 = vector.broadcast %and3A_1491 : i32 to vector<16xi32>
      %eq3A_1493 = arith.cmpi eq, %iota3A, %eq3A_1492 : vector<16xi32>
      %jit3A_1494 = arith.constant 0 : i32
      %broadcast_in_dim3A_1495 = vector.broadcast %jit3A_1494 : i32 to vector<16xi32>
      %select_n3A_1496 = arith.select %eq3A_1493, %get3A_1489, %broadcast_in_dim3A_1495 : vector<16xi1>, vector<16xi32>
      %reduce_sum3A_1497 = arith.constant true
      %reduce_sum3A_1498 = vector.broadcast %reduce_sum3A_1497 : i1 to vector<16xi1>
      %reduce_sum3A_1499 = tpu.scan <sum>, %select_n3A_1496 masked %reduce_sum3A_1498 : vector<16xi32>, vector<16xi1> -> vector<16xi32>
      %reduce_sum3A_1500 = vector.extract %reduce_sum3A_1499[15] : i32 from vector<16xi32>
      %shift_right_arithmetic3A_1501 = arith.constant 7 : i32
      %shift_right_arithmetic3A_1502 = arith.shrsi %reduce_sum3A_1500, %shift_right_arithmetic3A_1501 : i32
      %shift_left3A_1503 = arith.constant 7 : i32
      %shift_left3A_1504 = arith.shli %shift_right_arithmetic3A_1502, %shift_left3A_1503 : i32
      %min3A_1505 = arith.constant 999808 : i32
      %min3A_1506 = arith.minsi %shift_left3A_1504, %min3A_1505 : i32
      %multiple_of3A_1507 = tpu.assume_multiple %min3A_1506, 128 : i32
      %dma_start3A_1508 = arith.constant 0 : i32
      %dma_start3A_1509 = arith.constant 0 : i32
      %dma_start3A_1510 = arith.constant 0 : i32
      %dma_start3A_1511 = arith.constant 0 : i32
      %dma_start3A_1512 = tpu.memref_slice %arg11[%dma_start3A_1509, %dma_start3A_1510, %dma_start3A_1511] : memref<4x8x128xf32, #tpu.memory_space<vmem>> -> memref<1x8x128xf32, #tpu.memory_space<vmem>>
      %dma_start3A_1513 = tpu.memref_squeeze %dma_start3A_1512 : memref<1x8x128xf32, #tpu.memory_space<vmem>> -> memref<8x128xf32, #tpu.memory_space<vmem>>
      %dma_start3A_1514 = arith.constant 0 : i32
      %dma_start3A_1515 = tpu.memref_slice %arg3[%dma_start3A_1508, %dma_start3A_1514, %multiple_of3A_1507] : memref<4x8x1000000xf32, #tpu.memory_space<hbm>> -> memref<1x8x128xf32, #tpu.memory_space<hbm>>
      %dma_start3A_1516 = tpu.memref_squeeze %dma_start3A_1515 : memref<1x8x128xf32, #tpu.memory_space<hbm>> -> memref<8x128xf32, #tpu.memory_space<hbm>>
      %dma_start3A_1517 = arith.constant 0 : i32
      %dma_start3A_1518 = arith.constant 0 : i32
      %dma_start3A_1519 = tpu.memref_slice %arg11[%dma_start3A_1509, %dma_start3A_1517, %dma_start3A_1518] : memref<4x8x128xf32, #tpu.memory_space<vmem>> -> memref<1x8x128xf32, #tpu.memory_space<vmem>>
      %dma_start3A_1520 = tpu.memref_squeeze %dma_start3A_1519 : memref<1x8x128xf32, #tpu.memory_space<vmem>> -> memref<8x128xf32, #tpu.memory_space<vmem>>
      %dma_start3A_1521 = arith.constant 0 : i32
      %dma_start3A_1522 = tpu.memref_slice %arg3[%dma_start3A_1508, %dma_start3A_1521, %multiple_of3A_1507] : memref<4x8x1000000xf32, #tpu.memory_space<hbm>> -> memref<1x8x128xf32, #tpu.memory_space<hbm>>
      %dma_start3A_1523 = tpu.memref_squeeze %dma_start3A_1522 : memref<1x8x128xf32, #tpu.memory_space<hbm>> -> memref<8x128xf32, #tpu.memory_space<hbm>>
      tpu.enqueue_dma source(%dma_start3A_1523 : memref<8x128xf32, #tpu.memory_space<hbm>>) target(%dma_start3A_1520 : memref<8x128xf32, #tpu.memory_space<vmem>>) target_semaphore(%arg20 : memref<!tpu.dma_semaphore, #tpu.memory_space<semaphore_mem>>)
      %dma_start3A_1524 = arith.constant 1 : i32
      %dma_start3A_1525 = arith.constant 1 : i32
      %dma_start3A_1526 = arith.constant 0 : i32
      %dma_start3A_1527 = arith.constant 0 : i32
      %dma_start3A_1528 = tpu.memref_slice %arg11[%dma_start3A_1525, %dma_start3A_1526, %dma_start3A_1527] : memref<4x8x128xf32, #tpu.memory_space<vmem>> -> memref<1x8x128xf32, #tpu.memory_space<vmem>>
      %dma_start3A_1529 = tpu.memref_squeeze %dma_start3A_1528 : memref<1x8x128xf32, #tpu.memory_space<vmem>> -> memref<8x128xf32, #tpu.memory_space<vmem>>
      %dma_start3A_1530 = arith.constant 0 : i32
      %dma_start3A_1531 = tpu.memref_slice %arg3[%dma_start3A_1524, %dma_start3A_1530, %multiple_of3A_1507] : memref<4x8x1000000xf32, #tpu.memory_space<hbm>> -> memref<1x8x128xf32, #tpu.memory_space<hbm>>
      %dma_start3A_1532 = tpu.memref_squeeze %dma_start3A_1531 : memref<1x8x128xf32, #tpu.memory_space<hbm>> -> memref<8x128xf32, #tpu.memory_space<hbm>>
      %dma_start3A_1533 = arith.constant 0 : i32
      %dma_start3A_1534 = arith.constant 0 : i32
      %dma_start3A_1535 = tpu.memref_slice %arg11[%dma_start3A_1525, %dma_start3A_1533, %dma_start3A_1534] : memref<4x8x128xf32, #tpu.memory_space<vmem>> -> memref<1x8x128xf32, #tpu.memory_space<vmem>>
      %dma_start3A_1536 = tpu.memref_squeeze %dma_start3A_1535 : memref<1x8x128xf32, #tpu.memory_space<vmem>> -> memref<8x128xf32, #tpu.memory_space<vmem>>
      %dma_start3A_1537 = arith.constant 0 : i32
      %dma_start3A_1538 = tpu.memref_slice %arg3[%dma_start3A_1524, %dma_start3A_1537, %multiple_of3A_1507] : memref<4x8x1000000xf32, #tpu.memory_space<hbm>> -> memref<1x8x128xf32, #tpu.memory_space<hbm>>
      %dma_start3A_1539 = tpu.memref_squeeze %dma_start3A_1538 : memref<1x8x128xf32, #tpu.memory_space<hbm>> -> memref<8x128xf32, #tpu.memory_space<hbm>>
      tpu.enqueue_dma source(%dma_start3A_1539 : memref<8x128xf32, #tpu.memory_space<hbm>>) target(%dma_start3A_1536 : memref<8x128xf32, #tpu.memory_space<vmem>>) target_semaphore(%arg20 : memref<!tpu.dma_semaphore, #tpu.memory_space<semaphore_mem>>)
      %dma_start3A_1540 = arith.constant 2 : i32
      %dma_start3A_1541 = arith.constant 2 : i32
      %dma_start3A_1542 = arith.constant 0 : i32
      %dma_start3A_1543 = arith.constant 0 : i32
      %dma_start3A_1544 = tpu.memref_slice %arg11[%dma_start3A_1541, %dma_start3A_1542, %dma_start3A_1543] : memref<4x8x128xf32, #tpu.memory_space<vmem>> -> memref<1x8x128xf32, #tpu.memory_space<vmem>>
      %dma_start3A_1545 = tpu.memref_squeeze %dma_start3A_1544 : memref<1x8x128xf32, #tpu.memory_space<vmem>> -> memref<8x128xf32, #tpu.memory_space<vmem>>
      %dma_start3A_1546 = arith.constant 0 : i32
      %dma_start3A_1547 = tpu.memref_slice %arg3[%dma_start3A_1540, %dma_start3A_1546, %multiple_of3A_1507] : memref<4x8x1000000xf32, #tpu.memory_space<hbm>> -> memref<1x8x128xf32, #tpu.memory_space<hbm>>
      %dma_start3A_1548 = tpu.memref_squeeze %dma_start3A_1547 : memref<1x8x128xf32, #tpu.memory_space<hbm>> -> memref<8x128xf32, #tpu.memory_space<hbm>>
      %dma_start3A_1549 = arith.constant 0 : i32
      %dma_start3A_1550 = arith.constant 0 : i32
      %dma_start3A_1551 = tpu.memref_slice %arg11[%dma_start3A_1541, %dma_start3A_1549, %dma_start3A_1550] : memref<4x8x128xf32, #tpu.memory_space<vmem>> -> memref<1x8x128xf32, #tpu.memory_space<vmem>>
      %dma_start3A_1552 = tpu.memref_squeeze %dma_start3A_1551 : memref<1x8x128xf32, #tpu.memory_space<vmem>> -> memref<8x128xf32, #tpu.memory_space<vmem>>
      %dma_start3A_1553 = arith.constant 0 : i32
      %dma_start3A_1554 = tpu.memref_slice %arg3[%dma_start3A_1540, %dma_start3A_1553, %multiple_of3A_1507] : memref<4x8x1000000xf32, #tpu.memory_space<hbm>> -> memref<1x8x128xf32, #tpu.memory_space<hbm>>
      %dma_start3A_1555 = tpu.memref_squeeze %dma_start3A_1554 : memref<1x8x128xf32, #tpu.memory_space<hbm>> -> memref<8x128xf32, #tpu.memory_space<hbm>>
      tpu.enqueue_dma source(%dma_start3A_1555 : memref<8x128xf32, #tpu.memory_space<hbm>>) target(%dma_start3A_1552 : memref<8x128xf32, #tpu.memory_space<vmem>>) target_semaphore(%arg20 : memref<!tpu.dma_semaphore, #tpu.memory_space<semaphore_mem>>)
      %dma_start3A_1556 = arith.constant 3 : i32
      %dma_start3A_1557 = arith.constant 3 : i32
      %dma_start3A_1558 = arith.constant 0 : i32
      %dma_start3A_1559 = arith.constant 0 : i32
      %dma_start3A_1560 = tpu.memref_slice %arg11[%dma_start3A_1557, %dma_start3A_1558, %dma_start3A_1559] : memref<4x8x128xf32, #tpu.memory_space<vmem>> -> memref<1x8x128xf32, #tpu.memory_space<vmem>>
      %dma_start3A_1561 = tpu.memref_squeeze %dma_start3A_1560 : memref<1x8x128xf32, #tpu.memory_space<vmem>> -> memref<8x128xf32, #tpu.memory_space<vmem>>
      %dma_start3A_1562 = arith.constant 0 : i32
      %dma_start3A_1563 = tpu.memref_slice %arg3[%dma_start3A_1556, %dma_start3A_1562, %multiple_of3A_1507] : memref<4x8x1000000xf32, #tpu.memory_space<hbm>> -> memref<1x8x128xf32, #tpu.memory_space<hbm>>
      %dma_start3A_1564 = tpu.memref_squeeze %dma_start3A_1563 : memref<1x8x128xf32, #tpu.memory_space<hbm>> -> memref<8x128xf32, #tpu.memory_space<hbm>>
      %dma_start3A_1565 = arith.constant 0 : i32
      %dma_start3A_1566 = arith.constant 0 : i32
      %dma_start3A_1567 = tpu.memref_slice %arg11[%dma_start3A_1557, %dma_start3A_1565, %dma_start3A_1566] : memref<4x8x128xf32, #tpu.memory_space<vmem>> -> memref<1x8x128xf32, #tpu.memory_space<vmem>>
      %dma_start3A_1568 = tpu.memref_squeeze %dma_start3A_1567 : memref<1x8x128xf32, #tpu.memory_space<vmem>> -> memref<8x128xf32, #tpu.memory_space<vmem>>
      %dma_start3A_1569 = arith.constant 0 : i32
      %dma_start3A_1570 = tpu.memref_slice %arg3[%dma_start3A_1556, %dma_start3A_1569, %multiple_of3A_1507] : memref<4x8x1000000xf32, #tpu.memory_space<hbm>> -> memref<1x8x128xf32, #tpu.memory_space<hbm>>
      %dma_start3A_1571 = tpu.memref_squeeze %dma_start3A_1570 : memref<1x8x128xf32, #tpu.memory_space<hbm>> -> memref<8x128xf32, #tpu.memory_space<hbm>>
      tpu.enqueue_dma source(%dma_start3A_1571 : memref<8x128xf32, #tpu.memory_space<hbm>>) target(%dma_start3A_1568 : memref<8x128xf32, #tpu.memory_space<vmem>>) target_semaphore(%arg20 : memref<!tpu.dma_semaphore, #tpu.memory_space<semaphore_mem>>)
      %add3A_1572 = arith.constant 5 : i32
      %add3A_1573 = arith.addi %mul3A_921, %add3A_1572 : i32
      %shift_right_arithmetic3A_1574 = arith.constant 4 : i32
      %shift_right_arithmetic3A_1575 = arith.shrsi %add3A_1573, %shift_right_arithmetic3A_1574 : i32
      %shift_left3A_1576 = arith.constant 4 : i32
      %shift_left3A_1577 = arith.shli %shift_right_arithmetic3A_1575, %shift_left3A_1576 : i32
      %get3A_1578 = arith.index_cast %shift_left3A_1577 : i32 to index
      %get3A_1579 = tpu.vector_load %arg5[%get3A_1578] {strides = array<i32>} : memref<512xi32, #tpu.memory_space<vmem>>, vector<16xi32>,
      %and3A_1580 = arith.constant 15 : i32
      %and3A_1581 = arith.andi %add3A_1573, %and3A_1580 : i32
      %eq3A_1582 = vector.broadcast %and3A_1581 : i32 to vector<16xi32>
      %eq3A_1583 = arith.cmpi eq, %iota3A, %eq3A_1582 : vector<16xi32>
      %jit3A_1584 = arith.constant 0 : i32
      %broadcast_in_dim3A_1585 = vector.broadcast %jit3A_1584 : i32 to vector<16xi32>
      %select_n3A_1586 = arith.select %eq3A_1583, %get3A_1579, %broadcast_in_dim3A_1585 : vector<16xi1>, vector<16xi32>
      %reduce_sum3A_1587 = arith.constant true
      %reduce_sum3A_1588 = vector.broadcast %reduce_sum3A_1587 : i1 to vector<16xi1>
      %reduce_sum3A_1589 = tpu.scan <sum>, %select_n3A_1586 masked %reduce_sum3A_1588 : vector<16xi32>, vector<16xi1> -> vector<16xi32>
      %reduce_sum3A_1590 = vector.extract %reduce_sum3A_1589[15] : i32 from vector<16xi32>
      %dma_wait3A_1591 = arith.constant 0 : i32
      %dma_wait3A_1592 = arith.constant 0 : i32
      %dma_wait3A_1593 = arith.constant 0 : i32
      %dma_wait3A_1594 = tpu.memref_slice %arg3[%dma_wait3A_1591, %dma_wait3A_1592, %dma_wait3A_1593] : memref<4x8x1000000xf32, #tpu.memory_space<hbm>> -> memref<4x8x128xf32, #tpu.memory_space<hbm>>
      %dma_wait3A_1595 = arith.constant 0 : i32
      %dma_wait3A_1596 = arith.constant 0 : i32
      %dma_wait3A_1597 = arith.constant 0 : i32
      %dma_wait3A_1598 = tpu.memref_slice %arg3[%dma_wait3A_1595, %dma_wait3A_1596, %dma_wait3A_1597] : memref<4x8x1000000xf32, #tpu.memory_space<hbm>> -> memref<4x8x128xf32, #tpu.memory_space<hbm>>
      tpu.wait_dma2 semaphore(%arg21 : memref<!tpu.dma_semaphore, #tpu.memory_space<semaphore_mem>>) src(%dma_wait3A_1598 : memref<4x8x128xf32, #tpu.memory_space<hbm>>) dst(%arg12 : memref<4x8x128xf32, #tpu.memory_space<vmem>>)
      %broadcast_in_dim3A_1599 = vector.broadcast %add3A_1573 : i32 to vector<16xi32>
      %lt3A_1600 = arith.constant 999936 : i32
      %lt3A_1601 = arith.cmpi slt, %reduce_sum3A_1590, %lt3A_1600 : i32
      %convert_element_type3A_1602 = arith.extui %lt3A_1601 : i1 to i32
      %cond3A_1603 = arith.constant 0 : i32
      %cond3A_1604 = arith.cmpi ne, %convert_element_type3A_1602, %cond3A_1603 : i32
      scf.if %cond3A_1604 {
        %shift_right_arithmetic3A_1962 = arith.constant 7 : i32
        %shift_right_arithmetic3A_1963 = arith.shrsi %reduce_sum3A_1590, %shift_right_arithmetic3A_1962 : i32
        %shift_left3A_1964 = arith.constant 7 : i32
        %shift_left3A_1965 = arith.shli %shift_right_arithmetic3A_1963, %shift_left3A_1964 : i32
        %min3A_1966 = arith.constant 999808 : i32
        %min3A_1967 = arith.minsi %shift_left3A_1965, %min3A_1966 : i32
        %multiple_of3A_1968 = tpu.assume_multiple %min3A_1967, 128 : i32
        %sub3A = arith.subi %reduce_sum3A_1590, %multiple_of3A_1968 : i32
        %broadcast_in_dim3A_1969 = vector.broadcast %sub3A : i32 to vector<16xi32>
        %gather3A = tpu.vector_load_idx %arg12[%shift_right_arithmetic3A_4, %and3A_6, %broadcast_in_dim3A_1969] : memref<4x8x128xf32, #tpu.memory_space<vmem>>[vector<16xi32>, vector<16xi32>, vector<16xi32>], vector<16xf32>,
        tpu.vector_store_idx %arg15[%shift_right_arithmetic3A_4, %and3A_6, %broadcast_in_dim3A_1599], %gather3A : memref<4x8x512xf32, #tpu.memory_space<vmem>>[vector<16xi32>, vector<16xi32>, vector<16xi32>], vector<16xf32>,
        %gather3A_1970 = tpu.vector_load_idx %arg12[%add3A_9, %and3A_6, %broadcast_in_dim3A_1969] : memref<4x8x128xf32, #tpu.memory_space<vmem>>[vector<16xi32>, vector<16xi32>, vector<16xi32>], vector<16xf32>,
        tpu.vector_store_idx %arg15[%add3A_9, %and3A_6, %broadcast_in_dim3A_1599], %gather3A_1970 : memref<4x8x512xf32, #tpu.memory_space<vmem>>[vector<16xi32>, vector<16xi32>, vector<16xi32>], vector<16xf32>,
      } else {
      }
      %ge3A_1605 = arith.constant 999936 : i32
      %ge3A_1606 = arith.cmpi sge, %reduce_sum3A_1590, %ge3A_1605 : i32
      %convert_element_type3A_1607 = arith.extui %ge3A_1606 : i1 to i32
      %cond3A_1608 = arith.constant 0 : i32
      %cond3A_1609 = arith.cmpi ne, %convert_element_type3A_1607, %cond3A_1608 : i32
      scf.if %cond3A_1609 {
        %sub3A = arith.constant 999936 : i32
        %sub3A_1962 = arith.subi %reduce_sum3A_1590, %sub3A : i32
        %broadcast_in_dim3A_1963 = vector.broadcast %sub3A_1962 : i32 to vector<16xi32>
        %gather3A = tpu.vector_load_idx %arg6[%shift_right_arithmetic3A_4, %and3A_6, %broadcast_in_dim3A_1963] : memref<4x8x64xf32, #tpu.memory_space<vmem>>[vector<16xi32>, vector<16xi32>, vector<16xi32>], vector<16xf32>,
        tpu.vector_store_idx %arg15[%shift_right_arithmetic3A_4, %and3A_6, %broadcast_in_dim3A_1599], %gather3A : memref<4x8x512xf32, #tpu.memory_space<vmem>>[vector<16xi32>, vector<16xi32>, vector<16xi32>], vector<16xf32>,
        %gather3A_1964 = tpu.vector_load_idx %arg6[%add3A_9, %and3A_6, %broadcast_in_dim3A_1963] : memref<4x8x64xf32, #tpu.memory_space<vmem>>[vector<16xi32>, vector<16xi32>, vector<16xi32>], vector<16xf32>,
        tpu.vector_store_idx %arg15[%add3A_9, %and3A_6, %broadcast_in_dim3A_1599], %gather3A_1964 : memref<4x8x512xf32, #tpu.memory_space<vmem>>[vector<16xi32>, vector<16xi32>, vector<16xi32>], vector<16xf32>,
      } else {
      }
      %add3A_1610 = arith.constant 5 : i32
      %add3A_1611 = arith.addi %mul3A_921, %add3A_1610 : i32
      %add3A_1612 = arith.constant 8 : i32
      %add3A_1613 = arith.addi %add3A_1611, %add3A_1612 : i32
      %shift_right_arithmetic3A_1614 = arith.constant 4 : i32
      %shift_right_arithmetic3A_1615 = arith.shrsi %add3A_1613, %shift_right_arithmetic3A_1614 : i32
      %shift_left3A_1616 = arith.constant 4 : i32
      %shift_left3A_1617 = arith.shli %shift_right_arithmetic3A_1615, %shift_left3A_1616 : i32
      %get3A_1618 = arith.index_cast %shift_left3A_1617 : i32 to index
      %get3A_1619 = tpu.vector_load %arg5[%get3A_1618] {strides = array<i32>} : memref<512xi32, #tpu.memory_space<vmem>>, vector<16xi32>,
      %and3A_1620 = arith.constant 15 : i32
      %and3A_1621 = arith.andi %add3A_1613, %and3A_1620 : i32
      %eq3A_1622 = vector.broadcast %and3A_1621 : i32 to vector<16xi32>
      %eq3A_1623 = arith.cmpi eq, %iota3A, %eq3A_1622 : vector<16xi32>
      %jit3A_1624 = arith.constant 0 : i32
      %broadcast_in_dim3A_1625 = vector.broadcast %jit3A_1624 : i32 to vector<16xi32>
      %select_n3A_1626 = arith.select %eq3A_1623, %get3A_1619, %broadcast_in_dim3A_1625 : vector<16xi1>, vector<16xi32>
      %reduce_sum3A_1627 = arith.constant true
      %reduce_sum3A_1628 = vector.broadcast %reduce_sum3A_1627 : i1 to vector<16xi1>
      %reduce_sum3A_1629 = tpu.scan <sum>, %select_n3A_1626 masked %reduce_sum3A_1628 : vector<16xi32>, vector<16xi1> -> vector<16xi32>
      %reduce_sum3A_1630 = vector.extract %reduce_sum3A_1629[15] : i32 from vector<16xi32>
      %shift_right_arithmetic3A_1631 = arith.constant 7 : i32
      %shift_right_arithmetic3A_1632 = arith.shrsi %reduce_sum3A_1630, %shift_right_arithmetic3A_1631 : i32
      %shift_left3A_1633 = arith.constant 7 : i32
      %shift_left3A_1634 = arith.shli %shift_right_arithmetic3A_1632, %shift_left3A_1633 : i32
      %min3A_1635 = arith.constant 999808 : i32
      %min3A_1636 = arith.minsi %shift_left3A_1634, %min3A_1635 : i32
      %multiple_of3A_1637 = tpu.assume_multiple %min3A_1636, 128 : i32
      %dma_start3A_1638 = arith.constant 0 : i32
      %dma_start3A_1639 = arith.constant 0 : i32
      %dma_start3A_1640 = arith.constant 0 : i32
      %dma_start3A_1641 = arith.constant 0 : i32
      %dma_start3A_1642 = tpu.memref_slice %arg12[%dma_start3A_1639, %dma_start3A_1640, %dma_start3A_1641] : memref<4x8x128xf32, #tpu.memory_space<vmem>> -> memref<1x8x128xf32, #tpu.memory_space<vmem>>
      %dma_start3A_1643 = tpu.memref_squeeze %dma_start3A_1642 : memref<1x8x128xf32, #tpu.memory_space<vmem>> -> memref<8x128xf32, #tpu.memory_space<vmem>>
      %dma_start3A_1644 = arith.constant 0 : i32
      %dma_start3A_1645 = tpu.memref_slice %arg3[%dma_start3A_1638, %dma_start3A_1644, %multiple_of3A_1637] : memref<4x8x1000000xf32, #tpu.memory_space<hbm>> -> memref<1x8x128xf32, #tpu.memory_space<hbm>>
      %dma_start3A_1646 = tpu.memref_squeeze %dma_start3A_1645 : memref<1x8x128xf32, #tpu.memory_space<hbm>> -> memref<8x128xf32, #tpu.memory_space<hbm>>
      %dma_start3A_1647 = arith.constant 0 : i32
      %dma_start3A_1648 = arith.constant 0 : i32
      %dma_start3A_1649 = tpu.memref_slice %arg12[%dma_start3A_1639, %dma_start3A_1647, %dma_start3A_1648] : memref<4x8x128xf32, #tpu.memory_space<vmem>> -> memref<1x8x128xf32, #tpu.memory_space<vmem>>
      %dma_start3A_1650 = tpu.memref_squeeze %dma_start3A_1649 : memref<1x8x128xf32, #tpu.memory_space<vmem>> -> memref<8x128xf32, #tpu.memory_space<vmem>>
      %dma_start3A_1651 = arith.constant 0 : i32
      %dma_start3A_1652 = tpu.memref_slice %arg3[%dma_start3A_1638, %dma_start3A_1651, %multiple_of3A_1637] : memref<4x8x1000000xf32, #tpu.memory_space<hbm>> -> memref<1x8x128xf32, #tpu.memory_space<hbm>>
      %dma_start3A_1653 = tpu.memref_squeeze %dma_start3A_1652 : memref<1x8x128xf32, #tpu.memory_space<hbm>> -> memref<8x128xf32, #tpu.memory_space<hbm>>
      tpu.enqueue_dma source(%dma_start3A_1653 : memref<8x128xf32, #tpu.memory_space<hbm>>) target(%dma_start3A_1650 : memref<8x128xf32, #tpu.memory_space<vmem>>) target_semaphore(%arg21 : memref<!tpu.dma_semaphore, #tpu.memory_space<semaphore_mem>>)
      %dma_start3A_1654 = arith.constant 1 : i32
      %dma_start3A_1655 = arith.constant 1 : i32
      %dma_start3A_1656 = arith.constant 0 : i32
      %dma_start3A_1657 = arith.constant 0 : i32
      %dma_start3A_1658 = tpu.memref_slice %arg12[%dma_start3A_1655, %dma_start3A_1656, %dma_start3A_1657] : memref<4x8x128xf32, #tpu.memory_space<vmem>> -> memref<1x8x128xf32, #tpu.memory_space<vmem>>
      %dma_start3A_1659 = tpu.memref_squeeze %dma_start3A_1658 : memref<1x8x128xf32, #tpu.memory_space<vmem>> -> memref<8x128xf32, #tpu.memory_space<vmem>>
      %dma_start3A_1660 = arith.constant 0 : i32
      %dma_start3A_1661 = tpu.memref_slice %arg3[%dma_start3A_1654, %dma_start3A_1660, %multiple_of3A_1637] : memref<4x8x1000000xf32, #tpu.memory_space<hbm>> -> memref<1x8x128xf32, #tpu.memory_space<hbm>>
      %dma_start3A_1662 = tpu.memref_squeeze %dma_start3A_1661 : memref<1x8x128xf32, #tpu.memory_space<hbm>> -> memref<8x128xf32, #tpu.memory_space<hbm>>
      %dma_start3A_1663 = arith.constant 0 : i32
      %dma_start3A_1664 = arith.constant 0 : i32
      %dma_start3A_1665 = tpu.memref_slice %arg12[%dma_start3A_1655, %dma_start3A_1663, %dma_start3A_1664] : memref<4x8x128xf32, #tpu.memory_space<vmem>> -> memref<1x8x128xf32, #tpu.memory_space<vmem>>
      %dma_start3A_1666 = tpu.memref_squeeze %dma_start3A_1665 : memref<1x8x128xf32, #tpu.memory_space<vmem>> -> memref<8x128xf32, #tpu.memory_space<vmem>>
      %dma_start3A_1667 = arith.constant 0 : i32
      %dma_start3A_1668 = tpu.memref_slice %arg3[%dma_start3A_1654, %dma_start3A_1667, %multiple_of3A_1637] : memref<4x8x1000000xf32, #tpu.memory_space<hbm>> -> memref<1x8x128xf32, #tpu.memory_space<hbm>>
      %dma_start3A_1669 = tpu.memref_squeeze %dma_start3A_1668 : memref<1x8x128xf32, #tpu.memory_space<hbm>> -> memref<8x128xf32, #tpu.memory_space<hbm>>
      tpu.enqueue_dma source(%dma_start3A_1669 : memref<8x128xf32, #tpu.memory_space<hbm>>) target(%dma_start3A_1666 : memref<8x128xf32, #tpu.memory_space<vmem>>) target_semaphore(%arg21 : memref<!tpu.dma_semaphore, #tpu.memory_space<semaphore_mem>>)
      %dma_start3A_1670 = arith.constant 2 : i32
      %dma_start3A_1671 = arith.constant 2 : i32
      %dma_start3A_1672 = arith.constant 0 : i32
      %dma_start3A_1673 = arith.constant 0 : i32
      %dma_start3A_1674 = tpu.memref_slice %arg12[%dma_start3A_1671, %dma_start3A_1672, %dma_start3A_1673] : memref<4x8x128xf32, #tpu.memory_space<vmem>> -> memref<1x8x128xf32, #tpu.memory_space<vmem>>
      %dma_start3A_1675 = tpu.memref_squeeze %dma_start3A_1674 : memref<1x8x128xf32, #tpu.memory_space<vmem>> -> memref<8x128xf32, #tpu.memory_space<vmem>>
      %dma_start3A_1676 = arith.constant 0 : i32
      %dma_start3A_1677 = tpu.memref_slice %arg3[%dma_start3A_1670, %dma_start3A_1676, %multiple_of3A_1637] : memref<4x8x1000000xf32, #tpu.memory_space<hbm>> -> memref<1x8x128xf32, #tpu.memory_space<hbm>>
      %dma_start3A_1678 = tpu.memref_squeeze %dma_start3A_1677 : memref<1x8x128xf32, #tpu.memory_space<hbm>> -> memref<8x128xf32, #tpu.memory_space<hbm>>
      %dma_start3A_1679 = arith.constant 0 : i32
      %dma_start3A_1680 = arith.constant 0 : i32
      %dma_start3A_1681 = tpu.memref_slice %arg12[%dma_start3A_1671, %dma_start3A_1679, %dma_start3A_1680] : memref<4x8x128xf32, #tpu.memory_space<vmem>> -> memref<1x8x128xf32, #tpu.memory_space<vmem>>
      %dma_start3A_1682 = tpu.memref_squeeze %dma_start3A_1681 : memref<1x8x128xf32, #tpu.memory_space<vmem>> -> memref<8x128xf32, #tpu.memory_space<vmem>>
      %dma_start3A_1683 = arith.constant 0 : i32
      %dma_start3A_1684 = tpu.memref_slice %arg3[%dma_start3A_1670, %dma_start3A_1683, %multiple_of3A_1637] : memref<4x8x1000000xf32, #tpu.memory_space<hbm>> -> memref<1x8x128xf32, #tpu.memory_space<hbm>>
      %dma_start3A_1685 = tpu.memref_squeeze %dma_start3A_1684 : memref<1x8x128xf32, #tpu.memory_space<hbm>> -> memref<8x128xf32, #tpu.memory_space<hbm>>
      tpu.enqueue_dma source(%dma_start3A_1685 : memref<8x128xf32, #tpu.memory_space<hbm>>) target(%dma_start3A_1682 : memref<8x128xf32, #tpu.memory_space<vmem>>) target_semaphore(%arg21 : memref<!tpu.dma_semaphore, #tpu.memory_space<semaphore_mem>>)
      %dma_start3A_1686 = arith.constant 3 : i32
      %dma_start3A_1687 = arith.constant 3 : i32
      %dma_start3A_1688 = arith.constant 0 : i32
      %dma_start3A_1689 = arith.constant 0 : i32
      %dma_start3A_1690 = tpu.memref_slice %arg12[%dma_start3A_1687, %dma_start3A_1688, %dma_start3A_1689] : memref<4x8x128xf32, #tpu.memory_space<vmem>> -> memref<1x8x128xf32, #tpu.memory_space<vmem>>
      %dma_start3A_1691 = tpu.memref_squeeze %dma_start3A_1690 : memref<1x8x128xf32, #tpu.memory_space<vmem>> -> memref<8x128xf32, #tpu.memory_space<vmem>>
      %dma_start3A_1692 = arith.constant 0 : i32
      %dma_start3A_1693 = tpu.memref_slice %arg3[%dma_start3A_1686, %dma_start3A_1692, %multiple_of3A_1637] : memref<4x8x1000000xf32, #tpu.memory_space<hbm>> -> memref<1x8x128xf32, #tpu.memory_space<hbm>>
      %dma_start3A_1694 = tpu.memref_squeeze %dma_start3A_1693 : memref<1x8x128xf32, #tpu.memory_space<hbm>> -> memref<8x128xf32, #tpu.memory_space<hbm>>
      %dma_start3A_1695 = arith.constant 0 : i32
      %dma_start3A_1696 = arith.constant 0 : i32
      %dma_start3A_1697 = tpu.memref_slice %arg12[%dma_start3A_1687, %dma_start3A_1695, %dma_start3A_1696] : memref<4x8x128xf32, #tpu.memory_space<vmem>> -> memref<1x8x128xf32, #tpu.memory_space<vmem>>
      %dma_start3A_1698 = tpu.memref_squeeze %dma_start3A_1697 : memref<1x8x128xf32, #tpu.memory_space<vmem>> -> memref<8x128xf32, #tpu.memory_space<vmem>>
      %dma_start3A_1699 = arith.constant 0 : i32
      %dma_start3A_1700 = tpu.memref_slice %arg3[%dma_start3A_1686, %dma_start3A_1699, %multiple_of3A_1637] : memref<4x8x1000000xf32, #tpu.memory_space<hbm>> -> memref<1x8x128xf32, #tpu.memory_space<hbm>>
      %dma_start3A_1701 = tpu.memref_squeeze %dma_start3A_1700 : memref<1x8x128xf32, #tpu.memory_space<hbm>> -> memref<8x128xf32, #tpu.memory_space<hbm>>
      tpu.enqueue_dma source(%dma_start3A_1701 : memref<8x128xf32, #tpu.memory_space<hbm>>) target(%dma_start3A_1698 : memref<8x128xf32, #tpu.memory_space<vmem>>) target_semaphore(%arg21 : memref<!tpu.dma_semaphore, #tpu.memory_space<semaphore_mem>>)
      %add3A_1702 = arith.constant 6 : i32
      %add3A_1703 = arith.addi %mul3A_921, %add3A_1702 : i32
      %shift_right_arithmetic3A_1704 = arith.constant 4 : i32
      %shift_right_arithmetic3A_1705 = arith.shrsi %add3A_1703, %shift_right_arithmetic3A_1704 : i32
      %shift_left3A_1706 = arith.constant 4 : i32
      %shift_left3A_1707 = arith.shli %shift_right_arithmetic3A_1705, %shift_left3A_1706 : i32
      %get3A_1708 = arith.index_cast %shift_left3A_1707 : i32 to index
      %get3A_1709 = tpu.vector_load %arg5[%get3A_1708] {strides = array<i32>} : memref<512xi32, #tpu.memory_space<vmem>>, vector<16xi32>,
      %and3A_1710 = arith.constant 15 : i32
      %and3A_1711 = arith.andi %add3A_1703, %and3A_1710 : i32
      %eq3A_1712 = vector.broadcast %and3A_1711 : i32 to vector<16xi32>
      %eq3A_1713 = arith.cmpi eq, %iota3A, %eq3A_1712 : vector<16xi32>
      %jit3A_1714 = arith.constant 0 : i32
      %broadcast_in_dim3A_1715 = vector.broadcast %jit3A_1714 : i32 to vector<16xi32>
      %select_n3A_1716 = arith.select %eq3A_1713, %get3A_1709, %broadcast_in_dim3A_1715 : vector<16xi1>, vector<16xi32>
      %reduce_sum3A_1717 = arith.constant true
      %reduce_sum3A_1718 = vector.broadcast %reduce_sum3A_1717 : i1 to vector<16xi1>
      %reduce_sum3A_1719 = tpu.scan <sum>, %select_n3A_1716 masked %reduce_sum3A_1718 : vector<16xi32>, vector<16xi1> -> vector<16xi32>
      %reduce_sum3A_1720 = vector.extract %reduce_sum3A_1719[15] : i32 from vector<16xi32>
      %dma_wait3A_1721 = arith.constant 0 : i32
      %dma_wait3A_1722 = arith.constant 0 : i32
      %dma_wait3A_1723 = arith.constant 0 : i32
      %dma_wait3A_1724 = tpu.memref_slice %arg3[%dma_wait3A_1721, %dma_wait3A_1722, %dma_wait3A_1723] : memref<4x8x1000000xf32, #tpu.memory_space<hbm>> -> memref<4x8x128xf32, #tpu.memory_space<hbm>>
      %dma_wait3A_1725 = arith.constant 0 : i32
      %dma_wait3A_1726 = arith.constant 0 : i32
      %dma_wait3A_1727 = arith.constant 0 : i32
      %dma_wait3A_1728 = tpu.memref_slice %arg3[%dma_wait3A_1725, %dma_wait3A_1726, %dma_wait3A_1727] : memref<4x8x1000000xf32, #tpu.memory_space<hbm>> -> memref<4x8x128xf32, #tpu.memory_space<hbm>>
      tpu.wait_dma2 semaphore(%arg22 : memref<!tpu.dma_semaphore, #tpu.memory_space<semaphore_mem>>) src(%dma_wait3A_1728 : memref<4x8x128xf32, #tpu.memory_space<hbm>>) dst(%arg13 : memref<4x8x128xf32, #tpu.memory_space<vmem>>)
      %broadcast_in_dim3A_1729 = vector.broadcast %add3A_1703 : i32 to vector<16xi32>
      %lt3A_1730 = arith.constant 999936 : i32
      %lt3A_1731 = arith.cmpi slt, %reduce_sum3A_1720, %lt3A_1730 : i32
      %convert_element_type3A_1732 = arith.extui %lt3A_1731 : i1 to i32
      %cond3A_1733 = arith.constant 0 : i32
      %cond3A_1734 = arith.cmpi ne, %convert_element_type3A_1732, %cond3A_1733 : i32
      scf.if %cond3A_1734 {
        %shift_right_arithmetic3A_1962 = arith.constant 7 : i32
        %shift_right_arithmetic3A_1963 = arith.shrsi %reduce_sum3A_1720, %shift_right_arithmetic3A_1962 : i32
        %shift_left3A_1964 = arith.constant 7 : i32
        %shift_left3A_1965 = arith.shli %shift_right_arithmetic3A_1963, %shift_left3A_1964 : i32
        %min3A_1966 = arith.constant 999808 : i32
        %min3A_1967 = arith.minsi %shift_left3A_1965, %min3A_1966 : i32
        %multiple_of3A_1968 = tpu.assume_multiple %min3A_1967, 128 : i32
        %sub3A = arith.subi %reduce_sum3A_1720, %multiple_of3A_1968 : i32
        %broadcast_in_dim3A_1969 = vector.broadcast %sub3A : i32 to vector<16xi32>
        %gather3A = tpu.vector_load_idx %arg13[%shift_right_arithmetic3A_4, %and3A_6, %broadcast_in_dim3A_1969] : memref<4x8x128xf32, #tpu.memory_space<vmem>>[vector<16xi32>, vector<16xi32>, vector<16xi32>], vector<16xf32>,
        tpu.vector_store_idx %arg15[%shift_right_arithmetic3A_4, %and3A_6, %broadcast_in_dim3A_1729], %gather3A : memref<4x8x512xf32, #tpu.memory_space<vmem>>[vector<16xi32>, vector<16xi32>, vector<16xi32>], vector<16xf32>,
        %gather3A_1970 = tpu.vector_load_idx %arg13[%add3A_9, %and3A_6, %broadcast_in_dim3A_1969] : memref<4x8x128xf32, #tpu.memory_space<vmem>>[vector<16xi32>, vector<16xi32>, vector<16xi32>], vector<16xf32>,
        tpu.vector_store_idx %arg15[%add3A_9, %and3A_6, %broadcast_in_dim3A_1729], %gather3A_1970 : memref<4x8x512xf32, #tpu.memory_space<vmem>>[vector<16xi32>, vector<16xi32>, vector<16xi32>], vector<16xf32>,
      } else {
      }
      %ge3A_1735 = arith.constant 999936 : i32
      %ge3A_1736 = arith.cmpi sge, %reduce_sum3A_1720, %ge3A_1735 : i32
      %convert_element_type3A_1737 = arith.extui %ge3A_1736 : i1 to i32
      %cond3A_1738 = arith.constant 0 : i32
      %cond3A_1739 = arith.cmpi ne, %convert_element_type3A_1737, %cond3A_1738 : i32
      scf.if %cond3A_1739 {
        %sub3A = arith.constant 999936 : i32
        %sub3A_1962 = arith.subi %reduce_sum3A_1720, %sub3A : i32
        %broadcast_in_dim3A_1963 = vector.broadcast %sub3A_1962 : i32 to vector<16xi32>
        %gather3A = tpu.vector_load_idx %arg6[%shift_right_arithmetic3A_4, %and3A_6, %broadcast_in_dim3A_1963] : memref<4x8x64xf32, #tpu.memory_space<vmem>>[vector<16xi32>, vector<16xi32>, vector<16xi32>], vector<16xf32>,
        tpu.vector_store_idx %arg15[%shift_right_arithmetic3A_4, %and3A_6, %broadcast_in_dim3A_1729], %gather3A : memref<4x8x512xf32, #tpu.memory_space<vmem>>[vector<16xi32>, vector<16xi32>, vector<16xi32>], vector<16xf32>,
        %gather3A_1964 = tpu.vector_load_idx %arg6[%add3A_9, %and3A_6, %broadcast_in_dim3A_1963] : memref<4x8x64xf32, #tpu.memory_space<vmem>>[vector<16xi32>, vector<16xi32>, vector<16xi32>], vector<16xf32>,
        tpu.vector_store_idx %arg15[%add3A_9, %and3A_6, %broadcast_in_dim3A_1729], %gather3A_1964 : memref<4x8x512xf32, #tpu.memory_space<vmem>>[vector<16xi32>, vector<16xi32>, vector<16xi32>], vector<16xf32>,
      } else {
      }
      %add3A_1740 = arith.constant 6 : i32
      %add3A_1741 = arith.addi %mul3A_921, %add3A_1740 : i32
      %add3A_1742 = arith.constant 8 : i32
      %add3A_1743 = arith.addi %add3A_1741, %add3A_1742 : i32
      %shift_right_arithmetic3A_1744 = arith.constant 4 : i32
      %shift_right_arithmetic3A_1745 = arith.shrsi %add3A_1743, %shift_right_arithmetic3A_1744 : i32
      %shift_left3A_1746 = arith.constant 4 : i32
      %shift_left3A_1747 = arith.shli %shift_right_arithmetic3A_1745, %shift_left3A_1746 : i32
      %get3A_1748 = arith.index_cast %shift_left3A_1747 : i32 to index
      %get3A_1749 = tpu.vector_load %arg5[%get3A_1748] {strides = array<i32>} : memref<512xi32, #tpu.memory_space<vmem>>, vector<16xi32>,
      %and3A_1750 = arith.constant 15 : i32
      %and3A_1751 = arith.andi %add3A_1743, %and3A_1750 : i32
      %eq3A_1752 = vector.broadcast %and3A_1751 : i32 to vector<16xi32>
      %eq3A_1753 = arith.cmpi eq, %iota3A, %eq3A_1752 : vector<16xi32>
      %jit3A_1754 = arith.constant 0 : i32
      %broadcast_in_dim3A_1755 = vector.broadcast %jit3A_1754 : i32 to vector<16xi32>
      %select_n3A_1756 = arith.select %eq3A_1753, %get3A_1749, %broadcast_in_dim3A_1755 : vector<16xi1>, vector<16xi32>
      %reduce_sum3A_1757 = arith.constant true
      %reduce_sum3A_1758 = vector.broadcast %reduce_sum3A_1757 : i1 to vector<16xi1>
      %reduce_sum3A_1759 = tpu.scan <sum>, %select_n3A_1756 masked %reduce_sum3A_1758 : vector<16xi32>, vector<16xi1> -> vector<16xi32>
      %reduce_sum3A_1760 = vector.extract %reduce_sum3A_1759[15] : i32 from vector<16xi32>
      %shift_right_arithmetic3A_1761 = arith.constant 7 : i32
      %shift_right_arithmetic3A_1762 = arith.shrsi %reduce_sum3A_1760, %shift_right_arithmetic3A_1761 : i32
      %shift_left3A_1763 = arith.constant 7 : i32
      %shift_left3A_1764 = arith.shli %shift_right_arithmetic3A_1762, %shift_left3A_1763 : i32
      %min3A_1765 = arith.constant 999808 : i32
      %min3A_1766 = arith.minsi %shift_left3A_1764, %min3A_1765 : i32
      %multiple_of3A_1767 = tpu.assume_multiple %min3A_1766, 128 : i32
      %dma_start3A_1768 = arith.constant 0 : i32
      %dma_start3A_1769 = arith.constant 0 : i32
      %dma_start3A_1770 = arith.constant 0 : i32
      %dma_start3A_1771 = arith.constant 0 : i32
      %dma_start3A_1772 = tpu.memref_slice %arg13[%dma_start3A_1769, %dma_start3A_1770, %dma_start3A_1771] : memref<4x8x128xf32, #tpu.memory_space<vmem>> -> memref<1x8x128xf32, #tpu.memory_space<vmem>>
      %dma_start3A_1773 = tpu.memref_squeeze %dma_start3A_1772 : memref<1x8x128xf32, #tpu.memory_space<vmem>> -> memref<8x128xf32, #tpu.memory_space<vmem>>
      %dma_start3A_1774 = arith.constant 0 : i32
      %dma_start3A_1775 = tpu.memref_slice %arg3[%dma_start3A_1768, %dma_start3A_1774, %multiple_of3A_1767] : memref<4x8x1000000xf32, #tpu.memory_space<hbm>> -> memref<1x8x128xf32, #tpu.memory_space<hbm>>
      %dma_start3A_1776 = tpu.memref_squeeze %dma_start3A_1775 : memref<1x8x128xf32, #tpu.memory_space<hbm>> -> memref<8x128xf32, #tpu.memory_space<hbm>>
      %dma_start3A_1777 = arith.constant 0 : i32
      %dma_start3A_1778 = arith.constant 0 : i32
      %dma_start3A_1779 = tpu.memref_slice %arg13[%dma_start3A_1769, %dma_start3A_1777, %dma_start3A_1778] : memref<4x8x128xf32, #tpu.memory_space<vmem>> -> memref<1x8x128xf32, #tpu.memory_space<vmem>>
      %dma_start3A_1780 = tpu.memref_squeeze %dma_start3A_1779 : memref<1x8x128xf32, #tpu.memory_space<vmem>> -> memref<8x128xf32, #tpu.memory_space<vmem>>
      %dma_start3A_1781 = arith.constant 0 : i32
      %dma_start3A_1782 = tpu.memref_slice %arg3[%dma_start3A_1768, %dma_start3A_1781, %multiple_of3A_1767] : memref<4x8x1000000xf32, #tpu.memory_space<hbm>> -> memref<1x8x128xf32, #tpu.memory_space<hbm>>
      %dma_start3A_1783 = tpu.memref_squeeze %dma_start3A_1782 : memref<1x8x128xf32, #tpu.memory_space<hbm>> -> memref<8x128xf32, #tpu.memory_space<hbm>>
      tpu.enqueue_dma source(%dma_start3A_1783 : memref<8x128xf32, #tpu.memory_space<hbm>>) target(%dma_start3A_1780 : memref<8x128xf32, #tpu.memory_space<vmem>>) target_semaphore(%arg22 : memref<!tpu.dma_semaphore, #tpu.memory_space<semaphore_mem>>)
      %dma_start3A_1784 = arith.constant 1 : i32
      %dma_start3A_1785 = arith.constant 1 : i32
      %dma_start3A_1786 = arith.constant 0 : i32
      %dma_start3A_1787 = arith.constant 0 : i32
      %dma_start3A_1788 = tpu.memref_slice %arg13[%dma_start3A_1785, %dma_start3A_1786, %dma_start3A_1787] : memref<4x8x128xf32, #tpu.memory_space<vmem>> -> memref<1x8x128xf32, #tpu.memory_space<vmem>>
      %dma_start3A_1789 = tpu.memref_squeeze %dma_start3A_1788 : memref<1x8x128xf32, #tpu.memory_space<vmem>> -> memref<8x128xf32, #tpu.memory_space<vmem>>
      %dma_start3A_1790 = arith.constant 0 : i32
      %dma_start3A_1791 = tpu.memref_slice %arg3[%dma_start3A_1784, %dma_start3A_1790, %multiple_of3A_1767] : memref<4x8x1000000xf32, #tpu.memory_space<hbm>> -> memref<1x8x128xf32, #tpu.memory_space<hbm>>
      %dma_start3A_1792 = tpu.memref_squeeze %dma_start3A_1791 : memref<1x8x128xf32, #tpu.memory_space<hbm>> -> memref<8x128xf32, #tpu.memory_space<hbm>>
      %dma_start3A_1793 = arith.constant 0 : i32
      %dma_start3A_1794 = arith.constant 0 : i32
      %dma_start3A_1795 = tpu.memref_slice %arg13[%dma_start3A_1785, %dma_start3A_1793, %dma_start3A_1794] : memref<4x8x128xf32, #tpu.memory_space<vmem>> -> memref<1x8x128xf32, #tpu.memory_space<vmem>>
      %dma_start3A_1796 = tpu.memref_squeeze %dma_start3A_1795 : memref<1x8x128xf32, #tpu.memory_space<vmem>> -> memref<8x128xf32, #tpu.memory_space<vmem>>
      %dma_start3A_1797 = arith.constant 0 : i32
      %dma_start3A_1798 = tpu.memref_slice %arg3[%dma_start3A_1784, %dma_start3A_1797, %multiple_of3A_1767] : memref<4x8x1000000xf32, #tpu.memory_space<hbm>> -> memref<1x8x128xf32, #tpu.memory_space<hbm>>
      %dma_start3A_1799 = tpu.memref_squeeze %dma_start3A_1798 : memref<1x8x128xf32, #tpu.memory_space<hbm>> -> memref<8x128xf32, #tpu.memory_space<hbm>>
      tpu.enqueue_dma source(%dma_start3A_1799 : memref<8x128xf32, #tpu.memory_space<hbm>>) target(%dma_start3A_1796 : memref<8x128xf32, #tpu.memory_space<vmem>>) target_semaphore(%arg22 : memref<!tpu.dma_semaphore, #tpu.memory_space<semaphore_mem>>)
      %dma_start3A_1800 = arith.constant 2 : i32
      %dma_start3A_1801 = arith.constant 2 : i32
      %dma_start3A_1802 = arith.constant 0 : i32
      %dma_start3A_1803 = arith.constant 0 : i32
      %dma_start3A_1804 = tpu.memref_slice %arg13[%dma_start3A_1801, %dma_start3A_1802, %dma_start3A_1803] : memref<4x8x128xf32, #tpu.memory_space<vmem>> -> memref<1x8x128xf32, #tpu.memory_space<vmem>>
      %dma_start3A_1805 = tpu.memref_squeeze %dma_start3A_1804 : memref<1x8x128xf32, #tpu.memory_space<vmem>> -> memref<8x128xf32, #tpu.memory_space<vmem>>
      %dma_start3A_1806 = arith.constant 0 : i32
      %dma_start3A_1807 = tpu.memref_slice %arg3[%dma_start3A_1800, %dma_start3A_1806, %multiple_of3A_1767] : memref<4x8x1000000xf32, #tpu.memory_space<hbm>> -> memref<1x8x128xf32, #tpu.memory_space<hbm>>
      %dma_start3A_1808 = tpu.memref_squeeze %dma_start3A_1807 : memref<1x8x128xf32, #tpu.memory_space<hbm>> -> memref<8x128xf32, #tpu.memory_space<hbm>>
      %dma_start3A_1809 = arith.constant 0 : i32
      %dma_start3A_1810 = arith.constant 0 : i32
      %dma_start3A_1811 = tpu.memref_slice %arg13[%dma_start3A_1801, %dma_start3A_1809, %dma_start3A_1810] : memref<4x8x128xf32, #tpu.memory_space<vmem>> -> memref<1x8x128xf32, #tpu.memory_space<vmem>>
      %dma_start3A_1812 = tpu.memref_squeeze %dma_start3A_1811 : memref<1x8x128xf32, #tpu.memory_space<vmem>> -> memref<8x128xf32, #tpu.memory_space<vmem>>
      %dma_start3A_1813 = arith.constant 0 : i32
      %dma_start3A_1814 = tpu.memref_slice %arg3[%dma_start3A_1800, %dma_start3A_1813, %multiple_of3A_1767] : memref<4x8x1000000xf32, #tpu.memory_space<hbm>> -> memref<1x8x128xf32, #tpu.memory_space<hbm>>
      %dma_start3A_1815 = tpu.memref_squeeze %dma_start3A_1814 : memref<1x8x128xf32, #tpu.memory_space<hbm>> -> memref<8x128xf32, #tpu.memory_space<hbm>>
      tpu.enqueue_dma source(%dma_start3A_1815 : memref<8x128xf32, #tpu.memory_space<hbm>>) target(%dma_start3A_1812 : memref<8x128xf32, #tpu.memory_space<vmem>>) target_semaphore(%arg22 : memref<!tpu.dma_semaphore, #tpu.memory_space<semaphore_mem>>)
      %dma_start3A_1816 = arith.constant 3 : i32
      %dma_start3A_1817 = arith.constant 3 : i32
      %dma_start3A_1818 = arith.constant 0 : i32
      %dma_start3A_1819 = arith.constant 0 : i32
      %dma_start3A_1820 = tpu.memref_slice %arg13[%dma_start3A_1817, %dma_start3A_1818, %dma_start3A_1819] : memref<4x8x128xf32, #tpu.memory_space<vmem>> -> memref<1x8x128xf32, #tpu.memory_space<vmem>>
      %dma_start3A_1821 = tpu.memref_squeeze %dma_start3A_1820 : memref<1x8x128xf32, #tpu.memory_space<vmem>> -> memref<8x128xf32, #tpu.memory_space<vmem>>
      %dma_start3A_1822 = arith.constant 0 : i32
      %dma_start3A_1823 = tpu.memref_slice %arg3[%dma_start3A_1816, %dma_start3A_1822, %multiple_of3A_1767] : memref<4x8x1000000xf32, #tpu.memory_space<hbm>> -> memref<1x8x128xf32, #tpu.memory_space<hbm>>
      %dma_start3A_1824 = tpu.memref_squeeze %dma_start3A_1823 : memref<1x8x128xf32, #tpu.memory_space<hbm>> -> memref<8x128xf32, #tpu.memory_space<hbm>>
      %dma_start3A_1825 = arith.constant 0 : i32
      %dma_start3A_1826 = arith.constant 0 : i32
      %dma_start3A_1827 = tpu.memref_slice %arg13[%dma_start3A_1817, %dma_start3A_1825, %dma_start3A_1826] : memref<4x8x128xf32, #tpu.memory_space<vmem>> -> memref<1x8x128xf32, #tpu.memory_space<vmem>>
      %dma_start3A_1828 = tpu.memref_squeeze %dma_start3A_1827 : memref<1x8x128xf32, #tpu.memory_space<vmem>> -> memref<8x128xf32, #tpu.memory_space<vmem>>
      %dma_start3A_1829 = arith.constant 0 : i32
      %dma_start3A_1830 = tpu.memref_slice %arg3[%dma_start3A_1816, %dma_start3A_1829, %multiple_of3A_1767] : memref<4x8x1000000xf32, #tpu.memory_space<hbm>> -> memref<1x8x128xf32, #tpu.memory_space<hbm>>
      %dma_start3A_1831 = tpu.memref_squeeze %dma_start3A_1830 : memref<1x8x128xf32, #tpu.memory_space<hbm>> -> memref<8x128xf32, #tpu.memory_space<hbm>>
      tpu.enqueue_dma source(%dma_start3A_1831 : memref<8x128xf32, #tpu.memory_space<hbm>>) target(%dma_start3A_1828 : memref<8x128xf32, #tpu.memory_space<vmem>>) target_semaphore(%arg22 : memref<!tpu.dma_semaphore, #tpu.memory_space<semaphore_mem>>)
      %add3A_1832 = arith.constant 7 : i32
      %add3A_1833 = arith.addi %mul3A_921, %add3A_1832 : i32
      %shift_right_arithmetic3A_1834 = arith.constant 4 : i32
      %shift_right_arithmetic3A_1835 = arith.shrsi %add3A_1833, %shift_right_arithmetic3A_1834 : i32
      %shift_left3A_1836 = arith.constant 4 : i32
      %shift_left3A_1837 = arith.shli %shift_right_arithmetic3A_1835, %shift_left3A_1836 : i32
      %get3A_1838 = arith.index_cast %shift_left3A_1837 : i32 to index
      %get3A_1839 = tpu.vector_load %arg5[%get3A_1838] {strides = array<i32>} : memref<512xi32, #tpu.memory_space<vmem>>, vector<16xi32>,
      %and3A_1840 = arith.constant 15 : i32
      %and3A_1841 = arith.andi %add3A_1833, %and3A_1840 : i32
      %eq3A_1842 = vector.broadcast %and3A_1841 : i32 to vector<16xi32>
      %eq3A_1843 = arith.cmpi eq, %iota3A, %eq3A_1842 : vector<16xi32>
      %jit3A_1844 = arith.constant 0 : i32
      %broadcast_in_dim3A_1845 = vector.broadcast %jit3A_1844 : i32 to vector<16xi32>
      %select_n3A_1846 = arith.select %eq3A_1843, %get3A_1839, %broadcast_in_dim3A_1845 : vector<16xi1>, vector<16xi32>
      %reduce_sum3A_1847 = arith.constant true
      %reduce_sum3A_1848 = vector.broadcast %reduce_sum3A_1847 : i1 to vector<16xi1>
      %reduce_sum3A_1849 = tpu.scan <sum>, %select_n3A_1846 masked %reduce_sum3A_1848 : vector<16xi32>, vector<16xi1> -> vector<16xi32>
      %reduce_sum3A_1850 = vector.extract %reduce_sum3A_1849[15] : i32 from vector<16xi32>
      %dma_wait3A_1851 = arith.constant 0 : i32
      %dma_wait3A_1852 = arith.constant 0 : i32
      %dma_wait3A_1853 = arith.constant 0 : i32
      %dma_wait3A_1854 = tpu.memref_slice %arg3[%dma_wait3A_1851, %dma_wait3A_1852, %dma_wait3A_1853] : memref<4x8x1000000xf32, #tpu.memory_space<hbm>> -> memref<4x8x128xf32, #tpu.memory_space<hbm>>
      %dma_wait3A_1855 = arith.constant 0 : i32
      %dma_wait3A_1856 = arith.constant 0 : i32
      %dma_wait3A_1857 = arith.constant 0 : i32
      %dma_wait3A_1858 = tpu.memref_slice %arg3[%dma_wait3A_1855, %dma_wait3A_1856, %dma_wait3A_1857] : memref<4x8x1000000xf32, #tpu.memory_space<hbm>> -> memref<4x8x128xf32, #tpu.memory_space<hbm>>
      tpu.wait_dma2 semaphore(%arg23 : memref<!tpu.dma_semaphore, #tpu.memory_space<semaphore_mem>>) src(%dma_wait3A_1858 : memref<4x8x128xf32, #tpu.memory_space<hbm>>) dst(%arg14 : memref<4x8x128xf32, #tpu.memory_space<vmem>>)
      %broadcast_in_dim3A_1859 = vector.broadcast %add3A_1833 : i32 to vector<16xi32>
      %lt3A_1860 = arith.constant 999936 : i32
      %lt3A_1861 = arith.cmpi slt, %reduce_sum3A_1850, %lt3A_1860 : i32
      %convert_element_type3A_1862 = arith.extui %lt3A_1861 : i1 to i32
      %cond3A_1863 = arith.constant 0 : i32
      %cond3A_1864 = arith.cmpi ne, %convert_element_type3A_1862, %cond3A_1863 : i32
      scf.if %cond3A_1864 {
        %shift_right_arithmetic3A_1962 = arith.constant 7 : i32
        %shift_right_arithmetic3A_1963 = arith.shrsi %reduce_sum3A_1850, %shift_right_arithmetic3A_1962 : i32
        %shift_left3A_1964 = arith.constant 7 : i32
        %shift_left3A_1965 = arith.shli %shift_right_arithmetic3A_1963, %shift_left3A_1964 : i32
        %min3A_1966 = arith.constant 999808 : i32
        %min3A_1967 = arith.minsi %shift_left3A_1965, %min3A_1966 : i32
        %multiple_of3A_1968 = tpu.assume_multiple %min3A_1967, 128 : i32
        %sub3A = arith.subi %reduce_sum3A_1850, %multiple_of3A_1968 : i32
        %broadcast_in_dim3A_1969 = vector.broadcast %sub3A : i32 to vector<16xi32>
        %gather3A = tpu.vector_load_idx %arg14[%shift_right_arithmetic3A_4, %and3A_6, %broadcast_in_dim3A_1969] : memref<4x8x128xf32, #tpu.memory_space<vmem>>[vector<16xi32>, vector<16xi32>, vector<16xi32>], vector<16xf32>,
        tpu.vector_store_idx %arg15[%shift_right_arithmetic3A_4, %and3A_6, %broadcast_in_dim3A_1859], %gather3A : memref<4x8x512xf32, #tpu.memory_space<vmem>>[vector<16xi32>, vector<16xi32>, vector<16xi32>], vector<16xf32>,
        %gather3A_1970 = tpu.vector_load_idx %arg14[%add3A_9, %and3A_6, %broadcast_in_dim3A_1969] : memref<4x8x128xf32, #tpu.memory_space<vmem>>[vector<16xi32>, vector<16xi32>, vector<16xi32>], vector<16xf32>,
        tpu.vector_store_idx %arg15[%add3A_9, %and3A_6, %broadcast_in_dim3A_1859], %gather3A_1970 : memref<4x8x512xf32, #tpu.memory_space<vmem>>[vector<16xi32>, vector<16xi32>, vector<16xi32>], vector<16xf32>,
      } else {
      }
      %ge3A_1865 = arith.constant 999936 : i32
      %ge3A_1866 = arith.cmpi sge, %reduce_sum3A_1850, %ge3A_1865 : i32
      %convert_element_type3A_1867 = arith.extui %ge3A_1866 : i1 to i32
      %cond3A_1868 = arith.constant 0 : i32
      %cond3A_1869 = arith.cmpi ne, %convert_element_type3A_1867, %cond3A_1868 : i32
      scf.if %cond3A_1869 {
        %sub3A = arith.constant 999936 : i32
        %sub3A_1962 = arith.subi %reduce_sum3A_1850, %sub3A : i32
        %broadcast_in_dim3A_1963 = vector.broadcast %sub3A_1962 : i32 to vector<16xi32>
        %gather3A = tpu.vector_load_idx %arg6[%shift_right_arithmetic3A_4, %and3A_6, %broadcast_in_dim3A_1963] : memref<4x8x64xf32, #tpu.memory_space<vmem>>[vector<16xi32>, vector<16xi32>, vector<16xi32>], vector<16xf32>,
        tpu.vector_store_idx %arg15[%shift_right_arithmetic3A_4, %and3A_6, %broadcast_in_dim3A_1859], %gather3A : memref<4x8x512xf32, #tpu.memory_space<vmem>>[vector<16xi32>, vector<16xi32>, vector<16xi32>], vector<16xf32>,
        %gather3A_1964 = tpu.vector_load_idx %arg6[%add3A_9, %and3A_6, %broadcast_in_dim3A_1963] : memref<4x8x64xf32, #tpu.memory_space<vmem>>[vector<16xi32>, vector<16xi32>, vector<16xi32>], vector<16xf32>,
        tpu.vector_store_idx %arg15[%add3A_9, %and3A_6, %broadcast_in_dim3A_1859], %gather3A_1964 : memref<4x8x512xf32, #tpu.memory_space<vmem>>[vector<16xi32>, vector<16xi32>, vector<16xi32>], vector<16xf32>,
      } else {
      }
      %add3A_1870 = arith.constant 7 : i32
      %add3A_1871 = arith.addi %mul3A_921, %add3A_1870 : i32
      %add3A_1872 = arith.constant 8 : i32
      %add3A_1873 = arith.addi %add3A_1871, %add3A_1872 : i32
      %shift_right_arithmetic3A_1874 = arith.constant 4 : i32
      %shift_right_arithmetic3A_1875 = arith.shrsi %add3A_1873, %shift_right_arithmetic3A_1874 : i32
      %shift_left3A_1876 = arith.constant 4 : i32
      %shift_left3A_1877 = arith.shli %shift_right_arithmetic3A_1875, %shift_left3A_1876 : i32
      %get3A_1878 = arith.index_cast %shift_left3A_1877 : i32 to index
      %get3A_1879 = tpu.vector_load %arg5[%get3A_1878] {strides = array<i32>} : memref<512xi32, #tpu.memory_space<vmem>>, vector<16xi32>,
      %and3A_1880 = arith.constant 15 : i32
      %and3A_1881 = arith.andi %add3A_1873, %and3A_1880 : i32
      %eq3A_1882 = vector.broadcast %and3A_1881 : i32 to vector<16xi32>
      %eq3A_1883 = arith.cmpi eq, %iota3A, %eq3A_1882 : vector<16xi32>
      %jit3A_1884 = arith.constant 0 : i32
      %broadcast_in_dim3A_1885 = vector.broadcast %jit3A_1884 : i32 to vector<16xi32>
      %select_n3A_1886 = arith.select %eq3A_1883, %get3A_1879, %broadcast_in_dim3A_1885 : vector<16xi1>, vector<16xi32>
      %reduce_sum3A_1887 = arith.constant true
      %reduce_sum3A_1888 = vector.broadcast %reduce_sum3A_1887 : i1 to vector<16xi1>
      %reduce_sum3A_1889 = tpu.scan <sum>, %select_n3A_1886 masked %reduce_sum3A_1888 : vector<16xi32>, vector<16xi1> -> vector<16xi32>
      %reduce_sum3A_1890 = vector.extract %reduce_sum3A_1889[15] : i32 from vector<16xi32>
      %shift_right_arithmetic3A_1891 = arith.constant 7 : i32
      %shift_right_arithmetic3A_1892 = arith.shrsi %reduce_sum3A_1890, %shift_right_arithmetic3A_1891 : i32
      %shift_left3A_1893 = arith.constant 7 : i32
      %shift_left3A_1894 = arith.shli %shift_right_arithmetic3A_1892, %shift_left3A_1893 : i32
      %min3A_1895 = arith.constant 999808 : i32
      %min3A_1896 = arith.minsi %shift_left3A_1894, %min3A_1895 : i32
      %multiple_of3A_1897 = tpu.assume_multiple %min3A_1896, 128 : i32
      %dma_start3A_1898 = arith.constant 0 : i32
      %dma_start3A_1899 = arith.constant 0 : i32
      %dma_start3A_1900 = arith.constant 0 : i32
      %dma_start3A_1901 = arith.constant 0 : i32
      %dma_start3A_1902 = tpu.memref_slice %arg14[%dma_start3A_1899, %dma_start3A_1900, %dma_start3A_1901] : memref<4x8x128xf32, #tpu.memory_space<vmem>> -> memref<1x8x128xf32, #tpu.memory_space<vmem>>
      %dma_start3A_1903 = tpu.memref_squeeze %dma_start3A_1902 : memref<1x8x128xf32, #tpu.memory_space<vmem>> -> memref<8x128xf32, #tpu.memory_space<vmem>>
      %dma_start3A_1904 = arith.constant 0 : i32
      %dma_start3A_1905 = tpu.memref_slice %arg3[%dma_start3A_1898, %dma_start3A_1904, %multiple_of3A_1897] : memref<4x8x1000000xf32, #tpu.memory_space<hbm>> -> memref<1x8x128xf32, #tpu.memory_space<hbm>>
      %dma_start3A_1906 = tpu.memref_squeeze %dma_start3A_1905 : memref<1x8x128xf32, #tpu.memory_space<hbm>> -> memref<8x128xf32, #tpu.memory_space<hbm>>
      %dma_start3A_1907 = arith.constant 0 : i32
      %dma_start3A_1908 = arith.constant 0 : i32
      %dma_start3A_1909 = tpu.memref_slice %arg14[%dma_start3A_1899, %dma_start3A_1907, %dma_start3A_1908] : memref<4x8x128xf32, #tpu.memory_space<vmem>> -> memref<1x8x128xf32, #tpu.memory_space<vmem>>
      %dma_start3A_1910 = tpu.memref_squeeze %dma_start3A_1909 : memref<1x8x128xf32, #tpu.memory_space<vmem>> -> memref<8x128xf32, #tpu.memory_space<vmem>>
      %dma_start3A_1911 = arith.constant 0 : i32
      %dma_start3A_1912 = tpu.memref_slice %arg3[%dma_start3A_1898, %dma_start3A_1911, %multiple_of3A_1897] : memref<4x8x1000000xf32, #tpu.memory_space<hbm>> -> memref<1x8x128xf32, #tpu.memory_space<hbm>>
      %dma_start3A_1913 = tpu.memref_squeeze %dma_start3A_1912 : memref<1x8x128xf32, #tpu.memory_space<hbm>> -> memref<8x128xf32, #tpu.memory_space<hbm>>
      tpu.enqueue_dma source(%dma_start3A_1913 : memref<8x128xf32, #tpu.memory_space<hbm>>) target(%dma_start3A_1910 : memref<8x128xf32, #tpu.memory_space<vmem>>) target_semaphore(%arg23 : memref<!tpu.dma_semaphore, #tpu.memory_space<semaphore_mem>>)
      %dma_start3A_1914 = arith.constant 1 : i32
      %dma_start3A_1915 = arith.constant 1 : i32
      %dma_start3A_1916 = arith.constant 0 : i32
      %dma_start3A_1917 = arith.constant 0 : i32
      %dma_start3A_1918 = tpu.memref_slice %arg14[%dma_start3A_1915, %dma_start3A_1916, %dma_start3A_1917] : memref<4x8x128xf32, #tpu.memory_space<vmem>> -> memref<1x8x128xf32, #tpu.memory_space<vmem>>
      %dma_start3A_1919 = tpu.memref_squeeze %dma_start3A_1918 : memref<1x8x128xf32, #tpu.memory_space<vmem>> -> memref<8x128xf32, #tpu.memory_space<vmem>>
      %dma_start3A_1920 = arith.constant 0 : i32
      %dma_start3A_1921 = tpu.memref_slice %arg3[%dma_start3A_1914, %dma_start3A_1920, %multiple_of3A_1897] : memref<4x8x1000000xf32, #tpu.memory_space<hbm>> -> memref<1x8x128xf32, #tpu.memory_space<hbm>>
      %dma_start3A_1922 = tpu.memref_squeeze %dma_start3A_1921 : memref<1x8x128xf32, #tpu.memory_space<hbm>> -> memref<8x128xf32, #tpu.memory_space<hbm>>
      %dma_start3A_1923 = arith.constant 0 : i32
      %dma_start3A_1924 = arith.constant 0 : i32
      %dma_start3A_1925 = tpu.memref_slice %arg14[%dma_start3A_1915, %dma_start3A_1923, %dma_start3A_1924] : memref<4x8x128xf32, #tpu.memory_space<vmem>> -> memref<1x8x128xf32, #tpu.memory_space<vmem>>
      %dma_start3A_1926 = tpu.memref_squeeze %dma_start3A_1925 : memref<1x8x128xf32, #tpu.memory_space<vmem>> -> memref<8x128xf32, #tpu.memory_space<vmem>>
      %dma_start3A_1927 = arith.constant 0 : i32
      %dma_start3A_1928 = tpu.memref_slice %arg3[%dma_start3A_1914, %dma_start3A_1927, %multiple_of3A_1897] : memref<4x8x1000000xf32, #tpu.memory_space<hbm>> -> memref<1x8x128xf32, #tpu.memory_space<hbm>>
      %dma_start3A_1929 = tpu.memref_squeeze %dma_start3A_1928 : memref<1x8x128xf32, #tpu.memory_space<hbm>> -> memref<8x128xf32, #tpu.memory_space<hbm>>
      tpu.enqueue_dma source(%dma_start3A_1929 : memref<8x128xf32, #tpu.memory_space<hbm>>) target(%dma_start3A_1926 : memref<8x128xf32, #tpu.memory_space<vmem>>) target_semaphore(%arg23 : memref<!tpu.dma_semaphore, #tpu.memory_space<semaphore_mem>>)
      %dma_start3A_1930 = arith.constant 2 : i32
      %dma_start3A_1931 = arith.constant 2 : i32
      %dma_start3A_1932 = arith.constant 0 : i32
      %dma_start3A_1933 = arith.constant 0 : i32
      %dma_start3A_1934 = tpu.memref_slice %arg14[%dma_start3A_1931, %dma_start3A_1932, %dma_start3A_1933] : memref<4x8x128xf32, #tpu.memory_space<vmem>> -> memref<1x8x128xf32, #tpu.memory_space<vmem>>
      %dma_start3A_1935 = tpu.memref_squeeze %dma_start3A_1934 : memref<1x8x128xf32, #tpu.memory_space<vmem>> -> memref<8x128xf32, #tpu.memory_space<vmem>>
      %dma_start3A_1936 = arith.constant 0 : i32
      %dma_start3A_1937 = tpu.memref_slice %arg3[%dma_start3A_1930, %dma_start3A_1936, %multiple_of3A_1897] : memref<4x8x1000000xf32, #tpu.memory_space<hbm>> -> memref<1x8x128xf32, #tpu.memory_space<hbm>>
      %dma_start3A_1938 = tpu.memref_squeeze %dma_start3A_1937 : memref<1x8x128xf32, #tpu.memory_space<hbm>> -> memref<8x128xf32, #tpu.memory_space<hbm>>
      %dma_start3A_1939 = arith.constant 0 : i32
      %dma_start3A_1940 = arith.constant 0 : i32
      %dma_start3A_1941 = tpu.memref_slice %arg14[%dma_start3A_1931, %dma_start3A_1939, %dma_start3A_1940] : memref<4x8x128xf32, #tpu.memory_space<vmem>> -> memref<1x8x128xf32, #tpu.memory_space<vmem>>
      %dma_start3A_1942 = tpu.memref_squeeze %dma_start3A_1941 : memref<1x8x128xf32, #tpu.memory_space<vmem>> -> memref<8x128xf32, #tpu.memory_space<vmem>>
      %dma_start3A_1943 = arith.constant 0 : i32
      %dma_start3A_1944 = tpu.memref_slice %arg3[%dma_start3A_1930, %dma_start3A_1943, %multiple_of3A_1897] : memref<4x8x1000000xf32, #tpu.memory_space<hbm>> -> memref<1x8x128xf32, #tpu.memory_space<hbm>>
      %dma_start3A_1945 = tpu.memref_squeeze %dma_start3A_1944 : memref<1x8x128xf32, #tpu.memory_space<hbm>> -> memref<8x128xf32, #tpu.memory_space<hbm>>
      tpu.enqueue_dma source(%dma_start3A_1945 : memref<8x128xf32, #tpu.memory_space<hbm>>) target(%dma_start3A_1942 : memref<8x128xf32, #tpu.memory_space<vmem>>) target_semaphore(%arg23 : memref<!tpu.dma_semaphore, #tpu.memory_space<semaphore_mem>>)
      %dma_start3A_1946 = arith.constant 3 : i32
      %dma_start3A_1947 = arith.constant 3 : i32
      %dma_start3A_1948 = arith.constant 0 : i32
      %dma_start3A_1949 = arith.constant 0 : i32
      %dma_start3A_1950 = tpu.memref_slice %arg14[%dma_start3A_1947, %dma_start3A_1948, %dma_start3A_1949] : memref<4x8x128xf32, #tpu.memory_space<vmem>> -> memref<1x8x128xf32, #tpu.memory_space<vmem>>
      %dma_start3A_1951 = tpu.memref_squeeze %dma_start3A_1950 : memref<1x8x128xf32, #tpu.memory_space<vmem>> -> memref<8x128xf32, #tpu.memory_space<vmem>>
      %dma_start3A_1952 = arith.constant 0 : i32
      %dma_start3A_1953 = tpu.memref_slice %arg3[%dma_start3A_1946, %dma_start3A_1952, %multiple_of3A_1897] : memref<4x8x1000000xf32, #tpu.memory_space<hbm>> -> memref<1x8x128xf32, #tpu.memory_space<hbm>>
      %dma_start3A_1954 = tpu.memref_squeeze %dma_start3A_1953 : memref<1x8x128xf32, #tpu.memory_space<hbm>> -> memref<8x128xf32, #tpu.memory_space<hbm>>
      %dma_start3A_1955 = arith.constant 0 : i32
      %dma_start3A_1956 = arith.constant 0 : i32
      %dma_start3A_1957 = tpu.memref_slice %arg14[%dma_start3A_1947, %dma_start3A_1955, %dma_start3A_1956] : memref<4x8x128xf32, #tpu.memory_space<vmem>> -> memref<1x8x128xf32, #tpu.memory_space<vmem>>
      %dma_start3A_1958 = tpu.memref_squeeze %dma_start3A_1957 : memref<1x8x128xf32, #tpu.memory_space<vmem>> -> memref<8x128xf32, #tpu.memory_space<vmem>>
      %dma_start3A_1959 = arith.constant 0 : i32
      %dma_start3A_1960 = tpu.memref_slice %arg3[%dma_start3A_1946, %dma_start3A_1959, %multiple_of3A_1897] : memref<4x8x1000000xf32, #tpu.memory_space<hbm>> -> memref<1x8x128xf32, #tpu.memory_space<hbm>>
      %dma_start3A_1961 = tpu.memref_squeeze %dma_start3A_1960 : memref<1x8x128xf32, #tpu.memory_space<hbm>> -> memref<8x128xf32, #tpu.memory_space<hbm>>
      tpu.enqueue_dma source(%dma_start3A_1961 : memref<8x128xf32, #tpu.memory_space<hbm>>) target(%dma_start3A_1958 : memref<8x128xf32, #tpu.memory_space<vmem>>) target_semaphore(%arg23 : memref<!tpu.dma_semaphore, #tpu.memory_space<semaphore_mem>>)
    }
    %scan3A_667 = arith.constant 63 : i32
    %get3A_668 = arith.constant 496 : index
    %get3A_669 = tpu.vector_load %arg5[%get3A_668] {strides = array<i32>} : memref<512xi32, #tpu.memory_space<vmem>>, vector<16xi32>,
    %eq3A_670 = arith.constant 8 : i32
    %eq3A_671 = vector.broadcast %eq3A_670 : i32 to vector<16xi32>
    %eq3A_672 = arith.cmpi eq, %iota3A, %eq3A_671 : vector<16xi32>
    %jit3A_673 = arith.constant 0 : i32
    %broadcast_in_dim3A_674 = vector.broadcast %jit3A_673 : i32 to vector<16xi32>
    %select_n3A_675 = arith.select %eq3A_672, %get3A_669, %broadcast_in_dim3A_674 : vector<16xi1>, vector<16xi32>
    %reduce_sum3A_676 = arith.constant true
    %reduce_sum3A_677 = vector.broadcast %reduce_sum3A_676 : i1 to vector<16xi1>
    %reduce_sum3A_678 = tpu.scan <sum>, %select_n3A_675 masked %reduce_sum3A_677 : vector<16xi32>, vector<16xi1> -> vector<16xi32>
    %reduce_sum3A_679 = vector.extract %reduce_sum3A_678[15] : i32 from vector<16xi32>
    %dma_wait3A = arith.constant 0 : i32
    %dma_wait3A_680 = arith.constant 0 : i32
    %dma_wait3A_681 = arith.constant 0 : i32
    %dma_wait3A_682 = tpu.memref_slice %arg3[%dma_wait3A, %dma_wait3A_680, %dma_wait3A_681] : memref<4x8x1000000xf32, #tpu.memory_space<hbm>> -> memref<4x8x128xf32, #tpu.memory_space<hbm>>
    %dma_wait3A_683 = arith.constant 0 : i32
    %dma_wait3A_684 = arith.constant 0 : i32
    %dma_wait3A_685 = arith.constant 0 : i32
    %dma_wait3A_686 = tpu.memref_slice %arg3[%dma_wait3A_683, %dma_wait3A_684, %dma_wait3A_685] : memref<4x8x1000000xf32, #tpu.memory_space<hbm>> -> memref<4x8x128xf32, #tpu.memory_space<hbm>>
    tpu.wait_dma2 semaphore(%arg16 : memref<!tpu.dma_semaphore, #tpu.memory_space<semaphore_mem>>) src(%dma_wait3A_686 : memref<4x8x128xf32, #tpu.memory_space<hbm>>) dst(%arg7 : memref<4x8x128xf32, #tpu.memory_space<vmem>>)
    %broadcast_in_dim3A_687 = arith.constant 504 : i32
    %broadcast_in_dim3A_688 = vector.broadcast %broadcast_in_dim3A_687 : i32 to vector<16xi32>
    %lt3A = arith.constant 999936 : i32
    %lt3A_689 = arith.cmpi slt, %reduce_sum3A_679, %lt3A : i32
    %convert_element_type3A = arith.extui %lt3A_689 : i1 to i32
    %cond3A = arith.constant 0 : i32
    %cond3A_690 = arith.cmpi ne, %convert_element_type3A, %cond3A : i32
    scf.if %cond3A_690 {
      %shift_right_arithmetic3A_919 = arith.constant 7 : i32
      %shift_right_arithmetic3A_920 = arith.shrsi %reduce_sum3A_679, %shift_right_arithmetic3A_919 : i32
      %shift_left3A_921 = arith.constant 7 : i32
      %shift_left3A_922 = arith.shli %shift_right_arithmetic3A_920, %shift_left3A_921 : i32
      %min3A_923 = arith.constant 999808 : i32
      %min3A_924 = arith.minsi %shift_left3A_922, %min3A_923 : i32
      %multiple_of3A_925 = tpu.assume_multiple %min3A_924, 128 : i32
      %sub3A = arith.subi %reduce_sum3A_679, %multiple_of3A_925 : i32
      %broadcast_in_dim3A_926 = vector.broadcast %sub3A : i32 to vector<16xi32>
      %gather3A = tpu.vector_load_idx %arg7[%shift_right_arithmetic3A_4, %and3A_6, %broadcast_in_dim3A_926] : memref<4x8x128xf32, #tpu.memory_space<vmem>>[vector<16xi32>, vector<16xi32>, vector<16xi32>], vector<16xf32>,
      tpu.vector_store_idx %arg15[%shift_right_arithmetic3A_4, %and3A_6, %broadcast_in_dim3A_688], %gather3A : memref<4x8x512xf32, #tpu.memory_space<vmem>>[vector<16xi32>, vector<16xi32>, vector<16xi32>], vector<16xf32>,
      %gather3A_927 = tpu.vector_load_idx %arg7[%add3A_9, %and3A_6, %broadcast_in_dim3A_926] : memref<4x8x128xf32, #tpu.memory_space<vmem>>[vector<16xi32>, vector<16xi32>, vector<16xi32>], vector<16xf32>,
      tpu.vector_store_idx %arg15[%add3A_9, %and3A_6, %broadcast_in_dim3A_688], %gather3A_927 : memref<4x8x512xf32, #tpu.memory_space<vmem>>[vector<16xi32>, vector<16xi32>, vector<16xi32>], vector<16xf32>,
    } else {
    }
    %ge3A = arith.constant 999936 : i32
    %ge3A_691 = arith.cmpi sge, %reduce_sum3A_679, %ge3A : i32
    %convert_element_type3A_692 = arith.extui %ge3A_691 : i1 to i32
    %cond3A_693 = arith.constant 0 : i32
    %cond3A_694 = arith.cmpi ne, %convert_element_type3A_692, %cond3A_693 : i32
    scf.if %cond3A_694 {
      %sub3A = arith.constant 999936 : i32
      %sub3A_919 = arith.subi %reduce_sum3A_679, %sub3A : i32
      %broadcast_in_dim3A_920 = vector.broadcast %sub3A_919 : i32 to vector<16xi32>
      %gather3A = tpu.vector_load_idx %arg6[%shift_right_arithmetic3A_4, %and3A_6, %broadcast_in_dim3A_920] : memref<4x8x64xf32, #tpu.memory_space<vmem>>[vector<16xi32>, vector<16xi32>, vector<16xi32>], vector<16xf32>,
      tpu.vector_store_idx %arg15[%shift_right_arithmetic3A_4, %and3A_6, %broadcast_in_dim3A_688], %gather3A : memref<4x8x512xf32, #tpu.memory_space<vmem>>[vector<16xi32>, vector<16xi32>, vector<16xi32>], vector<16xf32>,
      %gather3A_921 = tpu.vector_load_idx %arg6[%add3A_9, %and3A_6, %broadcast_in_dim3A_920] : memref<4x8x64xf32, #tpu.memory_space<vmem>>[vector<16xi32>, vector<16xi32>, vector<16xi32>], vector<16xf32>,
      tpu.vector_store_idx %arg15[%add3A_9, %and3A_6, %broadcast_in_dim3A_688], %gather3A_921 : memref<4x8x512xf32, #tpu.memory_space<vmem>>[vector<16xi32>, vector<16xi32>, vector<16xi32>], vector<16xf32>,
    } else {
    }
    %get3A_695 = arith.constant 496 : index
    %get3A_696 = tpu.vector_load %arg5[%get3A_695] {strides = array<i32>} : memref<512xi32, #tpu.memory_space<vmem>>, vector<16xi32>,
    %eq3A_697 = arith.constant 9 : i32
    %eq3A_698 = vector.broadcast %eq3A_697 : i32 to vector<16xi32>
    %eq3A_699 = arith.cmpi eq, %iota3A, %eq3A_698 : vector<16xi32>
    %jit3A_700 = arith.constant 0 : i32
    %broadcast_in_dim3A_701 = vector.broadcast %jit3A_700 : i32 to vector<16xi32>
    %select_n3A_702 = arith.select %eq3A_699, %get3A_696, %broadcast_in_dim3A_701 : vector<16xi1>, vector<16xi32>
    %reduce_sum3A_703 = arith.constant true
    %reduce_sum3A_704 = vector.broadcast %reduce_sum3A_703 : i1 to vector<16xi1>
    %reduce_sum3A_705 = tpu.scan <sum>, %select_n3A_702 masked %reduce_sum3A_704 : vector<16xi32>, vector<16xi1> -> vector<16xi32>
    %reduce_sum3A_706 = vector.extract %reduce_sum3A_705[15] : i32 from vector<16xi32>
    %dma_wait3A_707 = arith.constant 0 : i32
    %dma_wait3A_708 = arith.constant 0 : i32
    %dma_wait3A_709 = arith.constant 0 : i32
    %dma_wait3A_710 = tpu.memref_slice %arg3[%dma_wait3A_707, %dma_wait3A_708, %dma_wait3A_709] : memref<4x8x1000000xf32, #tpu.memory_space<hbm>> -> memref<4x8x128xf32, #tpu.memory_space<hbm>>
    %dma_wait3A_711 = arith.constant 0 : i32
    %dma_wait3A_712 = arith.constant 0 : i32
    %dma_wait3A_713 = arith.constant 0 : i32
    %dma_wait3A_714 = tpu.memref_slice %arg3[%dma_wait3A_711, %dma_wait3A_712, %dma_wait3A_713] : memref<4x8x1000000xf32, #tpu.memory_space<hbm>> -> memref<4x8x128xf32, #tpu.memory_space<hbm>>
    tpu.wait_dma2 semaphore(%arg17 : memref<!tpu.dma_semaphore, #tpu.memory_space<semaphore_mem>>) src(%dma_wait3A_714 : memref<4x8x128xf32, #tpu.memory_space<hbm>>) dst(%arg8 : memref<4x8x128xf32, #tpu.memory_space<vmem>>)
    %broadcast_in_dim3A_715 = arith.constant 505 : i32
    %broadcast_in_dim3A_716 = vector.broadcast %broadcast_in_dim3A_715 : i32 to vector<16xi32>
    %lt3A_717 = arith.constant 999936 : i32
    %lt3A_718 = arith.cmpi slt, %reduce_sum3A_706, %lt3A_717 : i32
    %convert_element_type3A_719 = arith.extui %lt3A_718 : i1 to i32
    %cond3A_720 = arith.constant 0 : i32
    %cond3A_721 = arith.cmpi ne, %convert_element_type3A_719, %cond3A_720 : i32
    scf.if %cond3A_721 {
      %shift_right_arithmetic3A_919 = arith.constant 7 : i32
      %shift_right_arithmetic3A_920 = arith.shrsi %reduce_sum3A_706, %shift_right_arithmetic3A_919 : i32
      %shift_left3A_921 = arith.constant 7 : i32
      %shift_left3A_922 = arith.shli %shift_right_arithmetic3A_920, %shift_left3A_921 : i32
      %min3A_923 = arith.constant 999808 : i32
      %min3A_924 = arith.minsi %shift_left3A_922, %min3A_923 : i32
      %multiple_of3A_925 = tpu.assume_multiple %min3A_924, 128 : i32
      %sub3A = arith.subi %reduce_sum3A_706, %multiple_of3A_925 : i32
      %broadcast_in_dim3A_926 = vector.broadcast %sub3A : i32 to vector<16xi32>
      %gather3A = tpu.vector_load_idx %arg8[%shift_right_arithmetic3A_4, %and3A_6, %broadcast_in_dim3A_926] : memref<4x8x128xf32, #tpu.memory_space<vmem>>[vector<16xi32>, vector<16xi32>, vector<16xi32>], vector<16xf32>,
      tpu.vector_store_idx %arg15[%shift_right_arithmetic3A_4, %and3A_6, %broadcast_in_dim3A_716], %gather3A : memref<4x8x512xf32, #tpu.memory_space<vmem>>[vector<16xi32>, vector<16xi32>, vector<16xi32>], vector<16xf32>,
      %gather3A_927 = tpu.vector_load_idx %arg8[%add3A_9, %and3A_6, %broadcast_in_dim3A_926] : memref<4x8x128xf32, #tpu.memory_space<vmem>>[vector<16xi32>, vector<16xi32>, vector<16xi32>], vector<16xf32>,
      tpu.vector_store_idx %arg15[%add3A_9, %and3A_6, %broadcast_in_dim3A_716], %gather3A_927 : memref<4x8x512xf32, #tpu.memory_space<vmem>>[vector<16xi32>, vector<16xi32>, vector<16xi32>], vector<16xf32>,
    } else {
    }
    %ge3A_722 = arith.constant 999936 : i32
    %ge3A_723 = arith.cmpi sge, %reduce_sum3A_706, %ge3A_722 : i32
    %convert_element_type3A_724 = arith.extui %ge3A_723 : i1 to i32
    %cond3A_725 = arith.constant 0 : i32
    %cond3A_726 = arith.cmpi ne, %convert_element_type3A_724, %cond3A_725 : i32
    scf.if %cond3A_726 {
      %sub3A = arith.constant 999936 : i32
      %sub3A_919 = arith.subi %reduce_sum3A_706, %sub3A : i32
      %broadcast_in_dim3A_920 = vector.broadcast %sub3A_919 : i32 to vector<16xi32>
      %gather3A = tpu.vector_load_idx %arg6[%shift_right_arithmetic3A_4, %and3A_6, %broadcast_in_dim3A_920] : memref<4x8x64xf32, #tpu.memory_space<vmem>>[vector<16xi32>, vector<16xi32>, vector<16xi32>], vector<16xf32>,
      tpu.vector_store_idx %arg15[%shift_right_arithmetic3A_4, %and3A_6, %broadcast_in_dim3A_716], %gather3A : memref<4x8x512xf32, #tpu.memory_space<vmem>>[vector<16xi32>, vector<16xi32>, vector<16xi32>], vector<16xf32>,
      %gather3A_921 = tpu.vector_load_idx %arg6[%add3A_9, %and3A_6, %broadcast_in_dim3A_920] : memref<4x8x64xf32, #tpu.memory_space<vmem>>[vector<16xi32>, vector<16xi32>, vector<16xi32>], vector<16xf32>,
      tpu.vector_store_idx %arg15[%add3A_9, %and3A_6, %broadcast_in_dim3A_716], %gather3A_921 : memref<4x8x512xf32, #tpu.memory_space<vmem>>[vector<16xi32>, vector<16xi32>, vector<16xi32>], vector<16xf32>,
    } else {
    }
    %get3A_727 = arith.constant 496 : index
    %get3A_728 = tpu.vector_load %arg5[%get3A_727] {strides = array<i32>} : memref<512xi32, #tpu.memory_space<vmem>>, vector<16xi32>,
    %eq3A_729 = arith.constant 10 : i32
    %eq3A_730 = vector.broadcast %eq3A_729 : i32 to vector<16xi32>
    %eq3A_731 = arith.cmpi eq, %iota3A, %eq3A_730 : vector<16xi32>
    %jit3A_732 = arith.constant 0 : i32
    %broadcast_in_dim3A_733 = vector.broadcast %jit3A_732 : i32 to vector<16xi32>
    %select_n3A_734 = arith.select %eq3A_731, %get3A_728, %broadcast_in_dim3A_733 : vector<16xi1>, vector<16xi32>
    %reduce_sum3A_735 = arith.constant true
    %reduce_sum3A_736 = vector.broadcast %reduce_sum3A_735 : i1 to vector<16xi1>
    %reduce_sum3A_737 = tpu.scan <sum>, %select_n3A_734 masked %reduce_sum3A_736 : vector<16xi32>, vector<16xi1> -> vector<16xi32>
    %reduce_sum3A_738 = vector.extract %reduce_sum3A_737[15] : i32 from vector<16xi32>
    %dma_wait3A_739 = arith.constant 0 : i32
    %dma_wait3A_740 = arith.constant 0 : i32
    %dma_wait3A_741 = arith.constant 0 : i32
    %dma_wait3A_742 = tpu.memref_slice %arg3[%dma_wait3A_739, %dma_wait3A_740, %dma_wait3A_741] : memref<4x8x1000000xf32, #tpu.memory_space<hbm>> -> memref<4x8x128xf32, #tpu.memory_space<hbm>>
    %dma_wait3A_743 = arith.constant 0 : i32
    %dma_wait3A_744 = arith.constant 0 : i32
    %dma_wait3A_745 = arith.constant 0 : i32
    %dma_wait3A_746 = tpu.memref_slice %arg3[%dma_wait3A_743, %dma_wait3A_744, %dma_wait3A_745] : memref<4x8x1000000xf32, #tpu.memory_space<hbm>> -> memref<4x8x128xf32, #tpu.memory_space<hbm>>
    tpu.wait_dma2 semaphore(%arg18 : memref<!tpu.dma_semaphore, #tpu.memory_space<semaphore_mem>>) src(%dma_wait3A_746 : memref<4x8x128xf32, #tpu.memory_space<hbm>>) dst(%arg9 : memref<4x8x128xf32, #tpu.memory_space<vmem>>)
    %broadcast_in_dim3A_747 = arith.constant 506 : i32
    %broadcast_in_dim3A_748 = vector.broadcast %broadcast_in_dim3A_747 : i32 to vector<16xi32>
    %lt3A_749 = arith.constant 999936 : i32
    %lt3A_750 = arith.cmpi slt, %reduce_sum3A_738, %lt3A_749 : i32
    %convert_element_type3A_751 = arith.extui %lt3A_750 : i1 to i32
    %cond3A_752 = arith.constant 0 : i32
    %cond3A_753 = arith.cmpi ne, %convert_element_type3A_751, %cond3A_752 : i32
    scf.if %cond3A_753 {
      %shift_right_arithmetic3A_919 = arith.constant 7 : i32
      %shift_right_arithmetic3A_920 = arith.shrsi %reduce_sum3A_738, %shift_right_arithmetic3A_919 : i32
      %shift_left3A_921 = arith.constant 7 : i32
      %shift_left3A_922 = arith.shli %shift_right_arithmetic3A_920, %shift_left3A_921 : i32
      %min3A_923 = arith.constant 999808 : i32
      %min3A_924 = arith.minsi %shift_left3A_922, %min3A_923 : i32
      %multiple_of3A_925 = tpu.assume_multiple %min3A_924, 128 : i32
      %sub3A = arith.subi %reduce_sum3A_738, %multiple_of3A_925 : i32
      %broadcast_in_dim3A_926 = vector.broadcast %sub3A : i32 to vector<16xi32>
      %gather3A = tpu.vector_load_idx %arg9[%shift_right_arithmetic3A_4, %and3A_6, %broadcast_in_dim3A_926] : memref<4x8x128xf32, #tpu.memory_space<vmem>>[vector<16xi32>, vector<16xi32>, vector<16xi32>], vector<16xf32>,
      tpu.vector_store_idx %arg15[%shift_right_arithmetic3A_4, %and3A_6, %broadcast_in_dim3A_748], %gather3A : memref<4x8x512xf32, #tpu.memory_space<vmem>>[vector<16xi32>, vector<16xi32>, vector<16xi32>], vector<16xf32>,
      %gather3A_927 = tpu.vector_load_idx %arg9[%add3A_9, %and3A_6, %broadcast_in_dim3A_926] : memref<4x8x128xf32, #tpu.memory_space<vmem>>[vector<16xi32>, vector<16xi32>, vector<16xi32>], vector<16xf32>,
      tpu.vector_store_idx %arg15[%add3A_9, %and3A_6, %broadcast_in_dim3A_748], %gather3A_927 : memref<4x8x512xf32, #tpu.memory_space<vmem>>[vector<16xi32>, vector<16xi32>, vector<16xi32>], vector<16xf32>,
    } else {
    }
    %ge3A_754 = arith.constant 999936 : i32
    %ge3A_755 = arith.cmpi sge, %reduce_sum3A_738, %ge3A_754 : i32
    %convert_element_type3A_756 = arith.extui %ge3A_755 : i1 to i32
    %cond3A_757 = arith.constant 0 : i32
    %cond3A_758 = arith.cmpi ne, %convert_element_type3A_756, %cond3A_757 : i32
    scf.if %cond3A_758 {
      %sub3A = arith.constant 999936 : i32
      %sub3A_919 = arith.subi %reduce_sum3A_738, %sub3A : i32
      %broadcast_in_dim3A_920 = vector.broadcast %sub3A_919 : i32 to vector<16xi32>
      %gather3A = tpu.vector_load_idx %arg6[%shift_right_arithmetic3A_4, %and3A_6, %broadcast_in_dim3A_920] : memref<4x8x64xf32, #tpu.memory_space<vmem>>[vector<16xi32>, vector<16xi32>, vector<16xi32>], vector<16xf32>,
      tpu.vector_store_idx %arg15[%shift_right_arithmetic3A_4, %and3A_6, %broadcast_in_dim3A_748], %gather3A : memref<4x8x512xf32, #tpu.memory_space<vmem>>[vector<16xi32>, vector<16xi32>, vector<16xi32>], vector<16xf32>,
      %gather3A_921 = tpu.vector_load_idx %arg6[%add3A_9, %and3A_6, %broadcast_in_dim3A_920] : memref<4x8x64xf32, #tpu.memory_space<vmem>>[vector<16xi32>, vector<16xi32>, vector<16xi32>], vector<16xf32>,
      tpu.vector_store_idx %arg15[%add3A_9, %and3A_6, %broadcast_in_dim3A_748], %gather3A_921 : memref<4x8x512xf32, #tpu.memory_space<vmem>>[vector<16xi32>, vector<16xi32>, vector<16xi32>], vector<16xf32>,
    } else {
    }
    %get3A_759 = arith.constant 496 : index
    %get3A_760 = tpu.vector_load %arg5[%get3A_759] {strides = array<i32>} : memref<512xi32, #tpu.memory_space<vmem>>, vector<16xi32>,
    %eq3A_761 = arith.constant 11 : i32
    %eq3A_762 = vector.broadcast %eq3A_761 : i32 to vector<16xi32>
    %eq3A_763 = arith.cmpi eq, %iota3A, %eq3A_762 : vector<16xi32>
    %jit3A_764 = arith.constant 0 : i32
    %broadcast_in_dim3A_765 = vector.broadcast %jit3A_764 : i32 to vector<16xi32>
    %select_n3A_766 = arith.select %eq3A_763, %get3A_760, %broadcast_in_dim3A_765 : vector<16xi1>, vector<16xi32>
    %reduce_sum3A_767 = arith.constant true
    %reduce_sum3A_768 = vector.broadcast %reduce_sum3A_767 : i1 to vector<16xi1>
    %reduce_sum3A_769 = tpu.scan <sum>, %select_n3A_766 masked %reduce_sum3A_768 : vector<16xi32>, vector<16xi1> -> vector<16xi32>
    %reduce_sum3A_770 = vector.extract %reduce_sum3A_769[15] : i32 from vector<16xi32>
    %dma_wait3A_771 = arith.constant 0 : i32
    %dma_wait3A_772 = arith.constant 0 : i32
    %dma_wait3A_773 = arith.constant 0 : i32
    %dma_wait3A_774 = tpu.memref_slice %arg3[%dma_wait3A_771, %dma_wait3A_772, %dma_wait3A_773] : memref<4x8x1000000xf32, #tpu.memory_space<hbm>> -> memref<4x8x128xf32, #tpu.memory_space<hbm>>
    %dma_wait3A_775 = arith.constant 0 : i32
    %dma_wait3A_776 = arith.constant 0 : i32
    %dma_wait3A_777 = arith.constant 0 : i32
    %dma_wait3A_778 = tpu.memref_slice %arg3[%dma_wait3A_775, %dma_wait3A_776, %dma_wait3A_777] : memref<4x8x1000000xf32, #tpu.memory_space<hbm>> -> memref<4x8x128xf32, #tpu.memory_space<hbm>>
    tpu.wait_dma2 semaphore(%arg19 : memref<!tpu.dma_semaphore, #tpu.memory_space<semaphore_mem>>) src(%dma_wait3A_778 : memref<4x8x128xf32, #tpu.memory_space<hbm>>) dst(%arg10 : memref<4x8x128xf32, #tpu.memory_space<vmem>>)
    %broadcast_in_dim3A_779 = arith.constant 507 : i32
    %broadcast_in_dim3A_780 = vector.broadcast %broadcast_in_dim3A_779 : i32 to vector<16xi32>
    %lt3A_781 = arith.constant 999936 : i32
    %lt3A_782 = arith.cmpi slt, %reduce_sum3A_770, %lt3A_781 : i32
    %convert_element_type3A_783 = arith.extui %lt3A_782 : i1 to i32
    %cond3A_784 = arith.constant 0 : i32
    %cond3A_785 = arith.cmpi ne, %convert_element_type3A_783, %cond3A_784 : i32
    scf.if %cond3A_785 {
      %shift_right_arithmetic3A_919 = arith.constant 7 : i32
      %shift_right_arithmetic3A_920 = arith.shrsi %reduce_sum3A_770, %shift_right_arithmetic3A_919 : i32
      %shift_left3A_921 = arith.constant 7 : i32
      %shift_left3A_922 = arith.shli %shift_right_arithmetic3A_920, %shift_left3A_921 : i32
      %min3A_923 = arith.constant 999808 : i32
      %min3A_924 = arith.minsi %shift_left3A_922, %min3A_923 : i32
      %multiple_of3A_925 = tpu.assume_multiple %min3A_924, 128 : i32
      %sub3A = arith.subi %reduce_sum3A_770, %multiple_of3A_925 : i32
      %broadcast_in_dim3A_926 = vector.broadcast %sub3A : i32 to vector<16xi32>
      %gather3A = tpu.vector_load_idx %arg10[%shift_right_arithmetic3A_4, %and3A_6, %broadcast_in_dim3A_926] : memref<4x8x128xf32, #tpu.memory_space<vmem>>[vector<16xi32>, vector<16xi32>, vector<16xi32>], vector<16xf32>,
      tpu.vector_store_idx %arg15[%shift_right_arithmetic3A_4, %and3A_6, %broadcast_in_dim3A_780], %gather3A : memref<4x8x512xf32, #tpu.memory_space<vmem>>[vector<16xi32>, vector<16xi32>, vector<16xi32>], vector<16xf32>,
      %gather3A_927 = tpu.vector_load_idx %arg10[%add3A_9, %and3A_6, %broadcast_in_dim3A_926] : memref<4x8x128xf32, #tpu.memory_space<vmem>>[vector<16xi32>, vector<16xi32>, vector<16xi32>], vector<16xf32>,
      tpu.vector_store_idx %arg15[%add3A_9, %and3A_6, %broadcast_in_dim3A_780], %gather3A_927 : memref<4x8x512xf32, #tpu.memory_space<vmem>>[vector<16xi32>, vector<16xi32>, vector<16xi32>], vector<16xf32>,
    } else {
    }
    %ge3A_786 = arith.constant 999936 : i32
    %ge3A_787 = arith.cmpi sge, %reduce_sum3A_770, %ge3A_786 : i32
    %convert_element_type3A_788 = arith.extui %ge3A_787 : i1 to i32
    %cond3A_789 = arith.constant 0 : i32
    %cond3A_790 = arith.cmpi ne, %convert_element_type3A_788, %cond3A_789 : i32
    scf.if %cond3A_790 {
      %sub3A = arith.constant 999936 : i32
      %sub3A_919 = arith.subi %reduce_sum3A_770, %sub3A : i32
      %broadcast_in_dim3A_920 = vector.broadcast %sub3A_919 : i32 to vector<16xi32>
      %gather3A = tpu.vector_load_idx %arg6[%shift_right_arithmetic3A_4, %and3A_6, %broadcast_in_dim3A_920] : memref<4x8x64xf32, #tpu.memory_space<vmem>>[vector<16xi32>, vector<16xi32>, vector<16xi32>], vector<16xf32>,
      tpu.vector_store_idx %arg15[%shift_right_arithmetic3A_4, %and3A_6, %broadcast_in_dim3A_780], %gather3A : memref<4x8x512xf32, #tpu.memory_space<vmem>>[vector<16xi32>, vector<16xi32>, vector<16xi32>], vector<16xf32>,
      %gather3A_921 = tpu.vector_load_idx %arg6[%add3A_9, %and3A_6, %broadcast_in_dim3A_920] : memref<4x8x64xf32, #tpu.memory_space<vmem>>[vector<16xi32>, vector<16xi32>, vector<16xi32>], vector<16xf32>,
      tpu.vector_store_idx %arg15[%add3A_9, %and3A_6, %broadcast_in_dim3A_780], %gather3A_921 : memref<4x8x512xf32, #tpu.memory_space<vmem>>[vector<16xi32>, vector<16xi32>, vector<16xi32>], vector<16xf32>,
    } else {
    }
    %get3A_791 = arith.constant 496 : index
    %get3A_792 = tpu.vector_load %arg5[%get3A_791] {strides = array<i32>} : memref<512xi32, #tpu.memory_space<vmem>>, vector<16xi32>,
    %eq3A_793 = arith.constant 12 : i32
    %eq3A_794 = vector.broadcast %eq3A_793 : i32 to vector<16xi32>
    %eq3A_795 = arith.cmpi eq, %iota3A, %eq3A_794 : vector<16xi32>
    %jit3A_796 = arith.constant 0 : i32
    %broadcast_in_dim3A_797 = vector.broadcast %jit3A_796 : i32 to vector<16xi32>
    %select_n3A_798 = arith.select %eq3A_795, %get3A_792, %broadcast_in_dim3A_797 : vector<16xi1>, vector<16xi32>
    %reduce_sum3A_799 = arith.constant true
    %reduce_sum3A_800 = vector.broadcast %reduce_sum3A_799 : i1 to vector<16xi1>
    %reduce_sum3A_801 = tpu.scan <sum>, %select_n3A_798 masked %reduce_sum3A_800 : vector<16xi32>, vector<16xi1> -> vector<16xi32>
    %reduce_sum3A_802 = vector.extract %reduce_sum3A_801[15] : i32 from vector<16xi32>
    %dma_wait3A_803 = arith.constant 0 : i32
    %dma_wait3A_804 = arith.constant 0 : i32
    %dma_wait3A_805 = arith.constant 0 : i32
    %dma_wait3A_806 = tpu.memref_slice %arg3[%dma_wait3A_803, %dma_wait3A_804, %dma_wait3A_805] : memref<4x8x1000000xf32, #tpu.memory_space<hbm>> -> memref<4x8x128xf32, #tpu.memory_space<hbm>>
    %dma_wait3A_807 = arith.constant 0 : i32
    %dma_wait3A_808 = arith.constant 0 : i32
    %dma_wait3A_809 = arith.constant 0 : i32
    %dma_wait3A_810 = tpu.memref_slice %arg3[%dma_wait3A_807, %dma_wait3A_808, %dma_wait3A_809] : memref<4x8x1000000xf32, #tpu.memory_space<hbm>> -> memref<4x8x128xf32, #tpu.memory_space<hbm>>
    tpu.wait_dma2 semaphore(%arg20 : memref<!tpu.dma_semaphore, #tpu.memory_space<semaphore_mem>>) src(%dma_wait3A_810 : memref<4x8x128xf32, #tpu.memory_space<hbm>>) dst(%arg11 : memref<4x8x128xf32, #tpu.memory_space<vmem>>)
    %broadcast_in_dim3A_811 = arith.constant 508 : i32
    %broadcast_in_dim3A_812 = vector.broadcast %broadcast_in_dim3A_811 : i32 to vector<16xi32>
    %lt3A_813 = arith.constant 999936 : i32
    %lt3A_814 = arith.cmpi slt, %reduce_sum3A_802, %lt3A_813 : i32
    %convert_element_type3A_815 = arith.extui %lt3A_814 : i1 to i32
    %cond3A_816 = arith.constant 0 : i32
    %cond3A_817 = arith.cmpi ne, %convert_element_type3A_815, %cond3A_816 : i32
    scf.if %cond3A_817 {
      %shift_right_arithmetic3A_919 = arith.constant 7 : i32
      %shift_right_arithmetic3A_920 = arith.shrsi %reduce_sum3A_802, %shift_right_arithmetic3A_919 : i32
      %shift_left3A_921 = arith.constant 7 : i32
      %shift_left3A_922 = arith.shli %shift_right_arithmetic3A_920, %shift_left3A_921 : i32
      %min3A_923 = arith.constant 999808 : i32
      %min3A_924 = arith.minsi %shift_left3A_922, %min3A_923 : i32
      %multiple_of3A_925 = tpu.assume_multiple %min3A_924, 128 : i32
      %sub3A = arith.subi %reduce_sum3A_802, %multiple_of3A_925 : i32
      %broadcast_in_dim3A_926 = vector.broadcast %sub3A : i32 to vector<16xi32>
      %gather3A = tpu.vector_load_idx %arg11[%shift_right_arithmetic3A_4, %and3A_6, %broadcast_in_dim3A_926] : memref<4x8x128xf32, #tpu.memory_space<vmem>>[vector<16xi32>, vector<16xi32>, vector<16xi32>], vector<16xf32>,
      tpu.vector_store_idx %arg15[%shift_right_arithmetic3A_4, %and3A_6, %broadcast_in_dim3A_812], %gather3A : memref<4x8x512xf32, #tpu.memory_space<vmem>>[vector<16xi32>, vector<16xi32>, vector<16xi32>], vector<16xf32>,
      %gather3A_927 = tpu.vector_load_idx %arg11[%add3A_9, %and3A_6, %broadcast_in_dim3A_926] : memref<4x8x128xf32, #tpu.memory_space<vmem>>[vector<16xi32>, vector<16xi32>, vector<16xi32>], vector<16xf32>,
      tpu.vector_store_idx %arg15[%add3A_9, %and3A_6, %broadcast_in_dim3A_812], %gather3A_927 : memref<4x8x512xf32, #tpu.memory_space<vmem>>[vector<16xi32>, vector<16xi32>, vector<16xi32>], vector<16xf32>,
    } else {
    }
    %ge3A_818 = arith.constant 999936 : i32
    %ge3A_819 = arith.cmpi sge, %reduce_sum3A_802, %ge3A_818 : i32
    %convert_element_type3A_820 = arith.extui %ge3A_819 : i1 to i32
    %cond3A_821 = arith.constant 0 : i32
    %cond3A_822 = arith.cmpi ne, %convert_element_type3A_820, %cond3A_821 : i32
    scf.if %cond3A_822 {
      %sub3A = arith.constant 999936 : i32
      %sub3A_919 = arith.subi %reduce_sum3A_802, %sub3A : i32
      %broadcast_in_dim3A_920 = vector.broadcast %sub3A_919 : i32 to vector<16xi32>
      %gather3A = tpu.vector_load_idx %arg6[%shift_right_arithmetic3A_4, %and3A_6, %broadcast_in_dim3A_920] : memref<4x8x64xf32, #tpu.memory_space<vmem>>[vector<16xi32>, vector<16xi32>, vector<16xi32>], vector<16xf32>,
      tpu.vector_store_idx %arg15[%shift_right_arithmetic3A_4, %and3A_6, %broadcast_in_dim3A_812], %gather3A : memref<4x8x512xf32, #tpu.memory_space<vmem>>[vector<16xi32>, vector<16xi32>, vector<16xi32>], vector<16xf32>,
      %gather3A_921 = tpu.vector_load_idx %arg6[%add3A_9, %and3A_6, %broadcast_in_dim3A_920] : memref<4x8x64xf32, #tpu.memory_space<vmem>>[vector<16xi32>, vector<16xi32>, vector<16xi32>], vector<16xf32>,
      tpu.vector_store_idx %arg15[%add3A_9, %and3A_6, %broadcast_in_dim3A_812], %gather3A_921 : memref<4x8x512xf32, #tpu.memory_space<vmem>>[vector<16xi32>, vector<16xi32>, vector<16xi32>], vector<16xf32>,
    } else {
    }
    %get3A_823 = arith.constant 496 : index
    %get3A_824 = tpu.vector_load %arg5[%get3A_823] {strides = array<i32>} : memref<512xi32, #tpu.memory_space<vmem>>, vector<16xi32>,
    %eq3A_825 = arith.constant 13 : i32
    %eq3A_826 = vector.broadcast %eq3A_825 : i32 to vector<16xi32>
    %eq3A_827 = arith.cmpi eq, %iota3A, %eq3A_826 : vector<16xi32>
    %jit3A_828 = arith.constant 0 : i32
    %broadcast_in_dim3A_829 = vector.broadcast %jit3A_828 : i32 to vector<16xi32>
    %select_n3A_830 = arith.select %eq3A_827, %get3A_824, %broadcast_in_dim3A_829 : vector<16xi1>, vector<16xi32>
    %reduce_sum3A_831 = arith.constant true
    %reduce_sum3A_832 = vector.broadcast %reduce_sum3A_831 : i1 to vector<16xi1>
    %reduce_sum3A_833 = tpu.scan <sum>, %select_n3A_830 masked %reduce_sum3A_832 : vector<16xi32>, vector<16xi1> -> vector<16xi32>
    %reduce_sum3A_834 = vector.extract %reduce_sum3A_833[15] : i32 from vector<16xi32>
    %dma_wait3A_835 = arith.constant 0 : i32
    %dma_wait3A_836 = arith.constant 0 : i32
    %dma_wait3A_837 = arith.constant 0 : i32
    %dma_wait3A_838 = tpu.memref_slice %arg3[%dma_wait3A_835, %dma_wait3A_836, %dma_wait3A_837] : memref<4x8x1000000xf32, #tpu.memory_space<hbm>> -> memref<4x8x128xf32, #tpu.memory_space<hbm>>
    %dma_wait3A_839 = arith.constant 0 : i32
    %dma_wait3A_840 = arith.constant 0 : i32
    %dma_wait3A_841 = arith.constant 0 : i32
    %dma_wait3A_842 = tpu.memref_slice %arg3[%dma_wait3A_839, %dma_wait3A_840, %dma_wait3A_841] : memref<4x8x1000000xf32, #tpu.memory_space<hbm>> -> memref<4x8x128xf32, #tpu.memory_space<hbm>>
    tpu.wait_dma2 semaphore(%arg21 : memref<!tpu.dma_semaphore, #tpu.memory_space<semaphore_mem>>) src(%dma_wait3A_842 : memref<4x8x128xf32, #tpu.memory_space<hbm>>) dst(%arg12 : memref<4x8x128xf32, #tpu.memory_space<vmem>>)
    %broadcast_in_dim3A_843 = arith.constant 509 : i32
    %broadcast_in_dim3A_844 = vector.broadcast %broadcast_in_dim3A_843 : i32 to vector<16xi32>
    %lt3A_845 = arith.constant 999936 : i32
    %lt3A_846 = arith.cmpi slt, %reduce_sum3A_834, %lt3A_845 : i32
    %convert_element_type3A_847 = arith.extui %lt3A_846 : i1 to i32
    %cond3A_848 = arith.constant 0 : i32
    %cond3A_849 = arith.cmpi ne, %convert_element_type3A_847, %cond3A_848 : i32
    scf.if %cond3A_849 {
      %shift_right_arithmetic3A_919 = arith.constant 7 : i32
      %shift_right_arithmetic3A_920 = arith.shrsi %reduce_sum3A_834, %shift_right_arithmetic3A_919 : i32
      %shift_left3A_921 = arith.constant 7 : i32
      %shift_left3A_922 = arith.shli %shift_right_arithmetic3A_920, %shift_left3A_921 : i32
      %min3A_923 = arith.constant 999808 : i32
      %min3A_924 = arith.minsi %shift_left3A_922, %min3A_923 : i32
      %multiple_of3A_925 = tpu.assume_multiple %min3A_924, 128 : i32
      %sub3A = arith.subi %reduce_sum3A_834, %multiple_of3A_925 : i32
      %broadcast_in_dim3A_926 = vector.broadcast %sub3A : i32 to vector<16xi32>
      %gather3A = tpu.vector_load_idx %arg12[%shift_right_arithmetic3A_4, %and3A_6, %broadcast_in_dim3A_926] : memref<4x8x128xf32, #tpu.memory_space<vmem>>[vector<16xi32>, vector<16xi32>, vector<16xi32>], vector<16xf32>,
      tpu.vector_store_idx %arg15[%shift_right_arithmetic3A_4, %and3A_6, %broadcast_in_dim3A_844], %gather3A : memref<4x8x512xf32, #tpu.memory_space<vmem>>[vector<16xi32>, vector<16xi32>, vector<16xi32>], vector<16xf32>,
      %gather3A_927 = tpu.vector_load_idx %arg12[%add3A_9, %and3A_6, %broadcast_in_dim3A_926] : memref<4x8x128xf32, #tpu.memory_space<vmem>>[vector<16xi32>, vector<16xi32>, vector<16xi32>], vector<16xf32>,
      tpu.vector_store_idx %arg15[%add3A_9, %and3A_6, %broadcast_in_dim3A_844], %gather3A_927 : memref<4x8x512xf32, #tpu.memory_space<vmem>>[vector<16xi32>, vector<16xi32>, vector<16xi32>], vector<16xf32>,
    } else {
    }
    %ge3A_850 = arith.constant 999936 : i32
    %ge3A_851 = arith.cmpi sge, %reduce_sum3A_834, %ge3A_850 : i32
    %convert_element_type3A_852 = arith.extui %ge3A_851 : i1 to i32
    %cond3A_853 = arith.constant 0 : i32
    %cond3A_854 = arith.cmpi ne, %convert_element_type3A_852, %cond3A_853 : i32
    scf.if %cond3A_854 {
      %sub3A = arith.constant 999936 : i32
      %sub3A_919 = arith.subi %reduce_sum3A_834, %sub3A : i32
      %broadcast_in_dim3A_920 = vector.broadcast %sub3A_919 : i32 to vector<16xi32>
      %gather3A = tpu.vector_load_idx %arg6[%shift_right_arithmetic3A_4, %and3A_6, %broadcast_in_dim3A_920] : memref<4x8x64xf32, #tpu.memory_space<vmem>>[vector<16xi32>, vector<16xi32>, vector<16xi32>], vector<16xf32>,
      tpu.vector_store_idx %arg15[%shift_right_arithmetic3A_4, %and3A_6, %broadcast_in_dim3A_844], %gather3A : memref<4x8x512xf32, #tpu.memory_space<vmem>>[vector<16xi32>, vector<16xi32>, vector<16xi32>], vector<16xf32>,
      %gather3A_921 = tpu.vector_load_idx %arg6[%add3A_9, %and3A_6, %broadcast_in_dim3A_920] : memref<4x8x64xf32, #tpu.memory_space<vmem>>[vector<16xi32>, vector<16xi32>, vector<16xi32>], vector<16xf32>,
      tpu.vector_store_idx %arg15[%add3A_9, %and3A_6, %broadcast_in_dim3A_844], %gather3A_921 : memref<4x8x512xf32, #tpu.memory_space<vmem>>[vector<16xi32>, vector<16xi32>, vector<16xi32>], vector<16xf32>,
    } else {
    }
    %get3A_855 = arith.constant 496 : index
    %get3A_856 = tpu.vector_load %arg5[%get3A_855] {strides = array<i32>} : memref<512xi32, #tpu.memory_space<vmem>>, vector<16xi32>,
    %eq3A_857 = arith.constant 14 : i32
    %eq3A_858 = vector.broadcast %eq3A_857 : i32 to vector<16xi32>
    %eq3A_859 = arith.cmpi eq, %iota3A, %eq3A_858 : vector<16xi32>
    %jit3A_860 = arith.constant 0 : i32
    %broadcast_in_dim3A_861 = vector.broadcast %jit3A_860 : i32 to vector<16xi32>
    %select_n3A_862 = arith.select %eq3A_859, %get3A_856, %broadcast_in_dim3A_861 : vector<16xi1>, vector<16xi32>
    %reduce_sum3A_863 = arith.constant true
    %reduce_sum3A_864 = vector.broadcast %reduce_sum3A_863 : i1 to vector<16xi1>
    %reduce_sum3A_865 = tpu.scan <sum>, %select_n3A_862 masked %reduce_sum3A_864 : vector<16xi32>, vector<16xi1> -> vector<16xi32>
    %reduce_sum3A_866 = vector.extract %reduce_sum3A_865[15] : i32 from vector<16xi32>
    %dma_wait3A_867 = arith.constant 0 : i32
    %dma_wait3A_868 = arith.constant 0 : i32
    %dma_wait3A_869 = arith.constant 0 : i32
    %dma_wait3A_870 = tpu.memref_slice %arg3[%dma_wait3A_867, %dma_wait3A_868, %dma_wait3A_869] : memref<4x8x1000000xf32, #tpu.memory_space<hbm>> -> memref<4x8x128xf32, #tpu.memory_space<hbm>>
    %dma_wait3A_871 = arith.constant 0 : i32
    %dma_wait3A_872 = arith.constant 0 : i32
    %dma_wait3A_873 = arith.constant 0 : i32
    %dma_wait3A_874 = tpu.memref_slice %arg3[%dma_wait3A_871, %dma_wait3A_872, %dma_wait3A_873] : memref<4x8x1000000xf32, #tpu.memory_space<hbm>> -> memref<4x8x128xf32, #tpu.memory_space<hbm>>
    tpu.wait_dma2 semaphore(%arg22 : memref<!tpu.dma_semaphore, #tpu.memory_space<semaphore_mem>>) src(%dma_wait3A_874 : memref<4x8x128xf32, #tpu.memory_space<hbm>>) dst(%arg13 : memref<4x8x128xf32, #tpu.memory_space<vmem>>)
    %broadcast_in_dim3A_875 = arith.constant 510 : i32
    %broadcast_in_dim3A_876 = vector.broadcast %broadcast_in_dim3A_875 : i32 to vector<16xi32>
    %lt3A_877 = arith.constant 999936 : i32
    %lt3A_878 = arith.cmpi slt, %reduce_sum3A_866, %lt3A_877 : i32
    %convert_element_type3A_879 = arith.extui %lt3A_878 : i1 to i32
    %cond3A_880 = arith.constant 0 : i32
    %cond3A_881 = arith.cmpi ne, %convert_element_type3A_879, %cond3A_880 : i32
    scf.if %cond3A_881 {
      %shift_right_arithmetic3A_919 = arith.constant 7 : i32
      %shift_right_arithmetic3A_920 = arith.shrsi %reduce_sum3A_866, %shift_right_arithmetic3A_919 : i32
      %shift_left3A_921 = arith.constant 7 : i32
      %shift_left3A_922 = arith.shli %shift_right_arithmetic3A_920, %shift_left3A_921 : i32
      %min3A_923 = arith.constant 999808 : i32
      %min3A_924 = arith.minsi %shift_left3A_922, %min3A_923 : i32
      %multiple_of3A_925 = tpu.assume_multiple %min3A_924, 128 : i32
      %sub3A = arith.subi %reduce_sum3A_866, %multiple_of3A_925 : i32
      %broadcast_in_dim3A_926 = vector.broadcast %sub3A : i32 to vector<16xi32>
      %gather3A = tpu.vector_load_idx %arg13[%shift_right_arithmetic3A_4, %and3A_6, %broadcast_in_dim3A_926] : memref<4x8x128xf32, #tpu.memory_space<vmem>>[vector<16xi32>, vector<16xi32>, vector<16xi32>], vector<16xf32>,
      tpu.vector_store_idx %arg15[%shift_right_arithmetic3A_4, %and3A_6, %broadcast_in_dim3A_876], %gather3A : memref<4x8x512xf32, #tpu.memory_space<vmem>>[vector<16xi32>, vector<16xi32>, vector<16xi32>], vector<16xf32>,
      %gather3A_927 = tpu.vector_load_idx %arg13[%add3A_9, %and3A_6, %broadcast_in_dim3A_926] : memref<4x8x128xf32, #tpu.memory_space<vmem>>[vector<16xi32>, vector<16xi32>, vector<16xi32>], vector<16xf32>,
      tpu.vector_store_idx %arg15[%add3A_9, %and3A_6, %broadcast_in_dim3A_876], %gather3A_927 : memref<4x8x512xf32, #tpu.memory_space<vmem>>[vector<16xi32>, vector<16xi32>, vector<16xi32>], vector<16xf32>,
    } else {
    }
    %ge3A_882 = arith.constant 999936 : i32
    %ge3A_883 = arith.cmpi sge, %reduce_sum3A_866, %ge3A_882 : i32
    %convert_element_type3A_884 = arith.extui %ge3A_883 : i1 to i32
    %cond3A_885 = arith.constant 0 : i32
    %cond3A_886 = arith.cmpi ne, %convert_element_type3A_884, %cond3A_885 : i32
    scf.if %cond3A_886 {
      %sub3A = arith.constant 999936 : i32
      %sub3A_919 = arith.subi %reduce_sum3A_866, %sub3A : i32
      %broadcast_in_dim3A_920 = vector.broadcast %sub3A_919 : i32 to vector<16xi32>
      %gather3A = tpu.vector_load_idx %arg6[%shift_right_arithmetic3A_4, %and3A_6, %broadcast_in_dim3A_920] : memref<4x8x64xf32, #tpu.memory_space<vmem>>[vector<16xi32>, vector<16xi32>, vector<16xi32>], vector<16xf32>,
      tpu.vector_store_idx %arg15[%shift_right_arithmetic3A_4, %and3A_6, %broadcast_in_dim3A_876], %gather3A : memref<4x8x512xf32, #tpu.memory_space<vmem>>[vector<16xi32>, vector<16xi32>, vector<16xi32>], vector<16xf32>,
      %gather3A_921 = tpu.vector_load_idx %arg6[%add3A_9, %and3A_6, %broadcast_in_dim3A_920] : memref<4x8x64xf32, #tpu.memory_space<vmem>>[vector<16xi32>, vector<16xi32>, vector<16xi32>], vector<16xf32>,
      tpu.vector_store_idx %arg15[%add3A_9, %and3A_6, %broadcast_in_dim3A_876], %gather3A_921 : memref<4x8x512xf32, #tpu.memory_space<vmem>>[vector<16xi32>, vector<16xi32>, vector<16xi32>], vector<16xf32>,
    } else {
    }
    %get3A_887 = arith.constant 496 : index
    %get3A_888 = tpu.vector_load %arg5[%get3A_887] {strides = array<i32>} : memref<512xi32, #tpu.memory_space<vmem>>, vector<16xi32>,
    %eq3A_889 = arith.constant 15 : i32
    %eq3A_890 = vector.broadcast %eq3A_889 : i32 to vector<16xi32>
    %eq3A_891 = arith.cmpi eq, %iota3A, %eq3A_890 : vector<16xi32>
    %jit3A_892 = arith.constant 0 : i32
    %broadcast_in_dim3A_893 = vector.broadcast %jit3A_892 : i32 to vector<16xi32>
    %select_n3A_894 = arith.select %eq3A_891, %get3A_888, %broadcast_in_dim3A_893 : vector<16xi1>, vector<16xi32>
    %reduce_sum3A_895 = arith.constant true
    %reduce_sum3A_896 = vector.broadcast %reduce_sum3A_895 : i1 to vector<16xi1>
    %reduce_sum3A_897 = tpu.scan <sum>, %select_n3A_894 masked %reduce_sum3A_896 : vector<16xi32>, vector<16xi1> -> vector<16xi32>
    %reduce_sum3A_898 = vector.extract %reduce_sum3A_897[15] : i32 from vector<16xi32>
    %dma_wait3A_899 = arith.constant 0 : i32
    %dma_wait3A_900 = arith.constant 0 : i32
    %dma_wait3A_901 = arith.constant 0 : i32
    %dma_wait3A_902 = tpu.memref_slice %arg3[%dma_wait3A_899, %dma_wait3A_900, %dma_wait3A_901] : memref<4x8x1000000xf32, #tpu.memory_space<hbm>> -> memref<4x8x128xf32, #tpu.memory_space<hbm>>
    %dma_wait3A_903 = arith.constant 0 : i32
    %dma_wait3A_904 = arith.constant 0 : i32
    %dma_wait3A_905 = arith.constant 0 : i32
    %dma_wait3A_906 = tpu.memref_slice %arg3[%dma_wait3A_903, %dma_wait3A_904, %dma_wait3A_905] : memref<4x8x1000000xf32, #tpu.memory_space<hbm>> -> memref<4x8x128xf32, #tpu.memory_space<hbm>>
    tpu.wait_dma2 semaphore(%arg23 : memref<!tpu.dma_semaphore, #tpu.memory_space<semaphore_mem>>) src(%dma_wait3A_906 : memref<4x8x128xf32, #tpu.memory_space<hbm>>) dst(%arg14 : memref<4x8x128xf32, #tpu.memory_space<vmem>>)
    %broadcast_in_dim3A_907 = arith.constant 511 : i32
    %broadcast_in_dim3A_908 = vector.broadcast %broadcast_in_dim3A_907 : i32 to vector<16xi32>
    %lt3A_909 = arith.constant 999936 : i32
    %lt3A_910 = arith.cmpi slt, %reduce_sum3A_898, %lt3A_909 : i32
    %convert_element_type3A_911 = arith.extui %lt3A_910 : i1 to i32
    %cond3A_912 = arith.constant 0 : i32
    %cond3A_913 = arith.cmpi ne, %convert_element_type3A_911, %cond3A_912 : i32
    scf.if %cond3A_913 {
      %shift_right_arithmetic3A_919 = arith.constant 7 : i32
      %shift_right_arithmetic3A_920 = arith.shrsi %reduce_sum3A_898, %shift_right_arithmetic3A_919 : i32
      %shift_left3A_921 = arith.constant 7 : i32
      %shift_left3A_922 = arith.shli %shift_right_arithmetic3A_920, %shift_left3A_921 : i32
      %min3A_923 = arith.constant 999808 : i32
      %min3A_924 = arith.minsi %shift_left3A_922, %min3A_923 : i32
      %multiple_of3A_925 = tpu.assume_multiple %min3A_924, 128 : i32
      %sub3A = arith.subi %reduce_sum3A_898, %multiple_of3A_925 : i32
      %broadcast_in_dim3A_926 = vector.broadcast %sub3A : i32 to vector<16xi32>
      %gather3A = tpu.vector_load_idx %arg14[%shift_right_arithmetic3A_4, %and3A_6, %broadcast_in_dim3A_926] : memref<4x8x128xf32, #tpu.memory_space<vmem>>[vector<16xi32>, vector<16xi32>, vector<16xi32>], vector<16xf32>,
      tpu.vector_store_idx %arg15[%shift_right_arithmetic3A_4, %and3A_6, %broadcast_in_dim3A_908], %gather3A : memref<4x8x512xf32, #tpu.memory_space<vmem>>[vector<16xi32>, vector<16xi32>, vector<16xi32>], vector<16xf32>,
      %gather3A_927 = tpu.vector_load_idx %arg14[%add3A_9, %and3A_6, %broadcast_in_dim3A_926] : memref<4x8x128xf32, #tpu.memory_space<vmem>>[vector<16xi32>, vector<16xi32>, vector<16xi32>], vector<16xf32>,
      tpu.vector_store_idx %arg15[%add3A_9, %and3A_6, %broadcast_in_dim3A_908], %gather3A_927 : memref<4x8x512xf32, #tpu.memory_space<vmem>>[vector<16xi32>, vector<16xi32>, vector<16xi32>], vector<16xf32>,
    } else {
    }
    %ge3A_914 = arith.constant 999936 : i32
    %ge3A_915 = arith.cmpi sge, %reduce_sum3A_898, %ge3A_914 : i32
    %convert_element_type3A_916 = arith.extui %ge3A_915 : i1 to i32
    %cond3A_917 = arith.constant 0 : i32
    %cond3A_918 = arith.cmpi ne, %convert_element_type3A_916, %cond3A_917 : i32
    scf.if %cond3A_918 {
      %sub3A = arith.constant 999936 : i32
      %sub3A_919 = arith.subi %reduce_sum3A_898, %sub3A : i32
      %broadcast_in_dim3A_920 = vector.broadcast %sub3A_919 : i32 to vector<16xi32>
      %gather3A = tpu.vector_load_idx %arg6[%shift_right_arithmetic3A_4, %and3A_6, %broadcast_in_dim3A_920] : memref<4x8x64xf32, #tpu.memory_space<vmem>>[vector<16xi32>, vector<16xi32>, vector<16xi32>], vector<16xf32>,
      tpu.vector_store_idx %arg15[%shift_right_arithmetic3A_4, %and3A_6, %broadcast_in_dim3A_908], %gather3A : memref<4x8x512xf32, #tpu.memory_space<vmem>>[vector<16xi32>, vector<16xi32>, vector<16xi32>], vector<16xf32>,
      %gather3A_921 = tpu.vector_load_idx %arg6[%add3A_9, %and3A_6, %broadcast_in_dim3A_920] : memref<4x8x64xf32, #tpu.memory_space<vmem>>[vector<16xi32>, vector<16xi32>, vector<16xi32>], vector<16xf32>,
      tpu.vector_store_idx %arg15[%add3A_9, %and3A_6, %broadcast_in_dim3A_908], %gather3A_921 : memref<4x8x512xf32, #tpu.memory_space<vmem>>[vector<16xi32>, vector<16xi32>, vector<16xi32>], vector<16xf32>,
    } else {
    }
    "tpu.region"() ({
      %run_scoped3A = tpu.sem_alloc : memref<!tpu.dma_semaphore, #tpu.memory_space<semaphore_mem>>
      %dma_start3A_919 = arith.constant 0 : i32
      %dma_start3A_920 = arith.constant 0 : i32
      %dma_start3A_921 = tpu.memref_slice %arg4[%dma_start3A_919, %dma_start3A_920, %mul3A_2] : memref<4x8x16384xf32, #tpu.memory_space<hbm>> -> memref<4x8x512xf32, #tpu.memory_space<hbm>>
      %dma_start3A_922 = arith.constant 0 : i32
      %dma_start3A_923 = arith.constant 0 : i32
      %dma_start3A_924 = tpu.memref_slice %arg4[%dma_start3A_922, %dma_start3A_923, %mul3A_2] : memref<4x8x16384xf32, #tpu.memory_space<hbm>> -> memref<4x8x512xf32, #tpu.memory_space<hbm>>
      tpu.enqueue_dma source(%arg15 : memref<4x8x512xf32, #tpu.memory_space<vmem>>) target(%dma_start3A_924 : memref<4x8x512xf32, #tpu.memory_space<hbm>>) target_semaphore(%run_scoped3A : memref<!tpu.dma_semaphore, #tpu.memory_space<semaphore_mem>>)
      %dma_wait3A_925 = arith.constant 0 : i32
      %dma_wait3A_926 = arith.constant 0 : i32
      %dma_wait3A_927 = tpu.memref_slice %arg4[%dma_wait3A_925, %dma_wait3A_926, %mul3A_2] : memref<4x8x16384xf32, #tpu.memory_space<hbm>> -> memref<4x8x512xf32, #tpu.memory_space<hbm>>
      %dma_wait3A_928 = arith.constant 0 : i32
      %dma_wait3A_929 = arith.constant 0 : i32
      %dma_wait3A_930 = tpu.memref_slice %arg4[%dma_wait3A_928, %dma_wait3A_929, %mul3A_2] : memref<4x8x16384xf32, #tpu.memory_space<hbm>> -> memref<4x8x512xf32, #tpu.memory_space<hbm>>
      tpu.wait_dma2 semaphore(%run_scoped3A : memref<!tpu.dma_semaphore, #tpu.memory_space<semaphore_mem>>) src(%arg15 : memref<4x8x512xf32, #tpu.memory_space<vmem>>) dst(%dma_wait3A_930 : memref<4x8x512xf32, #tpu.memory_space<hbm>>)
      tpu.yield
    }) : () -> ()
    return
  }
}

</mosaic_0001>

<sc_bundles>
// kernel: kernel.3.cloned.1.call-start
scs
__scs_entry_jumppad:
0x0: {  	(pc) =	sbr.rel $0x88, $3  }
0x1: {  	(tag) =	ssettag $0x0;
	lr =	simm.s32 $0x1  }
0x2: {  	[smem:$0x3F9F] =	sst lr;
	_ =	strace $0xD0000000  }
0x3: {  	_ = 	snop  }
0x4: {  	_ = 	snop  }
0x5: {  	_ = 	snop  }
0x6: {  	_ = 	snop  }
0x7: {  	_ = 	snop  }
__scs_overlays_trampoline_lowered:
0x8: {  	[smem:$0x3FAE] =	sst s0  }
0x9: {  	[smem:$0x3FAF] =	sst s1  }
0xa: {  	[smem:$0x3FB0] =	sst s2  }
0xb: {  	[smem:$0x3FB1] =	sst s3  }
0xc: {  	[smem:$0x3FB2] =	sst s4  }
0xd: {  	[smem:$0x3FB3] =	sst s5  }
0xe: {  	[smem:$0x3FB4] =	sst s6  }
0xf: {  	[smem:$0x3FB5] =	sst s7  }
0x10: {  	[smem:$0x3FB6] =	sst s8  }
0x11: {  	[smem:$0x3FB7] =	sst s9;
	s0 =	simm.s32 @!p0 $0x0  }
0x12: {  	s1 =	sld [smem:$0x3F9D];
	s0 =	simm.s32 @p0 $0x1  }
0x13: {  	[smem:$0x3FB8] =	sst s0;
	s0 =	simm.s32 @!p1 $0x0  }
0x14: {  	s2 =	sld [smem:$0x3F9C];
	s0 =	simm.s32 @p1 $0x1  }
0x15: {  	[smem:$0x3FB9] =	sst s0;
	s0 =	simm.s32 @!p2 $0x0  }
0x16: {  	s3 =	sld [smem:$0x3FDB];
	s0 =	simm.s32 @p2 $0x1  }
0x17: {  	s4 =	simm.s32 $0x1BF5;
	[smem:$0x3FBB] =	sst s0  }
0x18: {  	s0 =	sld [smem:$0x3F9E];
	_ =	swait.ge [sflag:s4], $0x0  }
0x19: {  	s7 =	sld [smem:$0x3F9F]  }
0x1a: {  	s8 =	sadd.s32 $0xFFFFE003, lr  }
0x1b: {  	s9 =	sadd.s32 $0xFFFFFEF7, lr;
	s5 =	simm.s32 $0xFFFFFFFF;
	p2 =	slt.u32 s8, $0xFFFFF086  }
0x1c: {  	p1 =	slt.u32 s9, $0xF7A;
	s5 =	simm.s32 @!p2 $0x0  }
0x1d: {  	s5 =	simm.s32 @p1 $0x1;
	p0 =	seq.s32 s7, s2  }
0x1e: {  	s7 =	smul.u32 @!p0 $0xF7A, s2;
	p2 =	seq.s32 @!p0 s5, $0x0  }
0x1f: {  	s9 =	smul.u32 $0xF7A, s1;
	s8 =	simm.s32 @!p0 $0x1BF5;
	p2 =	por !p2, p0  }
0x20: {  	[sflag:s8] =	ssyncset.s32 @!p0 $0xFFFFF086;
	s6 =	sadd.s32 @!p0 s3, s7;
	s7 =	simm.s32 @!p0 $0x108  }
0x21: {  	s3 =	sadd.s32 s3, s9;
	s6 =	sadd.s32 @!p0 $0x88, s6;
	s7 =	simm.s32 @p2 $0x1082  }
0x22: {  	[simem:s7], [sflag:s8] =	dma.local @!p0 [hbm:s6], $0xF7A  }
0x23: {  	s9 =	sor.u32 $0xD0000000, s2;
	s6 =	simm.s32 $0x108;
	_ =	swait.ge @!p0 [sflag:s8], $0x0  }
0x24: {  	s3 =	sadd.s32 $0x88, s3;
	s6 =	simm.s32 @!p1 $0x1082;
	[sflag:s4] =	ssyncset.s32 $0xFFFFF086  }
0x25: {  	[simem:s6], [sflag:s4] =	dma.local [hbm:s3], $0xF7A  }
0x26: {  	[smem:$0x3F9F] =	sst s1;
	(tag) =	ssettag s2;
	_ =	strace s9  }
0x27: {  	s1 =	sld [smem:$0x3FAF]  }
0x28: {  	s2 =	sld [smem:$0x3FB0]  }
0x29: {  	s4 =	sld [smem:$0x3FB2]  }
0x2a: {  	p0 =	seq.s32 s5, $0x0;
	s5 =	sld [smem:$0x3FB3]  }
0x2b: {  	s6 =	sld [smem:$0x3FB4]  }
0x2c: {  	s7 =	sld [smem:$0x3FB5]  }
0x2d: {  	s3 =	simm.s32 $0x108;
	s8 =	sld [smem:$0x3FB6]  }
0x2e: {  	s3 =	simm.s32 @!p0 $0x1082;
	s9 =	sld [smem:$0x3FB7]  }
0x2f: {  	lr =	sadd.s32 s0, s3;
	s0 =	sld [smem:$0x3FAE]  }
0x30: {  	s3 =	sld [smem:$0x3FB1]  }
0x31: {  	[smem:$0x3FBA] =	sst s10  }
0x32: {  	s10 =	sld [smem:$0x3FB8];
	_ =	sdelay $0x3  }
0x33: {  	p0 =	seq.s32 s10, $0x1;
	s10 =	sld [smem:$0x3FBA];
	_ =	sdelay $0x3  }
0x34: {  	[smem:$0x3FBA] =	sst s10  }
0x35: {  	s10 =	sld [smem:$0x3FB9];
	_ =	sdelay $0x3  }
0x36: {  	p1 =	seq.s32 s10, $0x1;
	s10 =	sld [smem:$0x3FBA];
	_ =	sdelay $0x3  }
0x37: {  	[smem:$0x3FBA] =	sst s10  }
0x38: {  	s10 =	sld [smem:$0x3FBB]  }
0x39: {  	_ = 	snop;
	(pc) =	sbr.ind lr, $3  }
0x3a: {  	_ = 	snop  }
0x3b: {  	_ = 	snop  }
0x3c: {  	p2 =	seq.s32 s10, $0x1;
	s10 =	sld [smem:$0x3FBA]  }
0x3d: {  	_ =	shalt  }
0x3e: {  	_ =	shalt  }
0x3f: {  	_ =	shalt  }
0x40: {  	_ =	shalt  }
0x41: {  	_ =	shalt  }
0x42: {  	_ =	shalt  }
0x43: {  	_ =	shalt  }
0x44: {  	_ =	shalt  }
0x45: {  	_ =	shalt  }
0x46: {  	_ =	shalt  }
0x47: {  	_ =	shalt  }
0x48: {  	_ =	shalt  }
0x49: {  	_ =	shalt  }
0x4a: {  	_ =	shalt  }
0x4b: {  	_ =	shalt  }
0x4c: {  	_ =	shalt  }
0x4d: {  	_ =	shalt  }
0x4e: {  	_ =	shalt  }
0x4f: {  	_ =	shalt  }
0x50: {  	_ =	shalt  }
0x51: {  	_ =	shalt  }
0x52: {  	_ =	shalt  }
0x53: {  	_ =	shalt  }
0x54: {  	_ =	shalt  }
0x55: {  	_ =	shalt  }
0x56: {  	_ =	shalt  }
0x57: {  	_ =	shalt  }
0x58: {  	_ =	shalt  }
0x59: {  	_ =	shalt  }
0x5a: {  	_ =	shalt  }
0x5b: {  	_ =	shalt  }
0x5c: {  	_ =	shalt  }
0x5d: {  	_ =	shalt  }
0x5e: {  	_ =	shalt  }
0x5f: {  	_ =	shalt  }
0x60: {  	_ =	shalt  }
0x61: {  	_ =	shalt  }
0x62: {  	_ =	shalt  }
0x63: {  	_ =	shalt  }
0x64: {  	_ =	shalt  }
0x65: {  	_ =	shalt  }
0x66: {  	_ =	shalt  }
0x67: {  	_ =	shalt  }
0x68: {  	_ =	shalt  }
0x69: {  	_ =	shalt  }
0x6a: {  	_ =	shalt  }
0x6b: {  	_ =	shalt  }
0x6c: {  	_ =	shalt  }
0x6d: {  	_ =	shalt  }
0x6e: {  	_ =	shalt  }
0x6f: {  	_ =	shalt  }
0x70: {  	_ =	shalt  }
0x71: {  	_ =	shalt  }
0x72: {  	_ =	shalt  }
0x73: {  	_ =	shalt  }
0x74: {  	_ =	shalt  }
0x75: {  	_ =	shalt  }
0x76: {  	_ =	shalt  }
0x77: {  	_ =	shalt  }
0x78: {  	_ =	shalt  }
0x79: {  	_ =	shalt  }
0x7a: {  	_ =	shalt  }
0x7b: {  	_ =	shalt  }
0x7c: {  	_ =	shalt  }
0x7d: {  	_ =	shalt  }
0x7e: {  	_ =	shalt  }
0x7f: {  	_ =	shalt  }
0x80: {  	_ =	shalt  }
0x81: {  	_ =	shalt  }
0x82: {  	_ =	shalt  }
0x83: {  	_ =	shalt  }
0x84: {  	_ =	shalt  }
0x85: {  	_ =	shalt  }
0x86: {  	_ =	shalt  }
0x87: {  	_ =	shalt  }
.Lfunc_end0:
.L_simem_size_0:
called_computation_lowered:
.L_overlay_start_0:
0x88: {  	s2 =	sld [smem:$0x3FD9]  }
0x89: {  	s3 =	sld [smem:$0x3FFE];
	_ =	sdelay $0x1  }
0x8a: {  	s1 =	srdreg.scid  }
0x8b: {  	s0 =	sand.u32 $0x1, s1  }
0x8c: {  	s18 =	sshll.u32 s0, $0xA;
	s2 =	sadd.s32 s3, s2  }
0x8d: {  	s2 =	sadd.s32 s2, s18  }
0x8e: {  	[smem:$0x3FC6] =	sst s2  }
0x8f: {  	_ = 	snop  }
0x90: {  	s2 =	sld [smem:$0x3FC9]  }
0x91: {  	s19 =	sld [smem:$0x3FC8]  }
0x92: {  	s4 =	sld [smem:$0x3FD0];
	(tm) =	ssettm $0x1  }
0x93: {  	s5 =	sld [smem:$0x3FFB];
	_ =	sdelay $0x3  }
0x94: {  	_ =	strace s5  }
0x95: {  	s5 =	sld [smem:$0x3FFC];
	_ =	sdelay $0x3  }
0x96: {  	_ =	strace s5  }
0x97: {  	s5 =	sld [smem:$0x3FFD];
	_ =	sdelay $0x3  }
0x98: {  	_ =	strace s5  }
0x99: {  	_ =	strace $0x8FFFFFFF  }
0x9a: {  	s20 =	sld [smem:$0x3FDB];
	_ =	sdelay $0x1  }
0x9b: {  	s6 =	simm.s32 $_scs_section_size  }
0x9c: {  	s7 =	simm.s32 $_size__tile_overlayer_lowered;
	s8 =	simm.s32 $_tile_overlayer_lowered  }
0x9d: {  	s23 =	simm.s32 $0x1BFF;
	s22 =	sshll.u32 s8, $0x1;
	s5 =	sadd.s32 s6, s20  }
0x9e: {  	s9 =	simm.s32 $0x0;
	s21 =	sshll.u32 s7, $0x1;
	s7 =	sadd.s32 s22, s5  }
0x9f: {  	[timem:s9], [sflag:s23] =	dma.local [hbm:s7], s21  }
0xa0: {  	_ =	swait.ge [sflag:s23], s21  }
0xa1: {  	s6 =	ssub.s32 $0x0, s21;
	[sflag:s23] =	ssyncset.done $0x0  }
0xa2: {  	[sflag:s23] =	ssyncadd.s32 s6;
	_ =	sdelay $0x1  }
0xa3: {  	s24 =	simm.s32 $0x1B8B  }
0xa4: {  	_ =	swait.ge [sflag:s24], $0x1  }
0xa5: {  	[sflag:s24] =	ssyncset.done $0x0  }
0xa6: {  	s25 =	simm.s32 $0x1B8E;
	[sflag:s24] =	ssyncadd.s32 $0xFFFFFFFF  }
0xa7: {  	s26 =	simm.s32 $execute0_lowered;
	[smem:$0x3FD2] =	sst s25  }
0xa8: {  	s6 =	sshll.u32 s26, $0x1;
	_ =	strace $0x80000046;
	[dreg:$0x1] =	wrdreg $0xFFFFFFFF  }
0xa9: {  	s28 =	simm.s32 $_size_execute0_lowered;
	s5 =	sadd.s32 s5, s6;
	[dreg:$0x0] =	wrdreg $0x0  }
0xaa: {  	s6 =	sshll.u32 s28, $0x1;
	[dreg:$0x2] =	wrdreg s5  }
0xab: {  	[dreg:$0x3] =	wrdreg s6  }
0xac: {  	[dreg:$0x4] =	wrdreg $0xC0  }
0xad: {  	_ =	task [dreg:s9], $0x5FFFF  }
0xae: {  	[dreg:$0x1] =	wrdreg $0xFFFFFFFF  }
0xaf: {  	[dreg:$0x0] =	wrdreg $0x60  }
0xb0: {  	[dreg:$0x2] =	wrdreg s2  }
0xb1: {  	[dreg:$0x3] =	wrdreg s19  }
0xb2: {  	[dreg:$0x4] =	wrdreg s4  }
0xb3: {  	[dreg:$0x5] =	wrdreg $0x9  }
0xb4: {  	_ =	task.clear_ibuf [dreg:s9], $0x6FFFF;
	_ =	strace $0x90000046  }
0xb5: {  	s29 =	simm.s32 $0x9;
	_ =	strace $0x80000048  }
0xb6: {  	_ =	swait.ge [sflag:s29], $0x1  }
0xb7: {  	[sflag:s29] =	ssyncadd.s32 $0xFFFFFFFF  }
0xb8: {  	_ =	strace $0x90000048  }
0xb9: {  	_ =	sfence  }
0xba: {  	s30 =	sld [smem:$0x0];
	_ =	sdelay $0x2  }
0xbb: {  	s31 =	sshll.u32 s1, $0xD;
	s1 =	sshrl.u32 s1, $0x2  }
0xbc: {  	s3 =	sand.u32 $0x4000, s31;
	s1 =	sadd.s32 s1, s30  }
0xbd: {  	s0 =	sor.u32 s3, s0;
	s1 =	sshll.u32 s1, $0x11  }
0xbe: {  	s0 =	sor.u32 s1, s0  }
0xbf: {  	s0 =	sadd.s32 $0x8F2B, s0  }
0xc0: {  	[sflag:s0] =	ssyncadd.remote.s32 $0x1  }
0xc1: {  	_ =	sfence.sel $0xFFFF  }
0xc2: {  	[dreg:$0x0] =	wrdreg $0xFFFFFFFF;
	(pc) =	sbr.abs _section_cstart, $3  }
0xc3: {  	[dreg:$0x1] =	wrdreg $0xFFFFFFFF  }
0xc4: {  	_ =	task.clear_ibuf [dreg:s9], $0x2FFFF;
	_ =	strace $0x9FFFFFFF  }
0xc5: {  	(tm) =	ssettm $0x7FFFFFFF  }
tec
execute0_lowered:
.L_overlay_start_1:
0x0: {  	(tag) =	ssettag $0x1  }
0x1: {  	vm0 =	vmmov $0x1;
	v0 =	vimm.s32 $0x1380;
	vm9 =	vcmask $0x300  }
0x2: {  	vm1 =	vcmask $0x308;
	vm7 =	vcmask $0x704;
	vm2 =	vcmask $0x70C  }
0x3: {  	vm14 =	vcmask $0xB08;
	vm3 =	vcmask $0xB10;
	vm10 =	vcmask $0xF0C  }
0x4: {  	vm4 =	vcmask $0xF14;
	vm11 =	vcmask $0x1310;
	vm5 =	vcmask $0x1318  }
0x5: {  	vm12 =	vcmask $0x1714;
	vm6 =	vcmask $0x171C;
	vm13 =	vcmask $0x1B18  }
0x6: {  	vm8 =	vcmask $0x1F1C;
	v1 =	vimm.s32 $0x3380;
	v2 =	vimm.s32 $0x1FF8  }
0x7: {  	v3 =	vimm.s32 $0x3FF8;
	v4 =	vimm.s32 $0x1FF9;
	v5 =	vimm.s32 $0x3FF9  }
0x8: {  	v6 =	vimm.s32 $0x1FFA;
	v7 =	vimm.s32 $0x3FFA;
	v8 =	vimm.s32 $0x1FFB  }
0x9: {  	v9 =	vimm.s32 $0x3FFB;
	v10 =	vimm.s32 $0x1FFC;
	v11 =	vimm.s32 $0x3FFC  }
0xa: {  	v12 =	vimm.s32 $0x1FFD;
	v13 =	vimm.s32 $0x3FFD;
	v14 =	vimm.s32 $0x1FFE  }
0xb: {  	v15 =	vimm.s32 $0x3FFE;
	v16 =	vimm.s32 $0x1FFF;
	v17 =	vimm.s32 $0x3FFF  }
0xc: {  	vm15 =	vcmask $0x2724;
	v0 =	vsel vm9, $0x0, v0;
	v1 =	vsel vm9, $0x2000, v1  }
0xd: {  	v2 =	vsel vm9, $0xC78, v2;
	v3 =	vsel vm9, $0x2C78, v3;
	v4 =	vsel vm9, $0xC79, v4  }
0xe: {  	v5 =	vsel vm9, $0x2C79, v5;
	v6 =	vsel vm9, $0xC7A, v6;
	v7 =	vsel vm9, $0x2C7A, v7  }
0xf: {  	v8 =	vsel vm9, $0xC7B, v8;
	v9 =	vsel vm9, $0x2C7B, v9;
	v10 =	vsel vm9, $0xC7C, v10  }
0x10: {  	v11 =	vsel vm9, $0x2C7C, v11;
	v12 =	vsel vm9, $0xC7D, v12;
	v13 =	vsel vm9, $0x2C7D, v13  }
0x11: {  	v14 =	vsel vm9, $0xC7E, v14;
	v15 =	vsel vm9, $0x2C7E, v15;
	v16 =	vsel vm9, $0xC7F, v16  }
0x12: {  	v17 =	vsel vm9, $0x2C7F, v17;
	vm9 =	vcmask $0x2320;
	v0 =	vsel vm7, $0x80, v0  }
0x13: {  	v1 =	vsel vm7, $0x2080, v1;
	v2 =	vsel vm7, $0xCF8, v2;
	v3 =	vsel vm7, $0x2CF8, v3  }
0x14: {  	v4 =	vsel vm7, $0xCF9, v4;
	v5 =	vsel vm7, $0x2CF9, v5;
	v6 =	vsel vm7, $0xCFA, v6  }
0x15: {  	v7 =	vsel vm7, $0x2CFA, v7;
	v8 =	vsel vm7, $0xCFB, v8;
	v9 =	vsel vm7, $0x2CFB, v9  }
0x16: {  	v10 =	vsel vm7, $0xCFC, v10;
	v11 =	vsel vm7, $0x2CFC, v11;
	v12 =	vsel vm7, $0xCFD, v12  }
0x17: {  	v13 =	vsel vm7, $0x2CFD, v13;
	v14 =	vsel vm7, $0xCFE, v14;
	v15 =	vsel vm7, $0x2CFE, v15  }
0x18: {  	v16 =	vsel vm7, $0xCFF, v16;
	v17 =	vsel vm7, $0x2CFF, v17;
	vm7 =	vcmask $0x1B20  }
0x19: {  	v0 =	vsel vm14, $0x100, v0;
	v1 =	vsel vm14, $0x2100, v1;
	v2 =	vsel vm14, $0xD78, v2  }
0x1a: {  	v3 =	vsel vm14, $0x2D78, v3;
	v4 =	vsel vm14, $0xD79, v4;
	v5 =	vsel vm14, $0x2D79, v5  }
0x1b: {  	v6 =	vsel vm14, $0xD7A, v6;
	v7 =	vsel vm14, $0x2D7A, v7;
	v8 =	vsel vm14, $0xD7B, v8  }
0x1c: {  	v9 =	vsel vm14, $0x2D7B, v9;
	v10 =	vsel vm14, $0xD7C, v10;
	v11 =	vsel vm14, $0x2D7C, v11  }
0x1d: {  	v12 =	vsel vm14, $0xD7D, v12;
	v13 =	vsel vm14, $0x2D7D, v13;
	v14 =	vsel vm14, $0xD7E, v14  }
0x1e: {  	v15 =	vsel vm14, $0x2D7E, v15;
	v16 =	vsel vm14, $0xD7F, v16;
	v17 =	vsel vm14, $0x2D7F, v17  }
0x1f: {  	vm14 =	vcmask $0x3B38;
	v0 =	vsel vm10, $0x180, v0;
	v1 =	vsel vm10, $0x2180, v1  }
0x20: {  	v2 =	vsel vm10, $0xDF8, v2;
	v3 =	vsel vm10, $0x2DF8, v3;
	v4 =	vsel vm10, $0xDF9, v4  }
0x21: {  	v5 =	vsel vm10, $0x2DF9, v5;
	v6 =	vsel vm10, $0xDFA, v6;
	v7 =	vsel vm10, $0x2DFA, v7  }
0x22: {  	v8 =	vsel vm10, $0xDFB, v8;
	v9 =	vsel vm10, $0x2DFB, v9;
	v10 =	vsel vm10, $0xDFC, v10  }
0x23: {  	v11 =	vsel vm10, $0x2DFC, v11;
	v12 =	vsel vm10, $0xDFD, v12;
	v13 =	vsel vm10, $0x2DFD, v13  }
0x24: {  	v14 =	vsel vm10, $0xDFE, v14;
	v15 =	vsel vm10, $0x2DFE, v15;
	v16 =	vsel vm10, $0xDFF, v16  }
0x25: {  	v17 =	vsel vm10, $0x2DFF, v17;
	vm10 =	vcmask $0x2B28;
	v0 =	vsel vm11, $0x200, v0  }
0x26: {  	v19 =	vsel vm11, $0x2200, v1;
	v2 =	vsel vm11, $0xE78, v2;
	v3 =	vsel vm11, $0x2E78, v3  }
0x27: {  	v4 =	vsel vm11, $0xE79, v4;
	v5 =	vsel vm11, $0x2E79, v5;
	v6 =	vsel vm11, $0xE7A, v6  }
0x28: {  	v7 =	vsel vm11, $0x2E7A, v7;
	v8 =	vsel vm11, $0xE7B, v8;
	v9 =	vsel vm11, $0x2E7B, v9  }
0x29: {  	v10 =	vsel vm11, $0xE7C, v10;
	v11 =	vsel vm11, $0x2E7C, v11;
	v12 =	vsel vm11, $0xE7D, v12  }
0x2a: {  	v13 =	vsel vm11, $0x2E7D, v13;
	v14 =	vsel vm11, $0xE7E, v14;
	v15 =	vsel vm11, $0x2E7E, v15  }
0x2b: {  	v16 =	vsel vm11, $0xE7F, v16;
	v17 =	vsel vm11, $0x2E7F, v17;
	vm11 =	vcmask $0x2F2C  }
0x2c: {  	v0 =	vsel vm12, $0x280, v0;
	v19 =	vsel vm12, $0x2280, v19;
	v2 =	vsel vm12, $0xEF8, v2  }
0x2d: {  	v3 =	vsel vm12, $0x2EF8, v3;
	v4 =	vsel vm12, $0xEF9, v4;
	v5 =	vsel vm12, $0x2EF9, v5  }
0x2e: {  	v6 =	vsel vm12, $0xEFA, v6;
	v7 =	vsel vm12, $0x2EFA, v7;
	v8 =	vsel vm12, $0xEFB, v8  }
0x2f: {  	v9 =	vsel vm12, $0x2EFB, v9;
	v10 =	vsel vm12, $0xEFC, v10;
	v11 =	vsel vm12, $0x2EFC, v11  }
0x30: {  	v12 =	vsel vm12, $0xEFD, v12;
	v13 =	vsel vm12, $0x2EFD, v13;
	v14 =	vsel vm12, $0xEFE, v14  }
0x31: {  	v15 =	vsel vm12, $0x2EFE, v15;
	v16 =	vsel vm12, $0xEFF, v16;
	v17 =	vsel vm12, $0x2EFF, v17  }
0x32: {  	vm12 =	vcmask $0x3330;
	v0 =	vsel vm13, $0x300, v0;
	v19 =	vsel vm13, $0x2300, v19  }
0x33: {  	v2 =	vsel vm13, $0xF78, v2;
	v3 =	vsel vm13, $0x2F78, v3;
	v4 =	vsel vm13, $0xF79, v4  }
0x34: {  	v5 =	vsel vm13, $0x2F79, v5;
	v6 =	vsel vm13, $0xF7A, v6;
	v7 =	vsel vm13, $0x2F7A, v7  }
0x35: {  	v8 =	vsel vm13, $0xF7B, v8;
	v9 =	vsel vm13, $0x2F7B, v9;
	v10 =	vsel vm13, $0xF7C, v10  }
0x36: {  	v11 =	vsel vm13, $0x2F7C, v11;
	v12 =	vsel vm13, $0xF7D, v12;
	v13 =	vsel vm13, $0x2F7D, v13  }
0x37: {  	v14 =	vsel vm13, $0xF7E, v14;
	v15 =	vsel vm13, $0x2F7E, v15;
	v16 =	vsel vm13, $0xF7F, v16  }
0x38: {  	v17 =	vsel vm13, $0x2F7F, v17;
	vm13 =	vcmask $0x3734;
	v0 =	vsel vm8, $0x380, v0  }
0x39: {  	v19 =	vsel vm8, $0x2380, v19;
	v2 =	vsel vm8, $0xFF8, v2;
	v20 =	vsel vm8, $0x2FF8, v3  }
0x3a: {  	v21 =	vsel vm8, $0xFF9, v4;
	v5 =	vsel vm8, $0x2FF9, v5;
	v6 =	vsel vm8, $0xFFA, v6  }
0x3b: {  	v7 =	vsel vm8, $0x2FFA, v7;
	v8 =	vsel vm8, $0xFFB, v8;
	v9 =	vsel vm8, $0x2FFB, v9  }
0x3c: {  	v10 =	vsel vm8, $0xFFC, v10;
	v11 =	vsel vm8, $0x2FFC, v11;
	v12 =	vsel vm8, $0xFFD, v12  }
0x3d: {  	v13 =	vsel vm8, $0x2FFD, v13;
	v14 =	vsel vm8, $0xFFE, v14;
	v15 =	vsel vm8, $0x2FFE, v15  }
0x3e: {  	v16 =	vsel vm8, $0xFFF, v16;
	v17 =	vsel vm8, $0x2FFF, v17;
	vm8 =	vcmask $0x1F24  }
0x3f: {  	v18 =	vsel vm9, $0x1000, v0;
	v0 =	vlaneseq.u32;
	v19 =	vsel vm9, $0x3000, v19  }
0x40: {  	v2 =	vsel vm9, $0x1C78, v2;
	v22 =	vsel vm9, $0x1C7A, v6;
	v7 =	vsel vm9, $0x3C7A, v7  }
0x41: {  	v8 =	vsel vm9, $0x1C7B, v8;
	v9 =	vsel vm9, $0x3C7B, v9;
	v10 =	vsel vm9, $0x1C7C, v10  }
0x42: {  	v11 =	vsel vm9, $0x3C7C, v11;
	v12 =	vsel vm9, $0x1C7D, v12;
	v13 =	vsel vm9, $0x3C7D, v13  }
0x43: {  	v14 =	vsel vm9, $0x1C7E, v14;
	v15 =	vsel vm9, $0x3C7E, v15;
	v16 =	vsel vm9, $0x1C7F, v16  }
0x44: {  	v17 =	vsel vm9, $0x3C7F, v17;
	v18 =	vsel vm15, $0x1080, v18;
	v1 =	vmul.u32 $0x80, v0  }
0x45: {  	v19 =	vsel vm15, $0x3080, v19;
	v2 =	vsel vm15, $0x1CF8, v2;
	v9 =	vsel vm15, $0x3CFB, v9  }
0x46: {  	v10 =	vsel vm15, $0x1CFC, v10;
	v11 =	vsel vm15, $0x3CFC, v11;
	v12 =	vsel vm15, $0x1CFD, v12  }
0x47: {  	v13 =	vsel vm15, $0x3CFD, v13;
	v14 =	vsel vm15, $0x1CFE, v14;
	v15 =	vsel vm15, $0x3CFE, v15  }
0x48: {  	v16 =	vsel vm15, $0x1CFF, v16;
	v17 =	vsel vm15, $0x3CFF, v17;
	v18 =	vsel vm10, $0x1100, v18  }
0x49: {  	v19 =	vsel vm10, $0x3100, v19;
	v4 =	vsel vm10, $0x1D78, v2;
	v11 =	vsel vm10, $0x3D7C, v11  }
0x4a: {  	v12 =	vsel vm10, $0x1D7D, v12;
	v13 =	vsel vm10, $0x3D7D, v13;
	v14 =	vsel vm10, $0x1D7E, v14  }
0x4b: {  	v15 =	vsel vm10, $0x3D7E, v15;
	v16 =	vsel vm10, $0x1D7F, v16;
	v17 =	vsel vm10, $0x3D7F, v17  }
0x4c: {  	v18 =	vsel vm11, $0x1180, v18;
	v19 =	vsel vm11, $0x3180, v19;
	v13 =	vsel vm11, $0x3DFD, v13  }
0x4d: {  	v14 =	vsel vm11, $0x1DFE, v14;
	v15 =	vsel vm11, $0x3DFE, v15;
	v16 =	vsel vm11, $0x1DFF, v16  }
0x4e: {  	v17 =	vsel vm11, $0x3DFF, v17;
	v18 =	vsel vm12, $0x1200, v18;
	v3 =	vsel vm12, $0x3200, v19  }
0x4f: {  	v19 =	vsel vm11, $0x1DF8, v4;
	v15 =	vsel vm12, $0x3E7E, v15;
	v17 =	vsel vm12, $0x3E7F, v17  }
0x50: {  	v16 =	vsel vm12, $0x1E7F, v16;
	v18 =	vsel vm13, $0x1280, v18;
	v23 =	vsel vm13, $0x3EFF, v17  }
0x51: {  	v2 =	vsel vm14, $0x1300, v18;
	v18 =	vsel vm13, $0x3280, v3;
	v3 =	vor.u32 $0x800, v1  }
0x52: {  	v4 =	vsel vm14, $0x3300, v18;
	v18 =	vsel vm12, $0x1E78, v19;
	v19 =	vsel vm9, $0x3C78, v20  }
0x53: {  	v20 =	vsel vm9, $0x1C79, v21;
	v21 =	vsel vm9, $0x3C79, v5;
	vm9 =	vcmask $0x2328  }
0x54: {  	v5 =	vsel vm13, $0x1EF8, v18;
	v6 =	vsel vm15, $0x3CF8, v19;
	v18 =	vsel vm15, $0x1CF9, v20  }
0x55: {  	v19 =	vsel vm15, $0x3CF9, v21;
	v20 =	vsel vm15, $0x1CFA, v22;
	v21 =	vsel vm15, $0x3CFA, v7  }
0x56: {  	v22 =	vsel vm15, $0x1CFB, v8;
	v5 =	vsel vm14, $0x1F78, v5;
	v6 =	vsel vm10, $0x3D78, v6  }
0x57: {  	v18 =	vsel vm10, $0x1D79, v18;
	v19 =	vsel vm10, $0x3D79, v19;
	v6 =	vsel vm11, $0x3DF8, v6  }
0x58: {  	v18 =	vsel vm11, $0x1DF9, v18;
	v19 =	vsel vm11, $0x3DF9, v19;
	v6 =	vsel vm12, $0x3E78, v6  }
0x59: {  	v18 =	vsel vm12, $0x1E79, v18;
	v19 =	vsel vm12, $0x3E79, v19;
	v6 =	vsel vm13, $0x3EF8, v6  }
0x5a: {  	s1 =	rddreg [dreg:$0x0];
	v18 =	vsel vm13, $0x1EF9, v18;
	v8 =	vsel vm13, $0x3EF9, v19;
	v19 =	vsel vm10, $0x3D7A, v21  }
0x5b: {  	s0 =	rddreg [dreg:$0x1];
	v21 =	vsel vm10, $0x3D7B, v9;
	v6 =	vsel vm14, $0x3F78, v6;
	v7 =	vsel vm14, $0x1F79, v18  }
0x5c: {  	s3 =	rddreg [dreg:$0x2];
	s2 =	simm.s32 $0x0;
	s4 =	srdreg.scid;
	v8 =	vsel vm14, $0x3F79, v8;
	v18 =	vsel vm10, $0x1D7A, v20;
	v19 =	vsel vm11, $0x3DFA, v19  }
0x5d: {  	s6 =	stileid.u32;
	s9 =	simm.s32 $0x1A00;
	s11 =	simm.s32 $0x1E00;
	v20 =	vsel vm10, $0x1D7B, v22;
	v22 =	vsel vm10, $0x1D7C, v10;
	vm10 =	vcmask $0x272C  }
0x5e: {  	s10 =	simm.s32 $0x2200;
	s15 =	simm.s32 $0x2600;
	s16 =	simm.s32 $0x2A00;
	v18 =	vsel vm11, $0x1DFA, v18;
	v10 =	vsel vm12, $0x3E7A, v19;
	v19 =	vsel vm11, $0x3DFB, v21  }
0x5f: {  	s17 =	simm.s32 $0x2E00;
	s18 =	simm.s32 $0x3200;
	s19 =	simm.s32 $0x3600;
	v21 =	vsel vm11, $0x3DFC, v11;
	v9 =	vsel vm12, $0x1E7A, v18;
	v10 =	vsel vm13, $0x3EFA, v10  }
0x60: {  	s20 =	simm.s32 $0x3A00;
	s31 =	simm.s32 $0x3E00;
	s21 =	simm.s32 $0x1;
	v18 =	vsel vm11, $0x1DFB, v20;
	v20 =	vsel vm11, $0x1DFC, v22;
	v22 =	vsel vm11, $0x1DFD, v12  }
0x61: {  	s22 =	simm.s32 $0x9200;
	s23 =	simm.s32 $0x2;
	s28 =	simm.s32 $0x6;
	vm11 =	vcmask $0x2B30;
	v12 =	vsel vm12, $0x3E7B, v19;
	v19 =	vsel vm12, $0x3E7C, v21  }
0x62: {  	s29 =	simm.s32 $0x7;
	s30 =	simm.s32 $0x8;
	s12 =	simm.s32 $0x0;
	v21 =	vsel vm12, $0x3E7D, v13;
	v9 =	vsel vm13, $0x1EFA, v9;
	v10 =	vsel vm14, $0x3F7A, v10  }
0x63: {  	[smem:$0x7FF] =	sst s2;
	s4 =	sand.u32 $0x1, s4;
	s6 =	sshll.u32 s6, $0xA;
	v18 =	vsel vm12, $0x1E7B, v18;
	v12 =	vsel vm13, $0x3EFB, v12;
	v9 =	vsel vm14, $0x1F7A, v9  }
0x64: {  	s24 =	sadd.s32 $0xF4200, s0;
	s8 =	sadd.s32 $0x2DC780, s0;
	s5 =	ssub.s32 $0x2, s4;
	v11 =	vsel vm13, $0x1EFB, v18;
	v18 =	vsel vm12, $0x1E7C, v20;
	v12 =	vsel vm14, $0x3F7B, v12  }
0x65: {  	s4 =	sshll.u32 s4, $0x9;
	_ =	strace $0x80000047;
	[dreg:$0x4] =	wrdreg s24;
	v20 =	vsel vm12, $0x1E7D, v22;
	v22 =	vsel vm12, $0x1E7E, v14;
	vm12 =	vcmask $0x2F34  }
0x66: {  	s24 =	simm.s32 $0x3;
	s7 =	sshrl.u32 s5, $0x1;
	s4 =	sor.u32 s4, s6;
	v14 =	vsel vm13, $0x3EFC, v19;
	v19 =	vsel vm13, $0x3EFD, v21;
	v21 =	vsel vm13, $0x3EFE, v15  }
0x67: {  	s5 =	ssub.s32 s5, s7;
	s6 =	sshrl.u32 s4, $0x3;
	s7 =	sadd.s32 $0x1E8500, s0;
	v11 =	vsel vm14, $0x1F7B, v11;
	v18 =	vsel vm13, $0x1EFC, v18;
	v14 =	vsel vm14, $0x3F7C, v14  }
0x68: {  	s25 =	sadd.s32 s3, s4;
	s3 =	simm.s32 $0x9;
	s4 =	simm.s32 $0x1200;
	v13 =	vsel vm14, $0x1F7C, v18;
	v18 =	vsel vm13, $0x1EFD, v20;
	v20 =	vsel vm13, $0x1EFE, v22  }
0x69: {  	s1 =	sadd.s32 s1, s6;
	s6 =	sadd.s32 $0xF4280, s0;
	[dreg:$0x6] =	wrdreg s25;
	v22 =	vsel vm13, $0x1EFF, v16;
	vm13 =	vcmask $0x3338;
	v16 =	vsel vm14, $0x3F7D, v19  }
0x6a: {  	s26 =	smax.u32 s5, $0x1;
	s5 =	simm.s32 $0x1600;
	[dreg:$0x5] =	wrdreg s1;
	v15 =	vsel vm14, $0x1F7D, v18;
	v17 =	vsel vm14, $0x1F7E, v20;
	v18 =	vsel vm14, $0x3F7E, v21  }
0x6b: {  	s25 =	simm.s32 $0x4;
	[dreg:$0x7] =	wrdreg s26;
	s26 =	simm.s32 $0x5;
	v19 =	vsel vm14, $0x1F7F, v22;
	v20 =	vsel vm14, $0x3F7F, v23;
	vm14 =	vcmask $0x373C  }
.LBB2_1:
0x6c: {  	[dreg:$0x8] =	wrdreg s12  }
0x6d: {  	s1 =	rddreg [dreg:$0x5]  }
0x6e: {  	[tilespmem:s2], [sflag:$0x9] =	stream.linear.gather [hbm4b:s1+s2], $0x200, $0x38;
	[tilespmem:$0xD200] =	vst v63  }
0x6f: {  	_ =	swait.ge [sflag:s3], $0x200  }
0x70: {  	s12 =	simm.s32 $0x400;
	s13 =	simm.s32 $0x7A1400;
	[sflag:s3] =	ssyncset.done $0x0  }
0x71: {  	s14 =	simm.s32 $0x200;
	s1 =	rddreg [dreg:$0x4];
	[sflag:s3] =	ssyncadd.s32 $0xFFFFFE00  }
0x72: {  	[tilespmem:s14], [sflag:$0x9] =	stream.strided.gather [hbm4b:s1+s12], $0x1000, s13, s12, $0x38;
	[tilespmem:$0xD200] =	vst v63  }
0x73: {  	_ =	swait.ge [sflag:s3], $0x1000  }
0x74: {  	[sflag:s3] =	ssyncset.done $0x0  }
0x75: {  	[sflag:s3] =	ssyncadd.s32 $0xFFFFF000  }
0x76: {  	v21 =	vld [tilespmem:$0x0];
	_ =	sdelay $0x4  }
0x77: {  	v21 =	vnsel vm0, $0x0, v21  }
0x78: {  	(xrf0) =	vadd.scan.msk.s32 $0xffff, v21;
	_ =	sdelay $0x5  }
0x79: {  	v21, _, _ =	vpop (xrf0)  }
0x7a: {  	(v2sf) =	vpush v21, $0xF;
	_ =	sdelay $0xe  }
0x7b: {  	s13 =	spop (v2sf)  }
0x7c: {  	s1 =	sand.u32 $0xFFFFFF80, s13  }
0x7d: {  	p0 =	slt.s32 s1, $0xF4180  }
0x7e: {  	s1 =	simm.s32 @!p0 $0xF4180  }
0x7f: {  	s14 =	sadd.s32 s0, s1  }
0x80: {  	[tilespmem:s4], [sflag:$0x1] =	stream.linear.gather [hbm4b:s14+s2], $0x400, $0x38;
	[tilespmem:$0xD200] =	vst v63  }
0x81: {  	s4 =	sadd.s32 s1, s6  }
0x82: {  	[tilespmem:s5], [sflag:$0x1] =	stream.linear.gather [hbm4b:s4+s2], $0x400, $0x38;
	[tilespmem:$0xD200] =	vst v63  }
0x83: {  	s12 =	sadd.s32 s1, s7  }
0x84: {  	[tilespmem:s9], [sflag:$0x1] =	stream.linear.gather [hbm4b:s12+s2], $0x400, $0x38;
	[tilespmem:$0xD200] =	vst v63  }
0x85: {  	s1 =	sadd.s32 s1, s8  }
0x86: {  	[tilespmem:s11], [sflag:$0x1] =	stream.linear.gather [hbm4b:s1+s2], $0x400, $0x38;
	[tilespmem:$0xD200] =	vst v63  }
0x87: {  	v21 =	vld [tilespmem:$0x0];
	_ =	sdelay $0x4  }
0x88: {  	v21 =	vsel vm1, $0x0, v21  }
0x89: {  	(xrf0) =	vadd.scan.msk.s32 $0xffff, v21;
	_ =	sdelay $0x5  }
0x8a: {  	v21, _, _ =	vpop (xrf0)  }
0x8b: {  	(v2sf) =	vpush v21, $0xF;
	_ =	sdelay $0xe  }
0x8c: {  	s13 =	spop (v2sf)  }
0x8d: {  	s1 =	sand.u32 $0xFFFFFF80, s13  }
0x8e: {  	p0 =	slt.s32 s1, $0xF4180  }
0x8f: {  	s1 =	simm.s32 @!p0 $0xF4180  }
0x90: {  	s14 =	sadd.s32 s0, s1  }
0x91: {  	[tilespmem:s10], [sflag:$0x2] =	stream.linear.gather [hbm4b:s14+s2], $0x400, $0x38;
	[tilespmem:$0xD200] =	vst v63  }
0x92: {  	s4 =	sadd.s32 s1, s6  }
0x93: {  	[tilespmem:s15], [sflag:$0x2] =	stream.linear.gather [hbm4b:s4+s2], $0x400, $0x38;
	[tilespmem:$0xD200] =	vst v63  }
0x94: {  	s5 =	sadd.s32 s1, s7  }
0x95: {  	[tilespmem:s16], [sflag:$0x2] =	stream.linear.gather [hbm4b:s5+s2], $0x400, $0x38;
	[tilespmem:$0xD200] =	vst v63  }
0x96: {  	s1 =	sadd.s32 s1, s8  }
0x97: {  	[tilespmem:s17], [sflag:$0x2] =	stream.linear.gather [hbm4b:s1+s2], $0x400, $0x38;
	[tilespmem:$0xD200] =	vst v63  }
0x98: {  	v21 =	vld [tilespmem:$0x0];
	_ =	sdelay $0x4  }
0x99: {  	v21 =	vsel vm2, $0x0, v21  }
0x9a: {  	(xrf0) =	vadd.scan.msk.s32 $0xffff, v21;
	_ =	sdelay $0x5  }
0x9b: {  	v21, _, _ =	vpop (xrf0)  }
0x9c: {  	(v2sf) =	vpush v21, $0xF;
	_ =	sdelay $0xe  }
0x9d: {  	s9 =	spop (v2sf)  }
0x9e: {  	s1 =	sand.u32 $0xFFFFFF80, s9  }
0x9f: {  	p0 =	slt.s32 s1, $0xF4180  }
0xa0: {  	s1 =	simm.s32 @!p0 $0xF4180  }
0xa1: {  	s10 =	sadd.s32 s0, s1  }
0xa2: {  	[tilespmem:s18], [sflag:$0x3] =	stream.linear.gather [hbm4b:s10+s2], $0x400, $0x38;
	[tilespmem:$0xD200] =	vst v63  }
0xa3: {  	s11 =	sadd.s32 s1, s6  }
0xa4: {  	[tilespmem:s19], [sflag:$0x3] =	stream.linear.gather [hbm4b:s11+s2], $0x400, $0x38;
	[tilespmem:$0xD200] =	vst v63  }
0xa5: {  	s12 =	sadd.s32 s1, s7  }
0xa6: {  	[tilespmem:s20], [sflag:$0x3] =	stream.linear.gather [hbm4b:s12+s2], $0x400, $0x38;
	[tilespmem:$0xD200] =	vst v63  }
0xa7: {  	s1 =	sadd.s32 s1, s8  }
0xa8: {  	[tilespmem:s31], [sflag:$0x3] =	stream.linear.gather [hbm4b:s1+s2], $0x400, $0x38;
	[tilespmem:$0xD200] =	vst v63  }
0xa9: {  	v21 =	vld [tilespmem:$0x0];
	_ =	sdelay $0x4  }
0xaa: {  	v21 =	vsel vm3, $0x0, v21  }
0xab: {  	(xrf0) =	vadd.scan.msk.s32 $0xffff, v21;
	_ =	sdelay $0x5  }
0xac: {  	v21, _, _ =	vpop (xrf0)  }
0xad: {  	(v2sf) =	vpush v21, $0xF;
	_ =	sdelay $0xe  }
0xae: {  	s13 =	spop (v2sf)  }
0xaf: {  	s1 =	sand.u32 $0xFFFFFF80, s13  }
0xb0: {  	p0 =	slt.s32 s1, $0xF4180  }
0xb1: {  	s1 =	simm.s32 @!p0 $0xF4180  }
0xb2: {  	s15 =	simm.s32 $0x4200;
	s14 =	sadd.s32 s0, s1  }
0xb3: {  	[tilespmem:s15], [sflag:$0x4] =	stream.linear.gather [hbm4b:s14+s2], $0x400, $0x38;
	[tilespmem:$0xD200] =	vst v63  }
0xb4: {  	s17 =	simm.s32 $0x4600;
	s16 =	sadd.s32 s1, s6  }
0xb5: {  	[tilespmem:s17], [sflag:$0x4] =	stream.linear.gather [hbm4b:s16+s2], $0x400, $0x38;
	[tilespmem:$0xD200] =	vst v63  }
0xb6: {  	s19 =	simm.s32 $0x4A00;
	s18 =	sadd.s32 s1, s7  }
0xb7: {  	[tilespmem:s19], [sflag:$0x4] =	stream.linear.gather [hbm4b:s18+s2], $0x400, $0x38;
	[tilespmem:$0xD200] =	vst v63  }
0xb8: {  	s20 =	simm.s32 $0x4E00;
	s1 =	sadd.s32 s1, s8  }
0xb9: {  	[tilespmem:s20], [sflag:$0x4] =	stream.linear.gather [hbm4b:s1+s2], $0x400, $0x38;
	[tilespmem:$0xD200] =	vst v63  }
0xba: {  	v21 =	vld [tilespmem:$0x0];
	_ =	sdelay $0x4  }
0xbb: {  	v21 =	vsel vm4, $0x0, v21  }
0xbc: {  	(xrf0) =	vadd.scan.msk.s32 $0xffff, v21;
	_ =	sdelay $0x5  }
0xbd: {  	v21, _, _ =	vpop (xrf0)  }
0xbe: {  	(v2sf) =	vpush v21, $0xF;
	_ =	sdelay $0xe  }
0xbf: {  	s3 =	spop (v2sf)  }
0xc0: {  	s1 =	sand.u32 $0xFFFFFF80, s3  }
0xc1: {  	p0 =	slt.s32 s1, $0xF4180  }
0xc2: {  	s1 =	simm.s32 @!p0 $0xF4180  }
0xc3: {  	s5 =	simm.s32 $0x5200;
	s4 =	sadd.s32 s0, s1  }
0xc4: {  	[tilespmem:s5], [sflag:$0x5] =	stream.linear.gather [hbm4b:s4+s2], $0x400, $0x38;
	[tilespmem:$0xD200] =	vst v63  }
0xc5: {  	s10 =	simm.s32 $0x5600;
	s9 =	sadd.s32 s1, s6  }
0xc6: {  	[tilespmem:s10], [sflag:$0x5] =	stream.linear.gather [hbm4b:s9+s2], $0x400, $0x38;
	[tilespmem:$0xD200] =	vst v63  }
0xc7: {  	s12 =	simm.s32 $0x5A00;
	s11 =	sadd.s32 s1, s7  }
0xc8: {  	[tilespmem:s12], [sflag:$0x5] =	stream.linear.gather [hbm4b:s11+s2], $0x400, $0x38;
	[tilespmem:$0xD200] =	vst v63  }
0xc9: {  	s13 =	simm.s32 $0x5E00;
	s1 =	sadd.s32 s1, s8  }
0xca: {  	[tilespmem:s13], [sflag:$0x5] =	stream.linear.gather [hbm4b:s1+s2], $0x400, $0x38;
	[tilespmem:$0xD200] =	vst v63  }
0xcb: {  	v21 =	vld [tilespmem:$0x0];
	_ =	sdelay $0x4  }
0xcc: {  	v21 =	vsel vm5, $0x0, v21  }
0xcd: {  	(xrf0) =	vadd.scan.msk.s32 $0xffff, v21;
	_ =	sdelay $0x5  }
0xce: {  	v21, _, _ =	vpop (xrf0)  }
0xcf: {  	(v2sf) =	vpush v21, $0xF;
	_ =	sdelay $0xe  }
0xd0: {  	s14 =	spop (v2sf)  }
0xd1: {  	s1 =	sand.u32 $0xFFFFFF80, s14  }
0xd2: {  	p0 =	slt.s32 s1, $0xF4180  }
0xd3: {  	s1 =	simm.s32 @!p0 $0xF4180  }
0xd4: {  	s16 =	simm.s32 $0x6200;
	s15 =	sadd.s32 s0, s1  }
0xd5: {  	[tilespmem:s16], [sflag:$0x6] =	stream.linear.gather [hbm4b:s15+s2], $0x400, $0x38;
	[tilespmem:$0xD200] =	vst v63  }
0xd6: {  	s18 =	simm.s32 $0x6600;
	s17 =	sadd.s32 s1, s6  }
0xd7: {  	[tilespmem:s18], [sflag:$0x6] =	stream.linear.gather [hbm4b:s17+s2], $0x400, $0x38;
	[tilespmem:$0xD200] =	vst v63  }
0xd8: {  	s20 =	simm.s32 $0x6A00;
	s19 =	sadd.s32 s1, s7  }
0xd9: {  	[tilespmem:s20], [sflag:$0x6] =	stream.linear.gather [hbm4b:s19+s2], $0x400, $0x38;
	[tilespmem:$0xD200] =	vst v63  }
0xda: {  	s5 =	simm.s32 $0x6E00;
	s1 =	sadd.s32 s1, s8  }
0xdb: {  	[tilespmem:s5], [sflag:$0x6] =	stream.linear.gather [hbm4b:s1+s2], $0x400, $0x38;
	[tilespmem:$0xD200] =	vst v63  }
0xdc: {  	v21 =	vld [tilespmem:$0x0];
	_ =	sdelay $0x4  }
0xdd: {  	v21 =	vsel vm6, $0x0, v21  }
0xde: {  	(xrf0) =	vadd.scan.msk.s32 $0xffff, v21;
	_ =	sdelay $0x5  }
0xdf: {  	v21, _, _ =	vpop (xrf0)  }
0xe0: {  	(v2sf) =	vpush v21, $0xF;
	_ =	sdelay $0xe  }
0xe1: {  	s9 =	spop (v2sf)  }
0xe2: {  	s1 =	sand.u32 $0xFFFFFF80, s9  }
0xe3: {  	p0 =	slt.s32 s1, $0xF4180  }
0xe4: {  	s1 =	simm.s32 @!p0 $0xF4180  }
0xe5: {  	s11 =	simm.s32 $0x7200;
	s10 =	sadd.s32 s0, s1  }
0xe6: {  	[tilespmem:s11], [sflag:$0x7] =	stream.linear.gather [hbm4b:s10+s2], $0x400, $0x38;
	[tilespmem:$0xD200] =	vst v63  }
0xe7: {  	s13 =	simm.s32 $0x7600;
	s12 =	sadd.s32 s1, s6  }
0xe8: {  	[tilespmem:s13], [sflag:$0x7] =	stream.linear.gather [hbm4b:s12+s2], $0x400, $0x38;
	[tilespmem:$0xD200] =	vst v63  }
0xe9: {  	s15 =	simm.s32 $0x7A00;
	s14 =	sadd.s32 s1, s7  }
0xea: {  	[tilespmem:s15], [sflag:$0x7] =	stream.linear.gather [hbm4b:s14+s2], $0x400, $0x38;
	[tilespmem:$0xD200] =	vst v63  }
0xeb: {  	s16 =	simm.s32 $0x7E00;
	s1 =	sadd.s32 s1, s8  }
0xec: {  	[tilespmem:s16], [sflag:$0x7] =	stream.linear.gather [hbm4b:s1+s2], $0x400, $0x38;
	[tilespmem:$0xD200] =	vst v63  }
0xed: {  	v21 =	vld [tilespmem:$0x0];
	_ =	sdelay $0x4  }
0xee: {  	v21 =	vsel vm7, $0x0, v21  }
0xef: {  	(xrf0) =	vadd.scan.msk.s32 $0xffff, v21;
	_ =	sdelay $0x5  }
0xf0: {  	v21, _, _ =	vpop (xrf0)  }
0xf1: {  	(v2sf) =	vpush v21, $0xF;
	_ =	sdelay $0xe  }
0xf2: {  	s17 =	spop (v2sf)  }
0xf3: {  	s1 =	sand.u32 $0xFFFFFF80, s17  }
0xf4: {  	s31 =	simm.s32 $0x0;
	s4 =	simm.s32 $0x3E00;
	p0 =	slt.s32 s1, $0xF4180  }
0xf5: {  	s5 =	simm.s32 $0x8200;
	s9 =	simm.s32 $0x8600;
	s1 =	simm.s32 @!p0 $0xF4180  }
0xf6: {  	s11 =	simm.s32 $0x8A00;
	s10 =	simm.s32 $0x8E00;
	s18 =	sadd.s32 s0, s1  }
0xf7: {  	[tilespmem:s5], [sflag:$0x8] =	stream.linear.gather [hbm4b:s18+s2], $0x400, $0x38;
	[tilespmem:$0xD200] =	vst v63  }
0xf8: {  	s15 =	simm.s32 $0x2600;
	s16 =	simm.s32 $0x2A00;
	s19 =	sadd.s32 s1, s6  }
0xf9: {  	[tilespmem:s9], [sflag:$0x8] =	stream.linear.gather [hbm4b:s19+s2], $0x400, $0x38;
	[tilespmem:$0xD200] =	vst v63  }
0xfa: {  	s17 =	simm.s32 $0x2E00;
	s20 =	sadd.s32 s1, s7;
	s1 =	sadd.s32 s1, s8  }
0xfb: {  	[tilespmem:s11], [sflag:$0x8] =	stream.linear.gather [hbm4b:s20+s2], $0x400, $0x38;
	[tilespmem:$0xD200] =	vst v63  }
0xfc: {  	s18 =	simm.s32 $0x3200;
	s19 =	simm.s32 $0x3600;
	s20 =	simm.s32 $0x3A00  }
0xfd: {  	[tilespmem:s10], [sflag:$0x8] =	stream.linear.gather [hbm4b:s1+s2], $0x400, $0x38;
	[tilespmem:$0xD200] =	vst v63  }
.LBB2_2:
0xfe: {  	s3 =	sand.u32 $0x1F0, s31  }
0xff: {  	v21 =	vld [tilespmem:s3+$0x0];
	_ =	sdelay $0x1  }
0x100: {  	s1 =	sand.u32 $0x8, s31  }
0x101: {  	v22 =	vmov s1  }
0x102: {  	vm15 =	veq.s32 v22, v0  }
0x103: {  	v21 =	vnsel vm15, $0x0, v21  }
0x104: {  	(xrf0) =	vadd.scan.msk.s32 $0xffff, v21;
	_ =	sdelay $0x5  }
0x105: {  	v21, _, _ =	vpop (xrf0)  }
0x106: {  	(v2sf) =	vpush v21, $0xF;
	_ =	sdelay $0xe  }
0x107: {  	s1 =	spop (v2sf)  }
0x108: {  	p0 =	sgt.s32 s1, $0xF41FF  }
0x109: {  	s12 =	sand.u32 @!p0 $0xFFFFFF80, s1  }
0x10a: {  	p1 =	slt.s32 @!p0 s12, $0xF4180  }
0x10b: {  	p1 =	por !p1, p0  }
0x10c: {  	s12 =	simm.s32 @p1 $0xF4180  }
0x10d: {  	s13 =	sadd.s32 @p0 $0xFFF0BE00, s1;
	s1 =	ssub.s32 @!p0 s1, s12  }
0x10e: {  	s1 =	smov.u32 @p0 s13  }
0x10f: {  	v21 =	vadd.s32 s1, v1  }
0x110: {  	v22 =	vmov s31  }
0x111: {  	v23 =	vshll.u32 v22, $0x3;
	_ =	swait.ge [sflag:s21], $0x1000  }
0x112: {  	v22 =	vand.u32 $0x78, v22;
	v23 =	vand.u32 $0xC00, v23;
	[sflag:s21] =	ssyncset.done $0x0;
	s12 =	simm.s32 @!p0 $0x1200  }
0x113: {  	v22 =	vor.u32 v22, v23;
	[sflag:s21] =	ssyncadd.s32 $0xFFFFF000;
	s12 =	simm.s32 @p0 $0x200  }
0x114: {  	v23 =	vor.u32 v2, v22;
	v21 =	vld.idx.msk [tilespmem:v21+s12+$0x0], $0xffff  }
0x115: {  	v24 =	vadd.s32 s1, v3;
	_ =	sdelay $0x3  }
0x116: {  	[tilespmem:v23+s22+$0x0] =	vst.idx.msk $0xffff, v21  }
0x117: {  	v22 =	vor.u32 v4, v22;
	v21 =	vld.idx.msk [tilespmem:v24+s12+$0x0], $0xffff;
	_ =	sdelay $0x3  }
0x118: {  	s1 =	sadd.s32 $0x8, s31  }
0x119: {  	s13 =	sand.u32 $0x3F0, s1;
	[tilespmem:v22+s22+$0x0] =	vst.idx.msk $0xffff, v21  }
0x11a: {  	v21 =	vld [tilespmem:s13+$0x0];
	_ =	sdelay $0x1  }
0x11b: {  	s14 =	sand.u32 $0x8, s1  }
0x11c: {  	v22 =	vmov s14  }
0x11d: {  	vm15 =	veq.s32 v22, v0  }
0x11e: {  	v21 =	vnsel vm15, $0x0, v21  }
0x11f: {  	(xrf0) =	vadd.scan.msk.s32 $0xffff, v21;
	_ =	sdelay $0x5  }
0x120: {  	v21, _, _ =	vpop (xrf0)  }
0x121: {  	(v2sf) =	vpush v21, $0xF;
	_ =	sdelay $0xe  }
0x122: {  	s13 =	spop (v2sf)  }
0x123: {  	s12 =	sand.u32 $0xFFFFFF80, s13  }
0x124: {  	p0 =	slt.s32 s12, $0xF4180  }
0x125: {  	s12 =	simm.s32 @!p0 $0xF4180  }
0x126: {  	s14 =	simm.s32 $0x1200;
	s13 =	sadd.s32 s0, s12  }
0x127: {  	[tilespmem:s14], [sflag:$0x1] =	stream.linear.gather [hbm4b:s13+s2], $0x400, $0x38;
	[tilespmem:$0xD200] =	vst v63  }
0x128: {  	s13 =	sadd.s32 s12, s6;
	s14 =	simm.s32 $0x1600  }
0x129: {  	[tilespmem:s14], [sflag:$0x1] =	stream.linear.gather [hbm4b:s13+s2], $0x400, $0x38;
	[tilespmem:$0xD200] =	vst v63  }
0x12a: {  	s13 =	sadd.s32 s12, s7;
	s14 =	simm.s32 $0x1A00  }
0x12b: {  	[tilespmem:s14], [sflag:$0x1] =	stream.linear.gather [hbm4b:s13+s2], $0x400, $0x38;
	[tilespmem:$0xD200] =	vst v63  }
0x12c: {  	s12 =	sadd.s32 s12, s8;
	s14 =	simm.s32 $0x1E00  }
0x12d: {  	[tilespmem:s14], [sflag:$0x1] =	stream.linear.gather [hbm4b:s12+s2], $0x400, $0x38;
	[tilespmem:$0xD200] =	vst v63  }
0x12e: {  	v21 =	vld [tilespmem:s3+$0x0]  }
0x12f: {  	s12 =	sadd.s32 $0x1, s31  }
0x130: {  	s14 =	sand.u32 $0x9, s12  }
0x131: {  	v22 =	vmov s14  }
0x132: {  	vm15 =	veq.s32 v22, v0  }
0x133: {  	v21 =	vnsel vm15, $0x0, v21  }
0x134: {  	(xrf0) =	vadd.scan.msk.s32 $0xffff, v21;
	_ =	sdelay $0x5  }
0x135: {  	v21, _, _ =	vpop (xrf0)  }
0x136: {  	(v2sf) =	vpush v21, $0xF;
	_ =	sdelay $0xe  }
0x137: {  	s13 =	spop (v2sf)  }
0x138: {  	p0 =	sgt.s32 s13, $0xF41FF  }
0x139: {  	s14 =	sand.u32 @!p0 $0xFFFFFF80, s13  }
0x13a: {  	p1 =	slt.s32 @!p0 s14, $0xF4180  }
0x13b: {  	p1 =	por !p1, p0  }
0x13c: {  	s14 =	simm.s32 @p1 $0xF4180  }
0x13d: {  	s14 =	ssub.s32 @!p0 s13, s14;
	s13 =	sadd.s32 @p0 $0xFFF0BE00, s13  }
0x13e: {  	s14 =	smov.u32 @p0 s13  }
0x13f: {  	v21 =	vadd.s32 s14, v1  }
0x140: {  	v22 =	vmov s12  }
0x141: {  	v23 =	vshll.u32 v22, $0x3;
	_ =	swait.ge [sflag:s23], $0x1000  }
0x142: {  	v22 =	vand.u32 $0x79, v22;
	v23 =	vand.u32 $0xC00, v23;
	[sflag:s23] =	ssyncset.done $0x0;
	s12 =	simm.s32 @!p0 $0x2200  }
0x143: {  	v22 =	vor.u32 v22, v23;
	[sflag:s23] =	ssyncadd.s32 $0xFFFFF000;
	s12 =	simm.s32 @p0 $0x200  }
0x144: {  	v23 =	vor.u32 v2, v22;
	v21 =	vld.idx.msk [tilespmem:v21+s12+$0x0], $0xffff  }
0x145: {  	v57 =	vadd.s32 s14, v3;
	_ =	sdelay $0x3  }
0x146: {  	[tilespmem:v23+s22+$0x0] =	vst.idx.msk $0xffff, v21  }
0x147: {  	v22 =	vor.u32 v4, v22;
	v21 =	vld.idx.msk [tilespmem:v57+s12+$0x0], $0xffff;
	_ =	sdelay $0x3  }
0x148: {  	s12 =	sadd.s32 $0x9, s31  }
0x149: {  	s14 =	sand.u32 $0x3F0, s12;
	[tilespmem:v22+s22+$0x0] =	vst.idx.msk $0xffff, v21  }
0x14a: {  	v21 =	vld [tilespmem:s14+$0x0];
	_ =	sdelay $0x1  }
0x14b: {  	s12 =	sand.u32 $0x9, s12  }
0x14c: {  	v22 =	vmov s12  }
0x14d: {  	vm15 =	veq.s32 v22, v0  }
0x14e: {  	v21 =	vnsel vm15, $0x0, v21  }
0x14f: {  	(xrf0) =	vadd.scan.msk.s32 $0xffff, v21;
	_ =	sdelay $0x5  }
0x150: {  	v21, _, _ =	vpop (xrf0)  }
0x151: {  	(v2sf) =	vpush v21, $0xF;
	_ =	sdelay $0xe  }
0x152: {  	s13 =	spop (v2sf)  }
0x153: {  	s12 =	sand.u32 $0xFFFFFF80, s13  }
0x154: {  	p0 =	slt.s32 s12, $0xF4180  }
0x155: {  	s12 =	simm.s32 @!p0 $0xF4180  }
0x156: {  	s14 =	simm.s32 $0x2200;
	s13 =	sadd.s32 s0, s12  }
0x157: {  	[tilespmem:s14], [sflag:$0x2] =	stream.linear.gather [hbm4b:s13+s2], $0x400, $0x38;
	[tilespmem:$0xD200] =	vst v63  }
0x158: {  	s14 =	sadd.s32 s12, s6  }
0x159: {  	[tilespmem:s15], [sflag:$0x2] =	stream.linear.gather [hbm4b:s14+s2], $0x400, $0x38;
	[tilespmem:$0xD200] =	vst v63  }
0x15a: {  	s14 =	sadd.s32 s12, s7  }
0x15b: {  	[tilespmem:s16], [sflag:$0x2] =	stream.linear.gather [hbm4b:s14+s2], $0x400, $0x38;
	[tilespmem:$0xD200] =	vst v63  }
0x15c: {  	s12 =	sadd.s32 s12, s8  }
0x15d: {  	[tilespmem:s17], [sflag:$0x2] =	stream.linear.gather [hbm4b:s12+s2], $0x400, $0x38;
	[tilespmem:$0xD200] =	vst v63  }
0x15e: {  	v21 =	vld [tilespmem:s3+$0x0]  }
0x15f: {  	s12 =	sadd.s32 $0x2, s31  }
0x160: {  	s14 =	sand.u32 $0xA, s12  }
0x161: {  	v22 =	vmov s14  }
0x162: {  	vm15 =	veq.s32 v22, v0  }
0x163: {  	v21 =	vnsel vm15, $0x0, v21  }
0x164: {  	(xrf0) =	vadd.scan.msk.s32 $0xffff, v21;
	_ =	sdelay $0x5  }
0x165: {  	v21, _, _ =	vpop (xrf0)  }
0x166: {  	(v2sf) =	vpush v21, $0xF;
	_ =	sdelay $0xe  }
0x167: {  	s13 =	spop (v2sf)  }
0x168: {  	p0 =	sgt.s32 s13, $0xF41FF  }
0x169: {  	s14 =	sand.u32 @!p0 $0xFFFFFF80, s13  }
0x16a: {  	p1 =	slt.s32 @!p0 s14, $0xF4180  }
0x16b: {  	p1 =	por !p1, p0  }
0x16c: {  	s14 =	simm.s32 @p1 $0xF4180  }
0x16d: {  	s14 =	ssub.s32 @!p0 s13, s14;
	s13 =	sadd.s32 @p0 $0xFFF0BE00, s13  }
0x16e: {  	s14 =	smov.u32 @p0 s13  }
0x16f: {  	v21 =	vadd.s32 s14, v1  }
0x170: {  	v22 =	vmov s12  }
0x171: {  	v23 =	vshll.u32 v22, $0x3;
	_ =	swait.ge [sflag:s24], $0x1000  }
0x172: {  	v22 =	vand.u32 $0x7A, v22;
	v23 =	vand.u32 $0xC00, v23;
	[sflag:s24] =	ssyncset.done $0x0;
	s12 =	simm.s32 @!p0 $0x3200  }
0x173: {  	v22 =	vor.u32 v22, v23;
	[sflag:s24] =	ssyncadd.s32 $0xFFFFF000;
	s12 =	simm.s32 @p0 $0x200  }
0x174: {  	v23 =	vor.u32 v2, v22;
	v21 =	vld.idx.msk [tilespmem:v21+s12+$0x0], $0xffff  }
0x175: {  	v58 =	vadd.s32 s14, v3;
	_ =	sdelay $0x3  }
0x176: {  	[tilespmem:v23+s22+$0x0] =	vst.idx.msk $0xffff, v21  }
0x177: {  	v22 =	vor.u32 v4, v22;
	v21 =	vld.idx.msk [tilespmem:v58+s12+$0x0], $0xffff;
	_ =	sdelay $0x3  }
0x178: {  	s12 =	sadd.s32 $0xA, s31  }
0x179: {  	s14 =	sand.u32 $0x3F0, s12;
	[tilespmem:v22+s22+$0x0] =	vst.idx.msk $0xffff, v21  }
0x17a: {  	v21 =	vld [tilespmem:s14+$0x0];
	_ =	sdelay $0x1  }
0x17b: {  	s12 =	sand.u32 $0xA, s12  }
0x17c: {  	v22 =	vmov s12  }
0x17d: {  	vm15 =	veq.s32 v22, v0  }
0x17e: {  	v21 =	vnsel vm15, $0x0, v21  }
0x17f: {  	(xrf0) =	vadd.scan.msk.s32 $0xffff, v21;
	_ =	sdelay $0x5  }
0x180: {  	v21, _, _ =	vpop (xrf0)  }
0x181: {  	(v2sf) =	vpush v21, $0xF;
	_ =	sdelay $0xe  }
0x182: {  	s13 =	spop (v2sf)  }
0x183: {  	s12 =	sand.u32 $0xFFFFFF80, s13  }
0x184: {  	p0 =	slt.s32 s12, $0xF4180  }
0x185: {  	s12 =	simm.s32 @!p0 $0xF4180  }
0x186: {  	s14 =	sadd.s32 s0, s12  }
0x187: {  	[tilespmem:s18], [sflag:$0x3] =	stream.linear.gather [hbm4b:s14+s2], $0x400, $0x38;
	[tilespmem:$0xD200] =	vst v63  }
0x188: {  	s14 =	sadd.s32 s12, s6  }
0x189: {  	[tilespmem:s19], [sflag:$0x3] =	stream.linear.gather [hbm4b:s14+s2], $0x400, $0x38;
	[tilespmem:$0xD200] =	vst v63  }
0x18a: {  	s14 =	sadd.s32 s12, s7  }
0x18b: {  	[tilespmem:s20], [sflag:$0x3] =	stream.linear.gather [hbm4b:s14+s2], $0x400, $0x38;
	[tilespmem:$0xD200] =	vst v63  }
0x18c: {  	s12 =	sadd.s32 s12, s8  }
0x18d: {  	[tilespmem:s4], [sflag:$0x3] =	stream.linear.gather [hbm4b:s12+s2], $0x400, $0x38;
	[tilespmem:$0xD200] =	vst v63  }
0x18e: {  	v21 =	vld [tilespmem:s3+$0x0]  }
0x18f: {  	s12 =	sadd.s32 $0x3, s31  }
0x190: {  	s14 =	sand.u32 $0xB, s12  }
0x191: {  	v22 =	vmov s14  }
0x192: {  	vm15 =	veq.s32 v22, v0  }
0x193: {  	v21 =	vnsel vm15, $0x0, v21  }
0x194: {  	(xrf0) =	vadd.scan.msk.s32 $0xffff, v21;
	_ =	sdelay $0x5  }
0x195: {  	v21, _, _ =	vpop (xrf0)  }
0x196: {  	(v2sf) =	vpush v21, $0xF;
	_ =	sdelay $0xe  }
0x197: {  	s13 =	spop (v2sf)  }
0x198: {  	p0 =	sgt.s32 s13, $0xF41FF  }
0x199: {  	s14 =	sand.u32 @!p0 $0xFFFFFF80, s13  }
0x19a: {  	p1 =	slt.s32 @!p0 s14, $0xF4180  }
0x19b: {  	p1 =	por !p1, p0  }
0x19c: {  	s14 =	simm.s32 @p1 $0xF4180  }
0x19d: {  	s14 =	ssub.s32 @!p0 s13, s14;
	s13 =	sadd.s32 @p0 $0xFFF0BE00, s13  }
0x19e: {  	s14 =	smov.u32 @p0 s13  }
0x19f: {  	v21 =	vadd.s32 s14, v1  }
0x1a0: {  	v22 =	vmov s12  }
0x1a1: {  	v23 =	vshll.u32 v22, $0x3;
	_ =	swait.ge [sflag:s25], $0x1000  }
0x1a2: {  	v22 =	vand.u32 $0x7B, v22;
	v23 =	vand.u32 $0xC00, v23;
	[sflag:s25] =	ssyncset.done $0x0;
	s12 =	simm.s32 @!p0 $0x4200  }
0x1a3: {  	v22 =	vor.u32 v22, v23;
	[sflag:s25] =	ssyncadd.s32 $0xFFFFF000;
	s12 =	simm.s32 @p0 $0x200  }
0x1a4: {  	v23 =	vor.u32 v2, v22;
	v21 =	vld.idx.msk [tilespmem:v21+s12+$0x0], $0xffff  }
0x1a5: {  	v59 =	vadd.s32 s14, v3;
	_ =	sdelay $0x3  }
0x1a6: {  	[tilespmem:v23+s22+$0x0] =	vst.idx.msk $0xffff, v21  }
0x1a7: {  	v22 =	vor.u32 v4, v22;
	v21 =	vld.idx.msk [tilespmem:v59+s12+$0x0], $0xffff;
	_ =	sdelay $0x3  }
0x1a8: {  	s12 =	sadd.s32 $0xB, s31  }
0x1a9: {  	s14 =	sand.u32 $0x3F0, s12;
	[tilespmem:v22+s22+$0x0] =	vst.idx.msk $0xffff, v21  }
0x1aa: {  	v21 =	vld [tilespmem:s14+$0x0];
	_ =	sdelay $0x1  }
0x1ab: {  	s12 =	sand.u32 $0xB, s12  }
0x1ac: {  	v22 =	vmov s12  }
0x1ad: {  	vm15 =	veq.s32 v22, v0  }
0x1ae: {  	v21 =	vnsel vm15, $0x0, v21  }
0x1af: {  	(xrf0) =	vadd.scan.msk.s32 $0xffff, v21;
	_ =	sdelay $0x5  }
0x1b0: {  	v21, _, _ =	vpop (xrf0)  }
0x1b1: {  	(v2sf) =	vpush v21, $0xF;
	_ =	sdelay $0xe  }
0x1b2: {  	s13 =	spop (v2sf)  }
0x1b3: {  	s12 =	sand.u32 $0xFFFFFF80, s13  }
0x1b4: {  	p0 =	slt.s32 s12, $0xF4180  }
0x1b5: {  	s12 =	simm.s32 @!p0 $0xF4180  }
0x1b6: {  	s14 =	simm.s32 $0x4200;
	s13 =	sadd.s32 s0, s12  }
0x1b7: {  	[tilespmem:s14], [sflag:$0x4] =	stream.linear.gather [hbm4b:s13+s2], $0x400, $0x38;
	[tilespmem:$0xD200] =	vst v63  }
0x1b8: {  	s13 =	sadd.s32 s12, s6;
	s14 =	simm.s32 $0x4600  }
0x1b9: {  	[tilespmem:s14], [sflag:$0x4] =	stream.linear.gather [hbm4b:s13+s2], $0x400, $0x38;
	[tilespmem:$0xD200] =	vst v63  }
0x1ba: {  	s13 =	sadd.s32 s12, s7;
	s14 =	simm.s32 $0x4A00  }
0x1bb: {  	[tilespmem:s14], [sflag:$0x4] =	stream.linear.gather [hbm4b:s13+s2], $0x400, $0x38;
	[tilespmem:$0xD200] =	vst v63  }
0x1bc: {  	s12 =	sadd.s32 s12, s8;
	s14 =	simm.s32 $0x4E00  }
0x1bd: {  	[tilespmem:s14], [sflag:$0x4] =	stream.linear.gather [hbm4b:s12+s2], $0x400, $0x38;
	[tilespmem:$0xD200] =	vst v63  }
0x1be: {  	v21 =	vld [tilespmem:s3+$0x0]  }
0x1bf: {  	s12 =	sadd.s32 $0x4, s31  }
0x1c0: {  	s14 =	sand.u32 $0xC, s12  }
0x1c1: {  	v22 =	vmov s14  }
0x1c2: {  	vm15 =	veq.s32 v22, v0  }
0x1c3: {  	v21 =	vnsel vm15, $0x0, v21  }
0x1c4: {  	(xrf0) =	vadd.scan.msk.s32 $0xffff, v21;
	_ =	sdelay $0x5  }
0x1c5: {  	v21, _, _ =	vpop (xrf0)  }
0x1c6: {  	(v2sf) =	vpush v21, $0xF;
	_ =	sdelay $0xe  }
0x1c7: {  	s13 =	spop (v2sf)  }
0x1c8: {  	p0 =	sgt.s32 s13, $0xF41FF  }
0x1c9: {  	s14 =	sand.u32 @!p0 $0xFFFFFF80, s13  }
0x1ca: {  	p1 =	slt.s32 @!p0 s14, $0xF4180  }
0x1cb: {  	p1 =	por !p1, p0  }
0x1cc: {  	s14 =	simm.s32 @p1 $0xF4180  }
0x1cd: {  	s14 =	ssub.s32 @!p0 s13, s14;
	s13 =	sadd.s32 @p0 $0xFFF0BE00, s13  }
0x1ce: {  	s14 =	smov.u32 @p0 s13  }
0x1cf: {  	v21 =	vadd.s32 s14, v1  }
0x1d0: {  	v22 =	vmov s12  }
0x1d1: {  	v23 =	vshll.u32 v22, $0x3;
	_ =	swait.ge [sflag:s26], $0x1000  }
0x1d2: {  	v22 =	vand.u32 $0x7C, v22;
	v23 =	vand.u32 $0xC00, v23;
	[sflag:s26] =	ssyncset.done $0x0;
	s12 =	simm.s32 @!p0 $0x5200  }
0x1d3: {  	v22 =	vor.u32 v22, v23;
	[sflag:s26] =	ssyncadd.s32 $0xFFFFF000;
	s12 =	simm.s32 @p0 $0x200  }
0x1d4: {  	v23 =	vor.u32 v2, v22;
	v21 =	vld.idx.msk [tilespmem:v21+s12+$0x0], $0xffff  }
0x1d5: {  	v60 =	vadd.s32 s14, v3;
	_ =	sdelay $0x3  }
0x1d6: {  	[tilespmem:v23+s22+$0x0] =	vst.idx.msk $0xffff, v21  }
0x1d7: {  	v22 =	vor.u32 v4, v22;
	v21 =	vld.idx.msk [tilespmem:v60+s12+$0x0], $0xffff;
	_ =	sdelay $0x3  }
0x1d8: {  	s12 =	sadd.s32 $0xC, s31  }
0x1d9: {  	s14 =	sand.u32 $0x3F0, s12;
	[tilespmem:v22+s22+$0x0] =	vst.idx.msk $0xffff, v21  }
0x1da: {  	v21 =	vld [tilespmem:s14+$0x0];
	_ =	sdelay $0x1  }
0x1db: {  	s12 =	sand.u32 $0xC, s12  }
0x1dc: {  	v22 =	vmov s12  }
0x1dd: {  	vm15 =	veq.s32 v22, v0  }
0x1de: {  	v21 =	vnsel vm15, $0x0, v21  }
0x1df: {  	(xrf0) =	vadd.scan.msk.s32 $0xffff, v21;
	_ =	sdelay $0x5  }
0x1e0: {  	v21, _, _ =	vpop (xrf0)  }
0x1e1: {  	(v2sf) =	vpush v21, $0xF;
	_ =	sdelay $0xe  }
0x1e2: {  	s13 =	spop (v2sf)  }
0x1e3: {  	s12 =	sand.u32 $0xFFFFFF80, s13  }
0x1e4: {  	p0 =	slt.s32 s12, $0xF4180  }
0x1e5: {  	s12 =	simm.s32 @!p0 $0xF4180  }
0x1e6: {  	s14 =	simm.s32 $0x5200;
	s13 =	sadd.s32 s0, s12  }
0x1e7: {  	[tilespmem:s14], [sflag:$0x5] =	stream.linear.gather [hbm4b:s13+s2], $0x400, $0x38;
	[tilespmem:$0xD200] =	vst v63  }
0x1e8: {  	s13 =	sadd.s32 s12, s6;
	s14 =	simm.s32 $0x5600  }
0x1e9: {  	[tilespmem:s14], [sflag:$0x5] =	stream.linear.gather [hbm4b:s13+s2], $0x400, $0x38;
	[tilespmem:$0xD200] =	vst v63  }
0x1ea: {  	s13 =	sadd.s32 s12, s7;
	s14 =	simm.s32 $0x5A00  }
0x1eb: {  	[tilespmem:s14], [sflag:$0x5] =	stream.linear.gather [hbm4b:s13+s2], $0x400, $0x38;
	[tilespmem:$0xD200] =	vst v63  }
0x1ec: {  	s12 =	sadd.s32 s12, s8;
	s14 =	simm.s32 $0x5E00  }
0x1ed: {  	[tilespmem:s14], [sflag:$0x5] =	stream.linear.gather [hbm4b:s12+s2], $0x400, $0x38;
	[tilespmem:$0xD200] =	vst v63  }
0x1ee: {  	v21 =	vld [tilespmem:s3+$0x0]  }
0x1ef: {  	s12 =	sadd.s32 $0x5, s31  }
0x1f0: {  	s14 =	sand.u32 $0xD, s12  }
0x1f1: {  	v22 =	vmov s14  }
0x1f2: {  	vm15 =	veq.s32 v22, v0  }
0x1f3: {  	v21 =	vnsel vm15, $0x0, v21  }
0x1f4: {  	(xrf0) =	vadd.scan.msk.s32 $0xffff, v21;
	_ =	sdelay $0x5  }
0x1f5: {  	v21, _, _ =	vpop (xrf0)  }
0x1f6: {  	(v2sf) =	vpush v21, $0xF;
	_ =	sdelay $0xe  }
0x1f7: {  	s13 =	spop (v2sf)  }
0x1f8: {  	p0 =	sgt.s32 s13, $0xF41FF  }
0x1f9: {  	s14 =	sand.u32 @!p0 $0xFFFFFF80, s13  }
0x1fa: {  	p1 =	slt.s32 @!p0 s14, $0xF4180  }
0x1fb: {  	p1 =	por !p1, p0  }
0x1fc: {  	s14 =	simm.s32 @p1 $0xF4180  }
0x1fd: {  	s14 =	ssub.s32 @!p0 s13, s14;
	s13 =	sadd.s32 @p0 $0xFFF0BE00, s13  }
0x1fe: {  	s14 =	smov.u32 @p0 s13  }
0x1ff: {  	v21 =	vadd.s32 s14, v1  }
0x200: {  	v22 =	vmov s12  }
0x201: {  	v23 =	vshll.u32 v22, $0x3;
	_ =	swait.ge [sflag:s28], $0x1000  }
0x202: {  	v22 =	vand.u32 $0x7D, v22;
	v23 =	vand.u32 $0xC00, v23;
	[sflag:s28] =	ssyncset.done $0x0;
	s12 =	simm.s32 @!p0 $0x6200  }
0x203: {  	v22 =	vor.u32 v22, v23;
	[sflag:s28] =	ssyncadd.s32 $0xFFFFF000;
	s12 =	simm.s32 @p0 $0x200  }
0x204: {  	v23 =	vor.u32 v2, v22;
	v21 =	vld.idx.msk [tilespmem:v21+s12+$0x0], $0xffff  }
0x205: {  	v61 =	vadd.s32 s14, v3;
	_ =	sdelay $0x3  }
0x206: {  	[tilespmem:v23+s22+$0x0] =	vst.idx.msk $0xffff, v21  }
0x207: {  	v22 =	vor.u32 v4, v22;
	v21 =	vld.idx.msk [tilespmem:v61+s12+$0x0], $0xffff;
	_ =	sdelay $0x3  }
0x208: {  	s12 =	sadd.s32 $0xD, s31  }
0x209: {  	s14 =	sand.u32 $0x3F0, s12;
	[tilespmem:v22+s22+$0x0] =	vst.idx.msk $0xffff, v21  }
0x20a: {  	v21 =	vld [tilespmem:s14+$0x0];
	_ =	sdelay $0x1  }
0x20b: {  	s12 =	sand.u32 $0xD, s12  }
0x20c: {  	v22 =	vmov s12  }
0x20d: {  	vm15 =	veq.s32 v22, v0  }
0x20e: {  	v21 =	vnsel vm15, $0x0, v21  }
0x20f: {  	(xrf0) =	vadd.scan.msk.s32 $0xffff, v21;
	_ =	sdelay $0x5  }
0x210: {  	v21, _, _ =	vpop (xrf0)  }
0x211: {  	(v2sf) =	vpush v21, $0xF;
	_ =	sdelay $0xe  }
0x212: {  	s13 =	spop (v2sf)  }
0x213: {  	s12 =	sand.u32 $0xFFFFFF80, s13  }
0x214: {  	p0 =	slt.s32 s12, $0xF4180  }
0x215: {  	s12 =	simm.s32 @!p0 $0xF4180  }
0x216: {  	s14 =	simm.s32 $0x6200;
	s13 =	sadd.s32 s0, s12  }
0x217: {  	[tilespmem:s14], [sflag:$0x6] =	stream.linear.gather [hbm4b:s13+s2], $0x400, $0x38;
	[tilespmem:$0xD200] =	vst v63  }
0x218: {  	s13 =	sadd.s32 s12, s6;
	s14 =	simm.s32 $0x6600  }
0x219: {  	[tilespmem:s14], [sflag:$0x6] =	stream.linear.gather [hbm4b:s13+s2], $0x400, $0x38;
	[tilespmem:$0xD200] =	vst v63  }
0x21a: {  	s13 =	sadd.s32 s12, s7;
	s14 =	simm.s32 $0x6A00  }
0x21b: {  	[tilespmem:s14], [sflag:$0x6] =	stream.linear.gather [hbm4b:s13+s2], $0x400, $0x38;
	[tilespmem:$0xD200] =	vst v63  }
0x21c: {  	s12 =	sadd.s32 s12, s8;
	s14 =	simm.s32 $0x6E00  }
0x21d: {  	[tilespmem:s14], [sflag:$0x6] =	stream.linear.gather [hbm4b:s12+s2], $0x400, $0x38;
	[tilespmem:$0xD200] =	vst v63  }
0x21e: {  	v21 =	vld [tilespmem:s3+$0x0]  }
0x21f: {  	s12 =	sadd.s32 $0x6, s31  }
0x220: {  	s14 =	sand.u32 $0xE, s12  }
0x221: {  	v22 =	vmov s14  }
0x222: {  	vm15 =	veq.s32 v22, v0  }
0x223: {  	v21 =	vnsel vm15, $0x0, v21  }
0x224: {  	(xrf0) =	vadd.scan.msk.s32 $0xffff, v21;
	_ =	sdelay $0x5  }
0x225: {  	v21, _, _ =	vpop (xrf0)  }
0x226: {  	(v2sf) =	vpush v21, $0xF;
	_ =	sdelay $0xe  }
0x227: {  	s13 =	spop (v2sf)  }
0x228: {  	p0 =	sgt.s32 s13, $0xF41FF  }
0x229: {  	s14 =	sand.u32 @!p0 $0xFFFFFF80, s13  }
0x22a: {  	p1 =	slt.s32 @!p0 s14, $0xF4180  }
0x22b: {  	p1 =	por !p1, p0  }
0x22c: {  	s14 =	simm.s32 @p1 $0xF4180  }
0x22d: {  	s14 =	ssub.s32 @!p0 s13, s14;
	s13 =	sadd.s32 @p0 $0xFFF0BE00, s13  }
0x22e: {  	s14 =	smov.u32 @p0 s13  }
0x22f: {  	v21 =	vadd.s32 s14, v1  }
0x230: {  	v22 =	vmov s12  }
0x231: {  	v23 =	vshll.u32 v22, $0x3;
	_ =	swait.ge [sflag:s29], $0x1000  }
0x232: {  	v22 =	vand.u32 $0x7E, v22;
	v23 =	vand.u32 $0xC00, v23;
	[sflag:s29] =	ssyncset.done $0x0;
	s12 =	simm.s32 @!p0 $0x7200  }
0x233: {  	v22 =	vor.u32 v22, v23;
	[sflag:s29] =	ssyncadd.s32 $0xFFFFF000;
	s12 =	simm.s32 @p0 $0x200  }
0x234: {  	v23 =	vor.u32 v2, v22;
	v21 =	vld.idx.msk [tilespmem:v21+s12+$0x0], $0xffff  }
0x235: {  	v62 =	vadd.s32 s14, v3;
	_ =	sdelay $0x3  }
0x236: {  	[tilespmem:v23+s22+$0x0] =	vst.idx.msk $0xffff, v21  }
0x237: {  	v22 =	vor.u32 v4, v22;
	v21 =	vld.idx.msk [tilespmem:v62+s12+$0x0], $0xffff;
	_ =	sdelay $0x3  }
0x238: {  	s12 =	sadd.s32 $0xE, s31  }
0x239: {  	s14 =	sand.u32 $0x3F0, s12;
	[tilespmem:v22+s22+$0x0] =	vst.idx.msk $0xffff, v21  }
0x23a: {  	v21 =	vld [tilespmem:s14+$0x0];
	_ =	sdelay $0x1  }
0x23b: {  	s12 =	sand.u32 $0xE, s12  }
0x23c: {  	v22 =	vmov s12  }
0x23d: {  	vm15 =	veq.s32 v22, v0  }
0x23e: {  	v21 =	vnsel vm15, $0x0, v21  }
0x23f: {  	(xrf0) =	vadd.scan.msk.s32 $0xffff, v21;
	_ =	sdelay $0x5  }
0x240: {  	v21, _, _ =	vpop (xrf0)  }
0x241: {  	(v2sf) =	vpush v21, $0xF;
	_ =	sdelay $0xe  }
0x242: {  	s13 =	spop (v2sf)  }
0x243: {  	s12 =	sand.u32 $0xFFFFFF80, s13  }
0x244: {  	p0 =	slt.s32 s12, $0xF4180  }
0x245: {  	s12 =	simm.s32 @!p0 $0xF4180  }
0x246: {  	s14 =	simm.s32 $0x7200;
	s13 =	sadd.s32 s0, s12  }
0x247: {  	[tilespmem:s14], [sflag:$0x7] =	stream.linear.gather [hbm4b:s13+s2], $0x400, $0x38;
	[tilespmem:$0xD200] =	vst v63  }
0x248: {  	s13 =	sadd.s32 s12, s6;
	s14 =	simm.s32 $0x7600  }
0x249: {  	[tilespmem:s14], [sflag:$0x7] =	stream.linear.gather [hbm4b:s13+s2], $0x400, $0x38;
	[tilespmem:$0xD200] =	vst v63  }
0x24a: {  	s13 =	sadd.s32 s12, s7;
	s14 =	simm.s32 $0x7A00  }
0x24b: {  	[tilespmem:s14], [sflag:$0x7] =	stream.linear.gather [hbm4b:s13+s2], $0x400, $0x38;
	[tilespmem:$0xD200] =	vst v63  }
0x24c: {  	s12 =	sadd.s32 s12, s8;
	s14 =	simm.s32 $0x7E00  }
0x24d: {  	[tilespmem:s14], [sflag:$0x7] =	stream.linear.gather [hbm4b:s12+s2], $0x400, $0x38;
	[tilespmem:$0xD200] =	vst v63  }
0x24e: {  	v21 =	vld [tilespmem:s3+$0x0]  }
0x24f: {  	s3 =	sadd.s32 $0x7, s31  }
0x250: {  	s14 =	sand.u32 $0xF, s3  }
0x251: {  	v22 =	vmov s14  }
0x252: {  	vm15 =	veq.s32 v22, v0  }
0x253: {  	v21 =	vnsel vm15, $0x0, v21  }
0x254: {  	(xrf0) =	vadd.scan.msk.s32 $0xffff, v21;
	_ =	sdelay $0x5  }
0x255: {  	v21, _, _ =	vpop (xrf0)  }
0x256: {  	(v2sf) =	vpush v21, $0xF;
	_ =	sdelay $0xe  }
0x257: {  	s12 =	spop (v2sf)  }
0x258: {  	p0 =	sgt.s32 s12, $0xF41FF  }
0x259: {  	s13 =	sand.u32 @!p0 $0xFFFFFF80, s12  }
0x25a: {  	p1 =	slt.s32 @!p0 s13, $0xF4180  }
0x25b: {  	p1 =	por !p1, p0  }
0x25c: {  	s13 =	simm.s32 @p1 $0xF4180  }
0x25d: {  	s13 =	ssub.s32 @!p0 s12, s13;
	s12 =	sadd.s32 @p0 $0xFFF0BE00, s12  }
0x25e: {  	s13 =	smov.u32 @p0 s12  }
0x25f: {  	v21 =	vadd.s32 s13, v1  }
0x260: {  	v22 =	vmov s3  }
0x261: {  	v23 =	vshll.u32 v22, $0x3;
	_ =	swait.ge [sflag:s30], $0x1000  }
0x262: {  	v22 =	vand.u32 $0x7F, v22;
	v23 =	vand.u32 $0xC00, v23;
	[sflag:s30] =	ssyncset.done $0x0;
	s3 =	simm.s32 @!p0 $0x8200  }
0x263: {  	v22 =	vor.u32 v22, v23;
	[sflag:s30] =	ssyncadd.s32 $0xFFFFF000;
	s3 =	simm.s32 @p0 $0x200  }
0x264: {  	v23 =	vor.u32 v2, v22;
	v21 =	vld.idx.msk [tilespmem:v21+s3+$0x0], $0xffff  }
0x265: {  	v63 =	vadd.s32 s13, v3;
	_ =	sdelay $0x3  }
0x266: {  	[tilespmem:v23+s22+$0x0] =	vst.idx.msk $0xffff, v21  }
0x267: {  	v22 =	vor.u32 v4, v22;
	v21 =	vld.idx.msk [tilespmem:v63+s3+$0x0], $0xffff;
	_ =	sdelay $0x3  }
0x268: {  	s13 =	sadd.s32 $0xF, s31  }
0x269: {  	s14 =	sand.u32 $0x3F0, s13;
	[tilespmem:v22+s22+$0x0] =	vst.idx.msk $0xffff, v21  }
0x26a: {  	v21 =	vld [tilespmem:s14+$0x0];
	_ =	sdelay $0x1  }
0x26b: {  	s3 =	sand.u32 $0xF, s13  }
0x26c: {  	v22 =	vmov s3  }
0x26d: {  	vm15 =	veq.s32 v22, v0  }
0x26e: {  	v21 =	vnsel vm15, $0x0, v21  }
0x26f: {  	(xrf0) =	vadd.scan.msk.s32 $0xffff, v21;
	_ =	sdelay $0x5  }
0x270: {  	v21, _, _ =	vpop (xrf0)  }
0x271: {  	(v2sf) =	vpush v21, $0xF;
	_ =	sdelay $0xe  }
0x272: {  	s13 =	spop (v2sf)  }
0x273: {  	s3 =	sand.u32 $0xFFFFFF80, s13  }
0x274: {  	p0 =	slt.s32 s3, $0xF4180  }
0x275: {  	s3 =	simm.s32 @!p0 $0xF4180  }
0x276: {  	s14 =	sadd.s32 s0, s3  }
0x277: {  	[tilespmem:s5], [sflag:$0x8] =	stream.linear.gather [hbm4b:s14+s2], $0x400, $0x38;
	[tilespmem:$0xD200] =	vst v63  }
0x278: {  	p0 =	sne.s32 s1, $0x1F8;
	s13 =	sadd.s32 s3, s6  }
0x279: {  	[tilespmem:s9], [sflag:$0x8] =	stream.linear.gather [hbm4b:s13+s2], $0x400, $0x38;
	[tilespmem:$0xD200] =	vst v63  }
.Ltmp0:
0x27a: {  	_ = 	snop;
	(pc) =	sbr.rel @p0 .LBB2_2-.Ltmp0, $4  }
0x27b: {  	s14 =	sadd.s32 s3, s7  }
0x27c: {  	[tilespmem:s11], [sflag:$0x8] =	stream.linear.gather [hbm4b:s14+s2], $0x400, $0x38;
	[tilespmem:$0xD200] =	vst v63  }
0x27d: {  	s31 =	smov.u32 s1;
	s3 =	sadd.s32 s3, s8  }
0x27e: {  	[tilespmem:s10], [sflag:$0x8] =	stream.linear.gather [hbm4b:s3+s2], $0x400, $0x38;
	[tilespmem:$0xD200] =	vst v63  }
0x27f: {  	v21 =	vld [tilespmem:$0x1F0];
	_ =	sdelay $0x4  }
0x280: {  	v21 =	vsel vm8, $0x0, v21  }
0x281: {  	(xrf0) =	vadd.scan.msk.s32 $0xffff, v21;
	_ =	sdelay $0x5  }
0x282: {  	v21, _, _ =	vpop (xrf0)  }
0x283: {  	(v2sf) =	vpush v21, $0xF;
	_ =	sdelay $0xe  }
0x284: {  	s1 =	spop (v2sf)  }
0x285: {  	p0 =	sgt.s32 s1, $0xF41FF  }
0x286: {  	s3 =	sand.u32 @!p0 $0xFFFFFF80, s1  }
0x287: {  	p1 =	slt.s32 @!p0 s3, $0xF4180  }
0x288: {  	p1 =	por !p1, p0  }
0x289: {  	s3 =	simm.s32 @p1 $0xF4180  }
0x28a: {  	s12 =	sadd.s32 @p0 $0xFFF0BE00, s1;
	s1 =	ssub.s32 @!p0 s1, s3  }
0x28b: {  	s1 =	smov.u32 @p0 s12  }
0x28c: {  	v21 =	vadd.s32 s1, v1;
	_ =	sdelay $0x1  }
0x28d: {  	_ =	swait.ge [sflag:s21], $0x1000  }
0x28e: {  	[sflag:s21] =	ssyncset.done $0x0;
	s3 =	simm.s32 @!p0 $0x1200  }
0x28f: {  	[sflag:s21] =	ssyncadd.s32 $0xFFFFF000;
	s3 =	simm.s32 @p0 $0x200  }
0x290: {  	v21 =	vld.idx.msk [tilespmem:v21+s3+$0x0], $0xffff  }
0x291: {  	v22 =	vadd.s32 s1, v3;
	_ =	sdelay $0x3  }
0x292: {  	[tilespmem:v5+s22+$0x0] =	vst.idx.msk $0xffff, v21  }
0x293: {  	v21 =	vld.idx.msk [tilespmem:v22+s3+$0x0], $0xffff;
	_ =	sdelay $0x4  }
0x294: {  	[tilespmem:v6+s22+$0x0] =	vst.idx.msk $0xffff, v21  }
0x295: {  	v21 =	vld [tilespmem:$0x1F0];
	_ =	sdelay $0x4  }
0x296: {  	v21 =	vsel vm9, $0x0, v21  }
0x297: {  	(xrf0) =	vadd.scan.msk.s32 $0xffff, v21;
	_ =	sdelay $0x5  }
0x298: {  	v21, _, _ =	vpop (xrf0)  }
0x299: {  	(v2sf) =	vpush v21, $0xF;
	_ =	sdelay $0xe  }
0x29a: {  	s1 =	spop (v2sf)  }
0x29b: {  	p0 =	sgt.s32 s1, $0xF41FF  }
0x29c: {  	s3 =	sand.u32 @!p0 $0xFFFFFF80, s1  }
0x29d: {  	p1 =	slt.s32 @!p0 s3, $0xF4180  }
0x29e: {  	p1 =	por !p1, p0  }
0x29f: {  	s3 =	simm.s32 @p1 $0xF4180  }
0x2a0: {  	s12 =	sadd.s32 @p0 $0xFFF0BE00, s1;
	s1 =	ssub.s32 @!p0 s1, s3  }
0x2a1: {  	s1 =	smov.u32 @p0 s12  }
0x2a2: {  	v21 =	vadd.s32 s1, v1;
	_ =	sdelay $0x1  }
0x2a3: {  	_ =	swait.ge [sflag:s23], $0x1000  }
0x2a4: {  	[sflag:s23] =	ssyncset.done $0x0;
	s3 =	simm.s32 @!p0 $0x2200  }
0x2a5: {  	[sflag:s23] =	ssyncadd.s32 $0xFFFFF000;
	s3 =	simm.s32 @p0 $0x200  }
0x2a6: {  	v21 =	vld.idx.msk [tilespmem:v21+s3+$0x0], $0xffff  }
0x2a7: {  	v22 =	vadd.s32 s1, v3;
	_ =	sdelay $0x3  }
0x2a8: {  	[tilespmem:v7+s22+$0x0] =	vst.idx.msk $0xffff, v21  }
0x2a9: {  	v21 =	vld.idx.msk [tilespmem:v22+s3+$0x0], $0xffff;
	_ =	sdelay $0x4  }
0x2aa: {  	[tilespmem:v8+s22+$0x0] =	vst.idx.msk $0xffff, v21  }
0x2ab: {  	v21 =	vld [tilespmem:$0x1F0];
	_ =	sdelay $0x4  }
0x2ac: {  	v21 =	vsel vm10, $0x0, v21  }
0x2ad: {  	(xrf0) =	vadd.scan.msk.s32 $0xffff, v21;
	_ =	sdelay $0x5  }
0x2ae: {  	v21, _, _ =	vpop (xrf0)  }
0x2af: {  	(v2sf) =	vpush v21, $0xF;
	_ =	sdelay $0xe  }
0x2b0: {  	s1 =	spop (v2sf)  }
0x2b1: {  	p0 =	sgt.s32 s1, $0xF41FF  }
0x2b2: {  	s3 =	sand.u32 @!p0 $0xFFFFFF80, s1  }
0x2b3: {  	p1 =	slt.s32 @!p0 s3, $0xF4180  }
0x2b4: {  	p1 =	por !p1, p0  }
0x2b5: {  	s3 =	simm.s32 @p1 $0xF4180  }
0x2b6: {  	s12 =	sadd.s32 @p0 $0xFFF0BE00, s1;
	s1 =	ssub.s32 @!p0 s1, s3  }
0x2b7: {  	s1 =	smov.u32 @p0 s12  }
0x2b8: {  	v21 =	vadd.s32 s1, v1;
	_ =	sdelay $0x1  }
0x2b9: {  	_ =	swait.ge [sflag:s24], $0x1000  }
0x2ba: {  	[sflag:s24] =	ssyncset.done $0x0;
	s3 =	simm.s32 @!p0 $0x3200  }
0x2bb: {  	[sflag:s24] =	ssyncadd.s32 $0xFFFFF000;
	s3 =	simm.s32 @p0 $0x200  }
0x2bc: {  	v21 =	vld.idx.msk [tilespmem:v21+s3+$0x0], $0xffff  }
0x2bd: {  	v22 =	vadd.s32 s1, v3;
	_ =	sdelay $0x3  }
0x2be: {  	[tilespmem:v9+s22+$0x0] =	vst.idx.msk $0xffff, v21  }
0x2bf: {  	v21 =	vld.idx.msk [tilespmem:v22+s3+$0x0], $0xffff;
	_ =	sdelay $0x4  }
0x2c0: {  	[tilespmem:v10+s22+$0x0] =	vst.idx.msk $0xffff, v21  }
0x2c1: {  	v21 =	vld [tilespmem:$0x1F0];
	_ =	sdelay $0x4  }
0x2c2: {  	v21 =	vsel vm11, $0x0, v21  }
0x2c3: {  	(xrf0) =	vadd.scan.msk.s32 $0xffff, v21;
	_ =	sdelay $0x5  }
0x2c4: {  	v21, _, _ =	vpop (xrf0)  }
0x2c5: {  	(v2sf) =	vpush v21, $0xF;
	_ =	sdelay $0xe  }
0x2c6: {  	s1 =	spop (v2sf)  }
0x2c7: {  	p0 =	sgt.s32 s1, $0xF41FF  }
0x2c8: {  	s3 =	sand.u32 @!p0 $0xFFFFFF80, s1  }
0x2c9: {  	p1 =	slt.s32 @!p0 s3, $0xF4180  }
0x2ca: {  	p1 =	por !p1, p0  }
0x2cb: {  	s3 =	simm.s32 @p1 $0xF4180  }
0x2cc: {  	s12 =	sadd.s32 @p0 $0xFFF0BE00, s1;
	s1 =	ssub.s32 @!p0 s1, s3  }
0x2cd: {  	s1 =	smov.u32 @p0 s12  }
0x2ce: {  	v21 =	vadd.s32 s1, v1;
	_ =	sdelay $0x1  }
0x2cf: {  	_ =	swait.ge [sflag:s25], $0x1000  }
0x2d0: {  	[sflag:s25] =	ssyncset.done $0x0;
	s3 =	simm.s32 @!p0 $0x4200  }
0x2d1: {  	[sflag:s25] =	ssyncadd.s32 $0xFFFFF000;
	s3 =	simm.s32 @p0 $0x200  }
0x2d2: {  	v21 =	vld.idx.msk [tilespmem:v21+s3+$0x0], $0xffff  }
0x2d3: {  	v22 =	vadd.s32 s1, v3;
	_ =	sdelay $0x3  }
0x2d4: {  	[tilespmem:v11+s22+$0x0] =	vst.idx.msk $0xffff, v21  }
0x2d5: {  	v21 =	vld.idx.msk [tilespmem:v22+s3+$0x0], $0xffff;
	_ =	sdelay $0x4  }
0x2d6: {  	[tilespmem:v12+s22+$0x0] =	vst.idx.msk $0xffff, v21  }
0x2d7: {  	v21 =	vld [tilespmem:$0x1F0];
	_ =	sdelay $0x4  }
0x2d8: {  	v21 =	vsel vm12, $0x0, v21  }
0x2d9: {  	(xrf0) =	vadd.scan.msk.s32 $0xffff, v21;
	_ =	sdelay $0x5  }
0x2da: {  	v21, _, _ =	vpop (xrf0)  }
0x2db: {  	(v2sf) =	vpush v21, $0xF;
	_ =	sdelay $0xe  }
0x2dc: {  	s1 =	spop (v2sf)  }
0x2dd: {  	p0 =	sgt.s32 s1, $0xF41FF  }
0x2de: {  	s3 =	sand.u32 @!p0 $0xFFFFFF80, s1  }
0x2df: {  	p1 =	slt.s32 @!p0 s3, $0xF4180  }
0x2e0: {  	p1 =	por !p1, p0  }
0x2e1: {  	s3 =	simm.s32 @p1 $0xF4180  }
0x2e2: {  	s12 =	sadd.s32 @p0 $0xFFF0BE00, s1;
	s1 =	ssub.s32 @!p0 s1, s3  }
0x2e3: {  	s1 =	smov.u32 @p0 s12  }
0x2e4: {  	v21 =	vadd.s32 s1, v1;
	_ =	sdelay $0x1  }
0x2e5: {  	_ =	swait.ge [sflag:s26], $0x1000  }
0x2e6: {  	[sflag:s26] =	ssyncset.done $0x0;
	s3 =	simm.s32 @!p0 $0x5200  }
0x2e7: {  	[sflag:s26] =	ssyncadd.s32 $0xFFFFF000;
	s3 =	simm.s32 @p0 $0x200  }
0x2e8: {  	v21 =	vld.idx.msk [tilespmem:v21+s3+$0x0], $0xffff  }
0x2e9: {  	v22 =	vadd.s32 s1, v3;
	_ =	sdelay $0x3  }
0x2ea: {  	[tilespmem:v13+s22+$0x0] =	vst.idx.msk $0xffff, v21  }
0x2eb: {  	v21 =	vld.idx.msk [tilespmem:v22+s3+$0x0], $0xffff;
	_ =	sdelay $0x4  }
0x2ec: {  	[tilespmem:v14+s22+$0x0] =	vst.idx.msk $0xffff, v21  }
0x2ed: {  	v21 =	vld [tilespmem:$0x1F0];
	_ =	sdelay $0x4  }
0x2ee: {  	v21 =	vsel vm13, $0x0, v21  }
0x2ef: {  	(xrf0) =	vadd.scan.msk.s32 $0xffff, v21;
	_ =	sdelay $0x5  }
0x2f0: {  	v21, _, _ =	vpop (xrf0)  }
0x2f1: {  	(v2sf) =	vpush v21, $0xF;
	_ =	sdelay $0xe  }
0x2f2: {  	s1 =	spop (v2sf)  }
0x2f3: {  	p0 =	sgt.s32 s1, $0xF41FF  }
0x2f4: {  	s3 =	sand.u32 @!p0 $0xFFFFFF80, s1  }
0x2f5: {  	p1 =	slt.s32 @!p0 s3, $0xF4180  }
0x2f6: {  	p1 =	por !p1, p0  }
0x2f7: {  	s3 =	simm.s32 @p1 $0xF4180  }
0x2f8: {  	s12 =	sadd.s32 @p0 $0xFFF0BE00, s1;
	s1 =	ssub.s32 @!p0 s1, s3  }
0x2f9: {  	s1 =	smov.u32 @p0 s12  }
0x2fa: {  	v21 =	vadd.s32 s1, v1;
	_ =	sdelay $0x1  }
0x2fb: {  	_ =	swait.ge [sflag:s28], $0x1000  }
0x2fc: {  	[sflag:s28] =	ssyncset.done $0x0;
	s3 =	simm.s32 @!p0 $0x6200  }
0x2fd: {  	[sflag:s28] =	ssyncadd.s32 $0xFFFFF000;
	s3 =	simm.s32 @p0 $0x200  }
0x2fe: {  	v21 =	vld.idx.msk [tilespmem:v21+s3+$0x0], $0xffff  }
0x2ff: {  	v22 =	vadd.s32 s1, v3;
	_ =	sdelay $0x3  }
0x300: {  	[tilespmem:v15+s22+$0x0] =	vst.idx.msk $0xffff, v21  }
0x301: {  	v21 =	vld.idx.msk [tilespmem:v22+s3+$0x0], $0xffff;
	_ =	sdelay $0x4  }
0x302: {  	[tilespmem:v16+s22+$0x0] =	vst.idx.msk $0xffff, v21  }
0x303: {  	v21 =	vld [tilespmem:$0x1F0];
	_ =	sdelay $0x4  }
0x304: {  	v21 =	vsel vm14, $0x0, v21  }
0x305: {  	(xrf0) =	vadd.scan.msk.s32 $0xffff, v21;
	_ =	sdelay $0x5  }
0x306: {  	v21, _, _ =	vpop (xrf0)  }
0x307: {  	(v2sf) =	vpush v21, $0xF;
	_ =	sdelay $0xe  }
0x308: {  	s1 =	spop (v2sf)  }
0x309: {  	p0 =	sgt.s32 s1, $0xF41FF  }
0x30a: {  	s3 =	sand.u32 @!p0 $0xFFFFFF80, s1  }
0x30b: {  	p1 =	slt.s32 @!p0 s3, $0xF4180  }
0x30c: {  	p1 =	por !p1, p0  }
0x30d: {  	s3 =	simm.s32 @p1 $0xF4180  }
0x30e: {  	s12 =	sadd.s32 @p0 $0xFFF0BE00, s1;
	s1 =	ssub.s32 @!p0 s1, s3  }
0x30f: {  	s1 =	smov.u32 @p0 s12  }
0x310: {  	v21 =	vadd.s32 s1, v1;
	_ =	sdelay $0x1  }
0x311: {  	_ =	swait.ge [sflag:s29], $0x1000  }
0x312: {  	[sflag:s29] =	ssyncset.done $0x0;
	s3 =	simm.s32 @!p0 $0x7200  }
0x313: {  	[sflag:s29] =	ssyncadd.s32 $0xFFFFF000;
	s3 =	simm.s32 @p0 $0x200  }
0x314: {  	v21 =	vld.idx.msk [tilespmem:v21+s3+$0x0], $0xffff  }
0x315: {  	v22 =	vadd.s32 s1, v3;
	_ =	sdelay $0x3  }
0x316: {  	[tilespmem:v17+s22+$0x0] =	vst.idx.msk $0xffff, v21  }
0x317: {  	v21 =	vld.idx.msk [tilespmem:v22+s3+$0x0], $0xffff;
	_ =	sdelay $0x4  }
0x318: {  	[tilespmem:v18+s22+$0x0] =	vst.idx.msk $0xffff, v21  }
0x319: {  	v21 =	vld [tilespmem:$0x1F0];
	_ =	sdelay $0x3  }
0x31a: {  	vm15 =	vmmov $0x7fff  }
0x31b: {  	v21 =	vsel vm15, $0x0, v21  }
0x31c: {  	(xrf0) =	vadd.scan.msk.s32 $0xffff, v21;
	_ =	sdelay $0x5  }
0x31d: {  	v21, _, _ =	vpop (xrf0)  }
0x31e: {  	(v2sf) =	vpush v21, $0xF;
	_ =	sdelay $0xe  }
0x31f: {  	s1 =	spop (v2sf)  }
0x320: {  	p0 =	sgt.s32 s1, $0xF41FF  }
0x321: {  	s3 =	sand.u32 @!p0 $0xFFFFFF80, s1  }
0x322: {  	p1 =	slt.s32 @!p0 s3, $0xF4180  }
0x323: {  	p1 =	por !p1, p0  }
0x324: {  	s3 =	simm.s32 @p1 $0xF4180  }
0x325: {  	s12 =	sadd.s32 @p0 $0xFFF0BE00, s1;
	s1 =	ssub.s32 @!p0 s1, s3  }
0x326: {  	s1 =	smov.u32 @p0 s12  }
0x327: {  	v21 =	vadd.s32 s1, v1;
	_ =	sdelay $0x1  }
0x328: {  	_ =	swait.ge [sflag:s30], $0x1000  }
0x329: {  	[sflag:s30] =	ssyncset.done $0x0;
	s3 =	simm.s32 @!p0 $0x8200  }
0x32a: {  	[sflag:s30] =	ssyncadd.s32 $0xFFFFF000;
	s3 =	simm.s32 @p0 $0x200  }
0x32b: {  	v21 =	vld.idx.msk [tilespmem:v21+s3+$0x0], $0xffff  }
0x32c: {  	v22 =	vadd.s32 s1, v3;
	_ =	sdelay $0x3  }
0x32d: {  	[tilespmem:v19+s22+$0x0] =	vst.idx.msk $0xffff, v21  }
0x32e: {  	v21 =	vld.idx.msk [tilespmem:v22+s3+$0x0], $0xffff;
	_ =	sdelay $0x3  }
0x32f: {  	s18 =	simm.s32 $0x1000  }
0x330: {  	s4 =	simm.s32 $0x20000;
	s17 =	rddreg [dreg:$0x6];
	s3 =	simm.s32 $0x9;
	[tilespmem:v20+s22+$0x0] =	vst.idx.msk $0xffff, v21  }
0x331: {  	[hbm4b:s17+s18] =	stream.strided.scatter [tilespmem:s22], [sflag:$0x9], $0x4000, s4, s18, $0x38;
	[tilespmem:$0xD200] =	vst v63  }
0x332: {  	_ =	swait.ge [sflag:s3], $0x4000  }
0x333: {  	s19 =	rddreg [dreg:$0x8]  }
0x334: {  	s20 =	rddreg [dreg:$0x7];
	s12 =	sadd.s32 $0x1, s19  }
0x335: {  	p0 =	sne.s32 s12, s20  }
.Ltmp1:
0x336: {  	s5 =	simm.s32 $0x1600;
	s9 =	simm.s32 $0x1A00;
	(pc) =	sbr.rel @p0 .LBB2_1-.Ltmp1, $4  }
0x337: {  	s11 =	simm.s32 $0x1E00;
	s10 =	simm.s32 $0x2200;
	s15 =	simm.s32 $0x2600  }
0x338: {  	s16 =	simm.s32 $0x2A00;
	s31 =	simm.s32 $0x3E00;
	s4 =	simm.s32 $0x1200  }
0x339: {  	s17 =	simm.s32 $0x2E00;
	s18 =	simm.s32 $0x3200;
	[sflag:s3] =	ssyncset.done $0x0  }
0x33a: {  	[sflag:s3] =	ssyncadd.s32 $0xFFFFC000;
	s19 =	simm.s32 $0x3600;
	s20 =	simm.s32 $0x3A00  }
0x33b: {  	_ =	sfence.sel $0x180000  }
0x33c: {  	[bflag:$0x0] =	sbarrier.arrive $0xFFFF  }
0x33d: {  	_ =	strace $0x90000047  }
0x33e: {  	s0 =	stileid.u32;
	[bflag:$0x2] =	sbarrier.arrive $0xFFFF  }
0x33f: {  	p0 =	sne.s32 s0, $0x0;
	s0 =	rddreg [dreg:$0x3]  }
0x340: {  	s0 =	sadd.s32 @!p0 $0x100000, s0  }
0x341: {  	[sflag:s0] =	ssyncadd.tile.s32 @!p0 $0x1;
	_ =	shalt  }
.Lfunc_end2:
_tile_overlayer_lowered:
.L_overlay_start_2:
0x342: {  	(tag) =	ssettag $0x2  }
0x343: {  	s0 =	rddreg [dreg:$0x0];
	s2 =	stileid.u32  }
0x344: {  	s1 =	rddreg [dreg:$0x1];
	p0 =	sne.s32 s2, $0x0  }
0x345: {  	s3 =	rddreg [dreg:$0x2];
	[bflag:$0x3] =	sbarrier.arrive $0xFFFF;
	s2 =	simm.s32 @!p0 $0x1C09  }
0x346: {  	[timem:s3], [sflag:s2] =	dma.local @!p0 [hbm:s0], s1  }
0x347: {  	s0 =	simm.s32 @!p0 $0x9  }
0x348: {  	_ =	swait.ge @!p0 [sflag:s0], s1  }
0x349: {  	s1 =	ssub.s32 @!p0 $0x0, s1;
	[sflag:s0] =	ssyncset.done @!p0 $0x0  }
0x34a: {  	[sflag:s0] =	ssyncadd.s32 @!p0 s1  }
0x34b: {  	[bflag:$0x3] =	sbarrier.arrive $0xFFFF  }
0x34c: {  	_ =	shalt  }

</sc_bundles>
